<compile_context>
chip_gen: v7x
topology: tpu7x:2x2x1
jax: 0.10.2.dev20260603
libtpu: 0.0.44.dev20260713+nightly
codegen_flags: <defaults>
</compile_context>

<pallas_src>
import functools

import jax
import jax.numpy as jnp
from jax import lax
from jax.experimental import pallas as pl
from jax.experimental.pallas import tpu as pltpu
from jax.experimental.pallas import tpu_sc as plsc

N = 10000
E = 320000
D_IN = 128
D_H = 128
N_CLS = 40
DH = 64
D2 = 48

NC = 2
NS = 16
LANES = 16
NW = NC * NS

K = 128
NCHUNK = 80
EPW = NCHUNK * K
E_PAD = EPW * NW

N_PAD = 10240
RPT = N_PAD // NS
PAD_NODE = N_PAD - 1

_MESH = plsc.VectorSubcoreMesh(core_axis_name="c", subcore_axis_name="s")


def _deg_body(src_r, dst_r, dego, degi, src_v, dst_v, ones_v, zbuf,
              sdego, sdegi, semo, semi):
    c = lax.axis_index("c")
    s = lax.axis_index("s")
    wid = s * NC + c

    def fill(i, _):
        ones_v[pl.ds(i * LANES, LANES)] = jnp.ones((LANES,), jnp.float32)
        zbuf[pl.ds(i * LANES, LANES)] = jnp.zeros((LANES,), jnp.float32)
        return 0

    lax.fori_loop(0, K // LANES, fill, 0)

    def zfill(i, _):
        zbuf[pl.ds(K + i * LANES, LANES)] = jnp.zeros((LANES,), jnp.float32)
        return 0

    lax.fori_loop(0, (RPT - K) // LANES, zfill, 0)
    pltpu.sync_copy(zbuf, sdego.at[pl.ds(s * RPT, RPT)])
    pltpu.sync_copy(zbuf, sdegi.at[pl.ds(s * RPT, RPT)])

    pltpu.sync_copy(src_r.at[pl.ds(wid * NCHUNK, NCHUNK)], src_v)
    pltpu.sync_copy(dst_r.at[pl.ds(wid * NCHUNK, NCHUNK)], dst_v)
    plsc.subcore_barrier()

    def sdo(j):
        return pltpu.make_async_copy(ones_v, sdego.at[src_v.at[j]], semo)

    def sdi(j):
        return pltpu.make_async_copy(ones_v, sdegi.at[dst_v.at[j]], semi)

    def step(j, _):
        sdo(j).start(add=True)
        sdi(j).start(add=True)
        return 0

    lax.fori_loop(0, NCHUNK, step, 0)

    def dstep(j, _):
        sdo(j).wait()
        sdi(j).wait()
        return 0

    lax.fori_loop(0, NCHUNK, dstep, 0)
    plsc.subcore_barrier()
    pltpu.sync_copy(sdego.at[pl.ds(s * RPT, RPT)],
                    dego.at[c, pl.ds(s * RPT, RPT)])
    pltpu.sync_copy(sdegi.at[pl.ds(s * RPT, RPT)],
                    degi.at[c, pl.ds(s * RPT, RPT)])


_deg_kernel = functools.partial(
    pl.kernel,
    out_type=(
        jax.ShapeDtypeStruct((NC, N_PAD), jnp.float32),
        jax.ShapeDtypeStruct((NC, N_PAD), jnp.float32),
    ),
    mesh=_MESH,
    scratch_types=[
        pltpu.VMEM((NCHUNK, K), jnp.int32),
        pltpu.VMEM((NCHUNK, K), jnp.int32),
        pltpu.VMEM((K,), jnp.float32),
        pltpu.VMEM((RPT,), jnp.float32),
        pltpu.VMEM_SHARED((N_PAD,), jnp.float32),
        pltpu.VMEM_SHARED((N_PAD,), jnp.float32),
        pltpu.SemaphoreType.DMA,
        pltpu.SemaphoreType.DMA,
    ],
    compiler_params=pltpu.CompilerParams(use_tc_tiling_on_sc=False),
)(_deg_body)


HCH = NCHUNK // 2


def _msg_body(table, src_r, dst_r, out, src_v, dst_v,
              g0, g1, g2, g3, stbl, acc,
              gs0, gs1, gs2, gs3, ss0, ss1, ss2, ss3):
    gb = [g0, g1, g2, g3]
    gs = [gs0, gs1, gs2, gs3]
    ss = [ss0, ss1, ss2, ss3]
    c = lax.axis_index("c")
    s = lax.axis_index("s")
    wid = s * NC + c

    stage = pltpu.make_async_copy(table.at[pl.ds(s * RPT, RPT)],
                                  stbl.at[pl.ds(s * RPT, RPT)], gs0)
    stage.start()

    def zrow(i, _):
        def zlane(j, _):
            g0[i, pl.ds(j * LANES, LANES)] = jnp.zeros((LANES,), jnp.float32)
            return 0

        return lax.fori_loop(0, D2 // LANES, zlane, 0)

    lax.fori_loop(0, K, zrow, 0)

    def zcp(t, _):
        pltpu.sync_copy(g0, acc.at[pl.ds(s * RPT + t * K, K)])
        return 0

    lax.fori_loop(0, RPT // K, zcp, 0)
    stage.wait()
    plsc.subcore_barrier()

    def gd(j, t):
        return pltpu.make_async_copy(stbl.at[src_v.at[j]], gb[t], gs[t])

    def sd(j, t):
        return pltpu.make_async_copy(gb[t], acc.at[dst_v.at[j]], ss[t])

    for h in range(2):
        pltpu.sync_copy(src_r.at[pl.ds(wid * NCHUNK + h * HCH, HCH)], src_v)
        pltpu.sync_copy(dst_r.at[pl.ds(wid * NCHUNK + h * HCH, HCH)], dst_v)
        gd(0, 0).start()
        gd(1, 1).start()

        def step(i, _):
            for t in range(4):
                j = i * 4 + t
                gd(j, t).wait()
                sd(j, t).start(add=True)
                t2 = (t + 2) % 4

                @pl.when(j + 2 < HCH)
                def _next():
                    @pl.when(j >= 2)
                    def _drain():
                        sd(j - 2, t2).wait()

                    gd(j + 2, t2).start()

            return 0

        lax.fori_loop(0, HCH // 4, step, 0)
        for j in range(HCH - 4, HCH):
            sd(j, j % 4).wait()

    plsc.subcore_barrier()
    pltpu.sync_copy(acc.at[pl.ds(s * RPT, RPT)],
                    out.at[c, pl.ds(s * RPT, RPT)])


def _msg_scratch(w):
    return [
        pltpu.VMEM((HCH, K), jnp.int32),
        pltpu.VMEM((HCH, K), jnp.int32),
        pltpu.VMEM((K, w), jnp.float32),
        pltpu.VMEM((K, w), jnp.float32),
        pltpu.VMEM((K, w), jnp.float32),
        pltpu.VMEM((K, w), jnp.float32),
        pltpu.VMEM_SHARED((N_PAD, w), jnp.float32),
        pltpu.VMEM_SHARED((N_PAD, w), jnp.float32),
        pltpu.SemaphoreType.DMA,
        pltpu.SemaphoreType.DMA,
        pltpu.SemaphoreType.DMA,
        pltpu.SemaphoreType.DMA,
        pltpu.SemaphoreType.DMA,
        pltpu.SemaphoreType.DMA,
        pltpu.SemaphoreType.DMA,
        pltpu.SemaphoreType.DMA,
    ]


_msg_kernel = functools.partial(
    pl.kernel,
    out_type=jax.ShapeDtypeStruct((NC, N_PAD, D2), jnp.float32),
    mesh=_MESH,
    scratch_types=_msg_scratch(D2),
    compiler_params=pltpu.CompilerParams(use_tc_tiling_on_sc=False),
)(_msg_body)


def _msgab_body(tbls, src_r, dst_r, out, src_v, dst_v,
                g0, g1, g2, g3, stbl, acc,
                gs0, gs1, gs2, gs3, ss0, ss1, ss2, ss3):
    gb = [g0, g1, g2, g3]
    gs = [gs0, gs1, gs2, gs3]
    ss = [ss0, ss1, ss2, ss3]
    c = lax.axis_index("c")
    s = lax.axis_index("s")

    stage = pltpu.make_async_copy(tbls.at[c, pl.ds(s * RPT, RPT)],
                                  stbl.at[pl.ds(s * RPT, RPT)], gs0)
    stage.start()

    def zrow(i, _):
        def zlane(j, _):
            g0[i, pl.ds(j * LANES, LANES)] = jnp.zeros((LANES,), jnp.float32)
            return 0

        return lax.fori_loop(0, DH // LANES, zlane, 0)

    lax.fori_loop(0, K, zrow, 0)

    def zcp(t, _):
        pltpu.sync_copy(g0, acc.at[pl.ds(s * RPT + t * K, K)])
        return 0

    lax.fori_loop(0, RPT // K, zcp, 0)
    stage.wait()
    plsc.subcore_barrier()

    def gd(j, t):
        return pltpu.make_async_copy(stbl.at[src_v.at[j]], gb[t], gs[t])

    def sd(j, t):
        return pltpu.make_async_copy(gb[t], acc.at[dst_v.at[j]], ss[t])

    for h in range(4):
        base = s * 2 * NCHUNK + h * HCH
        pltpu.sync_copy(src_r.at[pl.ds(base, HCH)], src_v)
        pltpu.sync_copy(dst_r.at[pl.ds(base, HCH)], dst_v)
        gd(0, 0).start()
        gd(1, 1).start()

        def step(i, _):
            for t in range(4):
                j = i * 4 + t
                gd(j, t).wait()
                sd(j, t).start(add=True)
                t2 = (t + 2) % 4

                @pl.when(j + 2 < HCH)
                def _next():
                    @pl.when(j >= 2)
                    def _drain():
                        sd(j - 2, t2).wait()

                    gd(j + 2, t2).start()

            return 0

        lax.fori_loop(0, HCH // 4, step, 0)
        for j in range(HCH - 4, HCH):
            sd(j, j % 4).wait()

    plsc.subcore_barrier()
    pltpu.sync_copy(acc.at[pl.ds(s * RPT, RPT)],
                    out.at[c, pl.ds(s * RPT, RPT)])


_msgab_kernel = functools.partial(
    pl.kernel,
    out_type=jax.ShapeDtypeStruct((NC, N_PAD, DH), jnp.float32),
    mesh=_MESH,
    scratch_types=_msg_scratch(DH),
    compiler_params=pltpu.CompilerParams(use_tc_tiling_on_sc=False),
)(_msgab_body)


BT = 2048


def _norm_scale_body(x_ref, dego_ref, degi_ref, xsab_ref, ns_ref, nd_ref):
    no_r = lax.rsqrt(jnp.maximum(dego_ref[0:1, :] + dego_ref[1:2, :], 1.0))
    nd_r = lax.rsqrt(jnp.maximum(degi_ref[0:1, :] + degi_ref[1:2, :], 1.0))
    no = jnp.transpose(no_r)
    nd = jnp.transpose(nd_r)
    xs = x_ref[...] * no
    xsab_ref[0] = xs[:, :DH]
    xsab_ref[1] = xs[:, DH:]
    ns_ref[...] = no
    nd_ref[...] = nd


def _norm_scale(x_pad, dego, degi):
    grid = (N_PAD // BT,)
    return pl.pallas_call(
        _norm_scale_body,
        grid=grid,
        in_specs=[
            pl.BlockSpec((BT, D_IN), lambda i: (i, 0)),
            pl.BlockSpec((NC, BT), lambda i: (0, i)),
            pl.BlockSpec((NC, BT), lambda i: (0, i)),
        ],
        out_specs=[
            pl.BlockSpec((NC, BT, DH), lambda i: (0, i, 0)),
            pl.BlockSpec((BT, 1), lambda i: (i, 0)),
            pl.BlockSpec((BT, 1), lambda i: (i, 0)),
        ],
        out_shape=[
            jax.ShapeDtypeStruct((NC, N_PAD, DH), jnp.float32),
            jax.ShapeDtypeStruct((N_PAD, 1), jnp.float32),
            jax.ShapeDtypeStruct((N_PAD, 1), jnp.float32),
        ],
    )(x_pad, dego, degi)


def _layer_body(agg_ref, w1_ref, b1_ref, ns_ref, nd_ref, w2_ref, m2_ref):
    h = (jnp.dot(agg_ref[0], w1_ref[:DH, :],
                 preferred_element_type=jnp.float32)
         + jnp.dot(agg_ref[1], w1_ref[DH:, :],
                   preferred_element_type=jnp.float32))
    h = jnp.maximum(h * nd_ref[...] + b1_ref[...], 0.0)
    m2_ref[...] = jnp.dot(h * ns_ref[...], w2_ref[...],
                          preferred_element_type=jnp.float32)


def _layer(agg, w1, b1, ns, nd, w2p):
    grid = (N_PAD // BT,)
    return pl.pallas_call(
        _layer_body,
        grid=grid,
        in_specs=[
            pl.BlockSpec((NC, BT, DH), lambda i: (0, i, 0)),
            pl.BlockSpec((D_IN, D_H), lambda i: (0, 0)),
            pl.BlockSpec((1, D_H), lambda i: (0, 0)),
            pl.BlockSpec((BT, 1), lambda i: (i, 0)),
            pl.BlockSpec((BT, 1), lambda i: (i, 0)),
            pl.BlockSpec((D_H, D2), lambda i: (0, 0)),
        ],
        out_specs=pl.BlockSpec((BT, D2), lambda i: (i, 0)),
        out_shape=jax.ShapeDtypeStruct((N_PAD, D2), jnp.float32),
    )(agg, w1, b1.reshape(1, D_H), ns, nd, w2p)


def _final_body(agg_ref, nd_ref, b2_ref, out_ref):
    res = (agg_ref[0] + agg_ref[1]) * nd_ref[...] + b2_ref[...]
    out_ref[...] = res[:, :N_CLS]


def _final(agg2, nd, b2p):
    grid = (N_PAD // BT,)
    return pl.pallas_call(
        _final_body,
        grid=grid,
        in_specs=[
            pl.BlockSpec((NC, BT, D2), lambda i: (0, i, 0)),
            pl.BlockSpec((BT, 1), lambda i: (i, 0)),
            pl.BlockSpec((1, D2), lambda i: (0, 0)),
        ],
        out_specs=pl.BlockSpec((BT, N_CLS), lambda i: (i, 0)),
        out_shape=jax.ShapeDtypeStruct((N, N_CLS), jnp.float32),
    )(agg2, nd, b2p)


def kernel(in_feat, edge_index, W1, b1, W2, b2):
    src = edge_index[0]
    dst = edge_index[1]
    pad = jnp.full((E_PAD - E,), PAD_NODE, jnp.int32)
    src_r = jnp.concatenate([src, pad]).reshape(NW * NCHUNK, K)
    dst_r = jnp.concatenate([dst, pad]).reshape(NW * NCHUNK, K)

    x_pad = jnp.pad(in_feat, ((0, N_PAD - N), (0, 0)))
    w2p = jnp.pad(W2, ((0, 0), (0, D2 - N_CLS)))
    b2p = jnp.pad(b2, (0, D2 - N_CLS)).reshape(1, D2)

    dego, degi = _deg_kernel(src_r, dst_r)
    xsab, ns, nd = _norm_scale(x_pad, dego, degi)
    agg1 = _msgab_kernel(xsab, src_r, dst_r)
    m2 = _layer(agg1, W1, b1, ns, nd, w2p)
    agg2 = _msg_kernel(m2, src_r, dst_r)
    return _final(agg2, nd, b2p)

# --- scband reference (transcript-rebuilt; emitter-appended) ---
"""Pipeline reference for scband-gcn-44916767981759 (READ-ONLY COPY).

The authoritative reference and input builder live on the scoring server;
editing this copy changes nothing except your own understanding.
"""

import jax, jax.numpy as jnp
import numpy as np

N = 10000
E = 320000
D_IN = 128
D_H = 128
N_CLS = 40


def setup_inputs(seed: int = 0) -> dict:
    key = jax.random.key(seed)
    k1, k2, k3, k4, k5, k6 = jax.random.split(key, 6)
    x = jax.random.normal(k1, (N, D_IN), dtype=jnp.float32)
    edge_index = jax.random.randint(k2, (2, E), 0, N, dtype=jnp.int32)
    # GraphConv layer 1 params (glorot-like init)
    W1 = jax.random.normal(k3, (D_IN, D_H), dtype=jnp.float32) * (1.0 / np.sqrt(D_IN))
    b1 = jnp.zeros((D_H,), dtype=jnp.float32)
    # GraphConv layer 2 params
    W2 = jax.random.normal(k4, (D_H, N_CLS), dtype=jnp.float32) * (1.0 / np.sqrt(D_H))
    b2 = jnp.zeros((N_CLS,), dtype=jnp.float32)
    return {"in_feat": x, "edge_index": edge_index, "W1": W1, "b1": b1, "W2": W2, "b2": b2}


def _graph_conv(h, W, b, src, dst):
    # DGL GraphConv with norm='both':
    # out = D_in^{-1/2} A (D_out^{-1/2} h) W + b, degrees clamped to min 1
    ones = jnp.ones((E,), dtype=jnp.float32)
    deg_out = jax.ops.segment_sum(ones, src, num_segments=N)
    deg_in = jax.ops.segment_sum(ones, dst, num_segments=N)
    norm_src = 1.0 / jnp.sqrt(jnp.maximum(deg_out, 1.0))
    norm_dst = 1.0 / jnp.sqrt(jnp.maximum(deg_in, 1.0))
    hs = h * norm_src[:, None]
    msgs = jnp.take(hs, src, axis=0)
    agg = jax.ops.segment_sum(msgs, dst, num_segments=N)
    out = agg @ W
    out = out * norm_dst[:, None]
    return out + b


def reference(in_feat, edge_index, W1, b1, W2, b2):
    src = edge_index[0]
    dst = edge_index[1]
    h = _graph_conv(in_feat, W1, b1, src, dst)
    h = jax.nn.relu(h)
    # dropout is identity at inference
    h = _graph_conv(h, W2, b2, src, dst)
    return h

if __name__ == "__main__":
    import jax
    _d = setup_inputs()
    print(jax.jit(kernel)(*tuple(_d.values())))

</pallas_src>

<mosaic_0001>
#map = affine_map<(d0, d1) -> (0, 0)>
module attributes {stable_mosaic.version = 14 : i64} {
  func.func @_deg_body(%arg0: i32, %arg1: i32, %arg2: memref<2560x128xi32, #tpu.memory_space<hbm>>, %arg3: memref<2560x128xi32, #tpu.memory_space<hbm>>, %arg4: memref<2x10240xf32, #tpu.memory_space<hbm>>, %arg5: memref<2x10240xf32, #tpu.memory_space<hbm>>, %arg6: memref<80x128xi32, #tpu.memory_space<vmem>>, %arg7: memref<80x128xi32, #tpu.memory_space<vmem>>, %arg8: memref<128xf32, #tpu.memory_space<vmem>>, %arg9: memref<640xf32, #tpu.memory_space<vmem>>, %arg10: memref<10240xf32, #tpu.memory_space<vmem_shared>>, %arg11: memref<10240xf32, #tpu.memory_space<vmem_shared>>, %arg12: memref<!tpu.dma_semaphore, #tpu.memory_space<semaphore_mem>>, %arg13: memref<!tpu.dma_semaphore, #tpu.memory_space<semaphore_mem>>) attributes {dimension_semantics = [#tpu.dimension_semantics<core_parallel>, #tpu.dimension_semantics<subcore_parallel>], iteration_bounds = array<i64: 2, 16>, scalar_prefetch = 0 : i64, scratch_operands = 8 : i64, tpu.core_type = #tpu.core_type<sc_vector_subcore>, window_params = [{transform_indices = #map}, {transform_indices = #map}, {transform_indices = #map}, {transform_indices = #map}]} {
    %mul3A = arith.constant 2 : i32
    %mul3A_0 = arith.muli %arg1, %mul3A : i32
    %add3A = arith.addi %mul3A_0, %arg0 : i32
    %scan3A = arith.constant 0 : i32
    %scan3A_1 = arith.constant 0 : i32
    %scan3A_2 = arith.constant 8 : i32
    %scan3A_3 = arith.addi %scan3A_1, %scan3A_2 : i32
    %scan3A_4 = arith.constant 1 : i32
    %scan3A_5 = scf.for %scan3A_45 = %scan3A_1 to %scan3A_3 step %scan3A_4 iter_args(%scan3A_46 = %scan3A) -> (i32)  : i32 {
      %broadcast_in_dim3A = arith.constant 1.000000e+00 : f32
      %broadcast_in_dim3A_47 = vector.broadcast %broadcast_in_dim3A : f32 to vector<16xf32>
      %mul3A_48 = arith.constant 16 : i32
      %mul3A_49 = arith.muli %scan3A_45, %mul3A_48 : i32
      %swap3A = arith.index_cast %mul3A_49 : i32 to index
      %swap3A_50 = tpu.vector_load %arg8[%swap3A] {strides = array<i32>} : memref<128xf32, #tpu.memory_space<vmem>>, vector<16xf32>,
      %swap3A_51 = vector.shape_cast %swap3A_50 : vector<16xf32> to vector<16xf32>
      %swap3A_52 = vector.shape_cast %broadcast_in_dim3A_47 : vector<16xf32> to vector<16xf32>
      tpu.vector_store %arg8[%swap3A], %swap3A_52 {strides = array<i32>} : memref<128xf32, #tpu.memory_space<vmem>>, vector<16xf32>,
      %broadcast_in_dim3A_53 = arith.constant 0.000000e+00 : f32
      %broadcast_in_dim3A_54 = vector.broadcast %broadcast_in_dim3A_53 : f32 to vector<16xf32>
      %mul3A_55 = arith.constant 16 : i32
      %mul3A_56 = arith.muli %scan3A_45, %mul3A_55 : i32
      %swap3A_57 = arith.index_cast %mul3A_56 : i32 to index
      %swap3A_58 = tpu.vector_load %arg9[%swap3A_57] {strides = array<i32>} : memref<640xf32, #tpu.memory_space<vmem>>, vector<16xf32>,
      %swap3A_59 = vector.shape_cast %swap3A_58 : vector<16xf32> to vector<16xf32>
      %swap3A_60 = vector.shape_cast %broadcast_in_dim3A_54 : vector<16xf32> to vector<16xf32>
      tpu.vector_store %arg9[%swap3A_57], %swap3A_60 {strides = array<i32>} : memref<640xf32, #tpu.memory_space<vmem>>, vector<16xf32>,
      %scan3A_61 = arith.constant 0 : i32
      scf.yield %scan3A_61 : i32
    }
    %scan3A_6 = arith.constant 8 : i32
    %scan3A_7 = arith.constant 0 : i32
    %scan3A_8 = arith.constant 0 : i32
    %scan3A_9 = arith.constant 32 : i32
    %scan3A_10 = arith.addi %scan3A_8, %scan3A_9 : i32
    %scan3A_11 = arith.constant 1 : i32
    %scan3A_12 = scf.for %scan3A_45 = %scan3A_8 to %scan3A_10 step %scan3A_11 iter_args(%scan3A_46 = %scan3A_7) -> (i32)  : i32 {
      %broadcast_in_dim3A = arith.constant 0.000000e+00 : f32
      %broadcast_in_dim3A_47 = vector.broadcast %broadcast_in_dim3A : f32 to vector<16xf32>
      %mul3A_48 = arith.constant 16 : i32
      %mul3A_49 = arith.muli %scan3A_45, %mul3A_48 : i32
      %add3A_50 = arith.constant 128 : i32
      %add3A_51 = arith.addi %add3A_50, %mul3A_49 : i32
      %swap3A = arith.index_cast %add3A_51 : i32 to index
      %swap3A_52 = tpu.vector_load %arg9[%swap3A] {strides = array<i32>} : memref<640xf32, #tpu.memory_space<vmem>>, vector<16xf32>,
      %swap3A_53 = vector.shape_cast %swap3A_52 : vector<16xf32> to vector<16xf32>
      %swap3A_54 = vector.shape_cast %broadcast_in_dim3A_47 : vector<16xf32> to vector<16xf32>
      tpu.vector_store %arg9[%swap3A], %swap3A_54 {strides = array<i32>} : memref<640xf32, #tpu.memory_space<vmem>>, vector<16xf32>,
      %scan3A_55 = arith.constant 0 : i32
      scf.yield %scan3A_55 : i32
    }
    %scan3A_13 = arith.constant 32 : i32
    %mul3A_14 = arith.constant 640 : i32
    %mul3A_15 = arith.muli %arg1, %mul3A_14 : i32
    "tpu.region"() ({
      %run_scoped3A = tpu.sem_alloc : memref<!tpu.dma_semaphore, #tpu.memory_space<semaphore_mem>>
      %dma_start3A = tpu.memref_slice %arg10[%mul3A_15] : memref<10240xf32, #tpu.memory_space<vmem_shared>> -> memref<640xf32, #tpu.memory_space<vmem_shared>>
      %dma_start3A_45 = tpu.memref_slice %arg10[%mul3A_15] : memref<10240xf32, #tpu.memory_space<vmem_shared>> -> memref<640xf32, #tpu.memory_space<vmem_shared>>
      tpu.enqueue_dma source(%arg9 : memref<640xf32, #tpu.memory_space<vmem>>) target(%dma_start3A_45 : memref<640xf32, #tpu.memory_space<vmem_shared>>) target_semaphore(%run_scoped3A : memref<!tpu.dma_semaphore, #tpu.memory_space<semaphore_mem>>)
      %dma_wait3A = tpu.memref_slice %arg10[%mul3A_15] : memref<10240xf32, #tpu.memory_space<vmem_shared>> -> memref<640xf32, #tpu.memory_space<vmem_shared>>
      %dma_wait3A_46 = tpu.memref_slice %arg10[%mul3A_15] : memref<10240xf32, #tpu.memory_space<vmem_shared>> -> memref<640xf32, #tpu.memory_space<vmem_shared>>
      tpu.wait_dma2 semaphore(%run_scoped3A : memref<!tpu.dma_semaphore, #tpu.memory_space<semaphore_mem>>) src(%arg9 : memref<640xf32, #tpu.memory_space<vmem>>) dst(%dma_wait3A_46 : memref<640xf32, #tpu.memory_space<vmem_shared>>)
      tpu.yield
    }) : () -> ()
    %mul3A_16 = arith.constant 640 : i32
    %mul3A_17 = arith.muli %arg1, %mul3A_16 : i32
    "tpu.region"() ({
      %run_scoped3A = tpu.sem_alloc : memref<!tpu.dma_semaphore, #tpu.memory_space<semaphore_mem>>
      %dma_start3A = tpu.memref_slice %arg11[%mul3A_17] : memref<10240xf32, #tpu.memory_space<vmem_shared>> -> memref<640xf32, #tpu.memory_space<vmem_shared>>
      %dma_start3A_45 = tpu.memref_slice %arg11[%mul3A_17] : memref<10240xf32, #tpu.memory_space<vmem_shared>> -> memref<640xf32, #tpu.memory_space<vmem_shared>>
      tpu.enqueue_dma source(%arg9 : memref<640xf32, #tpu.memory_space<vmem>>) target(%dma_start3A_45 : memref<640xf32, #tpu.memory_space<vmem_shared>>) target_semaphore(%run_scoped3A : memref<!tpu.dma_semaphore, #tpu.memory_space<semaphore_mem>>)
      %dma_wait3A = tpu.memref_slice %arg11[%mul3A_17] : memref<10240xf32, #tpu.memory_space<vmem_shared>> -> memref<640xf32, #tpu.memory_space<vmem_shared>>
      %dma_wait3A_46 = tpu.memref_slice %arg11[%mul3A_17] : memref<10240xf32, #tpu.memory_space<vmem_shared>> -> memref<640xf32, #tpu.memory_space<vmem_shared>>
      tpu.wait_dma2 semaphore(%run_scoped3A : memref<!tpu.dma_semaphore, #tpu.memory_space<semaphore_mem>>) src(%arg9 : memref<640xf32, #tpu.memory_space<vmem>>) dst(%dma_wait3A_46 : memref<640xf32, #tpu.memory_space<vmem_shared>>)
      tpu.yield
    }) : () -> ()
    %mul3A_18 = arith.constant 80 : i32
    %mul3A_19 = arith.muli %add3A, %mul3A_18 : i32
    "tpu.region"() ({
      %run_scoped3A = tpu.sem_alloc : memref<!tpu.dma_semaphore, #tpu.memory_space<semaphore_mem>>
      %dma_start3A = arith.constant 0 : i32
      %dma_start3A_45 = tpu.memref_slice %arg2[%mul3A_19, %dma_start3A] : memref<2560x128xi32, #tpu.memory_space<hbm>> -> memref<80x128xi32, #tpu.memory_space<hbm>>
      %dma_start3A_46 = arith.constant 0 : i32
      %dma_start3A_47 = tpu.memref_slice %arg2[%mul3A_19, %dma_start3A_46] : memref<2560x128xi32, #tpu.memory_space<hbm>> -> memref<80x128xi32, #tpu.memory_space<hbm>>
      tpu.enqueue_dma source(%dma_start3A_47 : memref<80x128xi32, #tpu.memory_space<hbm>>) target(%arg6 : memref<80x128xi32, #tpu.memory_space<vmem>>) target_semaphore(%run_scoped3A : memref<!tpu.dma_semaphore, #tpu.memory_space<semaphore_mem>>)
      %dma_wait3A = arith.constant 0 : i32
      %dma_wait3A_48 = tpu.memref_slice %arg2[%mul3A_19, %dma_wait3A] : memref<2560x128xi32, #tpu.memory_space<hbm>> -> memref<80x128xi32, #tpu.memory_space<hbm>>
      %dma_wait3A_49 = arith.constant 0 : i32
      %dma_wait3A_50 = tpu.memref_slice %arg2[%mul3A_19, %dma_wait3A_49] : memref<2560x128xi32, #tpu.memory_space<hbm>> -> memref<80x128xi32, #tpu.memory_space<hbm>>
      tpu.wait_dma2 semaphore(%run_scoped3A : memref<!tpu.dma_semaphore, #tpu.memory_space<semaphore_mem>>) src(%dma_wait3A_50 : memref<80x128xi32, #tpu.memory_space<hbm>>) dst(%arg6 : memref<80x128xi32, #tpu.memory_space<vmem>>)
      tpu.yield
    }) : () -> ()
    %mul3A_20 = arith.constant 80 : i32
    %mul3A_21 = arith.muli %add3A, %mul3A_20 : i32
    "tpu.region"() ({
      %run_scoped3A = tpu.sem_alloc : memref<!tpu.dma_semaphore, #tpu.memory_space<semaphore_mem>>
      %dma_start3A = arith.constant 0 : i32
      %dma_start3A_45 = tpu.memref_slice %arg3[%mul3A_21, %dma_start3A] : memref<2560x128xi32, #tpu.memory_space<hbm>> -> memref<80x128xi32, #tpu.memory_space<hbm>>
      %dma_start3A_46 = arith.constant 0 : i32
      %dma_start3A_47 = tpu.memref_slice %arg3[%mul3A_21, %dma_start3A_46] : memref<2560x128xi32, #tpu.memory_space<hbm>> -> memref<80x128xi32, #tpu.memory_space<hbm>>
      tpu.enqueue_dma source(%dma_start3A_47 : memref<80x128xi32, #tpu.memory_space<hbm>>) target(%arg7 : memref<80x128xi32, #tpu.memory_space<vmem>>) target_semaphore(%run_scoped3A : memref<!tpu.dma_semaphore, #tpu.memory_space<semaphore_mem>>)
      %dma_wait3A = arith.constant 0 : i32
      %dma_wait3A_48 = tpu.memref_slice %arg3[%mul3A_21, %dma_wait3A] : memref<2560x128xi32, #tpu.memory_space<hbm>> -> memref<80x128xi32, #tpu.memory_space<hbm>>
      %dma_wait3A_49 = arith.constant 0 : i32
      %dma_wait3A_50 = tpu.memref_slice %arg3[%mul3A_21, %dma_wait3A_49] : memref<2560x128xi32, #tpu.memory_space<hbm>> -> memref<80x128xi32, #tpu.memory_space<hbm>>
      tpu.wait_dma2 semaphore(%run_scoped3A : memref<!tpu.dma_semaphore, #tpu.memory_space<semaphore_mem>>) src(%dma_wait3A_50 : memref<80x128xi32, #tpu.memory_space<hbm>>) dst(%arg7 : memref<80x128xi32, #tpu.memory_space<vmem>>)
      tpu.yield
    }) : () -> ()
    %barrier3A = arith.constant 0 : index
    tpu.barrier barrier_id(%barrier3A)
    %scan3A_22 = arith.constant 0 : i32
    %scan3A_23 = arith.constant 0 : i32
    %scan3A_24 = arith.constant 80 : i32
    %scan3A_25 = arith.addi %scan3A_23, %scan3A_24 : i32
    %scan3A_26 = arith.constant 1 : i32
    %scan3A_27 = scf.for %scan3A_45 = %scan3A_23 to %scan3A_25 step %scan3A_26 iter_args(%scan3A_46 = %scan3A_22) -> (i32)  : i32 {
      %dma_start3A = arith.constant 0 : i32
      %dma_start3A_47 = tpu.memref_slice %arg6[%scan3A_45, %dma_start3A] : memref<80x128xi32, #tpu.memory_space<vmem>> -> memref<1x128xi32, #tpu.memory_space<vmem>>
      %dma_start3A_48 = tpu.memref_squeeze %dma_start3A_47 : memref<1x128xi32, #tpu.memory_space<vmem>> -> memref<128xi32, #tpu.memory_space<vmem>>
      %dma_start3A_49 = arith.constant 0 : i32
      %dma_start3A_50 = tpu.memref_slice %arg10[%dma_start3A_49] : memref<10240xf32, #tpu.memory_space<vmem_shared>> -> memref<10240xf32, #tpu.memory_space<vmem_shared>>
      tpu.enqueue_indirect_dma source(%arg8 : memref<128xf32, #tpu.memory_space<vmem>>) target(%dma_start3A_50 : memref<10240xf32, #tpu.memory_space<vmem_shared>>) offsets(%dma_start3A_48 : memref<128xi32, #tpu.memory_space<vmem>>) semaphore(%arg12 : memref<!tpu.dma_semaphore, #tpu.memory_space<semaphore_mem>>) {add = true}
      %dma_start3A_51 = arith.constant 0 : i32
      %dma_start3A_52 = tpu.memref_slice %arg7[%scan3A_45, %dma_start3A_51] : memref<80x128xi32, #tpu.memory_space<vmem>> -> memref<1x128xi32, #tpu.memory_space<vmem>>
      %dma_start3A_53 = tpu.memref_squeeze %dma_start3A_52 : memref<1x128xi32, #tpu.memory_space<vmem>> -> memref<128xi32, #tpu.memory_space<vmem>>
      %dma_start3A_54 = arith.constant 0 : i32
      %dma_start3A_55 = tpu.memref_slice %arg11[%dma_start3A_54] : memref<10240xf32, #tpu.memory_space<vmem_shared>> -> memref<10240xf32, #tpu.memory_space<vmem_shared>>
      tpu.enqueue_indirect_dma source(%arg8 : memref<128xf32, #tpu.memory_space<vmem>>) target(%dma_start3A_55 : memref<10240xf32, #tpu.memory_space<vmem_shared>>) offsets(%dma_start3A_53 : memref<128xi32, #tpu.memory_space<vmem>>) semaphore(%arg13 : memref<!tpu.dma_semaphore, #tpu.memory_space<semaphore_mem>>) {add = true}
      %scan3A_56 = arith.constant 0 : i32
      scf.yield %scan3A_56 : i32
    }
    %scan3A_28 = arith.constant 80 : i32
    %scan3A_29 = arith.constant 0 : i32
    %scan3A_30 = arith.constant 0 : i32
    %scan3A_31 = arith.constant 80 : i32
    %scan3A_32 = arith.addi %scan3A_30, %scan3A_31 : i32
    %scan3A_33 = arith.constant 1 : i32
    %scan3A_34 = scf.for %scan3A_45 = %scan3A_30 to %scan3A_32 step %scan3A_33 iter_args(%scan3A_46 = %scan3A_29) -> (i32)  : i32 {
      %dma_wait3A = arith.constant 0 : i32
      %dma_wait3A_47 = tpu.memref_slice %arg6[%scan3A_45, %dma_wait3A] : memref<80x128xi32, #tpu.memory_space<vmem>> -> memref<1x128xi32, #tpu.memory_space<vmem>>
      %dma_wait3A_48 = tpu.memref_squeeze %dma_wait3A_47 : memref<1x128xi32, #tpu.memory_space<vmem>> -> memref<128xi32, #tpu.memory_space<vmem>>
      %dma_wait3A_49 = arith.constant 0 : i32
      %dma_wait3A_50 = tpu.memref_slice %arg10[%dma_wait3A_49] : memref<10240xf32, #tpu.memory_space<vmem_shared>> -> memref<10240xf32, #tpu.memory_space<vmem_shared>>
      tpu.wait_indirect_dma semaphore(%arg12 : memref<!tpu.dma_semaphore, #tpu.memory_space<semaphore_mem>>) src(%arg8 : memref<128xf32, #tpu.memory_space<vmem>>) dst(%dma_wait3A_50 : memref<10240xf32, #tpu.memory_space<vmem_shared>>)
      %dma_wait3A_51 = arith.constant 0 : i32
      %dma_wait3A_52 = tpu.memref_slice %arg7[%scan3A_45, %dma_wait3A_51] : memref<80x128xi32, #tpu.memory_space<vmem>> -> memref<1x128xi32, #tpu.memory_space<vmem>>
      %dma_wait3A_53 = tpu.memref_squeeze %dma_wait3A_52 : memref<1x128xi32, #tpu.memory_space<vmem>> -> memref<128xi32, #tpu.memory_space<vmem>>
      %dma_wait3A_54 = arith.constant 0 : i32
      %dma_wait3A_55 = tpu.memref_slice %arg11[%dma_wait3A_54] : memref<10240xf32, #tpu.memory_space<vmem_shared>> -> memref<10240xf32, #tpu.memory_space<vmem_shared>>
      tpu.wait_indirect_dma semaphore(%arg13 : memref<!tpu.dma_semaphore, #tpu.memory_space<semaphore_mem>>) src(%arg8 : memref<128xf32, #tpu.memory_space<vmem>>) dst(%dma_wait3A_55 : memref<10240xf32, #tpu.memory_space<vmem_shared>>)
      %scan3A_56 = arith.constant 0 : i32
      scf.yield %scan3A_56 : i32
    }
    %scan3A_35 = arith.constant 80 : i32
    %barrier3A_36 = arith.constant 0 : index
    tpu.barrier barrier_id(%barrier3A_36)
    %mul3A_37 = arith.constant 640 : i32
    %mul3A_38 = arith.muli %arg1, %mul3A_37 : i32
    %mul3A_39 = arith.constant 640 : i32
    %mul3A_40 = arith.muli %arg1, %mul3A_39 : i32
    "tpu.region"() ({
      %run_scoped3A = tpu.sem_alloc : memref<!tpu.dma_semaphore, #tpu.memory_space<semaphore_mem>>
      %dma_start3A = tpu.memref_slice %arg4[%arg0, %mul3A_40] : memref<2x10240xf32, #tpu.memory_space<hbm>> -> memref<1x640xf32, #tpu.memory_space<hbm>>
      %dma_start3A_45 = tpu.memref_squeeze %dma_start3A : memref<1x640xf32, #tpu.memory_space<hbm>> -> memref<640xf32, #tpu.memory_space<hbm>>
      %dma_start3A_46 = tpu.memref_slice %arg10[%mul3A_38] : memref<10240xf32, #tpu.memory_space<vmem_shared>> -> memref<640xf32, #tpu.memory_space<vmem_shared>>
      tpu.enqueue_dma source(%dma_start3A_46 : memref<640xf32, #tpu.memory_space<vmem_shared>>) target(%dma_start3A_45 : memref<640xf32, #tpu.memory_space<hbm>>) target_semaphore(%run_scoped3A : memref<!tpu.dma_semaphore, #tpu.memory_space<semaphore_mem>>)
      %dma_wait3A = tpu.memref_slice %arg4[%arg0, %mul3A_40] : memref<2x10240xf32, #tpu.memory_space<hbm>> -> memref<1x640xf32, #tpu.memory_space<hbm>>
      %dma_wait3A_47 = tpu.memref_squeeze %dma_wait3A : memref<1x640xf32, #tpu.memory_space<hbm>> -> memref<640xf32, #tpu.memory_space<hbm>>
      %dma_wait3A_48 = tpu.memref_slice %arg10[%mul3A_38] : memref<10240xf32, #tpu.memory_space<vmem_shared>> -> memref<640xf32, #tpu.memory_space<vmem_shared>>
      tpu.wait_dma2 semaphore(%run_scoped3A : memref<!tpu.dma_semaphore, #tpu.memory_space<semaphore_mem>>) src(%dma_wait3A_48 : memref<640xf32, #tpu.memory_space<vmem_shared>>) dst(%dma_wait3A_47 : memref<640xf32, #tpu.memory_space<hbm>>)
      tpu.yield
    }) : () -> ()
    %mul3A_41 = arith.constant 640 : i32
    %mul3A_42 = arith.muli %arg1, %mul3A_41 : i32
    %mul3A_43 = arith.constant 640 : i32
    %mul3A_44 = arith.muli %arg1, %mul3A_43 : i32
    "tpu.region"() ({
      %run_scoped3A = tpu.sem_alloc : memref<!tpu.dma_semaphore, #tpu.memory_space<semaphore_mem>>
      %dma_start3A = tpu.memref_slice %arg5[%arg0, %mul3A_44] : memref<2x10240xf32, #tpu.memory_space<hbm>> -> memref<1x640xf32, #tpu.memory_space<hbm>>
      %dma_start3A_45 = tpu.memref_squeeze %dma_start3A : memref<1x640xf32, #tpu.memory_space<hbm>> -> memref<640xf32, #tpu.memory_space<hbm>>
      %dma_start3A_46 = tpu.memref_slice %arg11[%mul3A_42] : memref<10240xf32, #tpu.memory_space<vmem_shared>> -> memref<640xf32, #tpu.memory_space<vmem_shared>>
      tpu.enqueue_dma source(%dma_start3A_46 : memref<640xf32, #tpu.memory_space<vmem_shared>>) target(%dma_start3A_45 : memref<640xf32, #tpu.memory_space<hbm>>) target_semaphore(%run_scoped3A : memref<!tpu.dma_semaphore, #tpu.memory_space<semaphore_mem>>)
      %dma_wait3A = tpu.memref_slice %arg5[%arg0, %mul3A_44] : memref<2x10240xf32, #tpu.memory_space<hbm>> -> memref<1x640xf32, #tpu.memory_space<hbm>>
      %dma_wait3A_47 = tpu.memref_squeeze %dma_wait3A : memref<1x640xf32, #tpu.memory_space<hbm>> -> memref<640xf32, #tpu.memory_space<hbm>>
      %dma_wait3A_48 = tpu.memref_slice %arg11[%mul3A_42] : memref<10240xf32, #tpu.memory_space<vmem_shared>> -> memref<640xf32, #tpu.memory_space<vmem_shared>>
      tpu.wait_dma2 semaphore(%run_scoped3A : memref<!tpu.dma_semaphore, #tpu.memory_space<semaphore_mem>>) src(%dma_wait3A_48 : memref<640xf32, #tpu.memory_space<vmem_shared>>) dst(%dma_wait3A_47 : memref<640xf32, #tpu.memory_space<hbm>>)
      tpu.yield
    }) : () -> ()
    return
  }
}

#map = affine_map<(d0, d1) -> (0, 0, 0)>
#map1 = affine_map<(d0, d1) -> (0, 0)>
module attributes {stable_mosaic.version = 14 : i64} {
  func.func @_msgab_body(%arg0: i32, %arg1: i32, %arg2: memref<2x10240x64xf32, #tpu.memory_space<hbm>>, %arg3: memref<2560x128xi32, #tpu.memory_space<hbm>>, %arg4: memref<2560x128xi32, #tpu.memory_space<hbm>>, %arg5: memref<2x10240x64xf32, #tpu.memory_space<hbm>>, %arg6: memref<40x128xi32, #tpu.memory_space<vmem>>, %arg7: memref<40x128xi32, #tpu.memory_space<vmem>>, %arg8: memref<128x64xf32, #tpu.memory_space<vmem>>, %arg9: memref<128x64xf32, #tpu.memory_space<vmem>>, %arg10: memref<128x64xf32, #tpu.memory_space<vmem>>, %arg11: memref<128x64xf32, #tpu.memory_space<vmem>>, %arg12: memref<10240x64xf32, #tpu.memory_space<vmem_shared>>, %arg13: memref<10240x64xf32, #tpu.memory_space<vmem_shared>>, %arg14: memref<!tpu.dma_semaphore, #tpu.memory_space<semaphore_mem>>, %arg15: memref<!tpu.dma_semaphore, #tpu.memory_space<semaphore_mem>>, %arg16: memref<!tpu.dma_semaphore, #tpu.memory_space<semaphore_mem>>, %arg17: memref<!tpu.dma_semaphore, #tpu.memory_space<semaphore_mem>>, %arg18: memref<!tpu.dma_semaphore, #tpu.memory_space<semaphore_mem>>, %arg19: memref<!tpu.dma_semaphore, #tpu.memory_space<semaphore_mem>>, %arg20: memref<!tpu.dma_semaphore, #tpu.memory_space<semaphore_mem>>, %arg21: memref<!tpu.dma_semaphore, #tpu.memory_space<semaphore_mem>>) attributes {dimension_semantics = [#tpu.dimension_semantics<core_parallel>, #tpu.dimension_semantics<subcore_parallel>], iteration_bounds = array<i64: 2, 16>, scalar_prefetch = 0 : i64, scratch_operands = 16 : i64, tpu.core_type = #tpu.core_type<sc_vector_subcore>, window_params = [{transform_indices = #map}, {transform_indices = #map1}, {transform_indices = #map1}, {transform_indices = #map}]} {
    %mul3A = arith.constant 640 : i32
    %mul3A_0 = arith.muli %arg1, %mul3A : i32
    %mul3A_1 = arith.constant 640 : i32
    %mul3A_2 = arith.muli %arg1, %mul3A_1 : i32
    %dma_start3A = arith.constant 0 : i32
    %dma_start3A_3 = tpu.memref_slice %arg12[%mul3A_2, %dma_start3A] : memref<10240x64xf32, #tpu.memory_space<vmem_shared>> -> memref<640x64xf32, #tpu.memory_space<vmem_shared>>
    %dma_start3A_4 = arith.constant 0 : i32
    %dma_start3A_5 = tpu.memref_slice %arg2[%arg0, %mul3A_0, %dma_start3A_4] : memref<2x10240x64xf32, #tpu.memory_space<hbm>> -> memref<1x640x64xf32, #tpu.memory_space<hbm>>
    %dma_start3A_6 = tpu.memref_squeeze %dma_start3A_5 : memref<1x640x64xf32, #tpu.memory_space<hbm>> -> memref<640x64xf32, #tpu.memory_space<hbm>>
    tpu.enqueue_dma source(%dma_start3A_6 : memref<640x64xf32, #tpu.memory_space<hbm>>) target(%dma_start3A_3 : memref<640x64xf32, #tpu.memory_space<vmem_shared>>) target_semaphore(%arg14 : memref<!tpu.dma_semaphore, #tpu.memory_space<semaphore_mem>>)
    %scan3A = arith.constant 0 : i32
    %scan3A_7 = arith.constant 0 : i32
    %scan3A_8 = arith.constant 128 : i32
    %scan3A_9 = arith.addi %scan3A_7, %scan3A_8 : i32
    %scan3A_10 = arith.constant 1 : i32
    %scan3A_11 = scf.for %scan3A_248 = %scan3A_7 to %scan3A_9 step %scan3A_10 iter_args(%scan3A_249 = %scan3A) -> (i32)  : i32 {
      %scan3A_250 = arith.constant 0 : i32
      %scan3A_251 = arith.constant 0 : i32
      %scan3A_252 = arith.constant 4 : i32
      %scan3A_253 = arith.addi %scan3A_251, %scan3A_252 : i32
      %scan3A_254 = arith.constant 1 : i32
      %scan3A_255 = scf.for %scan3A_257 = %scan3A_251 to %scan3A_253 step %scan3A_254 iter_args(%scan3A_258 = %scan3A_250) -> (i32)  : i32 {
        %broadcast_in_dim3A = arith.constant 0.000000e+00 : f32
        %broadcast_in_dim3A_259 = vector.broadcast %broadcast_in_dim3A : f32 to vector<16xf32>
        %mul3A_260 = arith.constant 16 : i32
        %mul3A_261 = arith.muli %scan3A_257, %mul3A_260 : i32
        %swap3A = arith.index_cast %scan3A_248 : i32 to index
        %swap3A_262 = arith.index_cast %mul3A_261 : i32 to index
        %swap3A_263 = tpu.vector_load %arg8[%swap3A, %swap3A_262] {strides = array<i32>} : memref<128x64xf32, #tpu.memory_space<vmem>>, vector<1x16xf32>,
        %swap3A_264 = vector.shape_cast %swap3A_263 : vector<1x16xf32> to vector<16xf32>
        %swap3A_265 = vector.shape_cast %broadcast_in_dim3A_259 : vector<16xf32> to vector<1x16xf32>
        tpu.vector_store %arg8[%swap3A, %swap3A_262], %swap3A_265 {strides = array<i32>} : memref<128x64xf32, #tpu.memory_space<vmem>>, vector<1x16xf32>,
        %scan3A_266 = arith.constant 0 : i32
        scf.yield %scan3A_266 : i32
      }
      %scan3A_256 = arith.constant 4 : i32
      scf.yield %scan3A_255 : i32
    }
    %scan3A_12 = arith.constant 128 : i32
    %scan3A_13 = arith.constant 0 : i32
    %scan3A_14 = arith.constant 0 : i32
    %scan3A_15 = arith.constant 5 : i32
    %scan3A_16 = arith.addi %scan3A_14, %scan3A_15 : i32
    %scan3A_17 = arith.constant 1 : i32
    %scan3A_18 = scf.for %scan3A_248 = %scan3A_14 to %scan3A_16 step %scan3A_17 iter_args(%scan3A_249 = %scan3A_13) -> (i32)  : i32 {
      %mul3A_250 = arith.constant 640 : i32
      %mul3A_251 = arith.muli %arg1, %mul3A_250 : i32
      %mul3A_252 = arith.constant 128 : i32
      %mul3A_253 = arith.muli %scan3A_248, %mul3A_252 : i32
      %add3A_254 = arith.addi %mul3A_251, %mul3A_253 : i32
      "tpu.region"() ({
        %run_scoped3A = tpu.sem_alloc : memref<!tpu.dma_semaphore, #tpu.memory_space<semaphore_mem>>
        %dma_start3A_256 = arith.constant 0 : i32
        %dma_start3A_257 = tpu.memref_slice %arg13[%add3A_254, %dma_start3A_256] : memref<10240x64xf32, #tpu.memory_space<vmem_shared>> -> memref<128x64xf32, #tpu.memory_space<vmem_shared>>
        %dma_start3A_258 = arith.constant 0 : i32
        %dma_start3A_259 = tpu.memref_slice %arg13[%add3A_254, %dma_start3A_258] : memref<10240x64xf32, #tpu.memory_space<vmem_shared>> -> memref<128x64xf32, #tpu.memory_space<vmem_shared>>
        tpu.enqueue_dma source(%arg8 : memref<128x64xf32, #tpu.memory_space<vmem>>) target(%dma_start3A_259 : memref<128x64xf32, #tpu.memory_space<vmem_shared>>) target_semaphore(%run_scoped3A : memref<!tpu.dma_semaphore, #tpu.memory_space<semaphore_mem>>)
        %dma_wait3A_260 = arith.constant 0 : i32
        %dma_wait3A_261 = tpu.memref_slice %arg13[%add3A_254, %dma_wait3A_260] : memref<10240x64xf32, #tpu.memory_space<vmem_shared>> -> memref<128x64xf32, #tpu.memory_space<vmem_shared>>
        %dma_wait3A_262 = arith.constant 0 : i32
        %dma_wait3A_263 = tpu.memref_slice %arg13[%add3A_254, %dma_wait3A_262] : memref<10240x64xf32, #tpu.memory_space<vmem_shared>> -> memref<128x64xf32, #tpu.memory_space<vmem_shared>>
        tpu.wait_dma2 semaphore(%run_scoped3A : memref<!tpu.dma_semaphore, #tpu.memory_space<semaphore_mem>>) src(%arg8 : memref<128x64xf32, #tpu.memory_space<vmem>>) dst(%dma_wait3A_263 : memref<128x64xf32, #tpu.memory_space<vmem_shared>>)
        tpu.yield
      }) : () -> ()
      %scan3A_255 = arith.constant 0 : i32
      scf.yield %scan3A_255 : i32
    }
    %scan3A_19 = arith.constant 5 : i32
    %dma_wait3A = arith.constant 0 : i32
    %dma_wait3A_20 = tpu.memref_slice %arg12[%mul3A_2, %dma_wait3A] : memref<10240x64xf32, #tpu.memory_space<vmem_shared>> -> memref<640x64xf32, #tpu.memory_space<vmem_shared>>
    %dma_wait3A_21 = arith.constant 0 : i32
    %dma_wait3A_22 = tpu.memref_slice %arg2[%arg0, %mul3A_0, %dma_wait3A_21] : memref<2x10240x64xf32, #tpu.memory_space<hbm>> -> memref<1x640x64xf32, #tpu.memory_space<hbm>>
    %dma_wait3A_23 = tpu.memref_squeeze %dma_wait3A_22 : memref<1x640x64xf32, #tpu.memory_space<hbm>> -> memref<640x64xf32, #tpu.memory_space<hbm>>
    tpu.wait_dma2 semaphore(%arg14 : memref<!tpu.dma_semaphore, #tpu.memory_space<semaphore_mem>>) src(%dma_wait3A_23 : memref<640x64xf32, #tpu.memory_space<hbm>>) dst(%dma_wait3A_20 : memref<640x64xf32, #tpu.memory_space<vmem_shared>>)
    %barrier3A = arith.constant 0 : index
    tpu.barrier barrier_id(%barrier3A)
    %mul3A_24 = arith.constant 2 : i32
    %mul3A_25 = arith.muli %arg1, %mul3A_24 : i32
    %mul3A_26 = arith.constant 80 : i32
    %mul3A_27 = arith.muli %mul3A_25, %mul3A_26 : i32
    %add3A = arith.constant 0 : i32
    %add3A_28 = arith.addi %mul3A_27, %add3A : i32
    "tpu.region"() ({
      %run_scoped3A = tpu.sem_alloc : memref<!tpu.dma_semaphore, #tpu.memory_space<semaphore_mem>>
      %dma_start3A_248 = arith.constant 0 : i32
      %dma_start3A_249 = tpu.memref_slice %arg3[%add3A_28, %dma_start3A_248] : memref<2560x128xi32, #tpu.memory_space<hbm>> -> memref<40x128xi32, #tpu.memory_space<hbm>>
      %dma_start3A_250 = arith.constant 0 : i32
      %dma_start3A_251 = tpu.memref_slice %arg3[%add3A_28, %dma_start3A_250] : memref<2560x128xi32, #tpu.memory_space<hbm>> -> memref<40x128xi32, #tpu.memory_space<hbm>>
      tpu.enqueue_dma source(%dma_start3A_251 : memref<40x128xi32, #tpu.memory_space<hbm>>) target(%arg6 : memref<40x128xi32, #tpu.memory_space<vmem>>) target_semaphore(%run_scoped3A : memref<!tpu.dma_semaphore, #tpu.memory_space<semaphore_mem>>)
      %dma_wait3A_252 = arith.constant 0 : i32
      %dma_wait3A_253 = tpu.memref_slice %arg3[%add3A_28, %dma_wait3A_252] : memref<2560x128xi32, #tpu.memory_space<hbm>> -> memref<40x128xi32, #tpu.memory_space<hbm>>
      %dma_wait3A_254 = arith.constant 0 : i32
      %dma_wait3A_255 = tpu.memref_slice %arg3[%add3A_28, %dma_wait3A_254] : memref<2560x128xi32, #tpu.memory_space<hbm>> -> memref<40x128xi32, #tpu.memory_space<hbm>>
      tpu.wait_dma2 semaphore(%run_scoped3A : memref<!tpu.dma_semaphore, #tpu.memory_space<semaphore_mem>>) src(%dma_wait3A_255 : memref<40x128xi32, #tpu.memory_space<hbm>>) dst(%arg6 : memref<40x128xi32, #tpu.memory_space<vmem>>)
      tpu.yield
    }) : () -> ()
    "tpu.region"() ({
      %run_scoped3A = tpu.sem_alloc : memref<!tpu.dma_semaphore, #tpu.memory_space<semaphore_mem>>
      %dma_start3A_248 = arith.constant 0 : i32
      %dma_start3A_249 = tpu.memref_slice %arg4[%add3A_28, %dma_start3A_248] : memref<2560x128xi32, #tpu.memory_space<hbm>> -> memref<40x128xi32, #tpu.memory_space<hbm>>
      %dma_start3A_250 = arith.constant 0 : i32
      %dma_start3A_251 = tpu.memref_slice %arg4[%add3A_28, %dma_start3A_250] : memref<2560x128xi32, #tpu.memory_space<hbm>> -> memref<40x128xi32, #tpu.memory_space<hbm>>
      tpu.enqueue_dma source(%dma_start3A_251 : memref<40x128xi32, #tpu.memory_space<hbm>>) target(%arg7 : memref<40x128xi32, #tpu.memory_space<vmem>>) target_semaphore(%run_scoped3A : memref<!tpu.dma_semaphore, #tpu.memory_space<semaphore_mem>>)
      %dma_wait3A_252 = arith.constant 0 : i32
      %dma_wait3A_253 = tpu.memref_slice %arg4[%add3A_28, %dma_wait3A_252] : memref<2560x128xi32, #tpu.memory_space<hbm>> -> memref<40x128xi32, #tpu.memory_space<hbm>>
      %dma_wait3A_254 = arith.constant 0 : i32
      %dma_wait3A_255 = tpu.memref_slice %arg4[%add3A_28, %dma_wait3A_254] : memref<2560x128xi32, #tpu.memory_space<hbm>> -> memref<40x128xi32, #tpu.memory_space<hbm>>
      tpu.wait_dma2 semaphore(%run_scoped3A : memref<!tpu.dma_semaphore, #tpu.memory_space<semaphore_mem>>) src(%dma_wait3A_255 : memref<40x128xi32, #tpu.memory_space<hbm>>) dst(%arg7 : memref<40x128xi32, #tpu.memory_space<vmem>>)
      tpu.yield
    }) : () -> ()
    %dma_start3A_29 = arith.constant 0 : i32
    %dma_start3A_30 = arith.constant 0 : i32
    %dma_start3A_31 = tpu.memref_slice %arg6[%dma_start3A_29, %dma_start3A_30] : memref<40x128xi32, #tpu.memory_space<vmem>> -> memref<1x128xi32, #tpu.memory_space<vmem>>
    %dma_start3A_32 = tpu.memref_squeeze %dma_start3A_31 : memref<1x128xi32, #tpu.memory_space<vmem>> -> memref<128xi32, #tpu.memory_space<vmem>>
    %dma_start3A_33 = arith.constant 0 : i32
    %dma_start3A_34 = arith.constant 0 : i32
    %dma_start3A_35 = tpu.memref_slice %arg12[%dma_start3A_33, %dma_start3A_34] : memref<10240x64xf32, #tpu.memory_space<vmem_shared>> -> memref<10240x64xf32, #tpu.memory_space<vmem_shared>>
    tpu.enqueue_indirect_dma source(%dma_start3A_35 : memref<10240x64xf32, #tpu.memory_space<vmem_shared>>) target(%arg8 : memref<128x64xf32, #tpu.memory_space<vmem>>) offsets(%dma_start3A_32 : memref<128xi32, #tpu.memory_space<vmem>>) semaphore(%arg14 : memref<!tpu.dma_semaphore, #tpu.memory_space<semaphore_mem>>)
    %dma_start3A_36 = arith.constant 1 : i32
    %dma_start3A_37 = arith.constant 0 : i32
    %dma_start3A_38 = tpu.memref_slice %arg6[%dma_start3A_36, %dma_start3A_37] : memref<40x128xi32, #tpu.memory_space<vmem>> -> memref<1x128xi32, #tpu.memory_space<vmem>>
    %dma_start3A_39 = tpu.memref_squeeze %dma_start3A_38 : memref<1x128xi32, #tpu.memory_space<vmem>> -> memref<128xi32, #tpu.memory_space<vmem>>
    %dma_start3A_40 = arith.constant 0 : i32
    %dma_start3A_41 = arith.constant 0 : i32
    %dma_start3A_42 = tpu.memref_slice %arg12[%dma_start3A_40, %dma_start3A_41] : memref<10240x64xf32, #tpu.memory_space<vmem_shared>> -> memref<10240x64xf32, #tpu.memory_space<vmem_shared>>
    tpu.enqueue_indirect_dma source(%dma_start3A_42 : memref<10240x64xf32, #tpu.memory_space<vmem_shared>>) target(%arg9 : memref<128x64xf32, #tpu.memory_space<vmem>>) offsets(%dma_start3A_39 : memref<128xi32, #tpu.memory_space<vmem>>) semaphore(%arg15 : memref<!tpu.dma_semaphore, #tpu.memory_space<semaphore_mem>>)
    %scan3A_43 = arith.constant 0 : i32
    %scan3A_44 = arith.constant 0 : i32
    %scan3A_45 = arith.constant 10 : i32
    %scan3A_46 = arith.addi %scan3A_44, %scan3A_45 : i32
    %scan3A_47 = arith.constant 1 : i32
    %scan3A_48 = scf.for %scan3A_248 = %scan3A_44 to %scan3A_46 step %scan3A_47 iter_args(%scan3A_249 = %scan3A_43) -> (i32)  : i32 {
      %mul3A_250 = arith.constant 4 : i32
      %mul3A_251 = arith.muli %scan3A_248, %mul3A_250 : i32
      %add3A_252 = arith.constant 0 : i32
      %add3A_253 = arith.addi %mul3A_251, %add3A_252 : i32
      %dma_wait3A_254 = arith.constant 0 : i32
      %dma_wait3A_255 = tpu.memref_slice %arg6[%add3A_253, %dma_wait3A_254] : memref<40x128xi32, #tpu.memory_space<vmem>> -> memref<1x128xi32, #tpu.memory_space<vmem>>
      %dma_wait3A_256 = tpu.memref_squeeze %dma_wait3A_255 : memref<1x128xi32, #tpu.memory_space<vmem>> -> memref<128xi32, #tpu.memory_space<vmem>>
      %dma_wait3A_257 = arith.constant 0 : i32
      %dma_wait3A_258 = arith.constant 0 : i32
      %dma_wait3A_259 = tpu.memref_slice %arg12[%dma_wait3A_257, %dma_wait3A_258] : memref<10240x64xf32, #tpu.memory_space<vmem_shared>> -> memref<10240x64xf32, #tpu.memory_space<vmem_shared>>
      tpu.wait_indirect_dma semaphore(%arg14 : memref<!tpu.dma_semaphore, #tpu.memory_space<semaphore_mem>>) src(%dma_wait3A_259 : memref<10240x64xf32, #tpu.memory_space<vmem_shared>>) dst(%arg8 : memref<128x64xf32, #tpu.memory_space<vmem>>)
      %dma_start3A_260 = arith.constant 0 : i32
      %dma_start3A_261 = tpu.memref_slice %arg7[%add3A_253, %dma_start3A_260] : memref<40x128xi32, #tpu.memory_space<vmem>> -> memref<1x128xi32, #tpu.memory_space<vmem>>
      %dma_start3A_262 = tpu.memref_squeeze %dma_start3A_261 : memref<1x128xi32, #tpu.memory_space<vmem>> -> memref<128xi32, #tpu.memory_space<vmem>>
      %dma_start3A_263 = arith.constant 0 : i32
      %dma_start3A_264 = arith.constant 0 : i32
      %dma_start3A_265 = tpu.memref_slice %arg13[%dma_start3A_263, %dma_start3A_264] : memref<10240x64xf32, #tpu.memory_space<vmem_shared>> -> memref<10240x64xf32, #tpu.memory_space<vmem_shared>>
      tpu.enqueue_indirect_dma source(%arg8 : memref<128x64xf32, #tpu.memory_space<vmem>>) target(%dma_start3A_265 : memref<10240x64xf32, #tpu.memory_space<vmem_shared>>) offsets(%dma_start3A_262 : memref<128xi32, #tpu.memory_space<vmem>>) semaphore(%arg18 : memref<!tpu.dma_semaphore, #tpu.memory_space<semaphore_mem>>) {add = true}
      %add3A_266 = arith.constant 2 : i32
      %add3A_267 = arith.addi %add3A_253, %add3A_266 : i32
      %lt3A = arith.constant 40 : i32
      %lt3A_268 = arith.cmpi slt, %add3A_267, %lt3A : i32
      %convert_element_type3A = arith.extui %lt3A_268 : i1 to i32
      %cond3A = arith.constant 0 : i32
      %cond3A_269 = arith.cmpi ne, %convert_element_type3A, %cond3A : i32
      scf.if %cond3A_269 {
        %ge3A = arith.constant 2 : i32
        %ge3A_340 = arith.cmpi sge, %add3A_253, %ge3A : i32
        %convert_element_type3A_341 = arith.extui %ge3A_340 : i1 to i32
        %cond3A_342 = arith.constant 0 : i32
        %cond3A_343 = arith.cmpi ne, %convert_element_type3A_341, %cond3A_342 : i32
        scf.if %cond3A_343 {
          %sub3A = arith.constant 2 : i32
          %sub3A_352 = arith.subi %add3A_253, %sub3A : i32
          %dma_wait3A_353 = arith.constant 0 : i32
          %dma_wait3A_354 = tpu.memref_slice %arg7[%sub3A_352, %dma_wait3A_353] : memref<40x128xi32, #tpu.memory_space<vmem>> -> memref<1x128xi32, #tpu.memory_space<vmem>>
          %dma_wait3A_355 = tpu.memref_squeeze %dma_wait3A_354 : memref<1x128xi32, #tpu.memory_space<vmem>> -> memref<128xi32, #tpu.memory_space<vmem>>
          %dma_wait3A_356 = arith.constant 0 : i32
          %dma_wait3A_357 = arith.constant 0 : i32
          %dma_wait3A_358 = tpu.memref_slice %arg13[%dma_wait3A_356, %dma_wait3A_357] : memref<10240x64xf32, #tpu.memory_space<vmem_shared>> -> memref<10240x64xf32, #tpu.memory_space<vmem_shared>>
          tpu.wait_indirect_dma semaphore(%arg20 : memref<!tpu.dma_semaphore, #tpu.memory_space<semaphore_mem>>) src(%arg10 : memref<128x64xf32, #tpu.memory_space<vmem>>) dst(%dma_wait3A_358 : memref<10240x64xf32, #tpu.memory_space<vmem_shared>>)
        } else {
        }
        %add3A_344 = arith.constant 2 : i32
        %add3A_345 = arith.addi %add3A_253, %add3A_344 : i32
        %dma_start3A_346 = arith.constant 0 : i32
        %dma_start3A_347 = tpu.memref_slice %arg6[%add3A_345, %dma_start3A_346] : memref<40x128xi32, #tpu.memory_space<vmem>> -> memref<1x128xi32, #tpu.memory_space<vmem>>
        %dma_start3A_348 = tpu.memref_squeeze %dma_start3A_347 : memref<1x128xi32, #tpu.memory_space<vmem>> -> memref<128xi32, #tpu.memory_space<vmem>>
        %dma_start3A_349 = arith.constant 0 : i32
        %dma_start3A_350 = arith.constant 0 : i32
        %dma_start3A_351 = tpu.memref_slice %arg12[%dma_start3A_349, %dma_start3A_350] : memref<10240x64xf32, #tpu.memory_space<vmem_shared>> -> memref<10240x64xf32, #tpu.memory_space<vmem_shared>>
        tpu.enqueue_indirect_dma source(%dma_start3A_351 : memref<10240x64xf32, #tpu.memory_space<vmem_shared>>) target(%arg10 : memref<128x64xf32, #tpu.memory_space<vmem>>) offsets(%dma_start3A_348 : memref<128xi32, #tpu.memory_space<vmem>>) semaphore(%arg16 : memref<!tpu.dma_semaphore, #tpu.memory_space<semaphore_mem>>)
      } else {
      }
      %mul3A_270 = arith.constant 4 : i32
      %mul3A_271 = arith.muli %scan3A_248, %mul3A_270 : i32
      %add3A_272 = arith.constant 1 : i32
      %add3A_273 = arith.addi %mul3A_271, %add3A_272 : i32
      %dma_wait3A_274 = arith.constant 0 : i32
      %dma_wait3A_275 = tpu.memref_slice %arg6[%add3A_273, %dma_wait3A_274] : memref<40x128xi32, #tpu.memory_space<vmem>> -> memref<1x128xi32, #tpu.memory_space<vmem>>
      %dma_wait3A_276 = tpu.memref_squeeze %dma_wait3A_275 : memref<1x128xi32, #tpu.memory_space<vmem>> -> memref<128xi32, #tpu.memory_space<vmem>>
      %dma_wait3A_277 = arith.constant 0 : i32
      %dma_wait3A_278 = arith.constant 0 : i32
      %dma_wait3A_279 = tpu.memref_slice %arg12[%dma_wait3A_277, %dma_wait3A_278] : memref<10240x64xf32, #tpu.memory_space<vmem_shared>> -> memref<10240x64xf32, #tpu.memory_space<vmem_shared>>
      tpu.wait_indirect_dma semaphore(%arg15 : memref<!tpu.dma_semaphore, #tpu.memory_space<semaphore_mem>>) src(%dma_wait3A_279 : memref<10240x64xf32, #tpu.memory_space<vmem_shared>>) dst(%arg9 : memref<128x64xf32, #tpu.memory_space<vmem>>)
      %dma_start3A_280 = arith.constant 0 : i32
      %dma_start3A_281 = tpu.memref_slice %arg7[%add3A_273, %dma_start3A_280] : memref<40x128xi32, #tpu.memory_space<vmem>> -> memref<1x128xi32, #tpu.memory_space<vmem>>
      %dma_start3A_282 = tpu.memref_squeeze %dma_start3A_281 : memref<1x128xi32, #tpu.memory_space<vmem>> -> memref<128xi32, #tpu.memory_space<vmem>>
      %dma_start3A_283 = arith.constant 0 : i32
      %dma_start3A_284 = arith.constant 0 : i32
      %dma_start3A_285 = tpu.memref_slice %arg13[%dma_start3A_283, %dma_start3A_284] : memref<10240x64xf32, #tpu.memory_space<vmem_shared>> -> memref<10240x64xf32, #tpu.memory_space<vmem_shared>>
      tpu.enqueue_indirect_dma source(%arg9 : memref<128x64xf32, #tpu.memory_space<vmem>>) target(%dma_start3A_285 : memref<10240x64xf32, #tpu.memory_space<vmem_shared>>) offsets(%dma_start3A_282 : memref<128xi32, #tpu.memory_space<vmem>>) semaphore(%arg19 : memref<!tpu.dma_semaphore, #tpu.memory_space<semaphore_mem>>) {add = true}
      %add3A_286 = arith.constant 2 : i32
      %add3A_287 = arith.addi %add3A_273, %add3A_286 : i32
      %lt3A_288 = arith.constant 40 : i32
      %lt3A_289 = arith.cmpi slt, %add3A_287, %lt3A_288 : i32
      %convert_element_type3A_290 = arith.extui %lt3A_289 : i1 to i32
      %cond3A_291 = arith.constant 0 : i32
      %cond3A_292 = arith.cmpi ne, %convert_element_type3A_290, %cond3A_291 : i32
      scf.if %cond3A_292 {
        %ge3A = arith.constant 2 : i32
        %ge3A_340 = arith.cmpi sge, %add3A_273, %ge3A : i32
        %convert_element_type3A_341 = arith.extui %ge3A_340 : i1 to i32
        %cond3A_342 = arith.constant 0 : i32
        %cond3A_343 = arith.cmpi ne, %convert_element_type3A_341, %cond3A_342 : i32
        scf.if %cond3A_343 {
          %sub3A = arith.constant 2 : i32
          %sub3A_352 = arith.subi %add3A_273, %sub3A : i32
          %dma_wait3A_353 = arith.constant 0 : i32
          %dma_wait3A_354 = tpu.memref_slice %arg7[%sub3A_352, %dma_wait3A_353] : memref<40x128xi32, #tpu.memory_space<vmem>> -> memref<1x128xi32, #tpu.memory_space<vmem>>
          %dma_wait3A_355 = tpu.memref_squeeze %dma_wait3A_354 : memref<1x128xi32, #tpu.memory_space<vmem>> -> memref<128xi32, #tpu.memory_space<vmem>>
          %dma_wait3A_356 = arith.constant 0 : i32
          %dma_wait3A_357 = arith.constant 0 : i32
          %dma_wait3A_358 = tpu.memref_slice %arg13[%dma_wait3A_356, %dma_wait3A_357] : memref<10240x64xf32, #tpu.memory_space<vmem_shared>> -> memref<10240x64xf32, #tpu.memory_space<vmem_shared>>
          tpu.wait_indirect_dma semaphore(%arg21 : memref<!tpu.dma_semaphore, #tpu.memory_space<semaphore_mem>>) src(%arg11 : memref<128x64xf32, #tpu.memory_space<vmem>>) dst(%dma_wait3A_358 : memref<10240x64xf32, #tpu.memory_space<vmem_shared>>)
        } else {
        }
        %add3A_344 = arith.constant 2 : i32
        %add3A_345 = arith.addi %add3A_273, %add3A_344 : i32
        %dma_start3A_346 = arith.constant 0 : i32
        %dma_start3A_347 = tpu.memref_slice %arg6[%add3A_345, %dma_start3A_346] : memref<40x128xi32, #tpu.memory_space<vmem>> -> memref<1x128xi32, #tpu.memory_space<vmem>>
        %dma_start3A_348 = tpu.memref_squeeze %dma_start3A_347 : memref<1x128xi32, #tpu.memory_space<vmem>> -> memref<128xi32, #tpu.memory_space<vmem>>
        %dma_start3A_349 = arith.constant 0 : i32
        %dma_start3A_350 = arith.constant 0 : i32
        %dma_start3A_351 = tpu.memref_slice %arg12[%dma_start3A_349, %dma_start3A_350] : memref<10240x64xf32, #tpu.memory_space<vmem_shared>> -> memref<10240x64xf32, #tpu.memory_space<vmem_shared>>
        tpu.enqueue_indirect_dma source(%dma_start3A_351 : memref<10240x64xf32, #tpu.memory_space<vmem_shared>>) target(%arg11 : memref<128x64xf32, #tpu.memory_space<vmem>>) offsets(%dma_start3A_348 : memref<128xi32, #tpu.memory_space<vmem>>) semaphore(%arg17 : memref<!tpu.dma_semaphore, #tpu.memory_space<semaphore_mem>>)
      } else {
      }
      %mul3A_293 = arith.constant 4 : i32
      %mul3A_294 = arith.muli %scan3A_248, %mul3A_293 : i32
      %add3A_295 = arith.constant 2 : i32
      %add3A_296 = arith.addi %mul3A_294, %add3A_295 : i32
      %dma_wait3A_297 = arith.constant 0 : i32
      %dma_wait3A_298 = tpu.memref_slice %arg6[%add3A_296, %dma_wait3A_297] : memref<40x128xi32, #tpu.memory_space<vmem>> -> memref<1x128xi32, #tpu.memory_space<vmem>>
      %dma_wait3A_299 = tpu.memref_squeeze %dma_wait3A_298 : memref<1x128xi32, #tpu.memory_space<vmem>> -> memref<128xi32, #tpu.memory_space<vmem>>
      %dma_wait3A_300 = arith.constant 0 : i32
      %dma_wait3A_301 = arith.constant 0 : i32
      %dma_wait3A_302 = tpu.memref_slice %arg12[%dma_wait3A_300, %dma_wait3A_301] : memref<10240x64xf32, #tpu.memory_space<vmem_shared>> -> memref<10240x64xf32, #tpu.memory_space<vmem_shared>>
      tpu.wait_indirect_dma semaphore(%arg16 : memref<!tpu.dma_semaphore, #tpu.memory_space<semaphore_mem>>) src(%dma_wait3A_302 : memref<10240x64xf32, #tpu.memory_space<vmem_shared>>) dst(%arg10 : memref<128x64xf32, #tpu.memory_space<vmem>>)
      %dma_start3A_303 = arith.constant 0 : i32
      %dma_start3A_304 = tpu.memref_slice %arg7[%add3A_296, %dma_start3A_303] : memref<40x128xi32, #tpu.memory_space<vmem>> -> memref<1x128xi32, #tpu.memory_space<vmem>>
      %dma_start3A_305 = tpu.memref_squeeze %dma_start3A_304 : memref<1x128xi32, #tpu.memory_space<vmem>> -> memref<128xi32, #tpu.memory_space<vmem>>
      %dma_start3A_306 = arith.constant 0 : i32
      %dma_start3A_307 = arith.constant 0 : i32
      %dma_start3A_308 = tpu.memref_slice %arg13[%dma_start3A_306, %dma_start3A_307] : memref<10240x64xf32, #tpu.memory_space<vmem_shared>> -> memref<10240x64xf32, #tpu.memory_space<vmem_shared>>
      tpu.enqueue_indirect_dma source(%arg10 : memref<128x64xf32, #tpu.memory_space<vmem>>) target(%dma_start3A_308 : memref<10240x64xf32, #tpu.memory_space<vmem_shared>>) offsets(%dma_start3A_305 : memref<128xi32, #tpu.memory_space<vmem>>) semaphore(%arg20 : memref<!tpu.dma_semaphore, #tpu.memory_space<semaphore_mem>>) {add = true}
      %add3A_309 = arith.constant 2 : i32
      %add3A_310 = arith.addi %add3A_296, %add3A_309 : i32
      %lt3A_311 = arith.constant 40 : i32
      %lt3A_312 = arith.cmpi slt, %add3A_310, %lt3A_311 : i32
      %convert_element_type3A_313 = arith.extui %lt3A_312 : i1 to i32
      %cond3A_314 = arith.constant 0 : i32
      %cond3A_315 = arith.cmpi ne, %convert_element_type3A_313, %cond3A_314 : i32
      scf.if %cond3A_315 {
        %ge3A = arith.constant 2 : i32
        %ge3A_340 = arith.cmpi sge, %add3A_296, %ge3A : i32
        %convert_element_type3A_341 = arith.extui %ge3A_340 : i1 to i32
        %cond3A_342 = arith.constant 0 : i32
        %cond3A_343 = arith.cmpi ne, %convert_element_type3A_341, %cond3A_342 : i32
        scf.if %cond3A_343 {
          %sub3A = arith.constant 2 : i32
          %sub3A_352 = arith.subi %add3A_296, %sub3A : i32
          %dma_wait3A_353 = arith.constant 0 : i32
          %dma_wait3A_354 = tpu.memref_slice %arg7[%sub3A_352, %dma_wait3A_353] : memref<40x128xi32, #tpu.memory_space<vmem>> -> memref<1x128xi32, #tpu.memory_space<vmem>>
          %dma_wait3A_355 = tpu.memref_squeeze %dma_wait3A_354 : memref<1x128xi32, #tpu.memory_space<vmem>> -> memref<128xi32, #tpu.memory_space<vmem>>
          %dma_wait3A_356 = arith.constant 0 : i32
          %dma_wait3A_357 = arith.constant 0 : i32
          %dma_wait3A_358 = tpu.memref_slice %arg13[%dma_wait3A_356, %dma_wait3A_357] : memref<10240x64xf32, #tpu.memory_space<vmem_shared>> -> memref<10240x64xf32, #tpu.memory_space<vmem_shared>>
          tpu.wait_indirect_dma semaphore(%arg18 : memref<!tpu.dma_semaphore, #tpu.memory_space<semaphore_mem>>) src(%arg8 : memref<128x64xf32, #tpu.memory_space<vmem>>) dst(%dma_wait3A_358 : memref<10240x64xf32, #tpu.memory_space<vmem_shared>>)
        } else {
        }
        %add3A_344 = arith.constant 2 : i32
        %add3A_345 = arith.addi %add3A_296, %add3A_344 : i32
        %dma_start3A_346 = arith.constant 0 : i32
        %dma_start3A_347 = tpu.memref_slice %arg6[%add3A_345, %dma_start3A_346] : memref<40x128xi32, #tpu.memory_space<vmem>> -> memref<1x128xi32, #tpu.memory_space<vmem>>
        %dma_start3A_348 = tpu.memref_squeeze %dma_start3A_347 : memref<1x128xi32, #tpu.memory_space<vmem>> -> memref<128xi32, #tpu.memory_space<vmem>>
        %dma_start3A_349 = arith.constant 0 : i32
        %dma_start3A_350 = arith.constant 0 : i32
        %dma_start3A_351 = tpu.memref_slice %arg12[%dma_start3A_349, %dma_start3A_350] : memref<10240x64xf32, #tpu.memory_space<vmem_shared>> -> memref<10240x64xf32, #tpu.memory_space<vmem_shared>>
        tpu.enqueue_indirect_dma source(%dma_start3A_351 : memref<10240x64xf32, #tpu.memory_space<vmem_shared>>) target(%arg8 : memref<128x64xf32, #tpu.memory_space<vmem>>) offsets(%dma_start3A_348 : memref<128xi32, #tpu.memory_space<vmem>>) semaphore(%arg14 : memref<!tpu.dma_semaphore, #tpu.memory_space<semaphore_mem>>)
      } else {
      }
      %mul3A_316 = arith.constant 4 : i32
      %mul3A_317 = arith.muli %scan3A_248, %mul3A_316 : i32
      %add3A_318 = arith.constant 3 : i32
      %add3A_319 = arith.addi %mul3A_317, %add3A_318 : i32
      %dma_wait3A_320 = arith.constant 0 : i32
      %dma_wait3A_321 = tpu.memref_slice %arg6[%add3A_319, %dma_wait3A_320] : memref<40x128xi32, #tpu.memory_space<vmem>> -> memref<1x128xi32, #tpu.memory_space<vmem>>
      %dma_wait3A_322 = tpu.memref_squeeze %dma_wait3A_321 : memref<1x128xi32, #tpu.memory_space<vmem>> -> memref<128xi32, #tpu.memory_space<vmem>>
      %dma_wait3A_323 = arith.constant 0 : i32
      %dma_wait3A_324 = arith.constant 0 : i32
      %dma_wait3A_325 = tpu.memref_slice %arg12[%dma_wait3A_323, %dma_wait3A_324] : memref<10240x64xf32, #tpu.memory_space<vmem_shared>> -> memref<10240x64xf32, #tpu.memory_space<vmem_shared>>
      tpu.wait_indirect_dma semaphore(%arg17 : memref<!tpu.dma_semaphore, #tpu.memory_space<semaphore_mem>>) src(%dma_wait3A_325 : memref<10240x64xf32, #tpu.memory_space<vmem_shared>>) dst(%arg11 : memref<128x64xf32, #tpu.memory_space<vmem>>)
      %dma_start3A_326 = arith.constant 0 : i32
      %dma_start3A_327 = tpu.memref_slice %arg7[%add3A_319, %dma_start3A_326] : memref<40x128xi32, #tpu.memory_space<vmem>> -> memref<1x128xi32, #tpu.memory_space<vmem>>
      %dma_start3A_328 = tpu.memref_squeeze %dma_start3A_327 : memref<1x128xi32, #tpu.memory_space<vmem>> -> memref<128xi32, #tpu.memory_space<vmem>>
      %dma_start3A_329 = arith.constant 0 : i32
      %dma_start3A_330 = arith.constant 0 : i32
      %dma_start3A_331 = tpu.memref_slice %arg13[%dma_start3A_329, %dma_start3A_330] : memref<10240x64xf32, #tpu.memory_space<vmem_shared>> -> memref<10240x64xf32, #tpu.memory_space<vmem_shared>>
      tpu.enqueue_indirect_dma source(%arg11 : memref<128x64xf32, #tpu.memory_space<vmem>>) target(%dma_start3A_331 : memref<10240x64xf32, #tpu.memory_space<vmem_shared>>) offsets(%dma_start3A_328 : memref<128xi32, #tpu.memory_space<vmem>>) semaphore(%arg21 : memref<!tpu.dma_semaphore, #tpu.memory_space<semaphore_mem>>) {add = true}
      %add3A_332 = arith.constant 2 : i32
      %add3A_333 = arith.addi %add3A_319, %add3A_332 : i32
      %lt3A_334 = arith.constant 40 : i32
      %lt3A_335 = arith.cmpi slt, %add3A_333, %lt3A_334 : i32
      %convert_element_type3A_336 = arith.extui %lt3A_335 : i1 to i32
      %cond3A_337 = arith.constant 0 : i32
      %cond3A_338 = arith.cmpi ne, %convert_element_type3A_336, %cond3A_337 : i32
      scf.if %cond3A_338 {
        %ge3A = arith.constant 2 : i32
        %ge3A_340 = arith.cmpi sge, %add3A_319, %ge3A : i32
        %convert_element_type3A_341 = arith.extui %ge3A_340 : i1 to i32
        %cond3A_342 = arith.constant 0 : i32
        %cond3A_343 = arith.cmpi ne, %convert_element_type3A_341, %cond3A_342 : i32
        scf.if %cond3A_343 {
          %sub3A = arith.constant 2 : i32
          %sub3A_352 = arith.subi %add3A_319, %sub3A : i32
          %dma_wait3A_353 = arith.constant 0 : i32
          %dma_wait3A_354 = tpu.memref_slice %arg7[%sub3A_352, %dma_wait3A_353] : memref<40x128xi32, #tpu.memory_space<vmem>> -> memref<1x128xi32, #tpu.memory_space<vmem>>
          %dma_wait3A_355 = tpu.memref_squeeze %dma_wait3A_354 : memref<1x128xi32, #tpu.memory_space<vmem>> -> memref<128xi32, #tpu.memory_space<vmem>>
          %dma_wait3A_356 = arith.constant 0 : i32
          %dma_wait3A_357 = arith.constant 0 : i32
          %dma_wait3A_358 = tpu.memref_slice %arg13[%dma_wait3A_356, %dma_wait3A_357] : memref<10240x64xf32, #tpu.memory_space<vmem_shared>> -> memref<10240x64xf32, #tpu.memory_space<vmem_shared>>
          tpu.wait_indirect_dma semaphore(%arg19 : memref<!tpu.dma_semaphore, #tpu.memory_space<semaphore_mem>>) src(%arg9 : memref<128x64xf32, #tpu.memory_space<vmem>>) dst(%dma_wait3A_358 : memref<10240x64xf32, #tpu.memory_space<vmem_shared>>)
        } else {
        }
        %add3A_344 = arith.constant 2 : i32
        %add3A_345 = arith.addi %add3A_319, %add3A_344 : i32
        %dma_start3A_346 = arith.constant 0 : i32
        %dma_start3A_347 = tpu.memref_slice %arg6[%add3A_345, %dma_start3A_346] : memref<40x128xi32, #tpu.memory_space<vmem>> -> memref<1x128xi32, #tpu.memory_space<vmem>>
        %dma_start3A_348 = tpu.memref_squeeze %dma_start3A_347 : memref<1x128xi32, #tpu.memory_space<vmem>> -> memref<128xi32, #tpu.memory_space<vmem>>
        %dma_start3A_349 = arith.constant 0 : i32
        %dma_start3A_350 = arith.constant 0 : i32
        %dma_start3A_351 = tpu.memref_slice %arg12[%dma_start3A_349, %dma_start3A_350] : memref<10240x64xf32, #tpu.memory_space<vmem_shared>> -> memref<10240x64xf32, #tpu.memory_space<vmem_shared>>
        tpu.enqueue_indirect_dma source(%dma_start3A_351 : memref<10240x64xf32, #tpu.memory_space<vmem_shared>>) target(%arg9 : memref<128x64xf32, #tpu.memory_space<vmem>>) offsets(%dma_start3A_348 : memref<128xi32, #tpu.memory_space<vmem>>) semaphore(%arg15 : memref<!tpu.dma_semaphore, #tpu.memory_space<semaphore_mem>>)
      } else {
      }
      %scan3A_339 = arith.constant 0 : i32
      scf.yield %scan3A_339 : i32
    }
    %scan3A_49 = arith.constant 10 : i32
    %dma_wait3A_50 = arith.constant 36 : i32
    %dma_wait3A_51 = arith.constant 0 : i32
    %dma_wait3A_52 = tpu.memref_slice %arg7[%dma_wait3A_50, %dma_wait3A_51] : memref<40x128xi32, #tpu.memory_space<vmem>> -> memref<1x128xi32, #tpu.memory_space<vmem>>
    %dma_wait3A_53 = tpu.memref_squeeze %dma_wait3A_52 : memref<1x128xi32, #tpu.memory_space<vmem>> -> memref<128xi32, #tpu.memory_space<vmem>>
    %dma_wait3A_54 = arith.constant 0 : i32
    %dma_wait3A_55 = arith.constant 0 : i32
    %dma_wait3A_56 = tpu.memref_slice %arg13[%dma_wait3A_54, %dma_wait3A_55] : memref<10240x64xf32, #tpu.memory_space<vmem_shared>> -> memref<10240x64xf32, #tpu.memory_space<vmem_shared>>
    tpu.wait_indirect_dma semaphore(%arg18 : memref<!tpu.dma_semaphore, #tpu.memory_space<semaphore_mem>>) src(%arg8 : memref<128x64xf32, #tpu.memory_space<vmem>>) dst(%dma_wait3A_56 : memref<10240x64xf32, #tpu.memory_space<vmem_shared>>)
    %dma_wait3A_57 = arith.constant 37 : i32
    %dma_wait3A_58 = arith.constant 0 : i32
    %dma_wait3A_59 = tpu.memref_slice %arg7[%dma_wait3A_57, %dma_wait3A_58] : memref<40x128xi32, #tpu.memory_space<vmem>> -> memref<1x128xi32, #tpu.memory_space<vmem>>
    %dma_wait3A_60 = tpu.memref_squeeze %dma_wait3A_59 : memref<1x128xi32, #tpu.memory_space<vmem>> -> memref<128xi32, #tpu.memory_space<vmem>>
    %dma_wait3A_61 = arith.constant 0 : i32
    %dma_wait3A_62 = arith.constant 0 : i32
    %dma_wait3A_63 = tpu.memref_slice %arg13[%dma_wait3A_61, %dma_wait3A_62] : memref<10240x64xf32, #tpu.memory_space<vmem_shared>> -> memref<10240x64xf32, #tpu.memory_space<vmem_shared>>
    tpu.wait_indirect_dma semaphore(%arg19 : memref<!tpu.dma_semaphore, #tpu.memory_space<semaphore_mem>>) src(%arg9 : memref<128x64xf32, #tpu.memory_space<vmem>>) dst(%dma_wait3A_63 : memref<10240x64xf32, #tpu.memory_space<vmem_shared>>)
    %dma_wait3A_64 = arith.constant 38 : i32
    %dma_wait3A_65 = arith.constant 0 : i32
    %dma_wait3A_66 = tpu.memref_slice %arg7[%dma_wait3A_64, %dma_wait3A_65] : memref<40x128xi32, #tpu.memory_space<vmem>> -> memref<1x128xi32, #tpu.memory_space<vmem>>
    %dma_wait3A_67 = tpu.memref_squeeze %dma_wait3A_66 : memref<1x128xi32, #tpu.memory_space<vmem>> -> memref<128xi32, #tpu.memory_space<vmem>>
    %dma_wait3A_68 = arith.constant 0 : i32
    %dma_wait3A_69 = arith.constant 0 : i32
    %dma_wait3A_70 = tpu.memref_slice %arg13[%dma_wait3A_68, %dma_wait3A_69] : memref<10240x64xf32, #tpu.memory_space<vmem_shared>> -> memref<10240x64xf32, #tpu.memory_space<vmem_shared>>
    tpu.wait_indirect_dma semaphore(%arg20 : memref<!tpu.dma_semaphore, #tpu.memory_space<semaphore_mem>>) src(%arg10 : memref<128x64xf32, #tpu.memory_space<vmem>>) dst(%dma_wait3A_70 : memref<10240x64xf32, #tpu.memory_space<vmem_shared>>)
    %dma_wait3A_71 = arith.constant 39 : i32
    %dma_wait3A_72 = arith.constant 0 : i32
    %dma_wait3A_73 = tpu.memref_slice %arg7[%dma_wait3A_71, %dma_wait3A_72] : memref<40x128xi32, #tpu.memory_space<vmem>> -> memref<1x128xi32, #tpu.memory_space<vmem>>
    %dma_wait3A_74 = tpu.memref_squeeze %dma_wait3A_73 : memref<1x128xi32, #tpu.memory_space<vmem>> -> memref<128xi32, #tpu.memory_space<vmem>>
    %dma_wait3A_75 = arith.constant 0 : i32
    %dma_wait3A_76 = arith.constant 0 : i32
    %dma_wait3A_77 = tpu.memref_slice %arg13[%dma_wait3A_75, %dma_wait3A_76] : memref<10240x64xf32, #tpu.memory_space<vmem_shared>> -> memref<10240x64xf32, #tpu.memory_space<vmem_shared>>
    tpu.wait_indirect_dma semaphore(%arg21 : memref<!tpu.dma_semaphore, #tpu.memory_space<semaphore_mem>>) src(%arg11 : memref<128x64xf32, #tpu.memory_space<vmem>>) dst(%dma_wait3A_77 : memref<10240x64xf32, #tpu.memory_space<vmem_shared>>)
    %mul3A_78 = arith.constant 2 : i32
    %mul3A_79 = arith.muli %arg1, %mul3A_78 : i32
    %mul3A_80 = arith.constant 80 : i32
    %mul3A_81 = arith.muli %mul3A_79, %mul3A_80 : i32
    %add3A_82 = arith.constant 40 : i32
    %add3A_83 = arith.addi %mul3A_81, %add3A_82 : i32
    "tpu.region"() ({
      %run_scoped3A = tpu.sem_alloc : memref<!tpu.dma_semaphore, #tpu.memory_space<semaphore_mem>>
      %dma_start3A_248 = arith.constant 0 : i32
      %dma_start3A_249 = tpu.memref_slice %arg3[%add3A_83, %dma_start3A_248] : memref<2560x128xi32, #tpu.memory_space<hbm>> -> memref<40x128xi32, #tpu.memory_space<hbm>>
      %dma_start3A_250 = arith.constant 0 : i32
      %dma_start3A_251 = tpu.memref_slice %arg3[%add3A_83, %dma_start3A_250] : memref<2560x128xi32, #tpu.memory_space<hbm>> -> memref<40x128xi32, #tpu.memory_space<hbm>>
      tpu.enqueue_dma source(%dma_start3A_251 : memref<40x128xi32, #tpu.memory_space<hbm>>) target(%arg6 : memref<40x128xi32, #tpu.memory_space<vmem>>) target_semaphore(%run_scoped3A : memref<!tpu.dma_semaphore, #tpu.memory_space<semaphore_mem>>)
      %dma_wait3A_252 = arith.constant 0 : i32
      %dma_wait3A_253 = tpu.memref_slice %arg3[%add3A_83, %dma_wait3A_252] : memref<2560x128xi32, #tpu.memory_space<hbm>> -> memref<40x128xi32, #tpu.memory_space<hbm>>
      %dma_wait3A_254 = arith.constant 0 : i32
      %dma_wait3A_255 = tpu.memref_slice %arg3[%add3A_83, %dma_wait3A_254] : memref<2560x128xi32, #tpu.memory_space<hbm>> -> memref<40x128xi32, #tpu.memory_space<hbm>>
      tpu.wait_dma2 semaphore(%run_scoped3A : memref<!tpu.dma_semaphore, #tpu.memory_space<semaphore_mem>>) src(%dma_wait3A_255 : memref<40x128xi32, #tpu.memory_space<hbm>>) dst(%arg6 : memref<40x128xi32, #tpu.memory_space<vmem>>)
      tpu.yield
    }) : () -> ()
    "tpu.region"() ({
      %run_scoped3A = tpu.sem_alloc : memref<!tpu.dma_semaphore, #tpu.memory_space<semaphore_mem>>
      %dma_start3A_248 = arith.constant 0 : i32
      %dma_start3A_249 = tpu.memref_slice %arg4[%add3A_83, %dma_start3A_248] : memref<2560x128xi32, #tpu.memory_space<hbm>> -> memref<40x128xi32, #tpu.memory_space<hbm>>
      %dma_start3A_250 = arith.constant 0 : i32
      %dma_start3A_251 = tpu.memref_slice %arg4[%add3A_83, %dma_start3A_250] : memref<2560x128xi32, #tpu.memory_space<hbm>> -> memref<40x128xi32, #tpu.memory_space<hbm>>
      tpu.enqueue_dma source(%dma_start3A_251 : memref<40x128xi32, #tpu.memory_space<hbm>>) target(%arg7 : memref<40x128xi32, #tpu.memory_space<vmem>>) target_semaphore(%run_scoped3A : memref<!tpu.dma_semaphore, #tpu.memory_space<semaphore_mem>>)
      %dma_wait3A_252 = arith.constant 0 : i32
      %dma_wait3A_253 = tpu.memref_slice %arg4[%add3A_83, %dma_wait3A_252] : memref<2560x128xi32, #tpu.memory_space<hbm>> -> memref<40x128xi32, #tpu.memory_space<hbm>>
      %dma_wait3A_254 = arith.constant 0 : i32
      %dma_wait3A_255 = tpu.memref_slice %arg4[%add3A_83, %dma_wait3A_254] : memref<2560x128xi32, #tpu.memory_space<hbm>> -> memref<40x128xi32, #tpu.memory_space<hbm>>
      tpu.wait_dma2 semaphore(%run_scoped3A : memref<!tpu.dma_semaphore, #tpu.memory_space<semaphore_mem>>) src(%dma_wait3A_255 : memref<40x128xi32, #tpu.memory_space<hbm>>) dst(%arg7 : memref<40x128xi32, #tpu.memory_space<vmem>>)
      tpu.yield
    }) : () -> ()
    %dma_start3A_84 = arith.constant 0 : i32
    %dma_start3A_85 = arith.constant 0 : i32
    %dma_start3A_86 = tpu.memref_slice %arg6[%dma_start3A_84, %dma_start3A_85] : memref<40x128xi32, #tpu.memory_space<vmem>> -> memref<1x128xi32, #tpu.memory_space<vmem>>
    %dma_start3A_87 = tpu.memref_squeeze %dma_start3A_86 : memref<1x128xi32, #tpu.memory_space<vmem>> -> memref<128xi32, #tpu.memory_space<vmem>>
    %dma_start3A_88 = arith.constant 0 : i32
    %dma_start3A_89 = arith.constant 0 : i32
    %dma_start3A_90 = tpu.memref_slice %arg12[%dma_start3A_88, %dma_start3A_89] : memref<10240x64xf32, #tpu.memory_space<vmem_shared>> -> memref<10240x64xf32, #tpu.memory_space<vmem_shared>>
    tpu.enqueue_indirect_dma source(%dma_start3A_90 : memref<10240x64xf32, #tpu.memory_space<vmem_shared>>) target(%arg8 : memref<128x64xf32, #tpu.memory_space<vmem>>) offsets(%dma_start3A_87 : memref<128xi32, #tpu.memory_space<vmem>>) semaphore(%arg14 : memref<!tpu.dma_semaphore, #tpu.memory_space<semaphore_mem>>)
    %dma_start3A_91 = arith.constant 1 : i32
    %dma_start3A_92 = arith.constant 0 : i32
    %dma_start3A_93 = tpu.memref_slice %arg6[%dma_start3A_91, %dma_start3A_92] : memref<40x128xi32, #tpu.memory_space<vmem>> -> memref<1x128xi32, #tpu.memory_space<vmem>>
    %dma_start3A_94 = tpu.memref_squeeze %dma_start3A_93 : memref<1x128xi32, #tpu.memory_space<vmem>> -> memref<128xi32, #tpu.memory_space<vmem>>
    %dma_start3A_95 = arith.constant 0 : i32
    %dma_start3A_96 = arith.constant 0 : i32
    %dma_start3A_97 = tpu.memref_slice %arg12[%dma_start3A_95, %dma_start3A_96] : memref<10240x64xf32, #tpu.memory_space<vmem_shared>> -> memref<10240x64xf32, #tpu.memory_space<vmem_shared>>
    tpu.enqueue_indirect_dma source(%dma_start3A_97 : memref<10240x64xf32, #tpu.memory_space<vmem_shared>>) target(%arg9 : memref<128x64xf32, #tpu.memory_space<vmem>>) offsets(%dma_start3A_94 : memref<128xi32, #tpu.memory_space<vmem>>) semaphore(%arg15 : memref<!tpu.dma_semaphore, #tpu.memory_space<semaphore_mem>>)
    %scan3A_98 = arith.constant 0 : i32
    %scan3A_99 = arith.constant 0 : i32
    %scan3A_100 = arith.constant 10 : i32
    %scan3A_101 = arith.addi %scan3A_99, %scan3A_100 : i32
    %scan3A_102 = arith.constant 1 : i32
    %scan3A_103 = scf.for %scan3A_248 = %scan3A_99 to %scan3A_101 step %scan3A_102 iter_args(%scan3A_249 = %scan3A_98) -> (i32)  : i32 {
      %mul3A_250 = arith.constant 4 : i32
      %mul3A_251 = arith.muli %scan3A_248, %mul3A_250 : i32
      %add3A_252 = arith.constant 0 : i32
      %add3A_253 = arith.addi %mul3A_251, %add3A_252 : i32
      %dma_wait3A_254 = arith.constant 0 : i32
      %dma_wait3A_255 = tpu.memref_slice %arg6[%add3A_253, %dma_wait3A_254] : memref<40x128xi32, #tpu.memory_space<vmem>> -> memref<1x128xi32, #tpu.memory_space<vmem>>
      %dma_wait3A_256 = tpu.memref_squeeze %dma_wait3A_255 : memref<1x128xi32, #tpu.memory_space<vmem>> -> memref<128xi32, #tpu.memory_space<vmem>>
      %dma_wait3A_257 = arith.constant 0 : i32
      %dma_wait3A_258 = arith.constant 0 : i32
      %dma_wait3A_259 = tpu.memref_slice %arg12[%dma_wait3A_257, %dma_wait3A_258] : memref<10240x64xf32, #tpu.memory_space<vmem_shared>> -> memref<10240x64xf32, #tpu.memory_space<vmem_shared>>
      tpu.wait_indirect_dma semaphore(%arg14 : memref<!tpu.dma_semaphore, #tpu.memory_space<semaphore_mem>>) src(%dma_wait3A_259 : memref<10240x64xf32, #tpu.memory_space<vmem_shared>>) dst(%arg8 : memref<128x64xf32, #tpu.memory_space<vmem>>)
      %dma_start3A_260 = arith.constant 0 : i32
      %dma_start3A_261 = tpu.memref_slice %arg7[%add3A_253, %dma_start3A_260] : memref<40x128xi32, #tpu.memory_space<vmem>> -> memref<1x128xi32, #tpu.memory_space<vmem>>
      %dma_start3A_262 = tpu.memref_squeeze %dma_start3A_261 : memref<1x128xi32, #tpu.memory_space<vmem>> -> memref<128xi32, #tpu.memory_space<vmem>>
      %dma_start3A_263 = arith.constant 0 : i32
      %dma_start3A_264 = arith.constant 0 : i32
      %dma_start3A_265 = tpu.memref_slice %arg13[%dma_start3A_263, %dma_start3A_264] : memref<10240x64xf32, #tpu.memory_space<vmem_shared>> -> memref<10240x64xf32, #tpu.memory_space<vmem_shared>>
      tpu.enqueue_indirect_dma source(%arg8 : memref<128x64xf32, #tpu.memory_space<vmem>>) target(%dma_start3A_265 : memref<10240x64xf32, #tpu.memory_space<vmem_shared>>) offsets(%dma_start3A_262 : memref<128xi32, #tpu.memory_space<vmem>>) semaphore(%arg18 : memref<!tpu.dma_semaphore, #tpu.memory_space<semaphore_mem>>) {add = true}
      %add3A_266 = arith.constant 2 : i32
      %add3A_267 = arith.addi %add3A_253, %add3A_266 : i32
      %lt3A = arith.constant 40 : i32
      %lt3A_268 = arith.cmpi slt, %add3A_267, %lt3A : i32
      %convert_element_type3A = arith.extui %lt3A_268 : i1 to i32
      %cond3A = arith.constant 0 : i32
      %cond3A_269 = arith.cmpi ne, %convert_element_type3A, %cond3A : i32
      scf.if %cond3A_269 {
        %ge3A = arith.constant 2 : i32
        %ge3A_340 = arith.cmpi sge, %add3A_253, %ge3A : i32
        %convert_element_type3A_341 = arith.extui %ge3A_340 : i1 to i32
        %cond3A_342 = arith.constant 0 : i32
        %cond3A_343 = arith.cmpi ne, %convert_element_type3A_341, %cond3A_342 : i32
        scf.if %cond3A_343 {
          %sub3A = arith.constant 2 : i32
          %sub3A_352 = arith.subi %add3A_253, %sub3A : i32
          %dma_wait3A_353 = arith.constant 0 : i32
          %dma_wait3A_354 = tpu.memref_slice %arg7[%sub3A_352, %dma_wait3A_353] : memref<40x128xi32, #tpu.memory_space<vmem>> -> memref<1x128xi32, #tpu.memory_space<vmem>>
          %dma_wait3A_355 = tpu.memref_squeeze %dma_wait3A_354 : memref<1x128xi32, #tpu.memory_space<vmem>> -> memref<128xi32, #tpu.memory_space<vmem>>
          %dma_wait3A_356 = arith.constant 0 : i32
          %dma_wait3A_357 = arith.constant 0 : i32
          %dma_wait3A_358 = tpu.memref_slice %arg13[%dma_wait3A_356, %dma_wait3A_357] : memref<10240x64xf32, #tpu.memory_space<vmem_shared>> -> memref<10240x64xf32, #tpu.memory_space<vmem_shared>>
          tpu.wait_indirect_dma semaphore(%arg20 : memref<!tpu.dma_semaphore, #tpu.memory_space<semaphore_mem>>) src(%arg10 : memref<128x64xf32, #tpu.memory_space<vmem>>) dst(%dma_wait3A_358 : memref<10240x64xf32, #tpu.memory_space<vmem_shared>>)
        } else {
        }
        %add3A_344 = arith.constant 2 : i32
        %add3A_345 = arith.addi %add3A_253, %add3A_344 : i32
        %dma_start3A_346 = arith.constant 0 : i32
        %dma_start3A_347 = tpu.memref_slice %arg6[%add3A_345, %dma_start3A_346] : memref<40x128xi32, #tpu.memory_space<vmem>> -> memref<1x128xi32, #tpu.memory_space<vmem>>
        %dma_start3A_348 = tpu.memref_squeeze %dma_start3A_347 : memref<1x128xi32, #tpu.memory_space<vmem>> -> memref<128xi32, #tpu.memory_space<vmem>>
        %dma_start3A_349 = arith.constant 0 : i32
        %dma_start3A_350 = arith.constant 0 : i32
        %dma_start3A_351 = tpu.memref_slice %arg12[%dma_start3A_349, %dma_start3A_350] : memref<10240x64xf32, #tpu.memory_space<vmem_shared>> -> memref<10240x64xf32, #tpu.memory_space<vmem_shared>>
        tpu.enqueue_indirect_dma source(%dma_start3A_351 : memref<10240x64xf32, #tpu.memory_space<vmem_shared>>) target(%arg10 : memref<128x64xf32, #tpu.memory_space<vmem>>) offsets(%dma_start3A_348 : memref<128xi32, #tpu.memory_space<vmem>>) semaphore(%arg16 : memref<!tpu.dma_semaphore, #tpu.memory_space<semaphore_mem>>)
      } else {
      }
      %mul3A_270 = arith.constant 4 : i32
      %mul3A_271 = arith.muli %scan3A_248, %mul3A_270 : i32
      %add3A_272 = arith.constant 1 : i32
      %add3A_273 = arith.addi %mul3A_271, %add3A_272 : i32
      %dma_wait3A_274 = arith.constant 0 : i32
      %dma_wait3A_275 = tpu.memref_slice %arg6[%add3A_273, %dma_wait3A_274] : memref<40x128xi32, #tpu.memory_space<vmem>> -> memref<1x128xi32, #tpu.memory_space<vmem>>
      %dma_wait3A_276 = tpu.memref_squeeze %dma_wait3A_275 : memref<1x128xi32, #tpu.memory_space<vmem>> -> memref<128xi32, #tpu.memory_space<vmem>>
      %dma_wait3A_277 = arith.constant 0 : i32
      %dma_wait3A_278 = arith.constant 0 : i32
      %dma_wait3A_279 = tpu.memref_slice %arg12[%dma_wait3A_277, %dma_wait3A_278] : memref<10240x64xf32, #tpu.memory_space<vmem_shared>> -> memref<10240x64xf32, #tpu.memory_space<vmem_shared>>
      tpu.wait_indirect_dma semaphore(%arg15 : memref<!tpu.dma_semaphore, #tpu.memory_space<semaphore_mem>>) src(%dma_wait3A_279 : memref<10240x64xf32, #tpu.memory_space<vmem_shared>>) dst(%arg9 : memref<128x64xf32, #tpu.memory_space<vmem>>)
      %dma_start3A_280 = arith.constant 0 : i32
      %dma_start3A_281 = tpu.memref_slice %arg7[%add3A_273, %dma_start3A_280] : memref<40x128xi32, #tpu.memory_space<vmem>> -> memref<1x128xi32, #tpu.memory_space<vmem>>
      %dma_start3A_282 = tpu.memref_squeeze %dma_start3A_281 : memref<1x128xi32, #tpu.memory_space<vmem>> -> memref<128xi32, #tpu.memory_space<vmem>>
      %dma_start3A_283 = arith.constant 0 : i32
      %dma_start3A_284 = arith.constant 0 : i32
      %dma_start3A_285 = tpu.memref_slice %arg13[%dma_start3A_283, %dma_start3A_284] : memref<10240x64xf32, #tpu.memory_space<vmem_shared>> -> memref<10240x64xf32, #tpu.memory_space<vmem_shared>>
      tpu.enqueue_indirect_dma source(%arg9 : memref<128x64xf32, #tpu.memory_space<vmem>>) target(%dma_start3A_285 : memref<10240x64xf32, #tpu.memory_space<vmem_shared>>) offsets(%dma_start3A_282 : memref<128xi32, #tpu.memory_space<vmem>>) semaphore(%arg19 : memref<!tpu.dma_semaphore, #tpu.memory_space<semaphore_mem>>) {add = true}
      %add3A_286 = arith.constant 2 : i32
      %add3A_287 = arith.addi %add3A_273, %add3A_286 : i32
      %lt3A_288 = arith.constant 40 : i32
      %lt3A_289 = arith.cmpi slt, %add3A_287, %lt3A_288 : i32
      %convert_element_type3A_290 = arith.extui %lt3A_289 : i1 to i32
      %cond3A_291 = arith.constant 0 : i32
      %cond3A_292 = arith.cmpi ne, %convert_element_type3A_290, %cond3A_291 : i32
      scf.if %cond3A_292 {
        %ge3A = arith.constant 2 : i32
        %ge3A_340 = arith.cmpi sge, %add3A_273, %ge3A : i32
        %convert_element_type3A_341 = arith.extui %ge3A_340 : i1 to i32
        %cond3A_342 = arith.constant 0 : i32
        %cond3A_343 = arith.cmpi ne, %convert_element_type3A_341, %cond3A_342 : i32
        scf.if %cond3A_343 {
          %sub3A = arith.constant 2 : i32
          %sub3A_352 = arith.subi %add3A_273, %sub3A : i32
          %dma_wait3A_353 = arith.constant 0 : i32
          %dma_wait3A_354 = tpu.memref_slice %arg7[%sub3A_352, %dma_wait3A_353] : memref<40x128xi32, #tpu.memory_space<vmem>> -> memref<1x128xi32, #tpu.memory_space<vmem>>
          %dma_wait3A_355 = tpu.memref_squeeze %dma_wait3A_354 : memref<1x128xi32, #tpu.memory_space<vmem>> -> memref<128xi32, #tpu.memory_space<vmem>>
          %dma_wait3A_356 = arith.constant 0 : i32
          %dma_wait3A_357 = arith.constant 0 : i32
          %dma_wait3A_358 = tpu.memref_slice %arg13[%dma_wait3A_356, %dma_wait3A_357] : memref<10240x64xf32, #tpu.memory_space<vmem_shared>> -> memref<10240x64xf32, #tpu.memory_space<vmem_shared>>
          tpu.wait_indirect_dma semaphore(%arg21 : memref<!tpu.dma_semaphore, #tpu.memory_space<semaphore_mem>>) src(%arg11 : memref<128x64xf32, #tpu.memory_space<vmem>>) dst(%dma_wait3A_358 : memref<10240x64xf32, #tpu.memory_space<vmem_shared>>)
        } else {
        }
        %add3A_344 = arith.constant 2 : i32
        %add3A_345 = arith.addi %add3A_273, %add3A_344 : i32
        %dma_start3A_346 = arith.constant 0 : i32
        %dma_start3A_347 = tpu.memref_slice %arg6[%add3A_345, %dma_start3A_346] : memref<40x128xi32, #tpu.memory_space<vmem>> -> memref<1x128xi32, #tpu.memory_space<vmem>>
        %dma_start3A_348 = tpu.memref_squeeze %dma_start3A_347 : memref<1x128xi32, #tpu.memory_space<vmem>> -> memref<128xi32, #tpu.memory_space<vmem>>
        %dma_start3A_349 = arith.constant 0 : i32
        %dma_start3A_350 = arith.constant 0 : i32
        %dma_start3A_351 = tpu.memref_slice %arg12[%dma_start3A_349, %dma_start3A_350] : memref<10240x64xf32, #tpu.memory_space<vmem_shared>> -> memref<10240x64xf32, #tpu.memory_space<vmem_shared>>
        tpu.enqueue_indirect_dma source(%dma_start3A_351 : memref<10240x64xf32, #tpu.memory_space<vmem_shared>>) target(%arg11 : memref<128x64xf32, #tpu.memory_space<vmem>>) offsets(%dma_start3A_348 : memref<128xi32, #tpu.memory_space<vmem>>) semaphore(%arg17 : memref<!tpu.dma_semaphore, #tpu.memory_space<semaphore_mem>>)
      } else {
      }
      %mul3A_293 = arith.constant 4 : i32
      %mul3A_294 = arith.muli %scan3A_248, %mul3A_293 : i32
      %add3A_295 = arith.constant 2 : i32
      %add3A_296 = arith.addi %mul3A_294, %add3A_295 : i32
      %dma_wait3A_297 = arith.constant 0 : i32
      %dma_wait3A_298 = tpu.memref_slice %arg6[%add3A_296, %dma_wait3A_297] : memref<40x128xi32, #tpu.memory_space<vmem>> -> memref<1x128xi32, #tpu.memory_space<vmem>>
      %dma_wait3A_299 = tpu.memref_squeeze %dma_wait3A_298 : memref<1x128xi32, #tpu.memory_space<vmem>> -> memref<128xi32, #tpu.memory_space<vmem>>
      %dma_wait3A_300 = arith.constant 0 : i32
      %dma_wait3A_301 = arith.constant 0 : i32
      %dma_wait3A_302 = tpu.memref_slice %arg12[%dma_wait3A_300, %dma_wait3A_301] : memref<10240x64xf32, #tpu.memory_space<vmem_shared>> -> memref<10240x64xf32, #tpu.memory_space<vmem_shared>>
      tpu.wait_indirect_dma semaphore(%arg16 : memref<!tpu.dma_semaphore, #tpu.memory_space<semaphore_mem>>) src(%dma_wait3A_302 : memref<10240x64xf32, #tpu.memory_space<vmem_shared>>) dst(%arg10 : memref<128x64xf32, #tpu.memory_space<vmem>>)
      %dma_start3A_303 = arith.constant 0 : i32
      %dma_start3A_304 = tpu.memref_slice %arg7[%add3A_296, %dma_start3A_303] : memref<40x128xi32, #tpu.memory_space<vmem>> -> memref<1x128xi32, #tpu.memory_space<vmem>>
      %dma_start3A_305 = tpu.memref_squeeze %dma_start3A_304 : memref<1x128xi32, #tpu.memory_space<vmem>> -> memref<128xi32, #tpu.memory_space<vmem>>
      %dma_start3A_306 = arith.constant 0 : i32
      %dma_start3A_307 = arith.constant 0 : i32
      %dma_start3A_308 = tpu.memref_slice %arg13[%dma_start3A_306, %dma_start3A_307] : memref<10240x64xf32, #tpu.memory_space<vmem_shared>> -> memref<10240x64xf32, #tpu.memory_space<vmem_shared>>
      tpu.enqueue_indirect_dma source(%arg10 : memref<128x64xf32, #tpu.memory_space<vmem>>) target(%dma_start3A_308 : memref<10240x64xf32, #tpu.memory_space<vmem_shared>>) offsets(%dma_start3A_305 : memref<128xi32, #tpu.memory_space<vmem>>) semaphore(%arg20 : memref<!tpu.dma_semaphore, #tpu.memory_space<semaphore_mem>>) {add = true}
      %add3A_309 = arith.constant 2 : i32
      %add3A_310 = arith.addi %add3A_296, %add3A_309 : i32
      %lt3A_311 = arith.constant 40 : i32
      %lt3A_312 = arith.cmpi slt, %add3A_310, %lt3A_311 : i32
      %convert_element_type3A_313 = arith.extui %lt3A_312 : i1 to i32
      %cond3A_314 = arith.constant 0 : i32
      %cond3A_315 = arith.cmpi ne, %convert_element_type3A_313, %cond3A_314 : i32
      scf.if %cond3A_315 {
        %ge3A = arith.constant 2 : i32
        %ge3A_340 = arith.cmpi sge, %add3A_296, %ge3A : i32
        %convert_element_type3A_341 = arith.extui %ge3A_340 : i1 to i32
        %cond3A_342 = arith.constant 0 : i32
        %cond3A_343 = arith.cmpi ne, %convert_element_type3A_341, %cond3A_342 : i32
        scf.if %cond3A_343 {
          %sub3A = arith.constant 2 : i32
          %sub3A_352 = arith.subi %add3A_296, %sub3A : i32
          %dma_wait3A_353 = arith.constant 0 : i32
          %dma_wait3A_354 = tpu.memref_slice %arg7[%sub3A_352, %dma_wait3A_353] : memref<40x128xi32, #tpu.memory_space<vmem>> -> memref<1x128xi32, #tpu.memory_space<vmem>>
          %dma_wait3A_355 = tpu.memref_squeeze %dma_wait3A_354 : memref<1x128xi32, #tpu.memory_space<vmem>> -> memref<128xi32, #tpu.memory_space<vmem>>
          %dma_wait3A_356 = arith.constant 0 : i32
          %dma_wait3A_357 = arith.constant 0 : i32
          %dma_wait3A_358 = tpu.memref_slice %arg13[%dma_wait3A_356, %dma_wait3A_357] : memref<10240x64xf32, #tpu.memory_space<vmem_shared>> -> memref<10240x64xf32, #tpu.memory_space<vmem_shared>>
          tpu.wait_indirect_dma semaphore(%arg18 : memref<!tpu.dma_semaphore, #tpu.memory_space<semaphore_mem>>) src(%arg8 : memref<128x64xf32, #tpu.memory_space<vmem>>) dst(%dma_wait3A_358 : memref<10240x64xf32, #tpu.memory_space<vmem_shared>>)
        } else {
        }
        %add3A_344 = arith.constant 2 : i32
        %add3A_345 = arith.addi %add3A_296, %add3A_344 : i32
        %dma_start3A_346 = arith.constant 0 : i32
        %dma_start3A_347 = tpu.memref_slice %arg6[%add3A_345, %dma_start3A_346] : memref<40x128xi32, #tpu.memory_space<vmem>> -> memref<1x128xi32, #tpu.memory_space<vmem>>
        %dma_start3A_348 = tpu.memref_squeeze %dma_start3A_347 : memref<1x128xi32, #tpu.memory_space<vmem>> -> memref<128xi32, #tpu.memory_space<vmem>>
        %dma_start3A_349 = arith.constant 0 : i32
        %dma_start3A_350 = arith.constant 0 : i32
        %dma_start3A_351 = tpu.memref_slice %arg12[%dma_start3A_349, %dma_start3A_350] : memref<10240x64xf32, #tpu.memory_space<vmem_shared>> -> memref<10240x64xf32, #tpu.memory_space<vmem_shared>>
        tpu.enqueue_indirect_dma source(%dma_start3A_351 : memref<10240x64xf32, #tpu.memory_space<vmem_shared>>) target(%arg8 : memref<128x64xf32, #tpu.memory_space<vmem>>) offsets(%dma_start3A_348 : memref<128xi32, #tpu.memory_space<vmem>>) semaphore(%arg14 : memref<!tpu.dma_semaphore, #tpu.memory_space<semaphore_mem>>)
      } else {
      }
      %mul3A_316 = arith.constant 4 : i32
      %mul3A_317 = arith.muli %scan3A_248, %mul3A_316 : i32
      %add3A_318 = arith.constant 3 : i32
      %add3A_319 = arith.addi %mul3A_317, %add3A_318 : i32
      %dma_wait3A_320 = arith.constant 0 : i32
      %dma_wait3A_321 = tpu.memref_slice %arg6[%add3A_319, %dma_wait3A_320] : memref<40x128xi32, #tpu.memory_space<vmem>> -> memref<1x128xi32, #tpu.memory_space<vmem>>
      %dma_wait3A_322 = tpu.memref_squeeze %dma_wait3A_321 : memref<1x128xi32, #tpu.memory_space<vmem>> -> memref<128xi32, #tpu.memory_space<vmem>>
      %dma_wait3A_323 = arith.constant 0 : i32
      %dma_wait3A_324 = arith.constant 0 : i32
      %dma_wait3A_325 = tpu.memref_slice %arg12[%dma_wait3A_323, %dma_wait3A_324] : memref<10240x64xf32, #tpu.memory_space<vmem_shared>> -> memref<10240x64xf32, #tpu.memory_space<vmem_shared>>
      tpu.wait_indirect_dma semaphore(%arg17 : memref<!tpu.dma_semaphore, #tpu.memory_space<semaphore_mem>>) src(%dma_wait3A_325 : memref<10240x64xf32, #tpu.memory_space<vmem_shared>>) dst(%arg11 : memref<128x64xf32, #tpu.memory_space<vmem>>)
      %dma_start3A_326 = arith.constant 0 : i32
      %dma_start3A_327 = tpu.memref_slice %arg7[%add3A_319, %dma_start3A_326] : memref<40x128xi32, #tpu.memory_space<vmem>> -> memref<1x128xi32, #tpu.memory_space<vmem>>
      %dma_start3A_328 = tpu.memref_squeeze %dma_start3A_327 : memref<1x128xi32, #tpu.memory_space<vmem>> -> memref<128xi32, #tpu.memory_space<vmem>>
      %dma_start3A_329 = arith.constant 0 : i32
      %dma_start3A_330 = arith.constant 0 : i32
      %dma_start3A_331 = tpu.memref_slice %arg13[%dma_start3A_329, %dma_start3A_330] : memref<10240x64xf32, #tpu.memory_space<vmem_shared>> -> memref<10240x64xf32, #tpu.memory_space<vmem_shared>>
      tpu.enqueue_indirect_dma source(%arg11 : memref<128x64xf32, #tpu.memory_space<vmem>>) target(%dma_start3A_331 : memref<10240x64xf32, #tpu.memory_space<vmem_shared>>) offsets(%dma_start3A_328 : memref<128xi32, #tpu.memory_space<vmem>>) semaphore(%arg21 : memref<!tpu.dma_semaphore, #tpu.memory_space<semaphore_mem>>) {add = true}
      %add3A_332 = arith.constant 2 : i32
      %add3A_333 = arith.addi %add3A_319, %add3A_332 : i32
      %lt3A_334 = arith.constant 40 : i32
      %lt3A_335 = arith.cmpi slt, %add3A_333, %lt3A_334 : i32
      %convert_element_type3A_336 = arith.extui %lt3A_335 : i1 to i32
      %cond3A_337 = arith.constant 0 : i32
      %cond3A_338 = arith.cmpi ne, %convert_element_type3A_336, %cond3A_337 : i32
      scf.if %cond3A_338 {
        %ge3A = arith.constant 2 : i32
        %ge3A_340 = arith.cmpi sge, %add3A_319, %ge3A : i32
        %convert_element_type3A_341 = arith.extui %ge3A_340 : i1 to i32
        %cond3A_342 = arith.constant 0 : i32
        %cond3A_343 = arith.cmpi ne, %convert_element_type3A_341, %cond3A_342 : i32
        scf.if %cond3A_343 {
          %sub3A = arith.constant 2 : i32
          %sub3A_352 = arith.subi %add3A_319, %sub3A : i32
          %dma_wait3A_353 = arith.constant 0 : i32
          %dma_wait3A_354 = tpu.memref_slice %arg7[%sub3A_352, %dma_wait3A_353] : memref<40x128xi32, #tpu.memory_space<vmem>> -> memref<1x128xi32, #tpu.memory_space<vmem>>
          %dma_wait3A_355 = tpu.memref_squeeze %dma_wait3A_354 : memref<1x128xi32, #tpu.memory_space<vmem>> -> memref<128xi32, #tpu.memory_space<vmem>>
          %dma_wait3A_356 = arith.constant 0 : i32
          %dma_wait3A_357 = arith.constant 0 : i32
          %dma_wait3A_358 = tpu.memref_slice %arg13[%dma_wait3A_356, %dma_wait3A_357] : memref<10240x64xf32, #tpu.memory_space<vmem_shared>> -> memref<10240x64xf32, #tpu.memory_space<vmem_shared>>
          tpu.wait_indirect_dma semaphore(%arg19 : memref<!tpu.dma_semaphore, #tpu.memory_space<semaphore_mem>>) src(%arg9 : memref<128x64xf32, #tpu.memory_space<vmem>>) dst(%dma_wait3A_358 : memref<10240x64xf32, #tpu.memory_space<vmem_shared>>)
        } else {
        }
        %add3A_344 = arith.constant 2 : i32
        %add3A_345 = arith.addi %add3A_319, %add3A_344 : i32
        %dma_start3A_346 = arith.constant 0 : i32
        %dma_start3A_347 = tpu.memref_slice %arg6[%add3A_345, %dma_start3A_346] : memref<40x128xi32, #tpu.memory_space<vmem>> -> memref<1x128xi32, #tpu.memory_space<vmem>>
        %dma_start3A_348 = tpu.memref_squeeze %dma_start3A_347 : memref<1x128xi32, #tpu.memory_space<vmem>> -> memref<128xi32, #tpu.memory_space<vmem>>
        %dma_start3A_349 = arith.constant 0 : i32
        %dma_start3A_350 = arith.constant 0 : i32
        %dma_start3A_351 = tpu.memref_slice %arg12[%dma_start3A_349, %dma_start3A_350] : memref<10240x64xf32, #tpu.memory_space<vmem_shared>> -> memref<10240x64xf32, #tpu.memory_space<vmem_shared>>
        tpu.enqueue_indirect_dma source(%dma_start3A_351 : memref<10240x64xf32, #tpu.memory_space<vmem_shared>>) target(%arg9 : memref<128x64xf32, #tpu.memory_space<vmem>>) offsets(%dma_start3A_348 : memref<128xi32, #tpu.memory_space<vmem>>) semaphore(%arg15 : memref<!tpu.dma_semaphore, #tpu.memory_space<semaphore_mem>>)
      } else {
      }
      %scan3A_339 = arith.constant 0 : i32
      scf.yield %scan3A_339 : i32
    }
    %scan3A_104 = arith.constant 10 : i32
    %dma_wait3A_105 = arith.constant 36 : i32
    %dma_wait3A_106 = arith.constant 0 : i32
    %dma_wait3A_107 = tpu.memref_slice %arg7[%dma_wait3A_105, %dma_wait3A_106] : memref<40x128xi32, #tpu.memory_space<vmem>> -> memref<1x128xi32, #tpu.memory_space<vmem>>
    %dma_wait3A_108 = tpu.memref_squeeze %dma_wait3A_107 : memref<1x128xi32, #tpu.memory_space<vmem>> -> memref<128xi32, #tpu.memory_space<vmem>>
    %dma_wait3A_109 = arith.constant 0 : i32
    %dma_wait3A_110 = arith.constant 0 : i32
    %dma_wait3A_111 = tpu.memref_slice %arg13[%dma_wait3A_109, %dma_wait3A_110] : memref<10240x64xf32, #tpu.memory_space<vmem_shared>> -> memref<10240x64xf32, #tpu.memory_space<vmem_shared>>
    tpu.wait_indirect_dma semaphore(%arg18 : memref<!tpu.dma_semaphore, #tpu.memory_space<semaphore_mem>>) src(%arg8 : memref<128x64xf32, #tpu.memory_space<vmem>>) dst(%dma_wait3A_111 : memref<10240x64xf32, #tpu.memory_space<vmem_shared>>)
    %dma_wait3A_112 = arith.constant 37 : i32
    %dma_wait3A_113 = arith.constant 0 : i32
    %dma_wait3A_114 = tpu.memref_slice %arg7[%dma_wait3A_112, %dma_wait3A_113] : memref<40x128xi32, #tpu.memory_space<vmem>> -> memref<1x128xi32, #tpu.memory_space<vmem>>
    %dma_wait3A_115 = tpu.memref_squeeze %dma_wait3A_114 : memref<1x128xi32, #tpu.memory_space<vmem>> -> memref<128xi32, #tpu.memory_space<vmem>>
    %dma_wait3A_116 = arith.constant 0 : i32
    %dma_wait3A_117 = arith.constant 0 : i32
    %dma_wait3A_118 = tpu.memref_slice %arg13[%dma_wait3A_116, %dma_wait3A_117] : memref<10240x64xf32, #tpu.memory_space<vmem_shared>> -> memref<10240x64xf32, #tpu.memory_space<vmem_shared>>
    tpu.wait_indirect_dma semaphore(%arg19 : memref<!tpu.dma_semaphore, #tpu.memory_space<semaphore_mem>>) src(%arg9 : memref<128x64xf32, #tpu.memory_space<vmem>>) dst(%dma_wait3A_118 : memref<10240x64xf32, #tpu.memory_space<vmem_shared>>)
    %dma_wait3A_119 = arith.constant 38 : i32
    %dma_wait3A_120 = arith.constant 0 : i32
    %dma_wait3A_121 = tpu.memref_slice %arg7[%dma_wait3A_119, %dma_wait3A_120] : memref<40x128xi32, #tpu.memory_space<vmem>> -> memref<1x128xi32, #tpu.memory_space<vmem>>
    %dma_wait3A_122 = tpu.memref_squeeze %dma_wait3A_121 : memref<1x128xi32, #tpu.memory_space<vmem>> -> memref<128xi32, #tpu.memory_space<vmem>>
    %dma_wait3A_123 = arith.constant 0 : i32
    %dma_wait3A_124 = arith.constant 0 : i32
    %dma_wait3A_125 = tpu.memref_slice %arg13[%dma_wait3A_123, %dma_wait3A_124] : memref<10240x64xf32, #tpu.memory_space<vmem_shared>> -> memref<10240x64xf32, #tpu.memory_space<vmem_shared>>
    tpu.wait_indirect_dma semaphore(%arg20 : memref<!tpu.dma_semaphore, #tpu.memory_space<semaphore_mem>>) src(%arg10 : memref<128x64xf32, #tpu.memory_space<vmem>>) dst(%dma_wait3A_125 : memref<10240x64xf32, #tpu.memory_space<vmem_shared>>)
    %dma_wait3A_126 = arith.constant 39 : i32
    %dma_wait3A_127 = arith.constant 0 : i32
    %dma_wait3A_128 = tpu.memref_slice %arg7[%dma_wait3A_126, %dma_wait3A_127] : memref<40x128xi32, #tpu.memory_space<vmem>> -> memref<1x128xi32, #tpu.memory_space<vmem>>
    %dma_wait3A_129 = tpu.memref_squeeze %dma_wait3A_128 : memref<1x128xi32, #tpu.memory_space<vmem>> -> memref<128xi32, #tpu.memory_space<vmem>>
    %dma_wait3A_130 = arith.constant 0 : i32
    %dma_wait3A_131 = arith.constant 0 : i32
    %dma_wait3A_132 = tpu.memref_slice %arg13[%dma_wait3A_130, %dma_wait3A_131] : memref<10240x64xf32, #tpu.memory_space<vmem_shared>> -> memref<10240x64xf32, #tpu.memory_space<vmem_shared>>
    tpu.wait_indirect_dma semaphore(%arg21 : memref<!tpu.dma_semaphore, #tpu.memory_space<semaphore_mem>>) src(%arg11 : memref<128x64xf32, #tpu.memory_space<vmem>>) dst(%dma_wait3A_132 : memref<10240x64xf32, #tpu.memory_space<vmem_shared>>)
    %mul3A_133 = arith.constant 2 : i32
    %mul3A_134 = arith.muli %arg1, %mul3A_133 : i32
    %mul3A_135 = arith.constant 80 : i32
    %mul3A_136 = arith.muli %mul3A_134, %mul3A_135 : i32
    %add3A_137 = arith.constant 80 : i32
    %add3A_138 = arith.addi %mul3A_136, %add3A_137 : i32
    "tpu.region"() ({
      %run_scoped3A = tpu.sem_alloc : memref<!tpu.dma_semaphore, #tpu.memory_space<semaphore_mem>>
      %dma_start3A_248 = arith.constant 0 : i32
      %dma_start3A_249 = tpu.memref_slice %arg3[%add3A_138, %dma_start3A_248] : memref<2560x128xi32, #tpu.memory_space<hbm>> -> memref<40x128xi32, #tpu.memory_space<hbm>>
      %dma_start3A_250 = arith.constant 0 : i32
      %dma_start3A_251 = tpu.memref_slice %arg3[%add3A_138, %dma_start3A_250] : memref<2560x128xi32, #tpu.memory_space<hbm>> -> memref<40x128xi32, #tpu.memory_space<hbm>>
      tpu.enqueue_dma source(%dma_start3A_251 : memref<40x128xi32, #tpu.memory_space<hbm>>) target(%arg6 : memref<40x128xi32, #tpu.memory_space<vmem>>) target_semaphore(%run_scoped3A : memref<!tpu.dma_semaphore, #tpu.memory_space<semaphore_mem>>)
      %dma_wait3A_252 = arith.constant 0 : i32
      %dma_wait3A_253 = tpu.memref_slice %arg3[%add3A_138, %dma_wait3A_252] : memref<2560x128xi32, #tpu.memory_space<hbm>> -> memref<40x128xi32, #tpu.memory_space<hbm>>
      %dma_wait3A_254 = arith.constant 0 : i32
      %dma_wait3A_255 = tpu.memref_slice %arg3[%add3A_138, %dma_wait3A_254] : memref<2560x128xi32, #tpu.memory_space<hbm>> -> memref<40x128xi32, #tpu.memory_space<hbm>>
      tpu.wait_dma2 semaphore(%run_scoped3A : memref<!tpu.dma_semaphore, #tpu.memory_space<semaphore_mem>>) src(%dma_wait3A_255 : memref<40x128xi32, #tpu.memory_space<hbm>>) dst(%arg6 : memref<40x128xi32, #tpu.memory_space<vmem>>)
      tpu.yield
    }) : () -> ()
    "tpu.region"() ({
      %run_scoped3A = tpu.sem_alloc : memref<!tpu.dma_semaphore, #tpu.memory_space<semaphore_mem>>
      %dma_start3A_248 = arith.constant 0 : i32
      %dma_start3A_249 = tpu.memref_slice %arg4[%add3A_138, %dma_start3A_248] : memref<2560x128xi32, #tpu.memory_space<hbm>> -> memref<40x128xi32, #tpu.memory_space<hbm>>
      %dma_start3A_250 = arith.constant 0 : i32
      %dma_start3A_251 = tpu.memref_slice %arg4[%add3A_138, %dma_start3A_250] : memref<2560x128xi32, #tpu.memory_space<hbm>> -> memref<40x128xi32, #tpu.memory_space<hbm>>
      tpu.enqueue_dma source(%dma_start3A_251 : memref<40x128xi32, #tpu.memory_space<hbm>>) target(%arg7 : memref<40x128xi32, #tpu.memory_space<vmem>>) target_semaphore(%run_scoped3A : memref<!tpu.dma_semaphore, #tpu.memory_space<semaphore_mem>>)
      %dma_wait3A_252 = arith.constant 0 : i32
      %dma_wait3A_253 = tpu.memref_slice %arg4[%add3A_138, %dma_wait3A_252] : memref<2560x128xi32, #tpu.memory_space<hbm>> -> memref<40x128xi32, #tpu.memory_space<hbm>>
      %dma_wait3A_254 = arith.constant 0 : i32
      %dma_wait3A_255 = tpu.memref_slice %arg4[%add3A_138, %dma_wait3A_254] : memref<2560x128xi32, #tpu.memory_space<hbm>> -> memref<40x128xi32, #tpu.memory_space<hbm>>
      tpu.wait_dma2 semaphore(%run_scoped3A : memref<!tpu.dma_semaphore, #tpu.memory_space<semaphore_mem>>) src(%dma_wait3A_255 : memref<40x128xi32, #tpu.memory_space<hbm>>) dst(%arg7 : memref<40x128xi32, #tpu.memory_space<vmem>>)
      tpu.yield
    }) : () -> ()
    %dma_start3A_139 = arith.constant 0 : i32
    %dma_start3A_140 = arith.constant 0 : i32
    %dma_start3A_141 = tpu.memref_slice %arg6[%dma_start3A_139, %dma_start3A_140] : memref<40x128xi32, #tpu.memory_space<vmem>> -> memref<1x128xi32, #tpu.memory_space<vmem>>
    %dma_start3A_142 = tpu.memref_squeeze %dma_start3A_141 : memref<1x128xi32, #tpu.memory_space<vmem>> -> memref<128xi32, #tpu.memory_space<vmem>>
    %dma_start3A_143 = arith.constant 0 : i32
    %dma_start3A_144 = arith.constant 0 : i32
    %dma_start3A_145 = tpu.memref_slice %arg12[%dma_start3A_143, %dma_start3A_144] : memref<10240x64xf32, #tpu.memory_space<vmem_shared>> -> memref<10240x64xf32, #tpu.memory_space<vmem_shared>>
    tpu.enqueue_indirect_dma source(%dma_start3A_145 : memref<10240x64xf32, #tpu.memory_space<vmem_shared>>) target(%arg8 : memref<128x64xf32, #tpu.memory_space<vmem>>) offsets(%dma_start3A_142 : memref<128xi32, #tpu.memory_space<vmem>>) semaphore(%arg14 : memref<!tpu.dma_semaphore, #tpu.memory_space<semaphore_mem>>)
    %dma_start3A_146 = arith.constant 1 : i32
    %dma_start3A_147 = arith.constant 0 : i32
    %dma_start3A_148 = tpu.memref_slice %arg6[%dma_start3A_146, %dma_start3A_147] : memref<40x128xi32, #tpu.memory_space<vmem>> -> memref<1x128xi32, #tpu.memory_space<vmem>>
    %dma_start3A_149 = tpu.memref_squeeze %dma_start3A_148 : memref<1x128xi32, #tpu.memory_space<vmem>> -> memref<128xi32, #tpu.memory_space<vmem>>
    %dma_start3A_150 = arith.constant 0 : i32
    %dma_start3A_151 = arith.constant 0 : i32
    %dma_start3A_152 = tpu.memref_slice %arg12[%dma_start3A_150, %dma_start3A_151] : memref<10240x64xf32, #tpu.memory_space<vmem_shared>> -> memref<10240x64xf32, #tpu.memory_space<vmem_shared>>
    tpu.enqueue_indirect_dma source(%dma_start3A_152 : memref<10240x64xf32, #tpu.memory_space<vmem_shared>>) target(%arg9 : memref<128x64xf32, #tpu.memory_space<vmem>>) offsets(%dma_start3A_149 : memref<128xi32, #tpu.memory_space<vmem>>) semaphore(%arg15 : memref<!tpu.dma_semaphore, #tpu.memory_space<semaphore_mem>>)
    %scan3A_153 = arith.constant 0 : i32
    %scan3A_154 = arith.constant 0 : i32
    %scan3A_155 = arith.constant 10 : i32
    %scan3A_156 = arith.addi %scan3A_154, %scan3A_155 : i32
    %scan3A_157 = arith.constant 1 : i32
    %scan3A_158 = scf.for %scan3A_248 = %scan3A_154 to %scan3A_156 step %scan3A_157 iter_args(%scan3A_249 = %scan3A_153) -> (i32)  : i32 {
      %mul3A_250 = arith.constant 4 : i32
      %mul3A_251 = arith.muli %scan3A_248, %mul3A_250 : i32
      %add3A_252 = arith.constant 0 : i32
      %add3A_253 = arith.addi %mul3A_251, %add3A_252 : i32
      %dma_wait3A_254 = arith.constant 0 : i32
      %dma_wait3A_255 = tpu.memref_slice %arg6[%add3A_253, %dma_wait3A_254] : memref<40x128xi32, #tpu.memory_space<vmem>> -> memref<1x128xi32, #tpu.memory_space<vmem>>
      %dma_wait3A_256 = tpu.memref_squeeze %dma_wait3A_255 : memref<1x128xi32, #tpu.memory_space<vmem>> -> memref<128xi32, #tpu.memory_space<vmem>>
      %dma_wait3A_257 = arith.constant 0 : i32
      %dma_wait3A_258 = arith.constant 0 : i32
      %dma_wait3A_259 = tpu.memref_slice %arg12[%dma_wait3A_257, %dma_wait3A_258] : memref<10240x64xf32, #tpu.memory_space<vmem_shared>> -> memref<10240x64xf32, #tpu.memory_space<vmem_shared>>
      tpu.wait_indirect_dma semaphore(%arg14 : memref<!tpu.dma_semaphore, #tpu.memory_space<semaphore_mem>>) src(%dma_wait3A_259 : memref<10240x64xf32, #tpu.memory_space<vmem_shared>>) dst(%arg8 : memref<128x64xf32, #tpu.memory_space<vmem>>)
      %dma_start3A_260 = arith.constant 0 : i32
      %dma_start3A_261 = tpu.memref_slice %arg7[%add3A_253, %dma_start3A_260] : memref<40x128xi32, #tpu.memory_space<vmem>> -> memref<1x128xi32, #tpu.memory_space<vmem>>
      %dma_start3A_262 = tpu.memref_squeeze %dma_start3A_261 : memref<1x128xi32, #tpu.memory_space<vmem>> -> memref<128xi32, #tpu.memory_space<vmem>>
      %dma_start3A_263 = arith.constant 0 : i32
      %dma_start3A_264 = arith.constant 0 : i32
      %dma_start3A_265 = tpu.memref_slice %arg13[%dma_start3A_263, %dma_start3A_264] : memref<10240x64xf32, #tpu.memory_space<vmem_shared>> -> memref<10240x64xf32, #tpu.memory_space<vmem_shared>>
      tpu.enqueue_indirect_dma source(%arg8 : memref<128x64xf32, #tpu.memory_space<vmem>>) target(%dma_start3A_265 : memref<10240x64xf32, #tpu.memory_space<vmem_shared>>) offsets(%dma_start3A_262 : memref<128xi32, #tpu.memory_space<vmem>>) semaphore(%arg18 : memref<!tpu.dma_semaphore, #tpu.memory_space<semaphore_mem>>) {add = true}
      %add3A_266 = arith.constant 2 : i32
      %add3A_267 = arith.addi %add3A_253, %add3A_266 : i32
      %lt3A = arith.constant 40 : i32
      %lt3A_268 = arith.cmpi slt, %add3A_267, %lt3A : i32
      %convert_element_type3A = arith.extui %lt3A_268 : i1 to i32
      %cond3A = arith.constant 0 : i32
      %cond3A_269 = arith.cmpi ne, %convert_element_type3A, %cond3A : i32
      scf.if %cond3A_269 {
        %ge3A = arith.constant 2 : i32
        %ge3A_340 = arith.cmpi sge, %add3A_253, %ge3A : i32
        %convert_element_type3A_341 = arith.extui %ge3A_340 : i1 to i32
        %cond3A_342 = arith.constant 0 : i32
        %cond3A_343 = arith.cmpi ne, %convert_element_type3A_341, %cond3A_342 : i32
        scf.if %cond3A_343 {
          %sub3A = arith.constant 2 : i32
          %sub3A_352 = arith.subi %add3A_253, %sub3A : i32
          %dma_wait3A_353 = arith.constant 0 : i32
          %dma_wait3A_354 = tpu.memref_slice %arg7[%sub3A_352, %dma_wait3A_353] : memref<40x128xi32, #tpu.memory_space<vmem>> -> memref<1x128xi32, #tpu.memory_space<vmem>>
          %dma_wait3A_355 = tpu.memref_squeeze %dma_wait3A_354 : memref<1x128xi32, #tpu.memory_space<vmem>> -> memref<128xi32, #tpu.memory_space<vmem>>
          %dma_wait3A_356 = arith.constant 0 : i32
          %dma_wait3A_357 = arith.constant 0 : i32
          %dma_wait3A_358 = tpu.memref_slice %arg13[%dma_wait3A_356, %dma_wait3A_357] : memref<10240x64xf32, #tpu.memory_space<vmem_shared>> -> memref<10240x64xf32, #tpu.memory_space<vmem_shared>>
          tpu.wait_indirect_dma semaphore(%arg20 : memref<!tpu.dma_semaphore, #tpu.memory_space<semaphore_mem>>) src(%arg10 : memref<128x64xf32, #tpu.memory_space<vmem>>) dst(%dma_wait3A_358 : memref<10240x64xf32, #tpu.memory_space<vmem_shared>>)
        } else {
        }
        %add3A_344 = arith.constant 2 : i32
        %add3A_345 = arith.addi %add3A_253, %add3A_344 : i32
        %dma_start3A_346 = arith.constant 0 : i32
        %dma_start3A_347 = tpu.memref_slice %arg6[%add3A_345, %dma_start3A_346] : memref<40x128xi32, #tpu.memory_space<vmem>> -> memref<1x128xi32, #tpu.memory_space<vmem>>
        %dma_start3A_348 = tpu.memref_squeeze %dma_start3A_347 : memref<1x128xi32, #tpu.memory_space<vmem>> -> memref<128xi32, #tpu.memory_space<vmem>>
        %dma_start3A_349 = arith.constant 0 : i32
        %dma_start3A_350 = arith.constant 0 : i32
        %dma_start3A_351 = tpu.memref_slice %arg12[%dma_start3A_349, %dma_start3A_350] : memref<10240x64xf32, #tpu.memory_space<vmem_shared>> -> memref<10240x64xf32, #tpu.memory_space<vmem_shared>>
        tpu.enqueue_indirect_dma source(%dma_start3A_351 : memref<10240x64xf32, #tpu.memory_space<vmem_shared>>) target(%arg10 : memref<128x64xf32, #tpu.memory_space<vmem>>) offsets(%dma_start3A_348 : memref<128xi32, #tpu.memory_space<vmem>>) semaphore(%arg16 : memref<!tpu.dma_semaphore, #tpu.memory_space<semaphore_mem>>)
      } else {
      }
      %mul3A_270 = arith.constant 4 : i32
      %mul3A_271 = arith.muli %scan3A_248, %mul3A_270 : i32
      %add3A_272 = arith.constant 1 : i32
      %add3A_273 = arith.addi %mul3A_271, %add3A_272 : i32
      %dma_wait3A_274 = arith.constant 0 : i32
      %dma_wait3A_275 = tpu.memref_slice %arg6[%add3A_273, %dma_wait3A_274] : memref<40x128xi32, #tpu.memory_space<vmem>> -> memref<1x128xi32, #tpu.memory_space<vmem>>
      %dma_wait3A_276 = tpu.memref_squeeze %dma_wait3A_275 : memref<1x128xi32, #tpu.memory_space<vmem>> -> memref<128xi32, #tpu.memory_space<vmem>>
      %dma_wait3A_277 = arith.constant 0 : i32
      %dma_wait3A_278 = arith.constant 0 : i32
      %dma_wait3A_279 = tpu.memref_slice %arg12[%dma_wait3A_277, %dma_wait3A_278] : memref<10240x64xf32, #tpu.memory_space<vmem_shared>> -> memref<10240x64xf32, #tpu.memory_space<vmem_shared>>
      tpu.wait_indirect_dma semaphore(%arg15 : memref<!tpu.dma_semaphore, #tpu.memory_space<semaphore_mem>>) src(%dma_wait3A_279 : memref<10240x64xf32, #tpu.memory_space<vmem_shared>>) dst(%arg9 : memref<128x64xf32, #tpu.memory_space<vmem>>)
      %dma_start3A_280 = arith.constant 0 : i32
      %dma_start3A_281 = tpu.memref_slice %arg7[%add3A_273, %dma_start3A_280] : memref<40x128xi32, #tpu.memory_space<vmem>> -> memref<1x128xi32, #tpu.memory_space<vmem>>
      %dma_start3A_282 = tpu.memref_squeeze %dma_start3A_281 : memref<1x128xi32, #tpu.memory_space<vmem>> -> memref<128xi32, #tpu.memory_space<vmem>>
      %dma_start3A_283 = arith.constant 0 : i32
      %dma_start3A_284 = arith.constant 0 : i32
      %dma_start3A_285 = tpu.memref_slice %arg13[%dma_start3A_283, %dma_start3A_284] : memref<10240x64xf32, #tpu.memory_space<vmem_shared>> -> memref<10240x64xf32, #tpu.memory_space<vmem_shared>>
      tpu.enqueue_indirect_dma source(%arg9 : memref<128x64xf32, #tpu.memory_space<vmem>>) target(%dma_start3A_285 : memref<10240x64xf32, #tpu.memory_space<vmem_shared>>) offsets(%dma_start3A_282 : memref<128xi32, #tpu.memory_space<vmem>>) semaphore(%arg19 : memref<!tpu.dma_semaphore, #tpu.memory_space<semaphore_mem>>) {add = true}
      %add3A_286 = arith.constant 2 : i32
      %add3A_287 = arith.addi %add3A_273, %add3A_286 : i32
      %lt3A_288 = arith.constant 40 : i32
      %lt3A_289 = arith.cmpi slt, %add3A_287, %lt3A_288 : i32
      %convert_element_type3A_290 = arith.extui %lt3A_289 : i1 to i32
      %cond3A_291 = arith.constant 0 : i32
      %cond3A_292 = arith.cmpi ne, %convert_element_type3A_290, %cond3A_291 : i32
      scf.if %cond3A_292 {
        %ge3A = arith.constant 2 : i32
        %ge3A_340 = arith.cmpi sge, %add3A_273, %ge3A : i32
        %convert_element_type3A_341 = arith.extui %ge3A_340 : i1 to i32
        %cond3A_342 = arith.constant 0 : i32
        %cond3A_343 = arith.cmpi ne, %convert_element_type3A_341, %cond3A_342 : i32
        scf.if %cond3A_343 {
          %sub3A = arith.constant 2 : i32
          %sub3A_352 = arith.subi %add3A_273, %sub3A : i32
          %dma_wait3A_353 = arith.constant 0 : i32
          %dma_wait3A_354 = tpu.memref_slice %arg7[%sub3A_352, %dma_wait3A_353] : memref<40x128xi32, #tpu.memory_space<vmem>> -> memref<1x128xi32, #tpu.memory_space<vmem>>
          %dma_wait3A_355 = tpu.memref_squeeze %dma_wait3A_354 : memref<1x128xi32, #tpu.memory_space<vmem>> -> memref<128xi32, #tpu.memory_space<vmem>>
          %dma_wait3A_356 = arith.constant 0 : i32
          %dma_wait3A_357 = arith.constant 0 : i32
          %dma_wait3A_358 = tpu.memref_slice %arg13[%dma_wait3A_356, %dma_wait3A_357] : memref<10240x64xf32, #tpu.memory_space<vmem_shared>> -> memref<10240x64xf32, #tpu.memory_space<vmem_shared>>
          tpu.wait_indirect_dma semaphore(%arg21 : memref<!tpu.dma_semaphore, #tpu.memory_space<semaphore_mem>>) src(%arg11 : memref<128x64xf32, #tpu.memory_space<vmem>>) dst(%dma_wait3A_358 : memref<10240x64xf32, #tpu.memory_space<vmem_shared>>)
        } else {
        }
        %add3A_344 = arith.constant 2 : i32
        %add3A_345 = arith.addi %add3A_273, %add3A_344 : i32
        %dma_start3A_346 = arith.constant 0 : i32
        %dma_start3A_347 = tpu.memref_slice %arg6[%add3A_345, %dma_start3A_346] : memref<40x128xi32, #tpu.memory_space<vmem>> -> memref<1x128xi32, #tpu.memory_space<vmem>>
        %dma_start3A_348 = tpu.memref_squeeze %dma_start3A_347 : memref<1x128xi32, #tpu.memory_space<vmem>> -> memref<128xi32, #tpu.memory_space<vmem>>
        %dma_start3A_349 = arith.constant 0 : i32
        %dma_start3A_350 = arith.constant 0 : i32
        %dma_start3A_351 = tpu.memref_slice %arg12[%dma_start3A_349, %dma_start3A_350] : memref<10240x64xf32, #tpu.memory_space<vmem_shared>> -> memref<10240x64xf32, #tpu.memory_space<vmem_shared>>
        tpu.enqueue_indirect_dma source(%dma_start3A_351 : memref<10240x64xf32, #tpu.memory_space<vmem_shared>>) target(%arg11 : memref<128x64xf32, #tpu.memory_space<vmem>>) offsets(%dma_start3A_348 : memref<128xi32, #tpu.memory_space<vmem>>) semaphore(%arg17 : memref<!tpu.dma_semaphore, #tpu.memory_space<semaphore_mem>>)
      } else {
      }
      %mul3A_293 = arith.constant 4 : i32
      %mul3A_294 = arith.muli %scan3A_248, %mul3A_293 : i32
      %add3A_295 = arith.constant 2 : i32
      %add3A_296 = arith.addi %mul3A_294, %add3A_295 : i32
      %dma_wait3A_297 = arith.constant 0 : i32
      %dma_wait3A_298 = tpu.memref_slice %arg6[%add3A_296, %dma_wait3A_297] : memref<40x128xi32, #tpu.memory_space<vmem>> -> memref<1x128xi32, #tpu.memory_space<vmem>>
      %dma_wait3A_299 = tpu.memref_squeeze %dma_wait3A_298 : memref<1x128xi32, #tpu.memory_space<vmem>> -> memref<128xi32, #tpu.memory_space<vmem>>
      %dma_wait3A_300 = arith.constant 0 : i32
      %dma_wait3A_301 = arith.constant 0 : i32
      %dma_wait3A_302 = tpu.memref_slice %arg12[%dma_wait3A_300, %dma_wait3A_301] : memref<10240x64xf32, #tpu.memory_space<vmem_shared>> -> memref<10240x64xf32, #tpu.memory_space<vmem_shared>>
      tpu.wait_indirect_dma semaphore(%arg16 : memref<!tpu.dma_semaphore, #tpu.memory_space<semaphore_mem>>) src(%dma_wait3A_302 : memref<10240x64xf32, #tpu.memory_space<vmem_shared>>) dst(%arg10 : memref<128x64xf32, #tpu.memory_space<vmem>>)
      %dma_start3A_303 = arith.constant 0 : i32
      %dma_start3A_304 = tpu.memref_slice %arg7[%add3A_296, %dma_start3A_303] : memref<40x128xi32, #tpu.memory_space<vmem>> -> memref<1x128xi32, #tpu.memory_space<vmem>>
      %dma_start3A_305 = tpu.memref_squeeze %dma_start3A_304 : memref<1x128xi32, #tpu.memory_space<vmem>> -> memref<128xi32, #tpu.memory_space<vmem>>
      %dma_start3A_306 = arith.constant 0 : i32
      %dma_start3A_307 = arith.constant 0 : i32
      %dma_start3A_308 = tpu.memref_slice %arg13[%dma_start3A_306, %dma_start3A_307] : memref<10240x64xf32, #tpu.memory_space<vmem_shared>> -> memref<10240x64xf32, #tpu.memory_space<vmem_shared>>
      tpu.enqueue_indirect_dma source(%arg10 : memref<128x64xf32, #tpu.memory_space<vmem>>) target(%dma_start3A_308 : memref<10240x64xf32, #tpu.memory_space<vmem_shared>>) offsets(%dma_start3A_305 : memref<128xi32, #tpu.memory_space<vmem>>) semaphore(%arg20 : memref<!tpu.dma_semaphore, #tpu.memory_space<semaphore_mem>>) {add = true}
      %add3A_309 = arith.constant 2 : i32
      %add3A_310 = arith.addi %add3A_296, %add3A_309 : i32
      %lt3A_311 = arith.constant 40 : i32
      %lt3A_312 = arith.cmpi slt, %add3A_310, %lt3A_311 : i32
      %convert_element_type3A_313 = arith.extui %lt3A_312 : i1 to i32
      %cond3A_314 = arith.constant 0 : i32
      %cond3A_315 = arith.cmpi ne, %convert_element_type3A_313, %cond3A_314 : i32
      scf.if %cond3A_315 {
        %ge3A = arith.constant 2 : i32
        %ge3A_340 = arith.cmpi sge, %add3A_296, %ge3A : i32
        %convert_element_type3A_341 = arith.extui %ge3A_340 : i1 to i32
        %cond3A_342 = arith.constant 0 : i32
        %cond3A_343 = arith.cmpi ne, %convert_element_type3A_341, %cond3A_342 : i32
        scf.if %cond3A_343 {
          %sub3A = arith.constant 2 : i32
          %sub3A_352 = arith.subi %add3A_296, %sub3A : i32
          %dma_wait3A_353 = arith.constant 0 : i32
          %dma_wait3A_354 = tpu.memref_slice %arg7[%sub3A_352, %dma_wait3A_353] : memref<40x128xi32, #tpu.memory_space<vmem>> -> memref<1x128xi32, #tpu.memory_space<vmem>>
          %dma_wait3A_355 = tpu.memref_squeeze %dma_wait3A_354 : memref<1x128xi32, #tpu.memory_space<vmem>> -> memref<128xi32, #tpu.memory_space<vmem>>
          %dma_wait3A_356 = arith.constant 0 : i32
          %dma_wait3A_357 = arith.constant 0 : i32
          %dma_wait3A_358 = tpu.memref_slice %arg13[%dma_wait3A_356, %dma_wait3A_357] : memref<10240x64xf32, #tpu.memory_space<vmem_shared>> -> memref<10240x64xf32, #tpu.memory_space<vmem_shared>>
          tpu.wait_indirect_dma semaphore(%arg18 : memref<!tpu.dma_semaphore, #tpu.memory_space<semaphore_mem>>) src(%arg8 : memref<128x64xf32, #tpu.memory_space<vmem>>) dst(%dma_wait3A_358 : memref<10240x64xf32, #tpu.memory_space<vmem_shared>>)
        } else {
        }
        %add3A_344 = arith.constant 2 : i32
        %add3A_345 = arith.addi %add3A_296, %add3A_344 : i32
        %dma_start3A_346 = arith.constant 0 : i32
        %dma_start3A_347 = tpu.memref_slice %arg6[%add3A_345, %dma_start3A_346] : memref<40x128xi32, #tpu.memory_space<vmem>> -> memref<1x128xi32, #tpu.memory_space<vmem>>
        %dma_start3A_348 = tpu.memref_squeeze %dma_start3A_347 : memref<1x128xi32, #tpu.memory_space<vmem>> -> memref<128xi32, #tpu.memory_space<vmem>>
        %dma_start3A_349 = arith.constant 0 : i32
        %dma_start3A_350 = arith.constant 0 : i32
        %dma_start3A_351 = tpu.memref_slice %arg12[%dma_start3A_349, %dma_start3A_350] : memref<10240x64xf32, #tpu.memory_space<vmem_shared>> -> memref<10240x64xf32, #tpu.memory_space<vmem_shared>>
        tpu.enqueue_indirect_dma source(%dma_start3A_351 : memref<10240x64xf32, #tpu.memory_space<vmem_shared>>) target(%arg8 : memref<128x64xf32, #tpu.memory_space<vmem>>) offsets(%dma_start3A_348 : memref<128xi32, #tpu.memory_space<vmem>>) semaphore(%arg14 : memref<!tpu.dma_semaphore, #tpu.memory_space<semaphore_mem>>)
      } else {
      }
      %mul3A_316 = arith.constant 4 : i32
      %mul3A_317 = arith.muli %scan3A_248, %mul3A_316 : i32
      %add3A_318 = arith.constant 3 : i32
      %add3A_319 = arith.addi %mul3A_317, %add3A_318 : i32
      %dma_wait3A_320 = arith.constant 0 : i32
      %dma_wait3A_321 = tpu.memref_slice %arg6[%add3A_319, %dma_wait3A_320] : memref<40x128xi32, #tpu.memory_space<vmem>> -> memref<1x128xi32, #tpu.memory_space<vmem>>
      %dma_wait3A_322 = tpu.memref_squeeze %dma_wait3A_321 : memref<1x128xi32, #tpu.memory_space<vmem>> -> memref<128xi32, #tpu.memory_space<vmem>>
      %dma_wait3A_323 = arith.constant 0 : i32
      %dma_wait3A_324 = arith.constant 0 : i32
      %dma_wait3A_325 = tpu.memref_slice %arg12[%dma_wait3A_323, %dma_wait3A_324] : memref<10240x64xf32, #tpu.memory_space<vmem_shared>> -> memref<10240x64xf32, #tpu.memory_space<vmem_shared>>
      tpu.wait_indirect_dma semaphore(%arg17 : memref<!tpu.dma_semaphore, #tpu.memory_space<semaphore_mem>>) src(%dma_wait3A_325 : memref<10240x64xf32, #tpu.memory_space<vmem_shared>>) dst(%arg11 : memref<128x64xf32, #tpu.memory_space<vmem>>)
      %dma_start3A_326 = arith.constant 0 : i32
      %dma_start3A_327 = tpu.memref_slice %arg7[%add3A_319, %dma_start3A_326] : memref<40x128xi32, #tpu.memory_space<vmem>> -> memref<1x128xi32, #tpu.memory_space<vmem>>
      %dma_start3A_328 = tpu.memref_squeeze %dma_start3A_327 : memref<1x128xi32, #tpu.memory_space<vmem>> -> memref<128xi32, #tpu.memory_space<vmem>>
      %dma_start3A_329 = arith.constant 0 : i32
      %dma_start3A_330 = arith.constant 0 : i32
      %dma_start3A_331 = tpu.memref_slice %arg13[%dma_start3A_329, %dma_start3A_330] : memref<10240x64xf32, #tpu.memory_space<vmem_shared>> -> memref<10240x64xf32, #tpu.memory_space<vmem_shared>>
      tpu.enqueue_indirect_dma source(%arg11 : memref<128x64xf32, #tpu.memory_space<vmem>>) target(%dma_start3A_331 : memref<10240x64xf32, #tpu.memory_space<vmem_shared>>) offsets(%dma_start3A_328 : memref<128xi32, #tpu.memory_space<vmem>>) semaphore(%arg21 : memref<!tpu.dma_semaphore, #tpu.memory_space<semaphore_mem>>) {add = true}
      %add3A_332 = arith.constant 2 : i32
      %add3A_333 = arith.addi %add3A_319, %add3A_332 : i32
      %lt3A_334 = arith.constant 40 : i32
      %lt3A_335 = arith.cmpi slt, %add3A_333, %lt3A_334 : i32
      %convert_element_type3A_336 = arith.extui %lt3A_335 : i1 to i32
      %cond3A_337 = arith.constant 0 : i32
      %cond3A_338 = arith.cmpi ne, %convert_element_type3A_336, %cond3A_337 : i32
      scf.if %cond3A_338 {
        %ge3A = arith.constant 2 : i32
        %ge3A_340 = arith.cmpi sge, %add3A_319, %ge3A : i32
        %convert_element_type3A_341 = arith.extui %ge3A_340 : i1 to i32
        %cond3A_342 = arith.constant 0 : i32
        %cond3A_343 = arith.cmpi ne, %convert_element_type3A_341, %cond3A_342 : i32
        scf.if %cond3A_343 {
          %sub3A = arith.constant 2 : i32
          %sub3A_352 = arith.subi %add3A_319, %sub3A : i32
          %dma_wait3A_353 = arith.constant 0 : i32
          %dma_wait3A_354 = tpu.memref_slice %arg7[%sub3A_352, %dma_wait3A_353] : memref<40x128xi32, #tpu.memory_space<vmem>> -> memref<1x128xi32, #tpu.memory_space<vmem>>
          %dma_wait3A_355 = tpu.memref_squeeze %dma_wait3A_354 : memref<1x128xi32, #tpu.memory_space<vmem>> -> memref<128xi32, #tpu.memory_space<vmem>>
          %dma_wait3A_356 = arith.constant 0 : i32
          %dma_wait3A_357 = arith.constant 0 : i32
          %dma_wait3A_358 = tpu.memref_slice %arg13[%dma_wait3A_356, %dma_wait3A_357] : memref<10240x64xf32, #tpu.memory_space<vmem_shared>> -> memref<10240x64xf32, #tpu.memory_space<vmem_shared>>
          tpu.wait_indirect_dma semaphore(%arg19 : memref<!tpu.dma_semaphore, #tpu.memory_space<semaphore_mem>>) src(%arg9 : memref<128x64xf32, #tpu.memory_space<vmem>>) dst(%dma_wait3A_358 : memref<10240x64xf32, #tpu.memory_space<vmem_shared>>)
        } else {
        }
        %add3A_344 = arith.constant 2 : i32
        %add3A_345 = arith.addi %add3A_319, %add3A_344 : i32
        %dma_start3A_346 = arith.constant 0 : i32
        %dma_start3A_347 = tpu.memref_slice %arg6[%add3A_345, %dma_start3A_346] : memref<40x128xi32, #tpu.memory_space<vmem>> -> memref<1x128xi32, #tpu.memory_space<vmem>>
        %dma_start3A_348 = tpu.memref_squeeze %dma_start3A_347 : memref<1x128xi32, #tpu.memory_space<vmem>> -> memref<128xi32, #tpu.memory_space<vmem>>
        %dma_start3A_349 = arith.constant 0 : i32
        %dma_start3A_350 = arith.constant 0 : i32
        %dma_start3A_351 = tpu.memref_slice %arg12[%dma_start3A_349, %dma_start3A_350] : memref<10240x64xf32, #tpu.memory_space<vmem_shared>> -> memref<10240x64xf32, #tpu.memory_space<vmem_shared>>
        tpu.enqueue_indirect_dma source(%dma_start3A_351 : memref<10240x64xf32, #tpu.memory_space<vmem_shared>>) target(%arg9 : memref<128x64xf32, #tpu.memory_space<vmem>>) offsets(%dma_start3A_348 : memref<128xi32, #tpu.memory_space<vmem>>) semaphore(%arg15 : memref<!tpu.dma_semaphore, #tpu.memory_space<semaphore_mem>>)
      } else {
      }
      %scan3A_339 = arith.constant 0 : i32
      scf.yield %scan3A_339 : i32
    }
    %scan3A_159 = arith.constant 10 : i32
    %dma_wait3A_160 = arith.constant 36 : i32
    %dma_wait3A_161 = arith.constant 0 : i32
    %dma_wait3A_162 = tpu.memref_slice %arg7[%dma_wait3A_160, %dma_wait3A_161] : memref<40x128xi32, #tpu.memory_space<vmem>> -> memref<1x128xi32, #tpu.memory_space<vmem>>
    %dma_wait3A_163 = tpu.memref_squeeze %dma_wait3A_162 : memref<1x128xi32, #tpu.memory_space<vmem>> -> memref<128xi32, #tpu.memory_space<vmem>>
    %dma_wait3A_164 = arith.constant 0 : i32
    %dma_wait3A_165 = arith.constant 0 : i32
    %dma_wait3A_166 = tpu.memref_slice %arg13[%dma_wait3A_164, %dma_wait3A_165] : memref<10240x64xf32, #tpu.memory_space<vmem_shared>> -> memref<10240x64xf32, #tpu.memory_space<vmem_shared>>
    tpu.wait_indirect_dma semaphore(%arg18 : memref<!tpu.dma_semaphore, #tpu.memory_space<semaphore_mem>>) src(%arg8 : memref<128x64xf32, #tpu.memory_space<vmem>>) dst(%dma_wait3A_166 : memref<10240x64xf32, #tpu.memory_space<vmem_shared>>)
    %dma_wait3A_167 = arith.constant 37 : i32
    %dma_wait3A_168 = arith.constant 0 : i32
    %dma_wait3A_169 = tpu.memref_slice %arg7[%dma_wait3A_167, %dma_wait3A_168] : memref<40x128xi32, #tpu.memory_space<vmem>> -> memref<1x128xi32, #tpu.memory_space<vmem>>
    %dma_wait3A_170 = tpu.memref_squeeze %dma_wait3A_169 : memref<1x128xi32, #tpu.memory_space<vmem>> -> memref<128xi32, #tpu.memory_space<vmem>>
    %dma_wait3A_171 = arith.constant 0 : i32
    %dma_wait3A_172 = arith.constant 0 : i32
    %dma_wait3A_173 = tpu.memref_slice %arg13[%dma_wait3A_171, %dma_wait3A_172] : memref<10240x64xf32, #tpu.memory_space<vmem_shared>> -> memref<10240x64xf32, #tpu.memory_space<vmem_shared>>
    tpu.wait_indirect_dma semaphore(%arg19 : memref<!tpu.dma_semaphore, #tpu.memory_space<semaphore_mem>>) src(%arg9 : memref<128x64xf32, #tpu.memory_space<vmem>>) dst(%dma_wait3A_173 : memref<10240x64xf32, #tpu.memory_space<vmem_shared>>)
    %dma_wait3A_174 = arith.constant 38 : i32
    %dma_wait3A_175 = arith.constant 0 : i32
    %dma_wait3A_176 = tpu.memref_slice %arg7[%dma_wait3A_174, %dma_wait3A_175] : memref<40x128xi32, #tpu.memory_space<vmem>> -> memref<1x128xi32, #tpu.memory_space<vmem>>
    %dma_wait3A_177 = tpu.memref_squeeze %dma_wait3A_176 : memref<1x128xi32, #tpu.memory_space<vmem>> -> memref<128xi32, #tpu.memory_space<vmem>>
    %dma_wait3A_178 = arith.constant 0 : i32
    %dma_wait3A_179 = arith.constant 0 : i32
    %dma_wait3A_180 = tpu.memref_slice %arg13[%dma_wait3A_178, %dma_wait3A_179] : memref<10240x64xf32, #tpu.memory_space<vmem_shared>> -> memref<10240x64xf32, #tpu.memory_space<vmem_shared>>
    tpu.wait_indirect_dma semaphore(%arg20 : memref<!tpu.dma_semaphore, #tpu.memory_space<semaphore_mem>>) src(%arg10 : memref<128x64xf32, #tpu.memory_space<vmem>>) dst(%dma_wait3A_180 : memref<10240x64xf32, #tpu.memory_space<vmem_shared>>)
    %dma_wait3A_181 = arith.constant 39 : i32
    %dma_wait3A_182 = arith.constant 0 : i32
    %dma_wait3A_183 = tpu.memref_slice %arg7[%dma_wait3A_181, %dma_wait3A_182] : memref<40x128xi32, #tpu.memory_space<vmem>> -> memref<1x128xi32, #tpu.memory_space<vmem>>
    %dma_wait3A_184 = tpu.memref_squeeze %dma_wait3A_183 : memref<1x128xi32, #tpu.memory_space<vmem>> -> memref<128xi32, #tpu.memory_space<vmem>>
    %dma_wait3A_185 = arith.constant 0 : i32
    %dma_wait3A_186 = arith.constant 0 : i32
    %dma_wait3A_187 = tpu.memref_slice %arg13[%dma_wait3A_185, %dma_wait3A_186] : memref<10240x64xf32, #tpu.memory_space<vmem_shared>> -> memref<10240x64xf32, #tpu.memory_space<vmem_shared>>
    tpu.wait_indirect_dma semaphore(%arg21 : memref<!tpu.dma_semaphore, #tpu.memory_space<semaphore_mem>>) src(%arg11 : memref<128x64xf32, #tpu.memory_space<vmem>>) dst(%dma_wait3A_187 : memref<10240x64xf32, #tpu.memory_space<vmem_shared>>)
    %mul3A_188 = arith.constant 2 : i32
    %mul3A_189 = arith.muli %arg1, %mul3A_188 : i32
    %mul3A_190 = arith.constant 80 : i32
    %mul3A_191 = arith.muli %mul3A_189, %mul3A_190 : i32
    %add3A_192 = arith.constant 120 : i32
    %add3A_193 = arith.addi %mul3A_191, %add3A_192 : i32
    "tpu.region"() ({
      %run_scoped3A = tpu.sem_alloc : memref<!tpu.dma_semaphore, #tpu.memory_space<semaphore_mem>>
      %dma_start3A_248 = arith.constant 0 : i32
      %dma_start3A_249 = tpu.memref_slice %arg3[%add3A_193, %dma_start3A_248] : memref<2560x128xi32, #tpu.memory_space<hbm>> -> memref<40x128xi32, #tpu.memory_space<hbm>>
      %dma_start3A_250 = arith.constant 0 : i32
      %dma_start3A_251 = tpu.memref_slice %arg3[%add3A_193, %dma_start3A_250] : memref<2560x128xi32, #tpu.memory_space<hbm>> -> memref<40x128xi32, #tpu.memory_space<hbm>>
      tpu.enqueue_dma source(%dma_start3A_251 : memref<40x128xi32, #tpu.memory_space<hbm>>) target(%arg6 : memref<40x128xi32, #tpu.memory_space<vmem>>) target_semaphore(%run_scoped3A : memref<!tpu.dma_semaphore, #tpu.memory_space<semaphore_mem>>)
      %dma_wait3A_252 = arith.constant 0 : i32
      %dma_wait3A_253 = tpu.memref_slice %arg3[%add3A_193, %dma_wait3A_252] : memref<2560x128xi32, #tpu.memory_space<hbm>> -> memref<40x128xi32, #tpu.memory_space<hbm>>
      %dma_wait3A_254 = arith.constant 0 : i32
      %dma_wait3A_255 = tpu.memref_slice %arg3[%add3A_193, %dma_wait3A_254] : memref<2560x128xi32, #tpu.memory_space<hbm>> -> memref<40x128xi32, #tpu.memory_space<hbm>>
      tpu.wait_dma2 semaphore(%run_scoped3A : memref<!tpu.dma_semaphore, #tpu.memory_space<semaphore_mem>>) src(%dma_wait3A_255 : memref<40x128xi32, #tpu.memory_space<hbm>>) dst(%arg6 : memref<40x128xi32, #tpu.memory_space<vmem>>)
      tpu.yield
    }) : () -> ()
    "tpu.region"() ({
      %run_scoped3A = tpu.sem_alloc : memref<!tpu.dma_semaphore, #tpu.memory_space<semaphore_mem>>
      %dma_start3A_248 = arith.constant 0 : i32
      %dma_start3A_249 = tpu.memref_slice %arg4[%add3A_193, %dma_start3A_248] : memref<2560x128xi32, #tpu.memory_space<hbm>> -> memref<40x128xi32, #tpu.memory_space<hbm>>
      %dma_start3A_250 = arith.constant 0 : i32
      %dma_start3A_251 = tpu.memref_slice %arg4[%add3A_193, %dma_start3A_250] : memref<2560x128xi32, #tpu.memory_space<hbm>> -> memref<40x128xi32, #tpu.memory_space<hbm>>
      tpu.enqueue_dma source(%dma_start3A_251 : memref<40x128xi32, #tpu.memory_space<hbm>>) target(%arg7 : memref<40x128xi32, #tpu.memory_space<vmem>>) target_semaphore(%run_scoped3A : memref<!tpu.dma_semaphore, #tpu.memory_space<semaphore_mem>>)
      %dma_wait3A_252 = arith.constant 0 : i32
      %dma_wait3A_253 = tpu.memref_slice %arg4[%add3A_193, %dma_wait3A_252] : memref<2560x128xi32, #tpu.memory_space<hbm>> -> memref<40x128xi32, #tpu.memory_space<hbm>>
      %dma_wait3A_254 = arith.constant 0 : i32
      %dma_wait3A_255 = tpu.memref_slice %arg4[%add3A_193, %dma_wait3A_254] : memref<2560x128xi32, #tpu.memory_space<hbm>> -> memref<40x128xi32, #tpu.memory_space<hbm>>
      tpu.wait_dma2 semaphore(%run_scoped3A : memref<!tpu.dma_semaphore, #tpu.memory_space<semaphore_mem>>) src(%dma_wait3A_255 : memref<40x128xi32, #tpu.memory_space<hbm>>) dst(%arg7 : memref<40x128xi32, #tpu.memory_space<vmem>>)
      tpu.yield
    }) : () -> ()
    %dma_start3A_194 = arith.constant 0 : i32
    %dma_start3A_195 = arith.constant 0 : i32
    %dma_start3A_196 = tpu.memref_slice %arg6[%dma_start3A_194, %dma_start3A_195] : memref<40x128xi32, #tpu.memory_space<vmem>> -> memref<1x128xi32, #tpu.memory_space<vmem>>
    %dma_start3A_197 = tpu.memref_squeeze %dma_start3A_196 : memref<1x128xi32, #tpu.memory_space<vmem>> -> memref<128xi32, #tpu.memory_space<vmem>>
    %dma_start3A_198 = arith.constant 0 : i32
    %dma_start3A_199 = arith.constant 0 : i32
    %dma_start3A_200 = tpu.memref_slice %arg12[%dma_start3A_198, %dma_start3A_199] : memref<10240x64xf32, #tpu.memory_space<vmem_shared>> -> memref<10240x64xf32, #tpu.memory_space<vmem_shared>>
    tpu.enqueue_indirect_dma source(%dma_start3A_200 : memref<10240x64xf32, #tpu.memory_space<vmem_shared>>) target(%arg8 : memref<128x64xf32, #tpu.memory_space<vmem>>) offsets(%dma_start3A_197 : memref<128xi32, #tpu.memory_space<vmem>>) semaphore(%arg14 : memref<!tpu.dma_semaphore, #tpu.memory_space<semaphore_mem>>)
    %dma_start3A_201 = arith.constant 1 : i32
    %dma_start3A_202 = arith.constant 0 : i32
    %dma_start3A_203 = tpu.memref_slice %arg6[%dma_start3A_201, %dma_start3A_202] : memref<40x128xi32, #tpu.memory_space<vmem>> -> memref<1x128xi32, #tpu.memory_space<vmem>>
    %dma_start3A_204 = tpu.memref_squeeze %dma_start3A_203 : memref<1x128xi32, #tpu.memory_space<vmem>> -> memref<128xi32, #tpu.memory_space<vmem>>
    %dma_start3A_205 = arith.constant 0 : i32
    %dma_start3A_206 = arith.constant 0 : i32
    %dma_start3A_207 = tpu.memref_slice %arg12[%dma_start3A_205, %dma_start3A_206] : memref<10240x64xf32, #tpu.memory_space<vmem_shared>> -> memref<10240x64xf32, #tpu.memory_space<vmem_shared>>
    tpu.enqueue_indirect_dma source(%dma_start3A_207 : memref<10240x64xf32, #tpu.memory_space<vmem_shared>>) target(%arg9 : memref<128x64xf32, #tpu.memory_space<vmem>>) offsets(%dma_start3A_204 : memref<128xi32, #tpu.memory_space<vmem>>) semaphore(%arg15 : memref<!tpu.dma_semaphore, #tpu.memory_space<semaphore_mem>>)
    %scan3A_208 = arith.constant 0 : i32
    %scan3A_209 = arith.constant 0 : i32
    %scan3A_210 = arith.constant 10 : i32
    %scan3A_211 = arith.addi %scan3A_209, %scan3A_210 : i32
    %scan3A_212 = arith.constant 1 : i32
    %scan3A_213 = scf.for %scan3A_248 = %scan3A_209 to %scan3A_211 step %scan3A_212 iter_args(%scan3A_249 = %scan3A_208) -> (i32)  : i32 {
      %mul3A_250 = arith.constant 4 : i32
      %mul3A_251 = arith.muli %scan3A_248, %mul3A_250 : i32
      %add3A_252 = arith.constant 0 : i32
      %add3A_253 = arith.addi %mul3A_251, %add3A_252 : i32
      %dma_wait3A_254 = arith.constant 0 : i32
      %dma_wait3A_255 = tpu.memref_slice %arg6[%add3A_253, %dma_wait3A_254] : memref<40x128xi32, #tpu.memory_space<vmem>> -> memref<1x128xi32, #tpu.memory_space<vmem>>
      %dma_wait3A_256 = tpu.memref_squeeze %dma_wait3A_255 : memref<1x128xi32, #tpu.memory_space<vmem>> -> memref<128xi32, #tpu.memory_space<vmem>>
      %dma_wait3A_257 = arith.constant 0 : i32
      %dma_wait3A_258 = arith.constant 0 : i32
      %dma_wait3A_259 = tpu.memref_slice %arg12[%dma_wait3A_257, %dma_wait3A_258] : memref<10240x64xf32, #tpu.memory_space<vmem_shared>> -> memref<10240x64xf32, #tpu.memory_space<vmem_shared>>
      tpu.wait_indirect_dma semaphore(%arg14 : memref<!tpu.dma_semaphore, #tpu.memory_space<semaphore_mem>>) src(%dma_wait3A_259 : memref<10240x64xf32, #tpu.memory_space<vmem_shared>>) dst(%arg8 : memref<128x64xf32, #tpu.memory_space<vmem>>)
      %dma_start3A_260 = arith.constant 0 : i32
      %dma_start3A_261 = tpu.memref_slice %arg7[%add3A_253, %dma_start3A_260] : memref<40x128xi32, #tpu.memory_space<vmem>> -> memref<1x128xi32, #tpu.memory_space<vmem>>
      %dma_start3A_262 = tpu.memref_squeeze %dma_start3A_261 : memref<1x128xi32, #tpu.memory_space<vmem>> -> memref<128xi32, #tpu.memory_space<vmem>>
      %dma_start3A_263 = arith.constant 0 : i32
      %dma_start3A_264 = arith.constant 0 : i32
      %dma_start3A_265 = tpu.memref_slice %arg13[%dma_start3A_263, %dma_start3A_264] : memref<10240x64xf32, #tpu.memory_space<vmem_shared>> -> memref<10240x64xf32, #tpu.memory_space<vmem_shared>>
      tpu.enqueue_indirect_dma source(%arg8 : memref<128x64xf32, #tpu.memory_space<vmem>>) target(%dma_start3A_265 : memref<10240x64xf32, #tpu.memory_space<vmem_shared>>) offsets(%dma_start3A_262 : memref<128xi32, #tpu.memory_space<vmem>>) semaphore(%arg18 : memref<!tpu.dma_semaphore, #tpu.memory_space<semaphore_mem>>) {add = true}
      %add3A_266 = arith.constant 2 : i32
      %add3A_267 = arith.addi %add3A_253, %add3A_266 : i32
      %lt3A = arith.constant 40 : i32
      %lt3A_268 = arith.cmpi slt, %add3A_267, %lt3A : i32
      %convert_element_type3A = arith.extui %lt3A_268 : i1 to i32
      %cond3A = arith.constant 0 : i32
      %cond3A_269 = arith.cmpi ne, %convert_element_type3A, %cond3A : i32
      scf.if %cond3A_269 {
        %ge3A = arith.constant 2 : i32
        %ge3A_340 = arith.cmpi sge, %add3A_253, %ge3A : i32
        %convert_element_type3A_341 = arith.extui %ge3A_340 : i1 to i32
        %cond3A_342 = arith.constant 0 : i32
        %cond3A_343 = arith.cmpi ne, %convert_element_type3A_341, %cond3A_342 : i32
        scf.if %cond3A_343 {
          %sub3A = arith.constant 2 : i32
          %sub3A_352 = arith.subi %add3A_253, %sub3A : i32
          %dma_wait3A_353 = arith.constant 0 : i32
          %dma_wait3A_354 = tpu.memref_slice %arg7[%sub3A_352, %dma_wait3A_353] : memref<40x128xi32, #tpu.memory_space<vmem>> -> memref<1x128xi32, #tpu.memory_space<vmem>>
          %dma_wait3A_355 = tpu.memref_squeeze %dma_wait3A_354 : memref<1x128xi32, #tpu.memory_space<vmem>> -> memref<128xi32, #tpu.memory_space<vmem>>
          %dma_wait3A_356 = arith.constant 0 : i32
          %dma_wait3A_357 = arith.constant 0 : i32
          %dma_wait3A_358 = tpu.memref_slice %arg13[%dma_wait3A_356, %dma_wait3A_357] : memref<10240x64xf32, #tpu.memory_space<vmem_shared>> -> memref<10240x64xf32, #tpu.memory_space<vmem_shared>>
          tpu.wait_indirect_dma semaphore(%arg20 : memref<!tpu.dma_semaphore, #tpu.memory_space<semaphore_mem>>) src(%arg10 : memref<128x64xf32, #tpu.memory_space<vmem>>) dst(%dma_wait3A_358 : memref<10240x64xf32, #tpu.memory_space<vmem_shared>>)
        } else {
        }
        %add3A_344 = arith.constant 2 : i32
        %add3A_345 = arith.addi %add3A_253, %add3A_344 : i32
        %dma_start3A_346 = arith.constant 0 : i32
        %dma_start3A_347 = tpu.memref_slice %arg6[%add3A_345, %dma_start3A_346] : memref<40x128xi32, #tpu.memory_space<vmem>> -> memref<1x128xi32, #tpu.memory_space<vmem>>
        %dma_start3A_348 = tpu.memref_squeeze %dma_start3A_347 : memref<1x128xi32, #tpu.memory_space<vmem>> -> memref<128xi32, #tpu.memory_space<vmem>>
        %dma_start3A_349 = arith.constant 0 : i32
        %dma_start3A_350 = arith.constant 0 : i32
        %dma_start3A_351 = tpu.memref_slice %arg12[%dma_start3A_349, %dma_start3A_350] : memref<10240x64xf32, #tpu.memory_space<vmem_shared>> -> memref<10240x64xf32, #tpu.memory_space<vmem_shared>>
        tpu.enqueue_indirect_dma source(%dma_start3A_351 : memref<10240x64xf32, #tpu.memory_space<vmem_shared>>) target(%arg10 : memref<128x64xf32, #tpu.memory_space<vmem>>) offsets(%dma_start3A_348 : memref<128xi32, #tpu.memory_space<vmem>>) semaphore(%arg16 : memref<!tpu.dma_semaphore, #tpu.memory_space<semaphore_mem>>)
      } else {
      }
      %mul3A_270 = arith.constant 4 : i32
      %mul3A_271 = arith.muli %scan3A_248, %mul3A_270 : i32
      %add3A_272 = arith.constant 1 : i32
      %add3A_273 = arith.addi %mul3A_271, %add3A_272 : i32
      %dma_wait3A_274 = arith.constant 0 : i32
      %dma_wait3A_275 = tpu.memref_slice %arg6[%add3A_273, %dma_wait3A_274] : memref<40x128xi32, #tpu.memory_space<vmem>> -> memref<1x128xi32, #tpu.memory_space<vmem>>
      %dma_wait3A_276 = tpu.memref_squeeze %dma_wait3A_275 : memref<1x128xi32, #tpu.memory_space<vmem>> -> memref<128xi32, #tpu.memory_space<vmem>>
      %dma_wait3A_277 = arith.constant 0 : i32
      %dma_wait3A_278 = arith.constant 0 : i32
      %dma_wait3A_279 = tpu.memref_slice %arg12[%dma_wait3A_277, %dma_wait3A_278] : memref<10240x64xf32, #tpu.memory_space<vmem_shared>> -> memref<10240x64xf32, #tpu.memory_space<vmem_shared>>
      tpu.wait_indirect_dma semaphore(%arg15 : memref<!tpu.dma_semaphore, #tpu.memory_space<semaphore_mem>>) src(%dma_wait3A_279 : memref<10240x64xf32, #tpu.memory_space<vmem_shared>>) dst(%arg9 : memref<128x64xf32, #tpu.memory_space<vmem>>)
      %dma_start3A_280 = arith.constant 0 : i32
      %dma_start3A_281 = tpu.memref_slice %arg7[%add3A_273, %dma_start3A_280] : memref<40x128xi32, #tpu.memory_space<vmem>> -> memref<1x128xi32, #tpu.memory_space<vmem>>
      %dma_start3A_282 = tpu.memref_squeeze %dma_start3A_281 : memref<1x128xi32, #tpu.memory_space<vmem>> -> memref<128xi32, #tpu.memory_space<vmem>>
      %dma_start3A_283 = arith.constant 0 : i32
      %dma_start3A_284 = arith.constant 0 : i32
      %dma_start3A_285 = tpu.memref_slice %arg13[%dma_start3A_283, %dma_start3A_284] : memref<10240x64xf32, #tpu.memory_space<vmem_shared>> -> memref<10240x64xf32, #tpu.memory_space<vmem_shared>>
      tpu.enqueue_indirect_dma source(%arg9 : memref<128x64xf32, #tpu.memory_space<vmem>>) target(%dma_start3A_285 : memref<10240x64xf32, #tpu.memory_space<vmem_shared>>) offsets(%dma_start3A_282 : memref<128xi32, #tpu.memory_space<vmem>>) semaphore(%arg19 : memref<!tpu.dma_semaphore, #tpu.memory_space<semaphore_mem>>) {add = true}
      %add3A_286 = arith.constant 2 : i32
      %add3A_287 = arith.addi %add3A_273, %add3A_286 : i32
      %lt3A_288 = arith.constant 40 : i32
      %lt3A_289 = arith.cmpi slt, %add3A_287, %lt3A_288 : i32
      %convert_element_type3A_290 = arith.extui %lt3A_289 : i1 to i32
      %cond3A_291 = arith.constant 0 : i32
      %cond3A_292 = arith.cmpi ne, %convert_element_type3A_290, %cond3A_291 : i32
      scf.if %cond3A_292 {
        %ge3A = arith.constant 2 : i32
        %ge3A_340 = arith.cmpi sge, %add3A_273, %ge3A : i32
        %convert_element_type3A_341 = arith.extui %ge3A_340 : i1 to i32
        %cond3A_342 = arith.constant 0 : i32
        %cond3A_343 = arith.cmpi ne, %convert_element_type3A_341, %cond3A_342 : i32
        scf.if %cond3A_343 {
          %sub3A = arith.constant 2 : i32
          %sub3A_352 = arith.subi %add3A_273, %sub3A : i32
          %dma_wait3A_353 = arith.constant 0 : i32
          %dma_wait3A_354 = tpu.memref_slice %arg7[%sub3A_352, %dma_wait3A_353] : memref<40x128xi32, #tpu.memory_space<vmem>> -> memref<1x128xi32, #tpu.memory_space<vmem>>
          %dma_wait3A_355 = tpu.memref_squeeze %dma_wait3A_354 : memref<1x128xi32, #tpu.memory_space<vmem>> -> memref<128xi32, #tpu.memory_space<vmem>>
          %dma_wait3A_356 = arith.constant 0 : i32
          %dma_wait3A_357 = arith.constant 0 : i32
          %dma_wait3A_358 = tpu.memref_slice %arg13[%dma_wait3A_356, %dma_wait3A_357] : memref<10240x64xf32, #tpu.memory_space<vmem_shared>> -> memref<10240x64xf32, #tpu.memory_space<vmem_shared>>
          tpu.wait_indirect_dma semaphore(%arg21 : memref<!tpu.dma_semaphore, #tpu.memory_space<semaphore_mem>>) src(%arg11 : memref<128x64xf32, #tpu.memory_space<vmem>>) dst(%dma_wait3A_358 : memref<10240x64xf32, #tpu.memory_space<vmem_shared>>)
        } else {
        }
        %add3A_344 = arith.constant 2 : i32
        %add3A_345 = arith.addi %add3A_273, %add3A_344 : i32
        %dma_start3A_346 = arith.constant 0 : i32
        %dma_start3A_347 = tpu.memref_slice %arg6[%add3A_345, %dma_start3A_346] : memref<40x128xi32, #tpu.memory_space<vmem>> -> memref<1x128xi32, #tpu.memory_space<vmem>>
        %dma_start3A_348 = tpu.memref_squeeze %dma_start3A_347 : memref<1x128xi32, #tpu.memory_space<vmem>> -> memref<128xi32, #tpu.memory_space<vmem>>
        %dma_start3A_349 = arith.constant 0 : i32
        %dma_start3A_350 = arith.constant 0 : i32
        %dma_start3A_351 = tpu.memref_slice %arg12[%dma_start3A_349, %dma_start3A_350] : memref<10240x64xf32, #tpu.memory_space<vmem_shared>> -> memref<10240x64xf32, #tpu.memory_space<vmem_shared>>
        tpu.enqueue_indirect_dma source(%dma_start3A_351 : memref<10240x64xf32, #tpu.memory_space<vmem_shared>>) target(%arg11 : memref<128x64xf32, #tpu.memory_space<vmem>>) offsets(%dma_start3A_348 : memref<128xi32, #tpu.memory_space<vmem>>) semaphore(%arg17 : memref<!tpu.dma_semaphore, #tpu.memory_space<semaphore_mem>>)
      } else {
      }
      %mul3A_293 = arith.constant 4 : i32
      %mul3A_294 = arith.muli %scan3A_248, %mul3A_293 : i32
      %add3A_295 = arith.constant 2 : i32
      %add3A_296 = arith.addi %mul3A_294, %add3A_295 : i32
      %dma_wait3A_297 = arith.constant 0 : i32
      %dma_wait3A_298 = tpu.memref_slice %arg6[%add3A_296, %dma_wait3A_297] : memref<40x128xi32, #tpu.memory_space<vmem>> -> memref<1x128xi32, #tpu.memory_space<vmem>>
      %dma_wait3A_299 = tpu.memref_squeeze %dma_wait3A_298 : memref<1x128xi32, #tpu.memory_space<vmem>> -> memref<128xi32, #tpu.memory_space<vmem>>
      %dma_wait3A_300 = arith.constant 0 : i32
      %dma_wait3A_301 = arith.constant 0 : i32
      %dma_wait3A_302 = tpu.memref_slice %arg12[%dma_wait3A_300, %dma_wait3A_301] : memref<10240x64xf32, #tpu.memory_space<vmem_shared>> -> memref<10240x64xf32, #tpu.memory_space<vmem_shared>>
      tpu.wait_indirect_dma semaphore(%arg16 : memref<!tpu.dma_semaphore, #tpu.memory_space<semaphore_mem>>) src(%dma_wait3A_302 : memref<10240x64xf32, #tpu.memory_space<vmem_shared>>) dst(%arg10 : memref<128x64xf32, #tpu.memory_space<vmem>>)
      %dma_start3A_303 = arith.constant 0 : i32
      %dma_start3A_304 = tpu.memref_slice %arg7[%add3A_296, %dma_start3A_303] : memref<40x128xi32, #tpu.memory_space<vmem>> -> memref<1x128xi32, #tpu.memory_space<vmem>>
      %dma_start3A_305 = tpu.memref_squeeze %dma_start3A_304 : memref<1x128xi32, #tpu.memory_space<vmem>> -> memref<128xi32, #tpu.memory_space<vmem>>
      %dma_start3A_306 = arith.constant 0 : i32
      %dma_start3A_307 = arith.constant 0 : i32
      %dma_start3A_308 = tpu.memref_slice %arg13[%dma_start3A_306, %dma_start3A_307] : memref<10240x64xf32, #tpu.memory_space<vmem_shared>> -> memref<10240x64xf32, #tpu.memory_space<vmem_shared>>
      tpu.enqueue_indirect_dma source(%arg10 : memref<128x64xf32, #tpu.memory_space<vmem>>) target(%dma_start3A_308 : memref<10240x64xf32, #tpu.memory_space<vmem_shared>>) offsets(%dma_start3A_305 : memref<128xi32, #tpu.memory_space<vmem>>) semaphore(%arg20 : memref<!tpu.dma_semaphore, #tpu.memory_space<semaphore_mem>>) {add = true}
      %add3A_309 = arith.constant 2 : i32
      %add3A_310 = arith.addi %add3A_296, %add3A_309 : i32
      %lt3A_311 = arith.constant 40 : i32
      %lt3A_312 = arith.cmpi slt, %add3A_310, %lt3A_311 : i32
      %convert_element_type3A_313 = arith.extui %lt3A_312 : i1 to i32
      %cond3A_314 = arith.constant 0 : i32
      %cond3A_315 = arith.cmpi ne, %convert_element_type3A_313, %cond3A_314 : i32
      scf.if %cond3A_315 {
        %ge3A = arith.constant 2 : i32
        %ge3A_340 = arith.cmpi sge, %add3A_296, %ge3A : i32
        %convert_element_type3A_341 = arith.extui %ge3A_340 : i1 to i32
        %cond3A_342 = arith.constant 0 : i32
        %cond3A_343 = arith.cmpi ne, %convert_element_type3A_341, %cond3A_342 : i32
        scf.if %cond3A_343 {
          %sub3A = arith.constant 2 : i32
          %sub3A_352 = arith.subi %add3A_296, %sub3A : i32
          %dma_wait3A_353 = arith.constant 0 : i32
          %dma_wait3A_354 = tpu.memref_slice %arg7[%sub3A_352, %dma_wait3A_353] : memref<40x128xi32, #tpu.memory_space<vmem>> -> memref<1x128xi32, #tpu.memory_space<vmem>>
          %dma_wait3A_355 = tpu.memref_squeeze %dma_wait3A_354 : memref<1x128xi32, #tpu.memory_space<vmem>> -> memref<128xi32, #tpu.memory_space<vmem>>
          %dma_wait3A_356 = arith.constant 0 : i32
          %dma_wait3A_357 = arith.constant 0 : i32
          %dma_wait3A_358 = tpu.memref_slice %arg13[%dma_wait3A_356, %dma_wait3A_357] : memref<10240x64xf32, #tpu.memory_space<vmem_shared>> -> memref<10240x64xf32, #tpu.memory_space<vmem_shared>>
          tpu.wait_indirect_dma semaphore(%arg18 : memref<!tpu.dma_semaphore, #tpu.memory_space<semaphore_mem>>) src(%arg8 : memref<128x64xf32, #tpu.memory_space<vmem>>) dst(%dma_wait3A_358 : memref<10240x64xf32, #tpu.memory_space<vmem_shared>>)
        } else {
        }
        %add3A_344 = arith.constant 2 : i32
        %add3A_345 = arith.addi %add3A_296, %add3A_344 : i32
        %dma_start3A_346 = arith.constant 0 : i32
        %dma_start3A_347 = tpu.memref_slice %arg6[%add3A_345, %dma_start3A_346] : memref<40x128xi32, #tpu.memory_space<vmem>> -> memref<1x128xi32, #tpu.memory_space<vmem>>
        %dma_start3A_348 = tpu.memref_squeeze %dma_start3A_347 : memref<1x128xi32, #tpu.memory_space<vmem>> -> memref<128xi32, #tpu.memory_space<vmem>>
        %dma_start3A_349 = arith.constant 0 : i32
        %dma_start3A_350 = arith.constant 0 : i32
        %dma_start3A_351 = tpu.memref_slice %arg12[%dma_start3A_349, %dma_start3A_350] : memref<10240x64xf32, #tpu.memory_space<vmem_shared>> -> memref<10240x64xf32, #tpu.memory_space<vmem_shared>>
        tpu.enqueue_indirect_dma source(%dma_start3A_351 : memref<10240x64xf32, #tpu.memory_space<vmem_shared>>) target(%arg8 : memref<128x64xf32, #tpu.memory_space<vmem>>) offsets(%dma_start3A_348 : memref<128xi32, #tpu.memory_space<vmem>>) semaphore(%arg14 : memref<!tpu.dma_semaphore, #tpu.memory_space<semaphore_mem>>)
      } else {
      }
      %mul3A_316 = arith.constant 4 : i32
      %mul3A_317 = arith.muli %scan3A_248, %mul3A_316 : i32
      %add3A_318 = arith.constant 3 : i32
      %add3A_319 = arith.addi %mul3A_317, %add3A_318 : i32
      %dma_wait3A_320 = arith.constant 0 : i32
      %dma_wait3A_321 = tpu.memref_slice %arg6[%add3A_319, %dma_wait3A_320] : memref<40x128xi32, #tpu.memory_space<vmem>> -> memref<1x128xi32, #tpu.memory_space<vmem>>
      %dma_wait3A_322 = tpu.memref_squeeze %dma_wait3A_321 : memref<1x128xi32, #tpu.memory_space<vmem>> -> memref<128xi32, #tpu.memory_space<vmem>>
      %dma_wait3A_323 = arith.constant 0 : i32
      %dma_wait3A_324 = arith.constant 0 : i32
      %dma_wait3A_325 = tpu.memref_slice %arg12[%dma_wait3A_323, %dma_wait3A_324] : memref<10240x64xf32, #tpu.memory_space<vmem_shared>> -> memref<10240x64xf32, #tpu.memory_space<vmem_shared>>
      tpu.wait_indirect_dma semaphore(%arg17 : memref<!tpu.dma_semaphore, #tpu.memory_space<semaphore_mem>>) src(%dma_wait3A_325 : memref<10240x64xf32, #tpu.memory_space<vmem_shared>>) dst(%arg11 : memref<128x64xf32, #tpu.memory_space<vmem>>)
      %dma_start3A_326 = arith.constant 0 : i32
      %dma_start3A_327 = tpu.memref_slice %arg7[%add3A_319, %dma_start3A_326] : memref<40x128xi32, #tpu.memory_space<vmem>> -> memref<1x128xi32, #tpu.memory_space<vmem>>
      %dma_start3A_328 = tpu.memref_squeeze %dma_start3A_327 : memref<1x128xi32, #tpu.memory_space<vmem>> -> memref<128xi32, #tpu.memory_space<vmem>>
      %dma_start3A_329 = arith.constant 0 : i32
      %dma_start3A_330 = arith.constant 0 : i32
      %dma_start3A_331 = tpu.memref_slice %arg13[%dma_start3A_329, %dma_start3A_330] : memref<10240x64xf32, #tpu.memory_space<vmem_shared>> -> memref<10240x64xf32, #tpu.memory_space<vmem_shared>>
      tpu.enqueue_indirect_dma source(%arg11 : memref<128x64xf32, #tpu.memory_space<vmem>>) target(%dma_start3A_331 : memref<10240x64xf32, #tpu.memory_space<vmem_shared>>) offsets(%dma_start3A_328 : memref<128xi32, #tpu.memory_space<vmem>>) semaphore(%arg21 : memref<!tpu.dma_semaphore, #tpu.memory_space<semaphore_mem>>) {add = true}
      %add3A_332 = arith.constant 2 : i32
      %add3A_333 = arith.addi %add3A_319, %add3A_332 : i32
      %lt3A_334 = arith.constant 40 : i32
      %lt3A_335 = arith.cmpi slt, %add3A_333, %lt3A_334 : i32
      %convert_element_type3A_336 = arith.extui %lt3A_335 : i1 to i32
      %cond3A_337 = arith.constant 0 : i32
      %cond3A_338 = arith.cmpi ne, %convert_element_type3A_336, %cond3A_337 : i32
      scf.if %cond3A_338 {
        %ge3A = arith.constant 2 : i32
        %ge3A_340 = arith.cmpi sge, %add3A_319, %ge3A : i32
        %convert_element_type3A_341 = arith.extui %ge3A_340 : i1 to i32
        %cond3A_342 = arith.constant 0 : i32
        %cond3A_343 = arith.cmpi ne, %convert_element_type3A_341, %cond3A_342 : i32
        scf.if %cond3A_343 {
          %sub3A = arith.constant 2 : i32
          %sub3A_352 = arith.subi %add3A_319, %sub3A : i32
          %dma_wait3A_353 = arith.constant 0 : i32
          %dma_wait3A_354 = tpu.memref_slice %arg7[%sub3A_352, %dma_wait3A_353] : memref<40x128xi32, #tpu.memory_space<vmem>> -> memref<1x128xi32, #tpu.memory_space<vmem>>
          %dma_wait3A_355 = tpu.memref_squeeze %dma_wait3A_354 : memref<1x128xi32, #tpu.memory_space<vmem>> -> memref<128xi32, #tpu.memory_space<vmem>>
          %dma_wait3A_356 = arith.constant 0 : i32
          %dma_wait3A_357 = arith.constant 0 : i32
          %dma_wait3A_358 = tpu.memref_slice %arg13[%dma_wait3A_356, %dma_wait3A_357] : memref<10240x64xf32, #tpu.memory_space<vmem_shared>> -> memref<10240x64xf32, #tpu.memory_space<vmem_shared>>
          tpu.wait_indirect_dma semaphore(%arg19 : memref<!tpu.dma_semaphore, #tpu.memory_space<semaphore_mem>>) src(%arg9 : memref<128x64xf32, #tpu.memory_space<vmem>>) dst(%dma_wait3A_358 : memref<10240x64xf32, #tpu.memory_space<vmem_shared>>)
        } else {
        }
        %add3A_344 = arith.constant 2 : i32
        %add3A_345 = arith.addi %add3A_319, %add3A_344 : i32
        %dma_start3A_346 = arith.constant 0 : i32
        %dma_start3A_347 = tpu.memref_slice %arg6[%add3A_345, %dma_start3A_346] : memref<40x128xi32, #tpu.memory_space<vmem>> -> memref<1x128xi32, #tpu.memory_space<vmem>>
        %dma_start3A_348 = tpu.memref_squeeze %dma_start3A_347 : memref<1x128xi32, #tpu.memory_space<vmem>> -> memref<128xi32, #tpu.memory_space<vmem>>
        %dma_start3A_349 = arith.constant 0 : i32
        %dma_start3A_350 = arith.constant 0 : i32
        %dma_start3A_351 = tpu.memref_slice %arg12[%dma_start3A_349, %dma_start3A_350] : memref<10240x64xf32, #tpu.memory_space<vmem_shared>> -> memref<10240x64xf32, #tpu.memory_space<vmem_shared>>
        tpu.enqueue_indirect_dma source(%dma_start3A_351 : memref<10240x64xf32, #tpu.memory_space<vmem_shared>>) target(%arg9 : memref<128x64xf32, #tpu.memory_space<vmem>>) offsets(%dma_start3A_348 : memref<128xi32, #tpu.memory_space<vmem>>) semaphore(%arg15 : memref<!tpu.dma_semaphore, #tpu.memory_space<semaphore_mem>>)
      } else {
      }
      %scan3A_339 = arith.constant 0 : i32
      scf.yield %scan3A_339 : i32
    }
    %scan3A_214 = arith.constant 10 : i32
    %dma_wait3A_215 = arith.constant 36 : i32
    %dma_wait3A_216 = arith.constant 0 : i32
    %dma_wait3A_217 = tpu.memref_slice %arg7[%dma_wait3A_215, %dma_wait3A_216] : memref<40x128xi32, #tpu.memory_space<vmem>> -> memref<1x128xi32, #tpu.memory_space<vmem>>
    %dma_wait3A_218 = tpu.memref_squeeze %dma_wait3A_217 : memref<1x128xi32, #tpu.memory_space<vmem>> -> memref<128xi32, #tpu.memory_space<vmem>>
    %dma_wait3A_219 = arith.constant 0 : i32
    %dma_wait3A_220 = arith.constant 0 : i32
    %dma_wait3A_221 = tpu.memref_slice %arg13[%dma_wait3A_219, %dma_wait3A_220] : memref<10240x64xf32, #tpu.memory_space<vmem_shared>> -> memref<10240x64xf32, #tpu.memory_space<vmem_shared>>
    tpu.wait_indirect_dma semaphore(%arg18 : memref<!tpu.dma_semaphore, #tpu.memory_space<semaphore_mem>>) src(%arg8 : memref<128x64xf32, #tpu.memory_space<vmem>>) dst(%dma_wait3A_221 : memref<10240x64xf32, #tpu.memory_space<vmem_shared>>)
    %dma_wait3A_222 = arith.constant 37 : i32
    %dma_wait3A_223 = arith.constant 0 : i32
    %dma_wait3A_224 = tpu.memref_slice %arg7[%dma_wait3A_222, %dma_wait3A_223] : memref<40x128xi32, #tpu.memory_space<vmem>> -> memref<1x128xi32, #tpu.memory_space<vmem>>
    %dma_wait3A_225 = tpu.memref_squeeze %dma_wait3A_224 : memref<1x128xi32, #tpu.memory_space<vmem>> -> memref<128xi32, #tpu.memory_space<vmem>>
    %dma_wait3A_226 = arith.constant 0 : i32
    %dma_wait3A_227 = arith.constant 0 : i32
    %dma_wait3A_228 = tpu.memref_slice %arg13[%dma_wait3A_226, %dma_wait3A_227] : memref<10240x64xf32, #tpu.memory_space<vmem_shared>> -> memref<10240x64xf32, #tpu.memory_space<vmem_shared>>
    tpu.wait_indirect_dma semaphore(%arg19 : memref<!tpu.dma_semaphore, #tpu.memory_space<semaphore_mem>>) src(%arg9 : memref<128x64xf32, #tpu.memory_space<vmem>>) dst(%dma_wait3A_228 : memref<10240x64xf32, #tpu.memory_space<vmem_shared>>)
    %dma_wait3A_229 = arith.constant 38 : i32
    %dma_wait3A_230 = arith.constant 0 : i32
    %dma_wait3A_231 = tpu.memref_slice %arg7[%dma_wait3A_229, %dma_wait3A_230] : memref<40x128xi32, #tpu.memory_space<vmem>> -> memref<1x128xi32, #tpu.memory_space<vmem>>
    %dma_wait3A_232 = tpu.memref_squeeze %dma_wait3A_231 : memref<1x128xi32, #tpu.memory_space<vmem>> -> memref<128xi32, #tpu.memory_space<vmem>>
    %dma_wait3A_233 = arith.constant 0 : i32
    %dma_wait3A_234 = arith.constant 0 : i32
    %dma_wait3A_235 = tpu.memref_slice %arg13[%dma_wait3A_233, %dma_wait3A_234] : memref<10240x64xf32, #tpu.memory_space<vmem_shared>> -> memref<10240x64xf32, #tpu.memory_space<vmem_shared>>
    tpu.wait_indirect_dma semaphore(%arg20 : memref<!tpu.dma_semaphore, #tpu.memory_space<semaphore_mem>>) src(%arg10 : memref<128x64xf32, #tpu.memory_space<vmem>>) dst(%dma_wait3A_235 : memref<10240x64xf32, #tpu.memory_space<vmem_shared>>)
    %dma_wait3A_236 = arith.constant 39 : i32
    %dma_wait3A_237 = arith.constant 0 : i32
    %dma_wait3A_238 = tpu.memref_slice %arg7[%dma_wait3A_236, %dma_wait3A_237] : memref<40x128xi32, #tpu.memory_space<vmem>> -> memref<1x128xi32, #tpu.memory_space<vmem>>
    %dma_wait3A_239 = tpu.memref_squeeze %dma_wait3A_238 : memref<1x128xi32, #tpu.memory_space<vmem>> -> memref<128xi32, #tpu.memory_space<vmem>>
    %dma_wait3A_240 = arith.constant 0 : i32
    %dma_wait3A_241 = arith.constant 0 : i32
    %dma_wait3A_242 = tpu.memref_slice %arg13[%dma_wait3A_240, %dma_wait3A_241] : memref<10240x64xf32, #tpu.memory_space<vmem_shared>> -> memref<10240x64xf32, #tpu.memory_space<vmem_shared>>
    tpu.wait_indirect_dma semaphore(%arg21 : memref<!tpu.dma_semaphore, #tpu.memory_space<semaphore_mem>>) src(%arg11 : memref<128x64xf32, #tpu.memory_space<vmem>>) dst(%dma_wait3A_242 : memref<10240x64xf32, #tpu.memory_space<vmem_shared>>)
    %barrier3A_243 = arith.constant 0 : index
    tpu.barrier barrier_id(%barrier3A_243)
    %mul3A_244 = arith.constant 640 : i32
    %mul3A_245 = arith.muli %arg1, %mul3A_244 : i32
    %mul3A_246 = arith.constant 640 : i32
    %mul3A_247 = arith.muli %arg1, %mul3A_246 : i32
    "tpu.region"() ({
      %run_scoped3A = tpu.sem_alloc : memref<!tpu.dma_semaphore, #tpu.memory_space<semaphore_mem>>
      %dma_start3A_248 = arith.constant 0 : i32
      %dma_start3A_249 = tpu.memref_slice %arg5[%arg0, %mul3A_247, %dma_start3A_248] : memref<2x10240x64xf32, #tpu.memory_space<hbm>> -> memref<1x640x64xf32, #tpu.memory_space<hbm>>
      %dma_start3A_250 = tpu.memref_squeeze %dma_start3A_249 : memref<1x640x64xf32, #tpu.memory_space<hbm>> -> memref<640x64xf32, #tpu.memory_space<hbm>>
      %dma_start3A_251 = arith.constant 0 : i32
      %dma_start3A_252 = tpu.memref_slice %arg13[%mul3A_245, %dma_start3A_251] : memref<10240x64xf32, #tpu.memory_space<vmem_shared>> -> memref<640x64xf32, #tpu.memory_space<vmem_shared>>
      tpu.enqueue_dma source(%dma_start3A_252 : memref<640x64xf32, #tpu.memory_space<vmem_shared>>) target(%dma_start3A_250 : memref<640x64xf32, #tpu.memory_space<hbm>>) target_semaphore(%run_scoped3A : memref<!tpu.dma_semaphore, #tpu.memory_space<semaphore_mem>>)
      %dma_wait3A_253 = arith.constant 0 : i32
      %dma_wait3A_254 = tpu.memref_slice %arg5[%arg0, %mul3A_247, %dma_wait3A_253] : memref<2x10240x64xf32, #tpu.memory_space<hbm>> -> memref<1x640x64xf32, #tpu.memory_space<hbm>>
      %dma_wait3A_255 = tpu.memref_squeeze %dma_wait3A_254 : memref<1x640x64xf32, #tpu.memory_space<hbm>> -> memref<640x64xf32, #tpu.memory_space<hbm>>
      %dma_wait3A_256 = arith.constant 0 : i32
      %dma_wait3A_257 = tpu.memref_slice %arg13[%mul3A_245, %dma_wait3A_256] : memref<10240x64xf32, #tpu.memory_space<vmem_shared>> -> memref<640x64xf32, #tpu.memory_space<vmem_shared>>
      tpu.wait_dma2 semaphore(%run_scoped3A : memref<!tpu.dma_semaphore, #tpu.memory_space<semaphore_mem>>) src(%dma_wait3A_257 : memref<640x64xf32, #tpu.memory_space<vmem_shared>>) dst(%dma_wait3A_255 : memref<640x64xf32, #tpu.memory_space<hbm>>)
      tpu.yield
    }) : () -> ()
    return
  }
}

#map = affine_map<(d0, d1) -> (0, 0)>
#map1 = affine_map<(d0, d1) -> (0, 0, 0)>
module attributes {stable_mosaic.version = 14 : i64} {
  func.func @_msg_body(%arg0: i32, %arg1: i32, %arg2: memref<10240x48xf32, #tpu.memory_space<hbm>>, %arg3: memref<2560x128xi32, #tpu.memory_space<hbm>>, %arg4: memref<2560x128xi32, #tpu.memory_space<hbm>>, %arg5: memref<2x10240x48xf32, #tpu.memory_space<hbm>>, %arg6: memref<40x128xi32, #tpu.memory_space<vmem>>, %arg7: memref<40x128xi32, #tpu.memory_space<vmem>>, %arg8: memref<128x48xf32, #tpu.memory_space<vmem>>, %arg9: memref<128x48xf32, #tpu.memory_space<vmem>>, %arg10: memref<128x48xf32, #tpu.memory_space<vmem>>, %arg11: memref<128x48xf32, #tpu.memory_space<vmem>>, %arg12: memref<10240x48xf32, #tpu.memory_space<vmem_shared>>, %arg13: memref<10240x48xf32, #tpu.memory_space<vmem_shared>>, %arg14: memref<!tpu.dma_semaphore, #tpu.memory_space<semaphore_mem>>, %arg15: memref<!tpu.dma_semaphore, #tpu.memory_space<semaphore_mem>>, %arg16: memref<!tpu.dma_semaphore, #tpu.memory_space<semaphore_mem>>, %arg17: memref<!tpu.dma_semaphore, #tpu.memory_space<semaphore_mem>>, %arg18: memref<!tpu.dma_semaphore, #tpu.memory_space<semaphore_mem>>, %arg19: memref<!tpu.dma_semaphore, #tpu.memory_space<semaphore_mem>>, %arg20: memref<!tpu.dma_semaphore, #tpu.memory_space<semaphore_mem>>, %arg21: memref<!tpu.dma_semaphore, #tpu.memory_space<semaphore_mem>>) attributes {dimension_semantics = [#tpu.dimension_semantics<core_parallel>, #tpu.dimension_semantics<subcore_parallel>], iteration_bounds = array<i64: 2, 16>, scalar_prefetch = 0 : i64, scratch_operands = 16 : i64, tpu.core_type = #tpu.core_type<sc_vector_subcore>, window_params = [{transform_indices = #map}, {transform_indices = #map}, {transform_indices = #map}, {transform_indices = #map1}]} {
    %mul3A = arith.constant 2 : i32
    %mul3A_0 = arith.muli %arg1, %mul3A : i32
    %add3A = arith.addi %mul3A_0, %arg0 : i32
    %mul3A_1 = arith.constant 640 : i32
    %mul3A_2 = arith.muli %arg1, %mul3A_1 : i32
    %mul3A_3 = arith.constant 640 : i32
    %mul3A_4 = arith.muli %arg1, %mul3A_3 : i32
    %dma_start3A = arith.constant 0 : i32
    %dma_start3A_5 = tpu.memref_slice %arg12[%mul3A_4, %dma_start3A] : memref<10240x48xf32, #tpu.memory_space<vmem_shared>> -> memref<640x48xf32, #tpu.memory_space<vmem_shared>>
    %dma_start3A_6 = arith.constant 0 : i32
    %dma_start3A_7 = tpu.memref_slice %arg2[%mul3A_2, %dma_start3A_6] : memref<10240x48xf32, #tpu.memory_space<hbm>> -> memref<640x48xf32, #tpu.memory_space<hbm>>
    tpu.enqueue_dma source(%dma_start3A_7 : memref<640x48xf32, #tpu.memory_space<hbm>>) target(%dma_start3A_5 : memref<640x48xf32, #tpu.memory_space<vmem_shared>>) target_semaphore(%arg14 : memref<!tpu.dma_semaphore, #tpu.memory_space<semaphore_mem>>)
    %scan3A = arith.constant 0 : i32
    %scan3A_8 = arith.constant 0 : i32
    %scan3A_9 = arith.constant 128 : i32
    %scan3A_10 = arith.addi %scan3A_8, %scan3A_9 : i32
    %scan3A_11 = arith.constant 1 : i32
    %scan3A_12 = scf.for %scan3A_143 = %scan3A_8 to %scan3A_10 step %scan3A_11 iter_args(%scan3A_144 = %scan3A) -> (i32)  : i32 {
      %scan3A_145 = arith.constant 0 : i32
      %scan3A_146 = arith.constant 0 : i32
      %scan3A_147 = arith.constant 3 : i32
      %scan3A_148 = arith.addi %scan3A_146, %scan3A_147 : i32
      %scan3A_149 = arith.constant 1 : i32
      %scan3A_150 = scf.for %scan3A_152 = %scan3A_146 to %scan3A_148 step %scan3A_149 iter_args(%scan3A_153 = %scan3A_145) -> (i32)  : i32 {
        %broadcast_in_dim3A = arith.constant 0.000000e+00 : f32
        %broadcast_in_dim3A_154 = vector.broadcast %broadcast_in_dim3A : f32 to vector<16xf32>
        %mul3A_155 = arith.constant 16 : i32
        %mul3A_156 = arith.muli %scan3A_152, %mul3A_155 : i32
        %swap3A = arith.index_cast %scan3A_143 : i32 to index
        %swap3A_157 = arith.index_cast %mul3A_156 : i32 to index
        %swap3A_158 = tpu.vector_load %arg8[%swap3A, %swap3A_157] {strides = array<i32>} : memref<128x48xf32, #tpu.memory_space<vmem>>, vector<1x16xf32>,
        %swap3A_159 = vector.shape_cast %swap3A_158 : vector<1x16xf32> to vector<16xf32>
        %swap3A_160 = vector.shape_cast %broadcast_in_dim3A_154 : vector<16xf32> to vector<1x16xf32>
        tpu.vector_store %arg8[%swap3A, %swap3A_157], %swap3A_160 {strides = array<i32>} : memref<128x48xf32, #tpu.memory_space<vmem>>, vector<1x16xf32>,
        %scan3A_161 = arith.constant 0 : i32
        scf.yield %scan3A_161 : i32
      }
      %scan3A_151 = arith.constant 3 : i32
      scf.yield %scan3A_150 : i32
    }
    %scan3A_13 = arith.constant 128 : i32
    %scan3A_14 = arith.constant 0 : i32
    %scan3A_15 = arith.constant 0 : i32
    %scan3A_16 = arith.constant 5 : i32
    %scan3A_17 = arith.addi %scan3A_15, %scan3A_16 : i32
    %scan3A_18 = arith.constant 1 : i32
    %scan3A_19 = scf.for %scan3A_143 = %scan3A_15 to %scan3A_17 step %scan3A_18 iter_args(%scan3A_144 = %scan3A_14) -> (i32)  : i32 {
      %mul3A_145 = arith.constant 640 : i32
      %mul3A_146 = arith.muli %arg1, %mul3A_145 : i32
      %mul3A_147 = arith.constant 128 : i32
      %mul3A_148 = arith.muli %scan3A_143, %mul3A_147 : i32
      %add3A_149 = arith.addi %mul3A_146, %mul3A_148 : i32
      "tpu.region"() ({
        %run_scoped3A = tpu.sem_alloc : memref<!tpu.dma_semaphore, #tpu.memory_space<semaphore_mem>>
        %dma_start3A_151 = arith.constant 0 : i32
        %dma_start3A_152 = tpu.memref_slice %arg13[%add3A_149, %dma_start3A_151] : memref<10240x48xf32, #tpu.memory_space<vmem_shared>> -> memref<128x48xf32, #tpu.memory_space<vmem_shared>>
        %dma_start3A_153 = arith.constant 0 : i32
        %dma_start3A_154 = tpu.memref_slice %arg13[%add3A_149, %dma_start3A_153] : memref<10240x48xf32, #tpu.memory_space<vmem_shared>> -> memref<128x48xf32, #tpu.memory_space<vmem_shared>>
        tpu.enqueue_dma source(%arg8 : memref<128x48xf32, #tpu.memory_space<vmem>>) target(%dma_start3A_154 : memref<128x48xf32, #tpu.memory_space<vmem_shared>>) target_semaphore(%run_scoped3A : memref<!tpu.dma_semaphore, #tpu.memory_space<semaphore_mem>>)
        %dma_wait3A_155 = arith.constant 0 : i32
        %dma_wait3A_156 = tpu.memref_slice %arg13[%add3A_149, %dma_wait3A_155] : memref<10240x48xf32, #tpu.memory_space<vmem_shared>> -> memref<128x48xf32, #tpu.memory_space<vmem_shared>>
        %dma_wait3A_157 = arith.constant 0 : i32
        %dma_wait3A_158 = tpu.memref_slice %arg13[%add3A_149, %dma_wait3A_157] : memref<10240x48xf32, #tpu.memory_space<vmem_shared>> -> memref<128x48xf32, #tpu.memory_space<vmem_shared>>
        tpu.wait_dma2 semaphore(%run_scoped3A : memref<!tpu.dma_semaphore, #tpu.memory_space<semaphore_mem>>) src(%arg8 : memref<128x48xf32, #tpu.memory_space<vmem>>) dst(%dma_wait3A_158 : memref<128x48xf32, #tpu.memory_space<vmem_shared>>)
        tpu.yield
      }) : () -> ()
      %scan3A_150 = arith.constant 0 : i32
      scf.yield %scan3A_150 : i32
    }
    %scan3A_20 = arith.constant 5 : i32
    %dma_wait3A = arith.constant 0 : i32
    %dma_wait3A_21 = tpu.memref_slice %arg12[%mul3A_4, %dma_wait3A] : memref<10240x48xf32, #tpu.memory_space<vmem_shared>> -> memref<640x48xf32, #tpu.memory_space<vmem_shared>>
    %dma_wait3A_22 = arith.constant 0 : i32
    %dma_wait3A_23 = tpu.memref_slice %arg2[%mul3A_2, %dma_wait3A_22] : memref<10240x48xf32, #tpu.memory_space<hbm>> -> memref<640x48xf32, #tpu.memory_space<hbm>>
    tpu.wait_dma2 semaphore(%arg14 : memref<!tpu.dma_semaphore, #tpu.memory_space<semaphore_mem>>) src(%dma_wait3A_23 : memref<640x48xf32, #tpu.memory_space<hbm>>) dst(%dma_wait3A_21 : memref<640x48xf32, #tpu.memory_space<vmem_shared>>)
    %barrier3A = arith.constant 0 : index
    tpu.barrier barrier_id(%barrier3A)
    %mul3A_24 = arith.constant 80 : i32
    %mul3A_25 = arith.muli %add3A, %mul3A_24 : i32
    %add3A_26 = arith.constant 0 : i32
    %add3A_27 = arith.addi %mul3A_25, %add3A_26 : i32
    "tpu.region"() ({
      %run_scoped3A = tpu.sem_alloc : memref<!tpu.dma_semaphore, #tpu.memory_space<semaphore_mem>>
      %dma_start3A_143 = arith.constant 0 : i32
      %dma_start3A_144 = tpu.memref_slice %arg3[%add3A_27, %dma_start3A_143] : memref<2560x128xi32, #tpu.memory_space<hbm>> -> memref<40x128xi32, #tpu.memory_space<hbm>>
      %dma_start3A_145 = arith.constant 0 : i32
      %dma_start3A_146 = tpu.memref_slice %arg3[%add3A_27, %dma_start3A_145] : memref<2560x128xi32, #tpu.memory_space<hbm>> -> memref<40x128xi32, #tpu.memory_space<hbm>>
      tpu.enqueue_dma source(%dma_start3A_146 : memref<40x128xi32, #tpu.memory_space<hbm>>) target(%arg6 : memref<40x128xi32, #tpu.memory_space<vmem>>) target_semaphore(%run_scoped3A : memref<!tpu.dma_semaphore, #tpu.memory_space<semaphore_mem>>)
      %dma_wait3A_147 = arith.constant 0 : i32
      %dma_wait3A_148 = tpu.memref_slice %arg3[%add3A_27, %dma_wait3A_147] : memref<2560x128xi32, #tpu.memory_space<hbm>> -> memref<40x128xi32, #tpu.memory_space<hbm>>
      %dma_wait3A_149 = arith.constant 0 : i32
      %dma_wait3A_150 = tpu.memref_slice %arg3[%add3A_27, %dma_wait3A_149] : memref<2560x128xi32, #tpu.memory_space<hbm>> -> memref<40x128xi32, #tpu.memory_space<hbm>>
      tpu.wait_dma2 semaphore(%run_scoped3A : memref<!tpu.dma_semaphore, #tpu.memory_space<semaphore_mem>>) src(%dma_wait3A_150 : memref<40x128xi32, #tpu.memory_space<hbm>>) dst(%arg6 : memref<40x128xi32, #tpu.memory_space<vmem>>)
      tpu.yield
    }) : () -> ()
    %mul3A_28 = arith.constant 80 : i32
    %mul3A_29 = arith.muli %add3A, %mul3A_28 : i32
    %add3A_30 = arith.constant 0 : i32
    %add3A_31 = arith.addi %mul3A_29, %add3A_30 : i32
    "tpu.region"() ({
      %run_scoped3A = tpu.sem_alloc : memref<!tpu.dma_semaphore, #tpu.memory_space<semaphore_mem>>
      %dma_start3A_143 = arith.constant 0 : i32
      %dma_start3A_144 = tpu.memref_slice %arg4[%add3A_31, %dma_start3A_143] : memref<2560x128xi32, #tpu.memory_space<hbm>> -> memref<40x128xi32, #tpu.memory_space<hbm>>
      %dma_start3A_145 = arith.constant 0 : i32
      %dma_start3A_146 = tpu.memref_slice %arg4[%add3A_31, %dma_start3A_145] : memref<2560x128xi32, #tpu.memory_space<hbm>> -> memref<40x128xi32, #tpu.memory_space<hbm>>
      tpu.enqueue_dma source(%dma_start3A_146 : memref<40x128xi32, #tpu.memory_space<hbm>>) target(%arg7 : memref<40x128xi32, #tpu.memory_space<vmem>>) target_semaphore(%run_scoped3A : memref<!tpu.dma_semaphore, #tpu.memory_space<semaphore_mem>>)
      %dma_wait3A_147 = arith.constant 0 : i32
      %dma_wait3A_148 = tpu.memref_slice %arg4[%add3A_31, %dma_wait3A_147] : memref<2560x128xi32, #tpu.memory_space<hbm>> -> memref<40x128xi32, #tpu.memory_space<hbm>>
      %dma_wait3A_149 = arith.constant 0 : i32
      %dma_wait3A_150 = tpu.memref_slice %arg4[%add3A_31, %dma_wait3A_149] : memref<2560x128xi32, #tpu.memory_space<hbm>> -> memref<40x128xi32, #tpu.memory_space<hbm>>
      tpu.wait_dma2 semaphore(%run_scoped3A : memref<!tpu.dma_semaphore, #tpu.memory_space<semaphore_mem>>) src(%dma_wait3A_150 : memref<40x128xi32, #tpu.memory_space<hbm>>) dst(%arg7 : memref<40x128xi32, #tpu.memory_space<vmem>>)
      tpu.yield
    }) : () -> ()
    %dma_start3A_32 = arith.constant 0 : i32
    %dma_start3A_33 = arith.constant 0 : i32
    %dma_start3A_34 = tpu.memref_slice %arg6[%dma_start3A_32, %dma_start3A_33] : memref<40x128xi32, #tpu.memory_space<vmem>> -> memref<1x128xi32, #tpu.memory_space<vmem>>
    %dma_start3A_35 = tpu.memref_squeeze %dma_start3A_34 : memref<1x128xi32, #tpu.memory_space<vmem>> -> memref<128xi32, #tpu.memory_space<vmem>>
    %dma_start3A_36 = arith.constant 0 : i32
    %dma_start3A_37 = arith.constant 0 : i32
    %dma_start3A_38 = tpu.memref_slice %arg12[%dma_start3A_36, %dma_start3A_37] : memref<10240x48xf32, #tpu.memory_space<vmem_shared>> -> memref<10240x48xf32, #tpu.memory_space<vmem_shared>>
    tpu.enqueue_indirect_dma source(%dma_start3A_38 : memref<10240x48xf32, #tpu.memory_space<vmem_shared>>) target(%arg8 : memref<128x48xf32, #tpu.memory_space<vmem>>) offsets(%dma_start3A_35 : memref<128xi32, #tpu.memory_space<vmem>>) semaphore(%arg14 : memref<!tpu.dma_semaphore, #tpu.memory_space<semaphore_mem>>)
    %dma_start3A_39 = arith.constant 1 : i32
    %dma_start3A_40 = arith.constant 0 : i32
    %dma_start3A_41 = tpu.memref_slice %arg6[%dma_start3A_39, %dma_start3A_40] : memref<40x128xi32, #tpu.memory_space<vmem>> -> memref<1x128xi32, #tpu.memory_space<vmem>>
    %dma_start3A_42 = tpu.memref_squeeze %dma_start3A_41 : memref<1x128xi32, #tpu.memory_space<vmem>> -> memref<128xi32, #tpu.memory_space<vmem>>
    %dma_start3A_43 = arith.constant 0 : i32
    %dma_start3A_44 = arith.constant 0 : i32
    %dma_start3A_45 = tpu.memref_slice %arg12[%dma_start3A_43, %dma_start3A_44] : memref<10240x48xf32, #tpu.memory_space<vmem_shared>> -> memref<10240x48xf32, #tpu.memory_space<vmem_shared>>
    tpu.enqueue_indirect_dma source(%dma_start3A_45 : memref<10240x48xf32, #tpu.memory_space<vmem_shared>>) target(%arg9 : memref<128x48xf32, #tpu.memory_space<vmem>>) offsets(%dma_start3A_42 : memref<128xi32, #tpu.memory_space<vmem>>) semaphore(%arg15 : memref<!tpu.dma_semaphore, #tpu.memory_space<semaphore_mem>>)
    %scan3A_46 = arith.constant 0 : i32
    %scan3A_47 = arith.constant 0 : i32
    %scan3A_48 = arith.constant 10 : i32
    %scan3A_49 = arith.addi %scan3A_47, %scan3A_48 : i32
    %scan3A_50 = arith.constant 1 : i32
    %scan3A_51 = scf.for %scan3A_143 = %scan3A_47 to %scan3A_49 step %scan3A_50 iter_args(%scan3A_144 = %scan3A_46) -> (i32)  : i32 {
      %mul3A_145 = arith.constant 4 : i32
      %mul3A_146 = arith.muli %scan3A_143, %mul3A_145 : i32
      %add3A_147 = arith.constant 0 : i32
      %add3A_148 = arith.addi %mul3A_146, %add3A_147 : i32
      %dma_wait3A_149 = arith.constant 0 : i32
      %dma_wait3A_150 = tpu.memref_slice %arg6[%add3A_148, %dma_wait3A_149] : memref<40x128xi32, #tpu.memory_space<vmem>> -> memref<1x128xi32, #tpu.memory_space<vmem>>
      %dma_wait3A_151 = tpu.memref_squeeze %dma_wait3A_150 : memref<1x128xi32, #tpu.memory_space<vmem>> -> memref<128xi32, #tpu.memory_space<vmem>>
      %dma_wait3A_152 = arith.constant 0 : i32
      %dma_wait3A_153 = arith.constant 0 : i32
      %dma_wait3A_154 = tpu.memref_slice %arg12[%dma_wait3A_152, %dma_wait3A_153] : memref<10240x48xf32, #tpu.memory_space<vmem_shared>> -> memref<10240x48xf32, #tpu.memory_space<vmem_shared>>
      tpu.wait_indirect_dma semaphore(%arg14 : memref<!tpu.dma_semaphore, #tpu.memory_space<semaphore_mem>>) src(%dma_wait3A_154 : memref<10240x48xf32, #tpu.memory_space<vmem_shared>>) dst(%arg8 : memref<128x48xf32, #tpu.memory_space<vmem>>)
      %dma_start3A_155 = arith.constant 0 : i32
      %dma_start3A_156 = tpu.memref_slice %arg7[%add3A_148, %dma_start3A_155] : memref<40x128xi32, #tpu.memory_space<vmem>> -> memref<1x128xi32, #tpu.memory_space<vmem>>
      %dma_start3A_157 = tpu.memref_squeeze %dma_start3A_156 : memref<1x128xi32, #tpu.memory_space<vmem>> -> memref<128xi32, #tpu.memory_space<vmem>>
      %dma_start3A_158 = arith.constant 0 : i32
      %dma_start3A_159 = arith.constant 0 : i32
      %dma_start3A_160 = tpu.memref_slice %arg13[%dma_start3A_158, %dma_start3A_159] : memref<10240x48xf32, #tpu.memory_space<vmem_shared>> -> memref<10240x48xf32, #tpu.memory_space<vmem_shared>>
      tpu.enqueue_indirect_dma source(%arg8 : memref<128x48xf32, #tpu.memory_space<vmem>>) target(%dma_start3A_160 : memref<10240x48xf32, #tpu.memory_space<vmem_shared>>) offsets(%dma_start3A_157 : memref<128xi32, #tpu.memory_space<vmem>>) semaphore(%arg18 : memref<!tpu.dma_semaphore, #tpu.memory_space<semaphore_mem>>) {add = true}
      %add3A_161 = arith.constant 2 : i32
      %add3A_162 = arith.addi %add3A_148, %add3A_161 : i32
      %lt3A = arith.constant 40 : i32
      %lt3A_163 = arith.cmpi slt, %add3A_162, %lt3A : i32
      %convert_element_type3A = arith.extui %lt3A_163 : i1 to i32
      %cond3A = arith.constant 0 : i32
      %cond3A_164 = arith.cmpi ne, %convert_element_type3A, %cond3A : i32
      scf.if %cond3A_164 {
        %ge3A = arith.constant 2 : i32
        %ge3A_235 = arith.cmpi sge, %add3A_148, %ge3A : i32
        %convert_element_type3A_236 = arith.extui %ge3A_235 : i1 to i32
        %cond3A_237 = arith.constant 0 : i32
        %cond3A_238 = arith.cmpi ne, %convert_element_type3A_236, %cond3A_237 : i32
        scf.if %cond3A_238 {
          %sub3A = arith.constant 2 : i32
          %sub3A_247 = arith.subi %add3A_148, %sub3A : i32
          %dma_wait3A_248 = arith.constant 0 : i32
          %dma_wait3A_249 = tpu.memref_slice %arg7[%sub3A_247, %dma_wait3A_248] : memref<40x128xi32, #tpu.memory_space<vmem>> -> memref<1x128xi32, #tpu.memory_space<vmem>>
          %dma_wait3A_250 = tpu.memref_squeeze %dma_wait3A_249 : memref<1x128xi32, #tpu.memory_space<vmem>> -> memref<128xi32, #tpu.memory_space<vmem>>
          %dma_wait3A_251 = arith.constant 0 : i32
          %dma_wait3A_252 = arith.constant 0 : i32
          %dma_wait3A_253 = tpu.memref_slice %arg13[%dma_wait3A_251, %dma_wait3A_252] : memref<10240x48xf32, #tpu.memory_space<vmem_shared>> -> memref<10240x48xf32, #tpu.memory_space<vmem_shared>>
          tpu.wait_indirect_dma semaphore(%arg20 : memref<!tpu.dma_semaphore, #tpu.memory_space<semaphore_mem>>) src(%arg10 : memref<128x48xf32, #tpu.memory_space<vmem>>) dst(%dma_wait3A_253 : memref<10240x48xf32, #tpu.memory_space<vmem_shared>>)
        } else {
        }
        %add3A_239 = arith.constant 2 : i32
        %add3A_240 = arith.addi %add3A_148, %add3A_239 : i32
        %dma_start3A_241 = arith.constant 0 : i32
        %dma_start3A_242 = tpu.memref_slice %arg6[%add3A_240, %dma_start3A_241] : memref<40x128xi32, #tpu.memory_space<vmem>> -> memref<1x128xi32, #tpu.memory_space<vmem>>
        %dma_start3A_243 = tpu.memref_squeeze %dma_start3A_242 : memref<1x128xi32, #tpu.memory_space<vmem>> -> memref<128xi32, #tpu.memory_space<vmem>>
        %dma_start3A_244 = arith.constant 0 : i32
        %dma_start3A_245 = arith.constant 0 : i32
        %dma_start3A_246 = tpu.memref_slice %arg12[%dma_start3A_244, %dma_start3A_245] : memref<10240x48xf32, #tpu.memory_space<vmem_shared>> -> memref<10240x48xf32, #tpu.memory_space<vmem_shared>>
        tpu.enqueue_indirect_dma source(%dma_start3A_246 : memref<10240x48xf32, #tpu.memory_space<vmem_shared>>) target(%arg10 : memref<128x48xf32, #tpu.memory_space<vmem>>) offsets(%dma_start3A_243 : memref<128xi32, #tpu.memory_space<vmem>>) semaphore(%arg16 : memref<!tpu.dma_semaphore, #tpu.memory_space<semaphore_mem>>)
      } else {
      }
      %mul3A_165 = arith.constant 4 : i32
      %mul3A_166 = arith.muli %scan3A_143, %mul3A_165 : i32
      %add3A_167 = arith.constant 1 : i32
      %add3A_168 = arith.addi %mul3A_166, %add3A_167 : i32
      %dma_wait3A_169 = arith.constant 0 : i32
      %dma_wait3A_170 = tpu.memref_slice %arg6[%add3A_168, %dma_wait3A_169] : memref<40x128xi32, #tpu.memory_space<vmem>> -> memref<1x128xi32, #tpu.memory_space<vmem>>
      %dma_wait3A_171 = tpu.memref_squeeze %dma_wait3A_170 : memref<1x128xi32, #tpu.memory_space<vmem>> -> memref<128xi32, #tpu.memory_space<vmem>>
      %dma_wait3A_172 = arith.constant 0 : i32
      %dma_wait3A_173 = arith.constant 0 : i32
      %dma_wait3A_174 = tpu.memref_slice %arg12[%dma_wait3A_172, %dma_wait3A_173] : memref<10240x48xf32, #tpu.memory_space<vmem_shared>> -> memref<10240x48xf32, #tpu.memory_space<vmem_shared>>
      tpu.wait_indirect_dma semaphore(%arg15 : memref<!tpu.dma_semaphore, #tpu.memory_space<semaphore_mem>>) src(%dma_wait3A_174 : memref<10240x48xf32, #tpu.memory_space<vmem_shared>>) dst(%arg9 : memref<128x48xf32, #tpu.memory_space<vmem>>)
      %dma_start3A_175 = arith.constant 0 : i32
      %dma_start3A_176 = tpu.memref_slice %arg7[%add3A_168, %dma_start3A_175] : memref<40x128xi32, #tpu.memory_space<vmem>> -> memref<1x128xi32, #tpu.memory_space<vmem>>
      %dma_start3A_177 = tpu.memref_squeeze %dma_start3A_176 : memref<1x128xi32, #tpu.memory_space<vmem>> -> memref<128xi32, #tpu.memory_space<vmem>>
      %dma_start3A_178 = arith.constant 0 : i32
      %dma_start3A_179 = arith.constant 0 : i32
      %dma_start3A_180 = tpu.memref_slice %arg13[%dma_start3A_178, %dma_start3A_179] : memref<10240x48xf32, #tpu.memory_space<vmem_shared>> -> memref<10240x48xf32, #tpu.memory_space<vmem_shared>>
      tpu.enqueue_indirect_dma source(%arg9 : memref<128x48xf32, #tpu.memory_space<vmem>>) target(%dma_start3A_180 : memref<10240x48xf32, #tpu.memory_space<vmem_shared>>) offsets(%dma_start3A_177 : memref<128xi32, #tpu.memory_space<vmem>>) semaphore(%arg19 : memref<!tpu.dma_semaphore, #tpu.memory_space<semaphore_mem>>) {add = true}
      %add3A_181 = arith.constant 2 : i32
      %add3A_182 = arith.addi %add3A_168, %add3A_181 : i32
      %lt3A_183 = arith.constant 40 : i32
      %lt3A_184 = arith.cmpi slt, %add3A_182, %lt3A_183 : i32
      %convert_element_type3A_185 = arith.extui %lt3A_184 : i1 to i32
      %cond3A_186 = arith.constant 0 : i32
      %cond3A_187 = arith.cmpi ne, %convert_element_type3A_185, %cond3A_186 : i32
      scf.if %cond3A_187 {
        %ge3A = arith.constant 2 : i32
        %ge3A_235 = arith.cmpi sge, %add3A_168, %ge3A : i32
        %convert_element_type3A_236 = arith.extui %ge3A_235 : i1 to i32
        %cond3A_237 = arith.constant 0 : i32
        %cond3A_238 = arith.cmpi ne, %convert_element_type3A_236, %cond3A_237 : i32
        scf.if %cond3A_238 {
          %sub3A = arith.constant 2 : i32
          %sub3A_247 = arith.subi %add3A_168, %sub3A : i32
          %dma_wait3A_248 = arith.constant 0 : i32
          %dma_wait3A_249 = tpu.memref_slice %arg7[%sub3A_247, %dma_wait3A_248] : memref<40x128xi32, #tpu.memory_space<vmem>> -> memref<1x128xi32, #tpu.memory_space<vmem>>
          %dma_wait3A_250 = tpu.memref_squeeze %dma_wait3A_249 : memref<1x128xi32, #tpu.memory_space<vmem>> -> memref<128xi32, #tpu.memory_space<vmem>>
          %dma_wait3A_251 = arith.constant 0 : i32
          %dma_wait3A_252 = arith.constant 0 : i32
          %dma_wait3A_253 = tpu.memref_slice %arg13[%dma_wait3A_251, %dma_wait3A_252] : memref<10240x48xf32, #tpu.memory_space<vmem_shared>> -> memref<10240x48xf32, #tpu.memory_space<vmem_shared>>
          tpu.wait_indirect_dma semaphore(%arg21 : memref<!tpu.dma_semaphore, #tpu.memory_space<semaphore_mem>>) src(%arg11 : memref<128x48xf32, #tpu.memory_space<vmem>>) dst(%dma_wait3A_253 : memref<10240x48xf32, #tpu.memory_space<vmem_shared>>)
        } else {
        }
        %add3A_239 = arith.constant 2 : i32
        %add3A_240 = arith.addi %add3A_168, %add3A_239 : i32
        %dma_start3A_241 = arith.constant 0 : i32
        %dma_start3A_242 = tpu.memref_slice %arg6[%add3A_240, %dma_start3A_241] : memref<40x128xi32, #tpu.memory_space<vmem>> -> memref<1x128xi32, #tpu.memory_space<vmem>>
        %dma_start3A_243 = tpu.memref_squeeze %dma_start3A_242 : memref<1x128xi32, #tpu.memory_space<vmem>> -> memref<128xi32, #tpu.memory_space<vmem>>
        %dma_start3A_244 = arith.constant 0 : i32
        %dma_start3A_245 = arith.constant 0 : i32
        %dma_start3A_246 = tpu.memref_slice %arg12[%dma_start3A_244, %dma_start3A_245] : memref<10240x48xf32, #tpu.memory_space<vmem_shared>> -> memref<10240x48xf32, #tpu.memory_space<vmem_shared>>
        tpu.enqueue_indirect_dma source(%dma_start3A_246 : memref<10240x48xf32, #tpu.memory_space<vmem_shared>>) target(%arg11 : memref<128x48xf32, #tpu.memory_space<vmem>>) offsets(%dma_start3A_243 : memref<128xi32, #tpu.memory_space<vmem>>) semaphore(%arg17 : memref<!tpu.dma_semaphore, #tpu.memory_space<semaphore_mem>>)
      } else {
      }
      %mul3A_188 = arith.constant 4 : i32
      %mul3A_189 = arith.muli %scan3A_143, %mul3A_188 : i32
      %add3A_190 = arith.constant 2 : i32
      %add3A_191 = arith.addi %mul3A_189, %add3A_190 : i32
      %dma_wait3A_192 = arith.constant 0 : i32
      %dma_wait3A_193 = tpu.memref_slice %arg6[%add3A_191, %dma_wait3A_192] : memref<40x128xi32, #tpu.memory_space<vmem>> -> memref<1x128xi32, #tpu.memory_space<vmem>>
      %dma_wait3A_194 = tpu.memref_squeeze %dma_wait3A_193 : memref<1x128xi32, #tpu.memory_space<vmem>> -> memref<128xi32, #tpu.memory_space<vmem>>
      %dma_wait3A_195 = arith.constant 0 : i32
      %dma_wait3A_196 = arith.constant 0 : i32
      %dma_wait3A_197 = tpu.memref_slice %arg12[%dma_wait3A_195, %dma_wait3A_196] : memref<10240x48xf32, #tpu.memory_space<vmem_shared>> -> memref<10240x48xf32, #tpu.memory_space<vmem_shared>>
      tpu.wait_indirect_dma semaphore(%arg16 : memref<!tpu.dma_semaphore, #tpu.memory_space<semaphore_mem>>) src(%dma_wait3A_197 : memref<10240x48xf32, #tpu.memory_space<vmem_shared>>) dst(%arg10 : memref<128x48xf32, #tpu.memory_space<vmem>>)
      %dma_start3A_198 = arith.constant 0 : i32
      %dma_start3A_199 = tpu.memref_slice %arg7[%add3A_191, %dma_start3A_198] : memref<40x128xi32, #tpu.memory_space<vmem>> -> memref<1x128xi32, #tpu.memory_space<vmem>>
      %dma_start3A_200 = tpu.memref_squeeze %dma_start3A_199 : memref<1x128xi32, #tpu.memory_space<vmem>> -> memref<128xi32, #tpu.memory_space<vmem>>
      %dma_start3A_201 = arith.constant 0 : i32
      %dma_start3A_202 = arith.constant 0 : i32
      %dma_start3A_203 = tpu.memref_slice %arg13[%dma_start3A_201, %dma_start3A_202] : memref<10240x48xf32, #tpu.memory_space<vmem_shared>> -> memref<10240x48xf32, #tpu.memory_space<vmem_shared>>
      tpu.enqueue_indirect_dma source(%arg10 : memref<128x48xf32, #tpu.memory_space<vmem>>) target(%dma_start3A_203 : memref<10240x48xf32, #tpu.memory_space<vmem_shared>>) offsets(%dma_start3A_200 : memref<128xi32, #tpu.memory_space<vmem>>) semaphore(%arg20 : memref<!tpu.dma_semaphore, #tpu.memory_space<semaphore_mem>>) {add = true}
      %add3A_204 = arith.constant 2 : i32
      %add3A_205 = arith.addi %add3A_191, %add3A_204 : i32
      %lt3A_206 = arith.constant 40 : i32
      %lt3A_207 = arith.cmpi slt, %add3A_205, %lt3A_206 : i32
      %convert_element_type3A_208 = arith.extui %lt3A_207 : i1 to i32
      %cond3A_209 = arith.constant 0 : i32
      %cond3A_210 = arith.cmpi ne, %convert_element_type3A_208, %cond3A_209 : i32
      scf.if %cond3A_210 {
        %ge3A = arith.constant 2 : i32
        %ge3A_235 = arith.cmpi sge, %add3A_191, %ge3A : i32
        %convert_element_type3A_236 = arith.extui %ge3A_235 : i1 to i32
        %cond3A_237 = arith.constant 0 : i32
        %cond3A_238 = arith.cmpi ne, %convert_element_type3A_236, %cond3A_237 : i32
        scf.if %cond3A_238 {
          %sub3A = arith.constant 2 : i32
          %sub3A_247 = arith.subi %add3A_191, %sub3A : i32
          %dma_wait3A_248 = arith.constant 0 : i32
          %dma_wait3A_249 = tpu.memref_slice %arg7[%sub3A_247, %dma_wait3A_248] : memref<40x128xi32, #tpu.memory_space<vmem>> -> memref<1x128xi32, #tpu.memory_space<vmem>>
          %dma_wait3A_250 = tpu.memref_squeeze %dma_wait3A_249 : memref<1x128xi32, #tpu.memory_space<vmem>> -> memref<128xi32, #tpu.memory_space<vmem>>
          %dma_wait3A_251 = arith.constant 0 : i32
          %dma_wait3A_252 = arith.constant 0 : i32
          %dma_wait3A_253 = tpu.memref_slice %arg13[%dma_wait3A_251, %dma_wait3A_252] : memref<10240x48xf32, #tpu.memory_space<vmem_shared>> -> memref<10240x48xf32, #tpu.memory_space<vmem_shared>>
          tpu.wait_indirect_dma semaphore(%arg18 : memref<!tpu.dma_semaphore, #tpu.memory_space<semaphore_mem>>) src(%arg8 : memref<128x48xf32, #tpu.memory_space<vmem>>) dst(%dma_wait3A_253 : memref<10240x48xf32, #tpu.memory_space<vmem_shared>>)
        } else {
        }
        %add3A_239 = arith.constant 2 : i32
        %add3A_240 = arith.addi %add3A_191, %add3A_239 : i32
        %dma_start3A_241 = arith.constant 0 : i32
        %dma_start3A_242 = tpu.memref_slice %arg6[%add3A_240, %dma_start3A_241] : memref<40x128xi32, #tpu.memory_space<vmem>> -> memref<1x128xi32, #tpu.memory_space<vmem>>
        %dma_start3A_243 = tpu.memref_squeeze %dma_start3A_242 : memref<1x128xi32, #tpu.memory_space<vmem>> -> memref<128xi32, #tpu.memory_space<vmem>>
        %dma_start3A_244 = arith.constant 0 : i32
        %dma_start3A_245 = arith.constant 0 : i32
        %dma_start3A_246 = tpu.memref_slice %arg12[%dma_start3A_244, %dma_start3A_245] : memref<10240x48xf32, #tpu.memory_space<vmem_shared>> -> memref<10240x48xf32, #tpu.memory_space<vmem_shared>>
        tpu.enqueue_indirect_dma source(%dma_start3A_246 : memref<10240x48xf32, #tpu.memory_space<vmem_shared>>) target(%arg8 : memref<128x48xf32, #tpu.memory_space<vmem>>) offsets(%dma_start3A_243 : memref<128xi32, #tpu.memory_space<vmem>>) semaphore(%arg14 : memref<!tpu.dma_semaphore, #tpu.memory_space<semaphore_mem>>)
      } else {
      }
      %mul3A_211 = arith.constant 4 : i32
      %mul3A_212 = arith.muli %scan3A_143, %mul3A_211 : i32
      %add3A_213 = arith.constant 3 : i32
      %add3A_214 = arith.addi %mul3A_212, %add3A_213 : i32
      %dma_wait3A_215 = arith.constant 0 : i32
      %dma_wait3A_216 = tpu.memref_slice %arg6[%add3A_214, %dma_wait3A_215] : memref<40x128xi32, #tpu.memory_space<vmem>> -> memref<1x128xi32, #tpu.memory_space<vmem>>
      %dma_wait3A_217 = tpu.memref_squeeze %dma_wait3A_216 : memref<1x128xi32, #tpu.memory_space<vmem>> -> memref<128xi32, #tpu.memory_space<vmem>>
      %dma_wait3A_218 = arith.constant 0 : i32
      %dma_wait3A_219 = arith.constant 0 : i32
      %dma_wait3A_220 = tpu.memref_slice %arg12[%dma_wait3A_218, %dma_wait3A_219] : memref<10240x48xf32, #tpu.memory_space<vmem_shared>> -> memref<10240x48xf32, #tpu.memory_space<vmem_shared>>
      tpu.wait_indirect_dma semaphore(%arg17 : memref<!tpu.dma_semaphore, #tpu.memory_space<semaphore_mem>>) src(%dma_wait3A_220 : memref<10240x48xf32, #tpu.memory_space<vmem_shared>>) dst(%arg11 : memref<128x48xf32, #tpu.memory_space<vmem>>)
      %dma_start3A_221 = arith.constant 0 : i32
      %dma_start3A_222 = tpu.memref_slice %arg7[%add3A_214, %dma_start3A_221] : memref<40x128xi32, #tpu.memory_space<vmem>> -> memref<1x128xi32, #tpu.memory_space<vmem>>
      %dma_start3A_223 = tpu.memref_squeeze %dma_start3A_222 : memref<1x128xi32, #tpu.memory_space<vmem>> -> memref<128xi32, #tpu.memory_space<vmem>>
      %dma_start3A_224 = arith.constant 0 : i32
      %dma_start3A_225 = arith.constant 0 : i32
      %dma_start3A_226 = tpu.memref_slice %arg13[%dma_start3A_224, %dma_start3A_225] : memref<10240x48xf32, #tpu.memory_space<vmem_shared>> -> memref<10240x48xf32, #tpu.memory_space<vmem_shared>>
      tpu.enqueue_indirect_dma source(%arg11 : memref<128x48xf32, #tpu.memory_space<vmem>>) target(%dma_start3A_226 : memref<10240x48xf32, #tpu.memory_space<vmem_shared>>) offsets(%dma_start3A_223 : memref<128xi32, #tpu.memory_space<vmem>>) semaphore(%arg21 : memref<!tpu.dma_semaphore, #tpu.memory_space<semaphore_mem>>) {add = true}
      %add3A_227 = arith.constant 2 : i32
      %add3A_228 = arith.addi %add3A_214, %add3A_227 : i32
      %lt3A_229 = arith.constant 40 : i32
      %lt3A_230 = arith.cmpi slt, %add3A_228, %lt3A_229 : i32
      %convert_element_type3A_231 = arith.extui %lt3A_230 : i1 to i32
      %cond3A_232 = arith.constant 0 : i32
      %cond3A_233 = arith.cmpi ne, %convert_element_type3A_231, %cond3A_232 : i32
      scf.if %cond3A_233 {
        %ge3A = arith.constant 2 : i32
        %ge3A_235 = arith.cmpi sge, %add3A_214, %ge3A : i32
        %convert_element_type3A_236 = arith.extui %ge3A_235 : i1 to i32
        %cond3A_237 = arith.constant 0 : i32
        %cond3A_238 = arith.cmpi ne, %convert_element_type3A_236, %cond3A_237 : i32
        scf.if %cond3A_238 {
          %sub3A = arith.constant 2 : i32
          %sub3A_247 = arith.subi %add3A_214, %sub3A : i32
          %dma_wait3A_248 = arith.constant 0 : i32
          %dma_wait3A_249 = tpu.memref_slice %arg7[%sub3A_247, %dma_wait3A_248] : memref<40x128xi32, #tpu.memory_space<vmem>> -> memref<1x128xi32, #tpu.memory_space<vmem>>
          %dma_wait3A_250 = tpu.memref_squeeze %dma_wait3A_249 : memref<1x128xi32, #tpu.memory_space<vmem>> -> memref<128xi32, #tpu.memory_space<vmem>>
          %dma_wait3A_251 = arith.constant 0 : i32
          %dma_wait3A_252 = arith.constant 0 : i32
          %dma_wait3A_253 = tpu.memref_slice %arg13[%dma_wait3A_251, %dma_wait3A_252] : memref<10240x48xf32, #tpu.memory_space<vmem_shared>> -> memref<10240x48xf32, #tpu.memory_space<vmem_shared>>
          tpu.wait_indirect_dma semaphore(%arg19 : memref<!tpu.dma_semaphore, #tpu.memory_space<semaphore_mem>>) src(%arg9 : memref<128x48xf32, #tpu.memory_space<vmem>>) dst(%dma_wait3A_253 : memref<10240x48xf32, #tpu.memory_space<vmem_shared>>)
        } else {
        }
        %add3A_239 = arith.constant 2 : i32
        %add3A_240 = arith.addi %add3A_214, %add3A_239 : i32
        %dma_start3A_241 = arith.constant 0 : i32
        %dma_start3A_242 = tpu.memref_slice %arg6[%add3A_240, %dma_start3A_241] : memref<40x128xi32, #tpu.memory_space<vmem>> -> memref<1x128xi32, #tpu.memory_space<vmem>>
        %dma_start3A_243 = tpu.memref_squeeze %dma_start3A_242 : memref<1x128xi32, #tpu.memory_space<vmem>> -> memref<128xi32, #tpu.memory_space<vmem>>
        %dma_start3A_244 = arith.constant 0 : i32
        %dma_start3A_245 = arith.constant 0 : i32
        %dma_start3A_246 = tpu.memref_slice %arg12[%dma_start3A_244, %dma_start3A_245] : memref<10240x48xf32, #tpu.memory_space<vmem_shared>> -> memref<10240x48xf32, #tpu.memory_space<vmem_shared>>
        tpu.enqueue_indirect_dma source(%dma_start3A_246 : memref<10240x48xf32, #tpu.memory_space<vmem_shared>>) target(%arg9 : memref<128x48xf32, #tpu.memory_space<vmem>>) offsets(%dma_start3A_243 : memref<128xi32, #tpu.memory_space<vmem>>) semaphore(%arg15 : memref<!tpu.dma_semaphore, #tpu.memory_space<semaphore_mem>>)
      } else {
      }
      %scan3A_234 = arith.constant 0 : i32
      scf.yield %scan3A_234 : i32
    }
    %scan3A_52 = arith.constant 10 : i32
    %dma_wait3A_53 = arith.constant 36 : i32
    %dma_wait3A_54 = arith.constant 0 : i32
    %dma_wait3A_55 = tpu.memref_slice %arg7[%dma_wait3A_53, %dma_wait3A_54] : memref<40x128xi32, #tpu.memory_space<vmem>> -> memref<1x128xi32, #tpu.memory_space<vmem>>
    %dma_wait3A_56 = tpu.memref_squeeze %dma_wait3A_55 : memref<1x128xi32, #tpu.memory_space<vmem>> -> memref<128xi32, #tpu.memory_space<vmem>>
    %dma_wait3A_57 = arith.constant 0 : i32
    %dma_wait3A_58 = arith.constant 0 : i32
    %dma_wait3A_59 = tpu.memref_slice %arg13[%dma_wait3A_57, %dma_wait3A_58] : memref<10240x48xf32, #tpu.memory_space<vmem_shared>> -> memref<10240x48xf32, #tpu.memory_space<vmem_shared>>
    tpu.wait_indirect_dma semaphore(%arg18 : memref<!tpu.dma_semaphore, #tpu.memory_space<semaphore_mem>>) src(%arg8 : memref<128x48xf32, #tpu.memory_space<vmem>>) dst(%dma_wait3A_59 : memref<10240x48xf32, #tpu.memory_space<vmem_shared>>)
    %dma_wait3A_60 = arith.constant 37 : i32
    %dma_wait3A_61 = arith.constant 0 : i32
    %dma_wait3A_62 = tpu.memref_slice %arg7[%dma_wait3A_60, %dma_wait3A_61] : memref<40x128xi32, #tpu.memory_space<vmem>> -> memref<1x128xi32, #tpu.memory_space<vmem>>
    %dma_wait3A_63 = tpu.memref_squeeze %dma_wait3A_62 : memref<1x128xi32, #tpu.memory_space<vmem>> -> memref<128xi32, #tpu.memory_space<vmem>>
    %dma_wait3A_64 = arith.constant 0 : i32
    %dma_wait3A_65 = arith.constant 0 : i32
    %dma_wait3A_66 = tpu.memref_slice %arg13[%dma_wait3A_64, %dma_wait3A_65] : memref<10240x48xf32, #tpu.memory_space<vmem_shared>> -> memref<10240x48xf32, #tpu.memory_space<vmem_shared>>
    tpu.wait_indirect_dma semaphore(%arg19 : memref<!tpu.dma_semaphore, #tpu.memory_space<semaphore_mem>>) src(%arg9 : memref<128x48xf32, #tpu.memory_space<vmem>>) dst(%dma_wait3A_66 : memref<10240x48xf32, #tpu.memory_space<vmem_shared>>)
    %dma_wait3A_67 = arith.constant 38 : i32
    %dma_wait3A_68 = arith.constant 0 : i32
    %dma_wait3A_69 = tpu.memref_slice %arg7[%dma_wait3A_67, %dma_wait3A_68] : memref<40x128xi32, #tpu.memory_space<vmem>> -> memref<1x128xi32, #tpu.memory_space<vmem>>
    %dma_wait3A_70 = tpu.memref_squeeze %dma_wait3A_69 : memref<1x128xi32, #tpu.memory_space<vmem>> -> memref<128xi32, #tpu.memory_space<vmem>>
    %dma_wait3A_71 = arith.constant 0 : i32
    %dma_wait3A_72 = arith.constant 0 : i32
    %dma_wait3A_73 = tpu.memref_slice %arg13[%dma_wait3A_71, %dma_wait3A_72] : memref<10240x48xf32, #tpu.memory_space<vmem_shared>> -> memref<10240x48xf32, #tpu.memory_space<vmem_shared>>
    tpu.wait_indirect_dma semaphore(%arg20 : memref<!tpu.dma_semaphore, #tpu.memory_space<semaphore_mem>>) src(%arg10 : memref<128x48xf32, #tpu.memory_space<vmem>>) dst(%dma_wait3A_73 : memref<10240x48xf32, #tpu.memory_space<vmem_shared>>)
    %dma_wait3A_74 = arith.constant 39 : i32
    %dma_wait3A_75 = arith.constant 0 : i32
    %dma_wait3A_76 = tpu.memref_slice %arg7[%dma_wait3A_74, %dma_wait3A_75] : memref<40x128xi32, #tpu.memory_space<vmem>> -> memref<1x128xi32, #tpu.memory_space<vmem>>
    %dma_wait3A_77 = tpu.memref_squeeze %dma_wait3A_76 : memref<1x128xi32, #tpu.memory_space<vmem>> -> memref<128xi32, #tpu.memory_space<vmem>>
    %dma_wait3A_78 = arith.constant 0 : i32
    %dma_wait3A_79 = arith.constant 0 : i32
    %dma_wait3A_80 = tpu.memref_slice %arg13[%dma_wait3A_78, %dma_wait3A_79] : memref<10240x48xf32, #tpu.memory_space<vmem_shared>> -> memref<10240x48xf32, #tpu.memory_space<vmem_shared>>
    tpu.wait_indirect_dma semaphore(%arg21 : memref<!tpu.dma_semaphore, #tpu.memory_space<semaphore_mem>>) src(%arg11 : memref<128x48xf32, #tpu.memory_space<vmem>>) dst(%dma_wait3A_80 : memref<10240x48xf32, #tpu.memory_space<vmem_shared>>)
    %mul3A_81 = arith.constant 80 : i32
    %mul3A_82 = arith.muli %add3A, %mul3A_81 : i32
    %add3A_83 = arith.constant 40 : i32
    %add3A_84 = arith.addi %mul3A_82, %add3A_83 : i32
    "tpu.region"() ({
      %run_scoped3A = tpu.sem_alloc : memref<!tpu.dma_semaphore, #tpu.memory_space<semaphore_mem>>
      %dma_start3A_143 = arith.constant 0 : i32
      %dma_start3A_144 = tpu.memref_slice %arg3[%add3A_84, %dma_start3A_143] : memref<2560x128xi32, #tpu.memory_space<hbm>> -> memref<40x128xi32, #tpu.memory_space<hbm>>
      %dma_start3A_145 = arith.constant 0 : i32
      %dma_start3A_146 = tpu.memref_slice %arg3[%add3A_84, %dma_start3A_145] : memref<2560x128xi32, #tpu.memory_space<hbm>> -> memref<40x128xi32, #tpu.memory_space<hbm>>
      tpu.enqueue_dma source(%dma_start3A_146 : memref<40x128xi32, #tpu.memory_space<hbm>>) target(%arg6 : memref<40x128xi32, #tpu.memory_space<vmem>>) target_semaphore(%run_scoped3A : memref<!tpu.dma_semaphore, #tpu.memory_space<semaphore_mem>>)
      %dma_wait3A_147 = arith.constant 0 : i32
      %dma_wait3A_148 = tpu.memref_slice %arg3[%add3A_84, %dma_wait3A_147] : memref<2560x128xi32, #tpu.memory_space<hbm>> -> memref<40x128xi32, #tpu.memory_space<hbm>>
      %dma_wait3A_149 = arith.constant 0 : i32
      %dma_wait3A_150 = tpu.memref_slice %arg3[%add3A_84, %dma_wait3A_149] : memref<2560x128xi32, #tpu.memory_space<hbm>> -> memref<40x128xi32, #tpu.memory_space<hbm>>
      tpu.wait_dma2 semaphore(%run_scoped3A : memref<!tpu.dma_semaphore, #tpu.memory_space<semaphore_mem>>) src(%dma_wait3A_150 : memref<40x128xi32, #tpu.memory_space<hbm>>) dst(%arg6 : memref<40x128xi32, #tpu.memory_space<vmem>>)
      tpu.yield
    }) : () -> ()
    %mul3A_85 = arith.constant 80 : i32
    %mul3A_86 = arith.muli %add3A, %mul3A_85 : i32
    %add3A_87 = arith.constant 40 : i32
    %add3A_88 = arith.addi %mul3A_86, %add3A_87 : i32
    "tpu.region"() ({
      %run_scoped3A = tpu.sem_alloc : memref<!tpu.dma_semaphore, #tpu.memory_space<semaphore_mem>>
      %dma_start3A_143 = arith.constant 0 : i32
      %dma_start3A_144 = tpu.memref_slice %arg4[%add3A_88, %dma_start3A_143] : memref<2560x128xi32, #tpu.memory_space<hbm>> -> memref<40x128xi32, #tpu.memory_space<hbm>>
      %dma_start3A_145 = arith.constant 0 : i32
      %dma_start3A_146 = tpu.memref_slice %arg4[%add3A_88, %dma_start3A_145] : memref<2560x128xi32, #tpu.memory_space<hbm>> -> memref<40x128xi32, #tpu.memory_space<hbm>>
      tpu.enqueue_dma source(%dma_start3A_146 : memref<40x128xi32, #tpu.memory_space<hbm>>) target(%arg7 : memref<40x128xi32, #tpu.memory_space<vmem>>) target_semaphore(%run_scoped3A : memref<!tpu.dma_semaphore, #tpu.memory_space<semaphore_mem>>)
      %dma_wait3A_147 = arith.constant 0 : i32
      %dma_wait3A_148 = tpu.memref_slice %arg4[%add3A_88, %dma_wait3A_147] : memref<2560x128xi32, #tpu.memory_space<hbm>> -> memref<40x128xi32, #tpu.memory_space<hbm>>
      %dma_wait3A_149 = arith.constant 0 : i32
      %dma_wait3A_150 = tpu.memref_slice %arg4[%add3A_88, %dma_wait3A_149] : memref<2560x128xi32, #tpu.memory_space<hbm>> -> memref<40x128xi32, #tpu.memory_space<hbm>>
      tpu.wait_dma2 semaphore(%run_scoped3A : memref<!tpu.dma_semaphore, #tpu.memory_space<semaphore_mem>>) src(%dma_wait3A_150 : memref<40x128xi32, #tpu.memory_space<hbm>>) dst(%arg7 : memref<40x128xi32, #tpu.memory_space<vmem>>)
      tpu.yield
    }) : () -> ()
    %dma_start3A_89 = arith.constant 0 : i32
    %dma_start3A_90 = arith.constant 0 : i32
    %dma_start3A_91 = tpu.memref_slice %arg6[%dma_start3A_89, %dma_start3A_90] : memref<40x128xi32, #tpu.memory_space<vmem>> -> memref<1x128xi32, #tpu.memory_space<vmem>>
    %dma_start3A_92 = tpu.memref_squeeze %dma_start3A_91 : memref<1x128xi32, #tpu.memory_space<vmem>> -> memref<128xi32, #tpu.memory_space<vmem>>
    %dma_start3A_93 = arith.constant 0 : i32
    %dma_start3A_94 = arith.constant 0 : i32
    %dma_start3A_95 = tpu.memref_slice %arg12[%dma_start3A_93, %dma_start3A_94] : memref<10240x48xf32, #tpu.memory_space<vmem_shared>> -> memref<10240x48xf32, #tpu.memory_space<vmem_shared>>
    tpu.enqueue_indirect_dma source(%dma_start3A_95 : memref<10240x48xf32, #tpu.memory_space<vmem_shared>>) target(%arg8 : memref<128x48xf32, #tpu.memory_space<vmem>>) offsets(%dma_start3A_92 : memref<128xi32, #tpu.memory_space<vmem>>) semaphore(%arg14 : memref<!tpu.dma_semaphore, #tpu.memory_space<semaphore_mem>>)
    %dma_start3A_96 = arith.constant 1 : i32
    %dma_start3A_97 = arith.constant 0 : i32
    %dma_start3A_98 = tpu.memref_slice %arg6[%dma_start3A_96, %dma_start3A_97] : memref<40x128xi32, #tpu.memory_space<vmem>> -> memref<1x128xi32, #tpu.memory_space<vmem>>
    %dma_start3A_99 = tpu.memref_squeeze %dma_start3A_98 : memref<1x128xi32, #tpu.memory_space<vmem>> -> memref<128xi32, #tpu.memory_space<vmem>>
    %dma_start3A_100 = arith.constant 0 : i32
    %dma_start3A_101 = arith.constant 0 : i32
    %dma_start3A_102 = tpu.memref_slice %arg12[%dma_start3A_100, %dma_start3A_101] : memref<10240x48xf32, #tpu.memory_space<vmem_shared>> -> memref<10240x48xf32, #tpu.memory_space<vmem_shared>>
    tpu.enqueue_indirect_dma source(%dma_start3A_102 : memref<10240x48xf32, #tpu.memory_space<vmem_shared>>) target(%arg9 : memref<128x48xf32, #tpu.memory_space<vmem>>) offsets(%dma_start3A_99 : memref<128xi32, #tpu.memory_space<vmem>>) semaphore(%arg15 : memref<!tpu.dma_semaphore, #tpu.memory_space<semaphore_mem>>)
    %scan3A_103 = arith.constant 0 : i32
    %scan3A_104 = arith.constant 0 : i32
    %scan3A_105 = arith.constant 10 : i32
    %scan3A_106 = arith.addi %scan3A_104, %scan3A_105 : i32
    %scan3A_107 = arith.constant 1 : i32
    %scan3A_108 = scf.for %scan3A_143 = %scan3A_104 to %scan3A_106 step %scan3A_107 iter_args(%scan3A_144 = %scan3A_103) -> (i32)  : i32 {
      %mul3A_145 = arith.constant 4 : i32
      %mul3A_146 = arith.muli %scan3A_143, %mul3A_145 : i32
      %add3A_147 = arith.constant 0 : i32
      %add3A_148 = arith.addi %mul3A_146, %add3A_147 : i32
      %dma_wait3A_149 = arith.constant 0 : i32
      %dma_wait3A_150 = tpu.memref_slice %arg6[%add3A_148, %dma_wait3A_149] : memref<40x128xi32, #tpu.memory_space<vmem>> -> memref<1x128xi32, #tpu.memory_space<vmem>>
      %dma_wait3A_151 = tpu.memref_squeeze %dma_wait3A_150 : memref<1x128xi32, #tpu.memory_space<vmem>> -> memref<128xi32, #tpu.memory_space<vmem>>
      %dma_wait3A_152 = arith.constant 0 : i32
      %dma_wait3A_153 = arith.constant 0 : i32
      %dma_wait3A_154 = tpu.memref_slice %arg12[%dma_wait3A_152, %dma_wait3A_153] : memref<10240x48xf32, #tpu.memory_space<vmem_shared>> -> memref<10240x48xf32, #tpu.memory_space<vmem_shared>>
      tpu.wait_indirect_dma semaphore(%arg14 : memref<!tpu.dma_semaphore, #tpu.memory_space<semaphore_mem>>) src(%dma_wait3A_154 : memref<10240x48xf32, #tpu.memory_space<vmem_shared>>) dst(%arg8 : memref<128x48xf32, #tpu.memory_space<vmem>>)
      %dma_start3A_155 = arith.constant 0 : i32
      %dma_start3A_156 = tpu.memref_slice %arg7[%add3A_148, %dma_start3A_155] : memref<40x128xi32, #tpu.memory_space<vmem>> -> memref<1x128xi32, #tpu.memory_space<vmem>>
      %dma_start3A_157 = tpu.memref_squeeze %dma_start3A_156 : memref<1x128xi32, #tpu.memory_space<vmem>> -> memref<128xi32, #tpu.memory_space<vmem>>
      %dma_start3A_158 = arith.constant 0 : i32
      %dma_start3A_159 = arith.constant 0 : i32
      %dma_start3A_160 = tpu.memref_slice %arg13[%dma_start3A_158, %dma_start3A_159] : memref<10240x48xf32, #tpu.memory_space<vmem_shared>> -> memref<10240x48xf32, #tpu.memory_space<vmem_shared>>
      tpu.enqueue_indirect_dma source(%arg8 : memref<128x48xf32, #tpu.memory_space<vmem>>) target(%dma_start3A_160 : memref<10240x48xf32, #tpu.memory_space<vmem_shared>>) offsets(%dma_start3A_157 : memref<128xi32, #tpu.memory_space<vmem>>) semaphore(%arg18 : memref<!tpu.dma_semaphore, #tpu.memory_space<semaphore_mem>>) {add = true}
      %add3A_161 = arith.constant 2 : i32
      %add3A_162 = arith.addi %add3A_148, %add3A_161 : i32
      %lt3A = arith.constant 40 : i32
      %lt3A_163 = arith.cmpi slt, %add3A_162, %lt3A : i32
      %convert_element_type3A = arith.extui %lt3A_163 : i1 to i32
      %cond3A = arith.constant 0 : i32
      %cond3A_164 = arith.cmpi ne, %convert_element_type3A, %cond3A : i32
      scf.if %cond3A_164 {
        %ge3A = arith.constant 2 : i32
        %ge3A_235 = arith.cmpi sge, %add3A_148, %ge3A : i32
        %convert_element_type3A_236 = arith.extui %ge3A_235 : i1 to i32
        %cond3A_237 = arith.constant 0 : i32
        %cond3A_238 = arith.cmpi ne, %convert_element_type3A_236, %cond3A_237 : i32
        scf.if %cond3A_238 {
          %sub3A = arith.constant 2 : i32
          %sub3A_247 = arith.subi %add3A_148, %sub3A : i32
          %dma_wait3A_248 = arith.constant 0 : i32
          %dma_wait3A_249 = tpu.memref_slice %arg7[%sub3A_247, %dma_wait3A_248] : memref<40x128xi32, #tpu.memory_space<vmem>> -> memref<1x128xi32, #tpu.memory_space<vmem>>
          %dma_wait3A_250 = tpu.memref_squeeze %dma_wait3A_249 : memref<1x128xi32, #tpu.memory_space<vmem>> -> memref<128xi32, #tpu.memory_space<vmem>>
          %dma_wait3A_251 = arith.constant 0 : i32
          %dma_wait3A_252 = arith.constant 0 : i32
          %dma_wait3A_253 = tpu.memref_slice %arg13[%dma_wait3A_251, %dma_wait3A_252] : memref<10240x48xf32, #tpu.memory_space<vmem_shared>> -> memref<10240x48xf32, #tpu.memory_space<vmem_shared>>
          tpu.wait_indirect_dma semaphore(%arg20 : memref<!tpu.dma_semaphore, #tpu.memory_space<semaphore_mem>>) src(%arg10 : memref<128x48xf32, #tpu.memory_space<vmem>>) dst(%dma_wait3A_253 : memref<10240x48xf32, #tpu.memory_space<vmem_shared>>)
        } else {
        }
        %add3A_239 = arith.constant 2 : i32
        %add3A_240 = arith.addi %add3A_148, %add3A_239 : i32
        %dma_start3A_241 = arith.constant 0 : i32
        %dma_start3A_242 = tpu.memref_slice %arg6[%add3A_240, %dma_start3A_241] : memref<40x128xi32, #tpu.memory_space<vmem>> -> memref<1x128xi32, #tpu.memory_space<vmem>>
        %dma_start3A_243 = tpu.memref_squeeze %dma_start3A_242 : memref<1x128xi32, #tpu.memory_space<vmem>> -> memref<128xi32, #tpu.memory_space<vmem>>
        %dma_start3A_244 = arith.constant 0 : i32
        %dma_start3A_245 = arith.constant 0 : i32
        %dma_start3A_246 = tpu.memref_slice %arg12[%dma_start3A_244, %dma_start3A_245] : memref<10240x48xf32, #tpu.memory_space<vmem_shared>> -> memref<10240x48xf32, #tpu.memory_space<vmem_shared>>
        tpu.enqueue_indirect_dma source(%dma_start3A_246 : memref<10240x48xf32, #tpu.memory_space<vmem_shared>>) target(%arg10 : memref<128x48xf32, #tpu.memory_space<vmem>>) offsets(%dma_start3A_243 : memref<128xi32, #tpu.memory_space<vmem>>) semaphore(%arg16 : memref<!tpu.dma_semaphore, #tpu.memory_space<semaphore_mem>>)
      } else {
      }
      %mul3A_165 = arith.constant 4 : i32
      %mul3A_166 = arith.muli %scan3A_143, %mul3A_165 : i32
      %add3A_167 = arith.constant 1 : i32
      %add3A_168 = arith.addi %mul3A_166, %add3A_167 : i32
      %dma_wait3A_169 = arith.constant 0 : i32
      %dma_wait3A_170 = tpu.memref_slice %arg6[%add3A_168, %dma_wait3A_169] : memref<40x128xi32, #tpu.memory_space<vmem>> -> memref<1x128xi32, #tpu.memory_space<vmem>>
      %dma_wait3A_171 = tpu.memref_squeeze %dma_wait3A_170 : memref<1x128xi32, #tpu.memory_space<vmem>> -> memref<128xi32, #tpu.memory_space<vmem>>
      %dma_wait3A_172 = arith.constant 0 : i32
      %dma_wait3A_173 = arith.constant 0 : i32
      %dma_wait3A_174 = tpu.memref_slice %arg12[%dma_wait3A_172, %dma_wait3A_173] : memref<10240x48xf32, #tpu.memory_space<vmem_shared>> -> memref<10240x48xf32, #tpu.memory_space<vmem_shared>>
      tpu.wait_indirect_dma semaphore(%arg15 : memref<!tpu.dma_semaphore, #tpu.memory_space<semaphore_mem>>) src(%dma_wait3A_174 : memref<10240x48xf32, #tpu.memory_space<vmem_shared>>) dst(%arg9 : memref<128x48xf32, #tpu.memory_space<vmem>>)
      %dma_start3A_175 = arith.constant 0 : i32
      %dma_start3A_176 = tpu.memref_slice %arg7[%add3A_168, %dma_start3A_175] : memref<40x128xi32, #tpu.memory_space<vmem>> -> memref<1x128xi32, #tpu.memory_space<vmem>>
      %dma_start3A_177 = tpu.memref_squeeze %dma_start3A_176 : memref<1x128xi32, #tpu.memory_space<vmem>> -> memref<128xi32, #tpu.memory_space<vmem>>
      %dma_start3A_178 = arith.constant 0 : i32
      %dma_start3A_179 = arith.constant 0 : i32
      %dma_start3A_180 = tpu.memref_slice %arg13[%dma_start3A_178, %dma_start3A_179] : memref<10240x48xf32, #tpu.memory_space<vmem_shared>> -> memref<10240x48xf32, #tpu.memory_space<vmem_shared>>
      tpu.enqueue_indirect_dma source(%arg9 : memref<128x48xf32, #tpu.memory_space<vmem>>) target(%dma_start3A_180 : memref<10240x48xf32, #tpu.memory_space<vmem_shared>>) offsets(%dma_start3A_177 : memref<128xi32, #tpu.memory_space<vmem>>) semaphore(%arg19 : memref<!tpu.dma_semaphore, #tpu.memory_space<semaphore_mem>>) {add = true}
      %add3A_181 = arith.constant 2 : i32
      %add3A_182 = arith.addi %add3A_168, %add3A_181 : i32
      %lt3A_183 = arith.constant 40 : i32
      %lt3A_184 = arith.cmpi slt, %add3A_182, %lt3A_183 : i32
      %convert_element_type3A_185 = arith.extui %lt3A_184 : i1 to i32
      %cond3A_186 = arith.constant 0 : i32
      %cond3A_187 = arith.cmpi ne, %convert_element_type3A_185, %cond3A_186 : i32
      scf.if %cond3A_187 {
        %ge3A = arith.constant 2 : i32
        %ge3A_235 = arith.cmpi sge, %add3A_168, %ge3A : i32
        %convert_element_type3A_236 = arith.extui %ge3A_235 : i1 to i32
        %cond3A_237 = arith.constant 0 : i32
        %cond3A_238 = arith.cmpi ne, %convert_element_type3A_236, %cond3A_237 : i32
        scf.if %cond3A_238 {
          %sub3A = arith.constant 2 : i32
          %sub3A_247 = arith.subi %add3A_168, %sub3A : i32
          %dma_wait3A_248 = arith.constant 0 : i32
          %dma_wait3A_249 = tpu.memref_slice %arg7[%sub3A_247, %dma_wait3A_248] : memref<40x128xi32, #tpu.memory_space<vmem>> -> memref<1x128xi32, #tpu.memory_space<vmem>>
          %dma_wait3A_250 = tpu.memref_squeeze %dma_wait3A_249 : memref<1x128xi32, #tpu.memory_space<vmem>> -> memref<128xi32, #tpu.memory_space<vmem>>
          %dma_wait3A_251 = arith.constant 0 : i32
          %dma_wait3A_252 = arith.constant 0 : i32
          %dma_wait3A_253 = tpu.memref_slice %arg13[%dma_wait3A_251, %dma_wait3A_252] : memref<10240x48xf32, #tpu.memory_space<vmem_shared>> -> memref<10240x48xf32, #tpu.memory_space<vmem_shared>>
          tpu.wait_indirect_dma semaphore(%arg21 : memref<!tpu.dma_semaphore, #tpu.memory_space<semaphore_mem>>) src(%arg11 : memref<128x48xf32, #tpu.memory_space<vmem>>) dst(%dma_wait3A_253 : memref<10240x48xf32, #tpu.memory_space<vmem_shared>>)
        } else {
        }
        %add3A_239 = arith.constant 2 : i32
        %add3A_240 = arith.addi %add3A_168, %add3A_239 : i32
        %dma_start3A_241 = arith.constant 0 : i32
        %dma_start3A_242 = tpu.memref_slice %arg6[%add3A_240, %dma_start3A_241] : memref<40x128xi32, #tpu.memory_space<vmem>> -> memref<1x128xi32, #tpu.memory_space<vmem>>
        %dma_start3A_243 = tpu.memref_squeeze %dma_start3A_242 : memref<1x128xi32, #tpu.memory_space<vmem>> -> memref<128xi32, #tpu.memory_space<vmem>>
        %dma_start3A_244 = arith.constant 0 : i32
        %dma_start3A_245 = arith.constant 0 : i32
        %dma_start3A_246 = tpu.memref_slice %arg12[%dma_start3A_244, %dma_start3A_245] : memref<10240x48xf32, #tpu.memory_space<vmem_shared>> -> memref<10240x48xf32, #tpu.memory_space<vmem_shared>>
        tpu.enqueue_indirect_dma source(%dma_start3A_246 : memref<10240x48xf32, #tpu.memory_space<vmem_shared>>) target(%arg11 : memref<128x48xf32, #tpu.memory_space<vmem>>) offsets(%dma_start3A_243 : memref<128xi32, #tpu.memory_space<vmem>>) semaphore(%arg17 : memref<!tpu.dma_semaphore, #tpu.memory_space<semaphore_mem>>)
      } else {
      }
      %mul3A_188 = arith.constant 4 : i32
      %mul3A_189 = arith.muli %scan3A_143, %mul3A_188 : i32
      %add3A_190 = arith.constant 2 : i32
      %add3A_191 = arith.addi %mul3A_189, %add3A_190 : i32
      %dma_wait3A_192 = arith.constant 0 : i32
      %dma_wait3A_193 = tpu.memref_slice %arg6[%add3A_191, %dma_wait3A_192] : memref<40x128xi32, #tpu.memory_space<vmem>> -> memref<1x128xi32, #tpu.memory_space<vmem>>
      %dma_wait3A_194 = tpu.memref_squeeze %dma_wait3A_193 : memref<1x128xi32, #tpu.memory_space<vmem>> -> memref<128xi32, #tpu.memory_space<vmem>>
      %dma_wait3A_195 = arith.constant 0 : i32
      %dma_wait3A_196 = arith.constant 0 : i32
      %dma_wait3A_197 = tpu.memref_slice %arg12[%dma_wait3A_195, %dma_wait3A_196] : memref<10240x48xf32, #tpu.memory_space<vmem_shared>> -> memref<10240x48xf32, #tpu.memory_space<vmem_shared>>
      tpu.wait_indirect_dma semaphore(%arg16 : memref<!tpu.dma_semaphore, #tpu.memory_space<semaphore_mem>>) src(%dma_wait3A_197 : memref<10240x48xf32, #tpu.memory_space<vmem_shared>>) dst(%arg10 : memref<128x48xf32, #tpu.memory_space<vmem>>)
      %dma_start3A_198 = arith.constant 0 : i32
      %dma_start3A_199 = tpu.memref_slice %arg7[%add3A_191, %dma_start3A_198] : memref<40x128xi32, #tpu.memory_space<vmem>> -> memref<1x128xi32, #tpu.memory_space<vmem>>
      %dma_start3A_200 = tpu.memref_squeeze %dma_start3A_199 : memref<1x128xi32, #tpu.memory_space<vmem>> -> memref<128xi32, #tpu.memory_space<vmem>>
      %dma_start3A_201 = arith.constant 0 : i32
      %dma_start3A_202 = arith.constant 0 : i32
      %dma_start3A_203 = tpu.memref_slice %arg13[%dma_start3A_201, %dma_start3A_202] : memref<10240x48xf32, #tpu.memory_space<vmem_shared>> -> memref<10240x48xf32, #tpu.memory_space<vmem_shared>>
      tpu.enqueue_indirect_dma source(%arg10 : memref<128x48xf32, #tpu.memory_space<vmem>>) target(%dma_start3A_203 : memref<10240x48xf32, #tpu.memory_space<vmem_shared>>) offsets(%dma_start3A_200 : memref<128xi32, #tpu.memory_space<vmem>>) semaphore(%arg20 : memref<!tpu.dma_semaphore, #tpu.memory_space<semaphore_mem>>) {add = true}
      %add3A_204 = arith.constant 2 : i32
      %add3A_205 = arith.addi %add3A_191, %add3A_204 : i32
      %lt3A_206 = arith.constant 40 : i32
      %lt3A_207 = arith.cmpi slt, %add3A_205, %lt3A_206 : i32
      %convert_element_type3A_208 = arith.extui %lt3A_207 : i1 to i32
      %cond3A_209 = arith.constant 0 : i32
      %cond3A_210 = arith.cmpi ne, %convert_element_type3A_208, %cond3A_209 : i32
      scf.if %cond3A_210 {
        %ge3A = arith.constant 2 : i32
        %ge3A_235 = arith.cmpi sge, %add3A_191, %ge3A : i32
        %convert_element_type3A_236 = arith.extui %ge3A_235 : i1 to i32
        %cond3A_237 = arith.constant 0 : i32
        %cond3A_238 = arith.cmpi ne, %convert_element_type3A_236, %cond3A_237 : i32
        scf.if %cond3A_238 {
          %sub3A = arith.constant 2 : i32
          %sub3A_247 = arith.subi %add3A_191, %sub3A : i32
          %dma_wait3A_248 = arith.constant 0 : i32
          %dma_wait3A_249 = tpu.memref_slice %arg7[%sub3A_247, %dma_wait3A_248] : memref<40x128xi32, #tpu.memory_space<vmem>> -> memref<1x128xi32, #tpu.memory_space<vmem>>
          %dma_wait3A_250 = tpu.memref_squeeze %dma_wait3A_249 : memref<1x128xi32, #tpu.memory_space<vmem>> -> memref<128xi32, #tpu.memory_space<vmem>>
          %dma_wait3A_251 = arith.constant 0 : i32
          %dma_wait3A_252 = arith.constant 0 : i32
          %dma_wait3A_253 = tpu.memref_slice %arg13[%dma_wait3A_251, %dma_wait3A_252] : memref<10240x48xf32, #tpu.memory_space<vmem_shared>> -> memref<10240x48xf32, #tpu.memory_space<vmem_shared>>
          tpu.wait_indirect_dma semaphore(%arg18 : memref<!tpu.dma_semaphore, #tpu.memory_space<semaphore_mem>>) src(%arg8 : memref<128x48xf32, #tpu.memory_space<vmem>>) dst(%dma_wait3A_253 : memref<10240x48xf32, #tpu.memory_space<vmem_shared>>)
        } else {
        }
        %add3A_239 = arith.constant 2 : i32
        %add3A_240 = arith.addi %add3A_191, %add3A_239 : i32
        %dma_start3A_241 = arith.constant 0 : i32
        %dma_start3A_242 = tpu.memref_slice %arg6[%add3A_240, %dma_start3A_241] : memref<40x128xi32, #tpu.memory_space<vmem>> -> memref<1x128xi32, #tpu.memory_space<vmem>>
        %dma_start3A_243 = tpu.memref_squeeze %dma_start3A_242 : memref<1x128xi32, #tpu.memory_space<vmem>> -> memref<128xi32, #tpu.memory_space<vmem>>
        %dma_start3A_244 = arith.constant 0 : i32
        %dma_start3A_245 = arith.constant 0 : i32
        %dma_start3A_246 = tpu.memref_slice %arg12[%dma_start3A_244, %dma_start3A_245] : memref<10240x48xf32, #tpu.memory_space<vmem_shared>> -> memref<10240x48xf32, #tpu.memory_space<vmem_shared>>
        tpu.enqueue_indirect_dma source(%dma_start3A_246 : memref<10240x48xf32, #tpu.memory_space<vmem_shared>>) target(%arg8 : memref<128x48xf32, #tpu.memory_space<vmem>>) offsets(%dma_start3A_243 : memref<128xi32, #tpu.memory_space<vmem>>) semaphore(%arg14 : memref<!tpu.dma_semaphore, #tpu.memory_space<semaphore_mem>>)
      } else {
      }
      %mul3A_211 = arith.constant 4 : i32
      %mul3A_212 = arith.muli %scan3A_143, %mul3A_211 : i32
      %add3A_213 = arith.constant 3 : i32
      %add3A_214 = arith.addi %mul3A_212, %add3A_213 : i32
      %dma_wait3A_215 = arith.constant 0 : i32
      %dma_wait3A_216 = tpu.memref_slice %arg6[%add3A_214, %dma_wait3A_215] : memref<40x128xi32, #tpu.memory_space<vmem>> -> memref<1x128xi32, #tpu.memory_space<vmem>>
      %dma_wait3A_217 = tpu.memref_squeeze %dma_wait3A_216 : memref<1x128xi32, #tpu.memory_space<vmem>> -> memref<128xi32, #tpu.memory_space<vmem>>
      %dma_wait3A_218 = arith.constant 0 : i32
      %dma_wait3A_219 = arith.constant 0 : i32
      %dma_wait3A_220 = tpu.memref_slice %arg12[%dma_wait3A_218, %dma_wait3A_219] : memref<10240x48xf32, #tpu.memory_space<vmem_shared>> -> memref<10240x48xf32, #tpu.memory_space<vmem_shared>>
      tpu.wait_indirect_dma semaphore(%arg17 : memref<!tpu.dma_semaphore, #tpu.memory_space<semaphore_mem>>) src(%dma_wait3A_220 : memref<10240x48xf32, #tpu.memory_space<vmem_shared>>) dst(%arg11 : memref<128x48xf32, #tpu.memory_space<vmem>>)
      %dma_start3A_221 = arith.constant 0 : i32
      %dma_start3A_222 = tpu.memref_slice %arg7[%add3A_214, %dma_start3A_221] : memref<40x128xi32, #tpu.memory_space<vmem>> -> memref<1x128xi32, #tpu.memory_space<vmem>>
      %dma_start3A_223 = tpu.memref_squeeze %dma_start3A_222 : memref<1x128xi32, #tpu.memory_space<vmem>> -> memref<128xi32, #tpu.memory_space<vmem>>
      %dma_start3A_224 = arith.constant 0 : i32
      %dma_start3A_225 = arith.constant 0 : i32
      %dma_start3A_226 = tpu.memref_slice %arg13[%dma_start3A_224, %dma_start3A_225] : memref<10240x48xf32, #tpu.memory_space<vmem_shared>> -> memref<10240x48xf32, #tpu.memory_space<vmem_shared>>
      tpu.enqueue_indirect_dma source(%arg11 : memref<128x48xf32, #tpu.memory_space<vmem>>) target(%dma_start3A_226 : memref<10240x48xf32, #tpu.memory_space<vmem_shared>>) offsets(%dma_start3A_223 : memref<128xi32, #tpu.memory_space<vmem>>) semaphore(%arg21 : memref<!tpu.dma_semaphore, #tpu.memory_space<semaphore_mem>>) {add = true}
      %add3A_227 = arith.constant 2 : i32
      %add3A_228 = arith.addi %add3A_214, %add3A_227 : i32
      %lt3A_229 = arith.constant 40 : i32
      %lt3A_230 = arith.cmpi slt, %add3A_228, %lt3A_229 : i32
      %convert_element_type3A_231 = arith.extui %lt3A_230 : i1 to i32
      %cond3A_232 = arith.constant 0 : i32
      %cond3A_233 = arith.cmpi ne, %convert_element_type3A_231, %cond3A_232 : i32
      scf.if %cond3A_233 {
        %ge3A = arith.constant 2 : i32
        %ge3A_235 = arith.cmpi sge, %add3A_214, %ge3A : i32
        %convert_element_type3A_236 = arith.extui %ge3A_235 : i1 to i32
        %cond3A_237 = arith.constant 0 : i32
        %cond3A_238 = arith.cmpi ne, %convert_element_type3A_236, %cond3A_237 : i32
        scf.if %cond3A_238 {
          %sub3A = arith.constant 2 : i32
          %sub3A_247 = arith.subi %add3A_214, %sub3A : i32
          %dma_wait3A_248 = arith.constant 0 : i32
          %dma_wait3A_249 = tpu.memref_slice %arg7[%sub3A_247, %dma_wait3A_248] : memref<40x128xi32, #tpu.memory_space<vmem>> -> memref<1x128xi32, #tpu.memory_space<vmem>>
          %dma_wait3A_250 = tpu.memref_squeeze %dma_wait3A_249 : memref<1x128xi32, #tpu.memory_space<vmem>> -> memref<128xi32, #tpu.memory_space<vmem>>
          %dma_wait3A_251 = arith.constant 0 : i32
          %dma_wait3A_252 = arith.constant 0 : i32
          %dma_wait3A_253 = tpu.memref_slice %arg13[%dma_wait3A_251, %dma_wait3A_252] : memref<10240x48xf32, #tpu.memory_space<vmem_shared>> -> memref<10240x48xf32, #tpu.memory_space<vmem_shared>>
          tpu.wait_indirect_dma semaphore(%arg19 : memref<!tpu.dma_semaphore, #tpu.memory_space<semaphore_mem>>) src(%arg9 : memref<128x48xf32, #tpu.memory_space<vmem>>) dst(%dma_wait3A_253 : memref<10240x48xf32, #tpu.memory_space<vmem_shared>>)
        } else {
        }
        %add3A_239 = arith.constant 2 : i32
        %add3A_240 = arith.addi %add3A_214, %add3A_239 : i32
        %dma_start3A_241 = arith.constant 0 : i32
        %dma_start3A_242 = tpu.memref_slice %arg6[%add3A_240, %dma_start3A_241] : memref<40x128xi32, #tpu.memory_space<vmem>> -> memref<1x128xi32, #tpu.memory_space<vmem>>
        %dma_start3A_243 = tpu.memref_squeeze %dma_start3A_242 : memref<1x128xi32, #tpu.memory_space<vmem>> -> memref<128xi32, #tpu.memory_space<vmem>>
        %dma_start3A_244 = arith.constant 0 : i32
        %dma_start3A_245 = arith.constant 0 : i32
        %dma_start3A_246 = tpu.memref_slice %arg12[%dma_start3A_244, %dma_start3A_245] : memref<10240x48xf32, #tpu.memory_space<vmem_shared>> -> memref<10240x48xf32, #tpu.memory_space<vmem_shared>>
        tpu.enqueue_indirect_dma source(%dma_start3A_246 : memref<10240x48xf32, #tpu.memory_space<vmem_shared>>) target(%arg9 : memref<128x48xf32, #tpu.memory_space<vmem>>) offsets(%dma_start3A_243 : memref<128xi32, #tpu.memory_space<vmem>>) semaphore(%arg15 : memref<!tpu.dma_semaphore, #tpu.memory_space<semaphore_mem>>)
      } else {
      }
      %scan3A_234 = arith.constant 0 : i32
      scf.yield %scan3A_234 : i32
    }
    %scan3A_109 = arith.constant 10 : i32
    %dma_wait3A_110 = arith.constant 36 : i32
    %dma_wait3A_111 = arith.constant 0 : i32
    %dma_wait3A_112 = tpu.memref_slice %arg7[%dma_wait3A_110, %dma_wait3A_111] : memref<40x128xi32, #tpu.memory_space<vmem>> -> memref<1x128xi32, #tpu.memory_space<vmem>>
    %dma_wait3A_113 = tpu.memref_squeeze %dma_wait3A_112 : memref<1x128xi32, #tpu.memory_space<vmem>> -> memref<128xi32, #tpu.memory_space<vmem>>
    %dma_wait3A_114 = arith.constant 0 : i32
    %dma_wait3A_115 = arith.constant 0 : i32
    %dma_wait3A_116 = tpu.memref_slice %arg13[%dma_wait3A_114, %dma_wait3A_115] : memref<10240x48xf32, #tpu.memory_space<vmem_shared>> -> memref<10240x48xf32, #tpu.memory_space<vmem_shared>>
    tpu.wait_indirect_dma semaphore(%arg18 : memref<!tpu.dma_semaphore, #tpu.memory_space<semaphore_mem>>) src(%arg8 : memref<128x48xf32, #tpu.memory_space<vmem>>) dst(%dma_wait3A_116 : memref<10240x48xf32, #tpu.memory_space<vmem_shared>>)
    %dma_wait3A_117 = arith.constant 37 : i32
    %dma_wait3A_118 = arith.constant 0 : i32
    %dma_wait3A_119 = tpu.memref_slice %arg7[%dma_wait3A_117, %dma_wait3A_118] : memref<40x128xi32, #tpu.memory_space<vmem>> -> memref<1x128xi32, #tpu.memory_space<vmem>>
    %dma_wait3A_120 = tpu.memref_squeeze %dma_wait3A_119 : memref<1x128xi32, #tpu.memory_space<vmem>> -> memref<128xi32, #tpu.memory_space<vmem>>
    %dma_wait3A_121 = arith.constant 0 : i32
    %dma_wait3A_122 = arith.constant 0 : i32
    %dma_wait3A_123 = tpu.memref_slice %arg13[%dma_wait3A_121, %dma_wait3A_122] : memref<10240x48xf32, #tpu.memory_space<vmem_shared>> -> memref<10240x48xf32, #tpu.memory_space<vmem_shared>>
    tpu.wait_indirect_dma semaphore(%arg19 : memref<!tpu.dma_semaphore, #tpu.memory_space<semaphore_mem>>) src(%arg9 : memref<128x48xf32, #tpu.memory_space<vmem>>) dst(%dma_wait3A_123 : memref<10240x48xf32, #tpu.memory_space<vmem_shared>>)
    %dma_wait3A_124 = arith.constant 38 : i32
    %dma_wait3A_125 = arith.constant 0 : i32
    %dma_wait3A_126 = tpu.memref_slice %arg7[%dma_wait3A_124, %dma_wait3A_125] : memref<40x128xi32, #tpu.memory_space<vmem>> -> memref<1x128xi32, #tpu.memory_space<vmem>>
    %dma_wait3A_127 = tpu.memref_squeeze %dma_wait3A_126 : memref<1x128xi32, #tpu.memory_space<vmem>> -> memref<128xi32, #tpu.memory_space<vmem>>
    %dma_wait3A_128 = arith.constant 0 : i32
    %dma_wait3A_129 = arith.constant 0 : i32
    %dma_wait3A_130 = tpu.memref_slice %arg13[%dma_wait3A_128, %dma_wait3A_129] : memref<10240x48xf32, #tpu.memory_space<vmem_shared>> -> memref<10240x48xf32, #tpu.memory_space<vmem_shared>>
    tpu.wait_indirect_dma semaphore(%arg20 : memref<!tpu.dma_semaphore, #tpu.memory_space<semaphore_mem>>) src(%arg10 : memref<128x48xf32, #tpu.memory_space<vmem>>) dst(%dma_wait3A_130 : memref<10240x48xf32, #tpu.memory_space<vmem_shared>>)
    %dma_wait3A_131 = arith.constant 39 : i32
    %dma_wait3A_132 = arith.constant 0 : i32
    %dma_wait3A_133 = tpu.memref_slice %arg7[%dma_wait3A_131, %dma_wait3A_132] : memref<40x128xi32, #tpu.memory_space<vmem>> -> memref<1x128xi32, #tpu.memory_space<vmem>>
    %dma_wait3A_134 = tpu.memref_squeeze %dma_wait3A_133 : memref<1x128xi32, #tpu.memory_space<vmem>> -> memref<128xi32, #tpu.memory_space<vmem>>
    %dma_wait3A_135 = arith.constant 0 : i32
    %dma_wait3A_136 = arith.constant 0 : i32
    %dma_wait3A_137 = tpu.memref_slice %arg13[%dma_wait3A_135, %dma_wait3A_136] : memref<10240x48xf32, #tpu.memory_space<vmem_shared>> -> memref<10240x48xf32, #tpu.memory_space<vmem_shared>>
    tpu.wait_indirect_dma semaphore(%arg21 : memref<!tpu.dma_semaphore, #tpu.memory_space<semaphore_mem>>) src(%arg11 : memref<128x48xf32, #tpu.memory_space<vmem>>) dst(%dma_wait3A_137 : memref<10240x48xf32, #tpu.memory_space<vmem_shared>>)
    %barrier3A_138 = arith.constant 0 : index
    tpu.barrier barrier_id(%barrier3A_138)
    %mul3A_139 = arith.constant 640 : i32
    %mul3A_140 = arith.muli %arg1, %mul3A_139 : i32
    %mul3A_141 = arith.constant 640 : i32
    %mul3A_142 = arith.muli %arg1, %mul3A_141 : i32
    "tpu.region"() ({
      %run_scoped3A = tpu.sem_alloc : memref<!tpu.dma_semaphore, #tpu.memory_space<semaphore_mem>>
      %dma_start3A_143 = arith.constant 0 : i32
      %dma_start3A_144 = tpu.memref_slice %arg5[%arg0, %mul3A_142, %dma_start3A_143] : memref<2x10240x48xf32, #tpu.memory_space<hbm>> -> memref<1x640x48xf32, #tpu.memory_space<hbm>>
      %dma_start3A_145 = tpu.memref_squeeze %dma_start3A_144 : memref<1x640x48xf32, #tpu.memory_space<hbm>> -> memref<640x48xf32, #tpu.memory_space<hbm>>
      %dma_start3A_146 = arith.constant 0 : i32
      %dma_start3A_147 = tpu.memref_slice %arg13[%mul3A_140, %dma_start3A_146] : memref<10240x48xf32, #tpu.memory_space<vmem_shared>> -> memref<640x48xf32, #tpu.memory_space<vmem_shared>>
      tpu.enqueue_dma source(%dma_start3A_147 : memref<640x48xf32, #tpu.memory_space<vmem_shared>>) target(%dma_start3A_145 : memref<640x48xf32, #tpu.memory_space<hbm>>) target_semaphore(%run_scoped3A : memref<!tpu.dma_semaphore, #tpu.memory_space<semaphore_mem>>)
      %dma_wait3A_148 = arith.constant 0 : i32
      %dma_wait3A_149 = tpu.memref_slice %arg5[%arg0, %mul3A_142, %dma_wait3A_148] : memref<2x10240x48xf32, #tpu.memory_space<hbm>> -> memref<1x640x48xf32, #tpu.memory_space<hbm>>
      %dma_wait3A_150 = tpu.memref_squeeze %dma_wait3A_149 : memref<1x640x48xf32, #tpu.memory_space<hbm>> -> memref<640x48xf32, #tpu.memory_space<hbm>>
      %dma_wait3A_151 = arith.constant 0 : i32
      %dma_wait3A_152 = tpu.memref_slice %arg13[%mul3A_140, %dma_wait3A_151] : memref<10240x48xf32, #tpu.memory_space<vmem_shared>> -> memref<640x48xf32, #tpu.memory_space<vmem_shared>>
      tpu.wait_dma2 semaphore(%run_scoped3A : memref<!tpu.dma_semaphore, #tpu.memory_space<semaphore_mem>>) src(%dma_wait3A_152 : memref<640x48xf32, #tpu.memory_space<vmem_shared>>) dst(%dma_wait3A_150 : memref<640x48xf32, #tpu.memory_space<hbm>>)
      tpu.yield
    }) : () -> ()
    return
  }
}

module attributes {stable_mosaic.version = 14 : i64} {
  func.func @_norm_scale_body(%arg0: i32, %arg1: memref<2048x128xf32, #tpu.memory_space<vmem>>, %arg2: memref<2x2048xf32, #tpu.memory_space<vmem>>, %arg3: memref<2x2048xf32, #tpu.memory_space<vmem>>, %arg4: memref<2x2048x64xf32, #tpu.memory_space<vmem>>, %arg5: memref<2048x1xf32, #tpu.memory_space<vmem>>, %arg6: memref<2048x1xf32, #tpu.memory_space<vmem>>) attributes {dimension_semantics = [#tpu.dimension_semantics<arbitrary>], iteration_bounds = array<i64: 5>, scalar_prefetch = 0 : i64, scratch_operands = 0 : i64, tpu.core_type = #tpu.core_type<tc>, window_params = [{transform_indices = @transform_0, window_bounds = array<i64: 2048, 128>}, {transform_indices = @transform_1, window_bounds = array<i64: 2, 2048>}, {transform_indices = @transform_2, window_bounds = array<i64: 2, 2048>}, {transform_indices = @transform_3, window_bounds = array<i64: 2, 2048, 64>}, {transform_indices = @transform_4, window_bounds = array<i64: 2048, 1>}, {transform_indices = @transform_5, window_bounds = array<i64: 2048, 1>}]} {
    %get3A = arith.constant 0 : index
    %get3A_0 = arith.constant 0 : index
    %get3A_1 = vector.load %arg2[%get3A, %get3A_0] : memref<2x2048xf32, #tpu.memory_space<vmem>>, vector<1x2048xf32>
    %get3A_2 = arith.constant 1 : index
    %get3A_3 = arith.constant 0 : index
    %get3A_4 = vector.load %arg2[%get3A_2, %get3A_3] : memref<2x2048xf32, #tpu.memory_space<vmem>>, vector<1x2048xf32>
    %add3A = arith.addf %get3A_1, %get3A_4 : vector<1x2048xf32>
    %max3A = arith.constant 1.000000e+00 : f32
    %max3A_5 = vector.broadcast %max3A : f32 to vector<1x2048xf32>
    %max3A_6 = arith.maximumf %add3A, %max3A_5 : vector<1x2048xf32>
    %rsqrt3A = math.rsqrt %max3A_6 : vector<1x2048xf32>
    %get3A_7 = arith.constant 0 : index
    %get3A_8 = arith.constant 0 : index
    %get3A_9 = vector.load %arg3[%get3A_7, %get3A_8] : memref<2x2048xf32, #tpu.memory_space<vmem>>, vector<1x2048xf32>
    %get3A_10 = arith.constant 1 : index
    %get3A_11 = arith.constant 0 : index
    %get3A_12 = vector.load %arg3[%get3A_10, %get3A_11] : memref<2x2048xf32, #tpu.memory_space<vmem>>, vector<1x2048xf32>
    %add3A_13 = arith.addf %get3A_9, %get3A_12 : vector<1x2048xf32>
    %max3A_14 = arith.constant 1.000000e+00 : f32
    %max3A_15 = vector.broadcast %max3A_14 : f32 to vector<1x2048xf32>
    %max3A_16 = arith.maximumf %add3A_13, %max3A_15 : vector<1x2048xf32>
    %rsqrt3A_17 = math.rsqrt %max3A_16 : vector<1x2048xf32>
    %transpose3A = tpu.transpose %rsqrt3A, [1, 0] : vector<1x2048xf32> -> vector<2048x1xf32>
    %transpose3A_18 = tpu.transpose %rsqrt3A_17, [1, 0] : vector<1x2048xf32> -> vector<2048x1xf32>
    %get3A_19 = arith.constant 0 : index
    %get3A_20 = arith.constant 0 : index
    %get3A_21 = vector.load %arg1[%get3A_19, %get3A_20] : memref<2048x128xf32, #tpu.memory_space<vmem>>, vector<2048x128xf32>
    %mul3A = vector.broadcast %transpose3A : vector<2048x1xf32> to vector<2048x128xf32>
    %mul3A_22 = arith.mulf %get3A_21, %mul3A : vector<2048x128xf32>
    %slice3A = vector.extract_strided_slice %mul3A_22 {offsets = [0, 0], sizes = [2048, 64], strides = [1, 1]} : vector<2048x128xf32> to vector<2048x64xf32>
    %swap3A = arith.constant 0 : index
    %swap3A_23 = arith.constant 0 : index
    %swap3A_24 = arith.constant 0 : index
    %swap3A_25 = vector.load %arg4[%swap3A, %swap3A_23, %swap3A_24] : memref<2x2048x64xf32, #tpu.memory_space<vmem>>, vector<1x2048x64xf32>
    %swap3A_26 = vector.shape_cast %swap3A_25 : vector<1x2048x64xf32> to vector<2048x64xf32>
    %swap3A_27 = vector.shape_cast %slice3A : vector<2048x64xf32> to vector<1x2048x64xf32>
    tpu.vector_store %arg4[%swap3A, %swap3A_23, %swap3A_24], %swap3A_27 {strides = array<i32>} : memref<2x2048x64xf32, #tpu.memory_space<vmem>>, vector<1x2048x64xf32>,
    %slice3A_28 = vector.extract_strided_slice %mul3A_22 {offsets = [0, 64], sizes = [2048, 64], strides = [1, 1]} : vector<2048x128xf32> to vector<2048x64xf32>
    %swap3A_29 = arith.constant 1 : index
    %swap3A_30 = arith.constant 0 : index
    %swap3A_31 = arith.constant 0 : index
    %swap3A_32 = vector.load %arg4[%swap3A_29, %swap3A_30, %swap3A_31] : memref<2x2048x64xf32, #tpu.memory_space<vmem>>, vector<1x2048x64xf32>
    %swap3A_33 = vector.shape_cast %swap3A_32 : vector<1x2048x64xf32> to vector<2048x64xf32>
    %swap3A_34 = vector.shape_cast %slice3A_28 : vector<2048x64xf32> to vector<1x2048x64xf32>
    tpu.vector_store %arg4[%swap3A_29, %swap3A_30, %swap3A_31], %swap3A_34 {strides = array<i32>} : memref<2x2048x64xf32, #tpu.memory_space<vmem>>, vector<1x2048x64xf32>,
    %swap3A_35 = arith.constant 0 : index
    %swap3A_36 = arith.constant 0 : index
    %swap3A_37 = vector.load %arg5[%swap3A_35, %swap3A_36] : memref<2048x1xf32, #tpu.memory_space<vmem>>, vector<2048x1xf32>
    tpu.vector_store %arg5[%swap3A_35, %swap3A_36], %transpose3A {strides = array<i32>} : memref<2048x1xf32, #tpu.memory_space<vmem>>, vector<2048x1xf32>,
    %swap3A_38 = arith.constant 0 : index
    %swap3A_39 = arith.constant 0 : index
    %swap3A_40 = vector.load %arg6[%swap3A_38, %swap3A_39] : memref<2048x1xf32, #tpu.memory_space<vmem>>, vector<2048x1xf32>
    tpu.vector_store %arg6[%swap3A_38, %swap3A_39], %transpose3A_18 {strides = array<i32>} : memref<2048x1xf32, #tpu.memory_space<vmem>>, vector<2048x1xf32>,
    return
  }
  func.func @transform_0(%arg0: i32) -> (i32, i32) {
    %c0_i32 = arith.constant 0 : i32
    %c0_i32_0 = arith.constant 0 : i32
    return %arg0, %c0_i32 : i32, i32
  }
  func.func @transform_1(%arg0: i32) -> (i32, i32) {
    %c0_i32 = arith.constant 0 : i32
    %c0_i32_0 = arith.constant 0 : i32
    return %c0_i32, %arg0 : i32, i32
  }
  func.func @transform_2(%arg0: i32) -> (i32, i32) {
    %c0_i32 = arith.constant 0 : i32
    %c0_i32_0 = arith.constant 0 : i32
    return %c0_i32, %arg0 : i32, i32
  }
  func.func @transform_3(%arg0: i32) -> (i32, i32, i32) {
    %c0_i32 = arith.constant 0 : i32
    %c0_i32_0 = arith.constant 0 : i32
    %c0_i32_1 = arith.constant 0 : i32
    return %c0_i32, %arg0, %c0_i32_0 : i32, i32, i32
  }
  func.func @transform_4(%arg0: i32) -> (i32, i32) {
    %c0_i32 = arith.constant 0 : i32
    %c0_i32_0 = arith.constant 0 : i32
    return %arg0, %c0_i32 : i32, i32
  }
  func.func @transform_5(%arg0: i32) -> (i32, i32) {
    %c0_i32 = arith.constant 0 : i32
    %c0_i32_0 = arith.constant 0 : i32
    return %arg0, %c0_i32 : i32, i32
  }
}

module attributes {stable_mosaic.version = 14 : i64} {
  func.func @_layer_body(%arg0: i32, %arg1: memref<2x2048x64xf32, #tpu.memory_space<vmem>>, %arg2: memref<128x128xf32, #tpu.memory_space<vmem>>, %arg3: memref<1x128xf32, #tpu.memory_space<vmem>>, %arg4: memref<2048x1xf32, #tpu.memory_space<vmem>>, %arg5: memref<2048x1xf32, #tpu.memory_space<vmem>>, %arg6: memref<128x48xf32, #tpu.memory_space<vmem>>, %arg7: memref<2048x48xf32, #tpu.memory_space<vmem>>) attributes {dimension_semantics = [#tpu.dimension_semantics<arbitrary>], iteration_bounds = array<i64: 5>, scalar_prefetch = 0 : i64, scratch_operands = 0 : i64, tpu.core_type = #tpu.core_type<tc>, window_params = [{transform_indices = @transform_0, window_bounds = array<i64: 2, 2048, 64>}, {pipeline_mode = #tpu.pipeline_mode<synchronous>, transform_indices = @transform_1, window_bounds = array<i64: 128, 128>}, {pipeline_mode = #tpu.pipeline_mode<synchronous>, transform_indices = @transform_2, window_bounds = array<i64: 1, 128>}, {transform_indices = @transform_3, window_bounds = array<i64: 2048, 1>}, {transform_indices = @transform_4, window_bounds = array<i64: 2048, 1>}, {pipeline_mode = #tpu.pipeline_mode<synchronous>, transform_indices = @transform_5, window_bounds = array<i64: 128, 48>}, {transform_indices = @transform_6, window_bounds = array<i64: 2048, 48>}]} {
    %get3A = arith.constant 0 : index
    %get3A_0 = arith.constant 0 : index
    %get3A_1 = arith.constant 0 : index
    %get3A_2 = vector.load %arg1[%get3A, %get3A_0, %get3A_1] : memref<2x2048x64xf32, #tpu.memory_space<vmem>>, vector<1x2048x64xf32>
    %get3A_3 = vector.shape_cast %get3A_2 : vector<1x2048x64xf32> to vector<2048x64xf32>
    %get3A_4 = arith.constant 0 : index
    %get3A_5 = arith.constant 0 : index
    %get3A_6 = vector.load %arg2[%get3A_4, %get3A_5] : memref<128x128xf32, #tpu.memory_space<vmem>>, vector<64x128xf32>
    %dot_general3A = arith.constant dense<0.000000e+00> : vector<2048x128xf32>
    %dot_general3A_7 = tpu.matmul %get3A_3, %get3A_6, %dot_general3A {dimension_numbers = #tpu.dot_dimension_numbers<[1], [0], [0], [1], [0, 0, 1, 1], [], []>, transpose_lhs_hint = false} : vector<2048x64xf32>, vector<64x128xf32>, vector<2048x128xf32> -> vector<2048x128xf32>
    %get3A_8 = arith.constant 1 : index
    %get3A_9 = arith.constant 0 : index
    %get3A_10 = arith.constant 0 : index
    %get3A_11 = vector.load %arg1[%get3A_8, %get3A_9, %get3A_10] : memref<2x2048x64xf32, #tpu.memory_space<vmem>>, vector<1x2048x64xf32>
    %get3A_12 = vector.shape_cast %get3A_11 : vector<1x2048x64xf32> to vector<2048x64xf32>
    %get3A_13 = arith.constant 64 : index
    %get3A_14 = arith.constant 0 : index
    %get3A_15 = vector.load %arg2[%get3A_13, %get3A_14] : memref<128x128xf32, #tpu.memory_space<vmem>>, vector<64x128xf32>
    %dot_general3A_16 = arith.constant dense<0.000000e+00> : vector<2048x128xf32>
    %dot_general3A_17 = tpu.matmul %get3A_12, %get3A_15, %dot_general3A_16 {dimension_numbers = #tpu.dot_dimension_numbers<[1], [0], [0], [1], [0, 0, 1, 1], [], []>, transpose_lhs_hint = false} : vector<2048x64xf32>, vector<64x128xf32>, vector<2048x128xf32> -> vector<2048x128xf32>
    %add3A = arith.addf %dot_general3A_7, %dot_general3A_17 : vector<2048x128xf32>
    %get3A_18 = arith.constant 0 : index
    %get3A_19 = arith.constant 0 : index
    %get3A_20 = vector.load %arg5[%get3A_18, %get3A_19] : memref<2048x1xf32, #tpu.memory_space<vmem>>, vector<2048x1xf32>
    %mul3A = vector.broadcast %get3A_20 : vector<2048x1xf32> to vector<2048x128xf32>
    %mul3A_21 = arith.mulf %add3A, %mul3A : vector<2048x128xf32>
    %get3A_22 = arith.constant 0 : index
    %get3A_23 = arith.constant 0 : index
    %get3A_24 = vector.load %arg3[%get3A_22, %get3A_23] : memref<1x128xf32, #tpu.memory_space<vmem>>, vector<1x128xf32>
    %add3A_25 = vector.broadcast %get3A_24 : vector<1x128xf32> to vector<2048x128xf32>
    %add3A_26 = arith.addf %mul3A_21, %add3A_25 : vector<2048x128xf32>
    %max3A = arith.constant 0.000000e+00 : f32
    %max3A_27 = vector.broadcast %max3A : f32 to vector<2048x128xf32>
    %max3A_28 = arith.maximumf %add3A_26, %max3A_27 : vector<2048x128xf32>
    %get3A_29 = arith.constant 0 : index
    %get3A_30 = arith.constant 0 : index
    %get3A_31 = vector.load %arg4[%get3A_29, %get3A_30] : memref<2048x1xf32, #tpu.memory_space<vmem>>, vector<2048x1xf32>
    %mul3A_32 = vector.broadcast %get3A_31 : vector<2048x1xf32> to vector<2048x128xf32>
    %mul3A_33 = arith.mulf %max3A_28, %mul3A_32 : vector<2048x128xf32>
    %get3A_34 = arith.constant 0 : index
    %get3A_35 = arith.constant 0 : index
    %get3A_36 = vector.load %arg6[%get3A_34, %get3A_35] : memref<128x48xf32, #tpu.memory_space<vmem>>, vector<128x48xf32>
    %dot_general3A_37 = arith.constant dense<0.000000e+00> : vector<2048x48xf32>
    %dot_general3A_38 = tpu.matmul %mul3A_33, %get3A_36, %dot_general3A_37 {dimension_numbers = #tpu.dot_dimension_numbers<[1], [0], [0], [1], [0, 0, 1, 1], [], []>, transpose_lhs_hint = false} : vector<2048x128xf32>, vector<128x48xf32>, vector<2048x48xf32> -> vector<2048x48xf32>
    %swap3A = arith.constant 0 : index
    %swap3A_39 = arith.constant 0 : index
    %swap3A_40 = vector.load %arg7[%swap3A, %swap3A_39] : memref<2048x48xf32, #tpu.memory_space<vmem>>, vector<2048x48xf32>
    tpu.vector_store %arg7[%swap3A, %swap3A_39], %dot_general3A_38 {strides = array<i32>} : memref<2048x48xf32, #tpu.memory_space<vmem>>, vector<2048x48xf32>,
    return
  }
  func.func @transform_0(%arg0: i32) -> (i32, i32, i32) {
    %c0_i32 = arith.constant 0 : i32
    %c0_i32_0 = arith.constant 0 : i32
    %c0_i32_1 = arith.constant 0 : i32
    return %c0_i32, %arg0, %c0_i32_0 : i32, i32, i32
  }
  func.func @transform_1(%arg0: i32) -> (i32, i32) {
    %c0_i32 = arith.constant 0 : i32
    %c0_i32_0 = arith.constant 0 : i32
    %c0_i32_1 = arith.constant 0 : i32
    return %c0_i32, %c0_i32_0 : i32, i32
  }
  func.func @transform_2(%arg0: i32) -> (i32, i32) {
    %c0_i32 = arith.constant 0 : i32
    %c0_i32_0 = arith.constant 0 : i32
    %c0_i32_1 = arith.constant 0 : i32
    return %c0_i32, %c0_i32_0 : i32, i32
  }
  func.func @transform_3(%arg0: i32) -> (i32, i32) {
    %c0_i32 = arith.constant 0 : i32
    %c0_i32_0 = arith.constant 0 : i32
    return %arg0, %c0_i32 : i32, i32
  }
  func.func @transform_4(%arg0: i32) -> (i32, i32) {
    %c0_i32 = arith.constant 0 : i32
    %c0_i32_0 = arith.constant 0 : i32
    return %arg0, %c0_i32 : i32, i32
  }
  func.func @transform_5(%arg0: i32) -> (i32, i32) {
    %c0_i32 = arith.constant 0 : i32
    %c0_i32_0 = arith.constant 0 : i32
    %c0_i32_1 = arith.constant 0 : i32
    return %c0_i32, %c0_i32_0 : i32, i32
  }
  func.func @transform_6(%arg0: i32) -> (i32, i32) {
    %c0_i32 = arith.constant 0 : i32
    %c0_i32_0 = arith.constant 0 : i32
    return %arg0, %c0_i32 : i32, i32
  }
}

module attributes {stable_mosaic.version = 14 : i64} {
  func.func @_final_body(%arg0: i32, %arg1: memref<2x2048x48xf32, #tpu.memory_space<vmem>>, %arg2: memref<2048x1xf32, #tpu.memory_space<vmem>>, %arg3: memref<1x48xf32, #tpu.memory_space<vmem>>, %arg4: memref<2048x40xf32, #tpu.memory_space<vmem>>) attributes {dimension_semantics = [#tpu.dimension_semantics<arbitrary>], iteration_bounds = array<i64: 5>, scalar_prefetch = 0 : i64, scratch_operands = 0 : i64, tpu.core_type = #tpu.core_type<tc>, window_params = [{transform_indices = @transform_0, window_bounds = array<i64: 2, 2048, 48>}, {transform_indices = @transform_1, window_bounds = array<i64: 2048, 1>}, {pipeline_mode = #tpu.pipeline_mode<synchronous>, transform_indices = @transform_2, window_bounds = array<i64: 1, 48>}, {transform_indices = @transform_3, window_bounds = array<i64: 2048, 40>}]} {
    %get3A = arith.constant 0 : index
    %get3A_0 = arith.constant 0 : index
    %get3A_1 = arith.constant 0 : index
    %get3A_2 = vector.load %arg1[%get3A, %get3A_0, %get3A_1] : memref<2x2048x48xf32, #tpu.memory_space<vmem>>, vector<1x2048x48xf32>
    %get3A_3 = vector.shape_cast %get3A_2 : vector<1x2048x48xf32> to vector<2048x48xf32>
    %get3A_4 = arith.constant 1 : index
    %get3A_5 = arith.constant 0 : index
    %get3A_6 = arith.constant 0 : index
    %get3A_7 = vector.load %arg1[%get3A_4, %get3A_5, %get3A_6] : memref<2x2048x48xf32, #tpu.memory_space<vmem>>, vector<1x2048x48xf32>
    %get3A_8 = vector.shape_cast %get3A_7 : vector<1x2048x48xf32> to vector<2048x48xf32>
    %add3A = arith.addf %get3A_3, %get3A_8 : vector<2048x48xf32>
    %get3A_9 = arith.constant 0 : index
    %get3A_10 = arith.constant 0 : index
    %get3A_11 = vector.load %arg2[%get3A_9, %get3A_10] : memref<2048x1xf32, #tpu.memory_space<vmem>>, vector<2048x1xf32>
    %mul3A = vector.broadcast %get3A_11 : vector<2048x1xf32> to vector<2048x48xf32>
    %mul3A_12 = arith.mulf %add3A, %mul3A : vector<2048x48xf32>
    %get3A_13 = arith.constant 0 : index
    %get3A_14 = arith.constant 0 : index
    %get3A_15 = vector.load %arg3[%get3A_13, %get3A_14] : memref<1x48xf32, #tpu.memory_space<vmem>>, vector<1x48xf32>
    %add3A_16 = vector.broadcast %get3A_15 : vector<1x48xf32> to vector<2048x48xf32>
    %add3A_17 = arith.addf %mul3A_12, %add3A_16 : vector<2048x48xf32>
    %slice3A = vector.extract_strided_slice %add3A_17 {offsets = [0, 0], sizes = [2048, 40], strides = [1, 1]} : vector<2048x48xf32> to vector<2048x40xf32>
    %swap3A = arith.constant 0 : index
    %swap3A_18 = arith.constant 0 : index
    %swap3A_19 = vector.load %arg4[%swap3A, %swap3A_18] : memref<2048x40xf32, #tpu.memory_space<vmem>>, vector<2048x40xf32>
    tpu.vector_store %arg4[%swap3A, %swap3A_18], %slice3A {strides = array<i32>} : memref<2048x40xf32, #tpu.memory_space<vmem>>, vector<2048x40xf32>,
    return
  }
  func.func @transform_0(%arg0: i32) -> (i32, i32, i32) {
    %c0_i32 = arith.constant 0 : i32
    %c0_i32_0 = arith.constant 0 : i32
    %c0_i32_1 = arith.constant 0 : i32
    return %c0_i32, %arg0, %c0_i32_0 : i32, i32, i32
  }
  func.func @transform_1(%arg0: i32) -> (i32, i32) {
    %c0_i32 = arith.constant 0 : i32
    %c0_i32_0 = arith.constant 0 : i32
    return %arg0, %c0_i32 : i32, i32
  }
  func.func @transform_2(%arg0: i32) -> (i32, i32) {
    %c0_i32 = arith.constant 0 : i32
    %c0_i32_0 = arith.constant 0 : i32
    %c0_i32_1 = arith.constant 0 : i32
    return %c0_i32, %c0_i32_0 : i32, i32
  }
  func.func @transform_3(%arg0: i32) -> (i32, i32) {
    %c0_i32 = arith.constant 0 : i32
    %c0_i32_0 = arith.constant 0 : i32
    return %arg0, %c0_i32 : i32, i32
  }
}

</mosaic_0001>

<sc_bundles>
// kernel: kernel.11.cloned.1.call-start
scs
__scs_entry_jumppad:
0x0: {  	(pc) =	sbr.rel $0x88, $3  }
0x1: {  	(tag) =	ssettag $0x0;
	lr =	simm.s32 $0x1  }
0x2: {  	[smem:$0x3F9B] =	sst lr;
	_ =	strace $0xD0000000  }
0x3: {  	_ = 	snop  }
0x4: {  	_ = 	snop  }
0x5: {  	_ = 	snop  }
0x6: {  	_ = 	snop  }
0x7: {  	_ = 	snop  }
__scs_overlays_trampoline_lowered:
0x8: {  	[smem:$0x3FAA] =	sst s0  }
0x9: {  	[smem:$0x3FAB] =	sst s1  }
0xa: {  	[smem:$0x3FAC] =	sst s2  }
0xb: {  	[smem:$0x3FAD] =	sst s3  }
0xc: {  	[smem:$0x3FAE] =	sst s4  }
0xd: {  	[smem:$0x3FAF] =	sst s5  }
0xe: {  	[smem:$0x3FB0] =	sst s6  }
0xf: {  	[smem:$0x3FB1] =	sst s7  }
0x10: {  	[smem:$0x3FB2] =	sst s8  }
0x11: {  	[smem:$0x3FB3] =	sst s9;
	s0 =	simm.s32 @!p0 $0x0  }
0x12: {  	s1 =	sld [smem:$0x3F99];
	s0 =	simm.s32 @p0 $0x1  }
0x13: {  	[smem:$0x3FB4] =	sst s0;
	s0 =	simm.s32 @!p1 $0x0  }
0x14: {  	s2 =	sld [smem:$0x3F98];
	s0 =	simm.s32 @p1 $0x1  }
0x15: {  	[smem:$0x3FB5] =	sst s0;
	s0 =	simm.s32 @!p2 $0x0  }
0x16: {  	s3 =	sld [smem:$0x3FDB];
	s0 =	simm.s32 @p2 $0x1  }
0x17: {  	s4 =	simm.s32 $0x1BF5;
	[smem:$0x3FB7] =	sst s0  }
0x18: {  	s0 =	sld [smem:$0x3F9A];
	_ =	swait.ge [sflag:s4], $0x0  }
0x19: {  	s7 =	sld [smem:$0x3F9B]  }
0x1a: {  	s8 =	sadd.s32 $0xFFFFE003, lr  }
0x1b: {  	s9 =	sadd.s32 $0xFFFFFEF7, lr;
	s5 =	simm.s32 $0xFFFFFFFF;
	p2 =	slt.u32 s8, $0xFFFFF086  }
0x1c: {  	p1 =	slt.u32 s9, $0xF7A;
	s5 =	simm.s32 @!p2 $0x0  }
0x1d: {  	s5 =	simm.s32 @p1 $0x1;
	p0 =	seq.s32 s7, s2  }
0x1e: {  	s7 =	smul.u32 @!p0 $0xF7A, s2;
	p2 =	seq.s32 @!p0 s5, $0x0  }
0x1f: {  	s9 =	smul.u32 $0xF7A, s1;
	s8 =	simm.s32 @!p0 $0x1BF5;
	p2 =	por !p2, p0  }
0x20: {  	[sflag:s8] =	ssyncset.s32 @!p0 $0xFFFFF086;
	s6 =	sadd.s32 @!p0 s3, s7;
	s7 =	simm.s32 @!p0 $0x108  }
0x21: {  	s3 =	sadd.s32 s3, s9;
	s6 =	sadd.s32 @!p0 $0x88, s6;
	s7 =	simm.s32 @p2 $0x1082  }
0x22: {  	[simem:s7], [sflag:s8] =	dma.local @!p0 [hbm:s6], $0xF7A  }
0x23: {  	s9 =	sor.u32 $0xD0000000, s2;
	s6 =	simm.s32 $0x108;
	_ =	swait.ge @!p0 [sflag:s8], $0x0  }
0x24: {  	s3 =	sadd.s32 $0x88, s3;
	s6 =	simm.s32 @!p1 $0x1082;
	[sflag:s4] =	ssyncset.s32 $0xFFFFF086  }
0x25: {  	[simem:s6], [sflag:s4] =	dma.local [hbm:s3], $0xF7A  }
0x26: {  	[smem:$0x3F9B] =	sst s1;
	(tag) =	ssettag s2;
	_ =	strace s9  }
0x27: {  	s1 =	sld [smem:$0x3FAB]  }
0x28: {  	s2 =	sld [smem:$0x3FAC]  }
0x29: {  	s4 =	sld [smem:$0x3FAE]  }
0x2a: {  	p0 =	seq.s32 s5, $0x0;
	s5 =	sld [smem:$0x3FAF]  }
0x2b: {  	s6 =	sld [smem:$0x3FB0]  }
0x2c: {  	s7 =	sld [smem:$0x3FB1]  }
0x2d: {  	s3 =	simm.s32 $0x108;
	s8 =	sld [smem:$0x3FB2]  }
0x2e: {  	s3 =	simm.s32 @!p0 $0x1082;
	s9 =	sld [smem:$0x3FB3]  }
0x2f: {  	lr =	sadd.s32 s0, s3;
	s0 =	sld [smem:$0x3FAA]  }
0x30: {  	s3 =	sld [smem:$0x3FAD]  }
0x31: {  	[smem:$0x3FB6] =	sst s10  }
0x32: {  	s10 =	sld [smem:$0x3FB4];
	_ =	sdelay $0x3  }
0x33: {  	p0 =	seq.s32 s10, $0x1;
	s10 =	sld [smem:$0x3FB6];
	_ =	sdelay $0x3  }
0x34: {  	[smem:$0x3FB6] =	sst s10  }
0x35: {  	s10 =	sld [smem:$0x3FB5];
	_ =	sdelay $0x3  }
0x36: {  	p1 =	seq.s32 s10, $0x1;
	s10 =	sld [smem:$0x3FB6];
	_ =	sdelay $0x3  }
0x37: {  	[smem:$0x3FB6] =	sst s10  }
0x38: {  	s10 =	sld [smem:$0x3FB7]  }
0x39: {  	_ = 	snop;
	(pc) =	sbr.ind lr, $3  }
0x3a: {  	_ = 	snop  }
0x3b: {  	_ = 	snop  }
0x3c: {  	p2 =	seq.s32 s10, $0x1;
	s10 =	sld [smem:$0x3FB6]  }
0x3d: {  	_ =	shalt  }
0x3e: {  	_ =	shalt  }
0x3f: {  	_ =	shalt  }
0x40: {  	_ =	shalt  }
0x41: {  	_ =	shalt  }
0x42: {  	_ =	shalt  }
0x43: {  	_ =	shalt  }
0x44: {  	_ =	shalt  }
0x45: {  	_ =	shalt  }
0x46: {  	_ =	shalt  }
0x47: {  	_ =	shalt  }
0x48: {  	_ =	shalt  }
0x49: {  	_ =	shalt  }
0x4a: {  	_ =	shalt  }
0x4b: {  	_ =	shalt  }
0x4c: {  	_ =	shalt  }
0x4d: {  	_ =	shalt  }
0x4e: {  	_ =	shalt  }
0x4f: {  	_ =	shalt  }
0x50: {  	_ =	shalt  }
0x51: {  	_ =	shalt  }
0x52: {  	_ =	shalt  }
0x53: {  	_ =	shalt  }
0x54: {  	_ =	shalt  }
0x55: {  	_ =	shalt  }
0x56: {  	_ =	shalt  }
0x57: {  	_ =	shalt  }
0x58: {  	_ =	shalt  }
0x59: {  	_ =	shalt  }
0x5a: {  	_ =	shalt  }
0x5b: {  	_ =	shalt  }
0x5c: {  	_ =	shalt  }
0x5d: {  	_ =	shalt  }
0x5e: {  	_ =	shalt  }
0x5f: {  	_ =	shalt  }
0x60: {  	_ =	shalt  }
0x61: {  	_ =	shalt  }
0x62: {  	_ =	shalt  }
0x63: {  	_ =	shalt  }
0x64: {  	_ =	shalt  }
0x65: {  	_ =	shalt  }
0x66: {  	_ =	shalt  }
0x67: {  	_ =	shalt  }
0x68: {  	_ =	shalt  }
0x69: {  	_ =	shalt  }
0x6a: {  	_ =	shalt  }
0x6b: {  	_ =	shalt  }
0x6c: {  	_ =	shalt  }
0x6d: {  	_ =	shalt  }
0x6e: {  	_ =	shalt  }
0x6f: {  	_ =	shalt  }
0x70: {  	_ =	shalt  }
0x71: {  	_ =	shalt  }
0x72: {  	_ =	shalt  }
0x73: {  	_ =	shalt  }
0x74: {  	_ =	shalt  }
0x75: {  	_ =	shalt  }
0x76: {  	_ =	shalt  }
0x77: {  	_ =	shalt  }
0x78: {  	_ =	shalt  }
0x79: {  	_ =	shalt  }
0x7a: {  	_ =	shalt  }
0x7b: {  	_ =	shalt  }
0x7c: {  	_ =	shalt  }
0x7d: {  	_ =	shalt  }
0x7e: {  	_ =	shalt  }
0x7f: {  	_ =	shalt  }
0x80: {  	_ =	shalt  }
0x81: {  	_ =	shalt  }
0x82: {  	_ =	shalt  }
0x83: {  	_ =	shalt  }
0x84: {  	_ =	shalt  }
0x85: {  	_ =	shalt  }
0x86: {  	_ =	shalt  }
0x87: {  	_ =	shalt  }
.Lfunc_end0:
.L_simem_size_0:
called_computation.1_lowered:
.L_overlay_start_0:
0x88: {  	s2 =	sld [smem:$0x3FD9]  }
0x89: {  	s3 =	sld [smem:$0x3FFE];
	_ =	sdelay $0x1  }
0x8a: {  	s1 =	srdreg.scid  }
0x8b: {  	s0 =	sand.u32 $0x1, s1  }
0x8c: {  	s17 =	sshll.u32 s0, $0xA;
	s2 =	sadd.s32 s3, s2  }
0x8d: {  	s2 =	sadd.s32 s2, s17  }
0x8e: {  	[smem:$0x3FC2] =	sst s2  }
0x8f: {  	_ = 	snop  }
0x90: {  	s2 =	sld [smem:$0x3FD0];
	(tm) =	ssettm $0x1  }
0x91: {  	s18 =	sld [smem:$0x3FFB];
	_ =	sdelay $0x3  }
0x92: {  	_ =	strace s18  }
0x93: {  	s3 =	sld [smem:$0x3FFC];
	_ =	sdelay $0x3  }
0x94: {  	_ =	strace s3  }
0x95: {  	s3 =	sld [smem:$0x3FFD];
	_ =	sdelay $0x3  }
0x96: {  	_ =	strace s3  }
0x97: {  	_ =	strace $0x8FFFFFFF  }
0x98: {  	s19 =	sld [smem:$0x3FDB];
	_ =	sdelay $0x1  }
0x99: {  	s4 =	simm.s32 $_scs_section_size  }
0x9a: {  	s5 =	simm.s32 $_size__tile_overlayer_lowered;
	s6 =	simm.s32 $_tile_overlayer_lowered  }
0x9b: {  	s22 =	simm.s32 $0x1BFF;
	s21 =	sshll.u32 s6, $0x1;
	s3 =	sadd.s32 s4, s19  }
0x9c: {  	s7 =	simm.s32 $0x0;
	s20 =	sshll.u32 s5, $0x1;
	s5 =	sadd.s32 s21, s3  }
0x9d: {  	[timem:s7], [sflag:s22] =	dma.local [hbm:s5], s20  }
0x9e: {  	_ =	swait.ge [sflag:s22], s20  }
0x9f: {  	s4 =	ssub.s32 $0x0, s20;
	[sflag:s22] =	ssyncset.done $0x0  }
0xa0: {  	[sflag:s22] =	ssyncadd.s32 s4;
	_ =	sdelay $0x1  }
0xa1: {  	s23 =	simm.s32 $0x1B8B  }
0xa2: {  	_ =	swait.ge [sflag:s23], $0x1  }
0xa3: {  	[sflag:s23] =	ssyncset.done $0x0  }
0xa4: {  	s25 =	simm.s32 $0x1B8E;
	s24 =	sld [smem:$0x3FFE];
	[sflag:s23] =	ssyncadd.s32 $0xFFFFFFFF  }
0xa5: {  	s26 =	simm.s32 $execute0_lowered;
	[smem:$0x3FD2] =	sst s25  }
0xa6: {  	s5 =	sshll.u32 s26, $0x1;
	_ =	strace $0x80000049;
	[dreg:$0x1] =	wrdreg $0xFFFFFFFF  }
0xa7: {  	s28 =	simm.s32 $_size_execute0_lowered;
	s3 =	sadd.s32 s3, s5;
	[dreg:$0x0] =	wrdreg $0x0  }
0xa8: {  	s5 =	sshll.u32 s28, $0x1;
	[dreg:$0x2] =	wrdreg s3  }
0xa9: {  	[dreg:$0x3] =	wrdreg s5  }
0xaa: {  	[dreg:$0x4] =	wrdreg $0xC0  }
0xab: {  	_ =	task [dreg:s7], $0x5FFFF  }
0xac: {  	[dreg:$0x1] =	wrdreg $0xFFFFFFFF  }
0xad: {  	[dreg:$0x0] =	wrdreg $0x60  }
0xae: {  	[dreg:$0x2] =	wrdreg s24  }
0xaf: {  	[dreg:$0x3] =	wrdreg s2  }
0xb0: {  	[dreg:$0x4] =	wrdreg $0xA8000  }
0xb1: {  	[dreg:$0x5] =	wrdreg $0x148000  }
0xb2: {  	[dreg:$0x6] =	wrdreg $0x9  }
0xb3: {  	_ =	task.clear_ibuf [dreg:s7], $0x7FFFF;
	_ =	strace $0x90000049  }
0xb4: {  	s29 =	simm.s32 $0x9;
	_ =	strace $0x8000004B  }
0xb5: {  	_ =	swait.ge [sflag:s29], $0x1  }
0xb6: {  	[sflag:s29] =	ssyncadd.s32 $0xFFFFFFFF  }
0xb7: {  	_ =	strace $0x9000004B  }
0xb8: {  	_ =	sfence  }
0xb9: {  	s30 =	sld [smem:$0x0];
	_ =	sdelay $0x2  }
0xba: {  	s31 =	sshll.u32 s1, $0xD;
	s1 =	sshrl.u32 s1, $0x2  }
0xbb: {  	s3 =	sand.u32 $0x4000, s31;
	s1 =	sadd.s32 s1, s30  }
0xbc: {  	s0 =	sor.u32 s3, s0;
	s1 =	sshll.u32 s1, $0x11  }
0xbd: {  	s0 =	sor.u32 s1, s0  }
0xbe: {  	s0 =	sadd.s32 $0x8F2B, s0  }
0xbf: {  	[sflag:s0] =	ssyncadd.remote.s32 $0x1  }
0xc0: {  	_ =	sfence.sel $0xFFFF  }
0xc1: {  	[dreg:$0x0] =	wrdreg $0xFFFFFFFF;
	(pc) =	sbr.abs _section_cstart, $3  }
0xc2: {  	[dreg:$0x1] =	wrdreg $0xFFFFFFFF  }
0xc3: {  	_ =	task.clear_ibuf [dreg:s7], $0x2FFFF;
	_ =	strace $0x9FFFFFFF  }
0xc4: {  	(tm) =	ssettm $0x7FFFFFFF  }
0xc5: {  	_ =	shalt  }
tec
execute0_lowered:
.L_overlay_start_1:
0x0: {  	(tag) =	ssettag $0x1  }
0x1: {  	s0 =	rddreg [dreg:$0x0]  }
0x2: {  	s1 =	rddreg [dreg:$0x1]  }
0x3: {  	s2 =	rddreg [dreg:$0x2];
	s4 =	srdreg.scid  }
0x4: {  	s12 =	stileid.u32;
	s3 =	rddreg [dreg:$0x3]  }
0x5: {  	s28 =	simm.s32 $0x1;
	s29 =	simm.s32 $0x1400;
	s6 =	smul.u32 $0xA000, s12  }
0x6: {  	s30 =	simm.s32 $0x80;
	s31 =	simm.s32 $0x4800;
	s23 =	smul.u32 $0x28000, s12  }
0x7: {  	s5 =	sand.u32 $0x1, s4;
	s4 =	simm.s32 $0x0;
	s11 =	smul.u32 $0x5000, s12  }
0x8: {  	s9 =	sadd.s32 $0x1A00, s0;
	s25 =	sshll.u32 s12, $0x6;
	s12 =	smul.u32 $0xA00, s12  }
0x9: {  	s7 =	smul.u32 $0xA0000, s5;
	[smem:$0x7FF] =	sst s4;
	s5 =	ssub.s32 $0x2, s5  }
0xa: {  	_ =	strace $0x8000004A;
	s8 =	sshrl.u32 s5, $0x1;
	s10 =	sadd.s32 s6, s2  }
0xb: {  	[dreg:$0x6] =	wrdreg s25;
	s26 =	sshrl.u32 s11, $0x3;
	s13 =	sadd.s32 s1, s12  }
0xc: {  	s14 =	sadd.s32 s9, s12;
	s20 =	sadd.s32 s6, s3;
	s12 =	simm.s32 $0x1500  }
0xd: {  	s7 =	sadd.s32 s6, s7;
	s5 =	ssub.s32 s5, s8;
	[dreg:$0x8] =	wrdreg s13  }
0xe: {  	s8 =	sor.u32 $0x1C01, s25;
	[dreg:$0x9] =	wrdreg s14;
	s15 =	sadd.s32 $0x280, s26  }
0xf: {  	s17 =	sadd.s32 $0x500, s26;
	s13 =	simm.s32 $0x5;
	s14 =	simm.s32 $0x200  }
0x10: {  	s6 =	simm.s32 $0x1580;
	s7 =	sshrl.u32 s7, $0x3;
	[dreg:$0x7] =	wrdreg s8  }
0x11: {  	s16 =	sadd.s32 s1, s15;
	s11 =	sadd.s32 s9, s15;
	s18 =	sadd.s32 s1, s17  }
0x12: {  	s21 =	smax.u32 s5, $0x1;
	s5 =	simm.s32 $0x2;
	[dreg:$0xa] =	wrdreg s16  }
0x13: {  	s15 =	simm.s32 $0x4;
	s0 =	sadd.s32 s7, s0;
	[dreg:$0xb] =	wrdreg s11  }
0x14: {  	s7 =	sshrl.u32 s23, $0x2;
	[dreg:$0xc] =	wrdreg s18;
	s11 =	sadd.s32 s9, s17  }
0x15: {  	[dreg:$0x11] =	wrdreg s21;
	s16 =	simm.s32 $0x6;
	s17 =	simm.s32 $0x280  }
0x16: {  	s18 =	simm.s32 $0x7;
	s24 =	sadd.s32 $0x5BA00, s0;
	[dreg:$0xd] =	wrdreg s11  }
0x17: {  	s8 =	sadd.s32 s7, s3;
	s0 =	sadd.s32 $0xBA00, s0;
	[dreg:$0x5] =	wrdreg s24  }
0x18: {  	s7 =	sadd.s32 $0x780, s26;
	s26 =	sshrl.u32 s10, $0x3;
	[dreg:$0x10] =	wrdreg s0  }
0x19: {  	s10 =	simm.s32 $0x8800;
	s1 =	sadd.s32 s1, s7;
	[dreg:$0x16] =	wrdreg s26  }
0x1a: {  	s11 =	simm.s32 $0x3;
	s19 =	sadd.s32 s9, s7;
	[dreg:$0xe] =	wrdreg s1  }
0x1b: {  	s22 =	sadd.s32 $0x2000, s8;
	s23 =	sadd.s32 $0x4000, s8;
	[dreg:$0xf] =	wrdreg s19  }
.Ltmp0:
0x1c: {  	s24 =	sadd.s32 $0x6000, s8;
	[dreg:$0x12] =	wrdreg s22;
	(pc) =	sbr.rel .LBB2_1-.Ltmp0, $4  }
0x1d: {  	s25 =	sadd.s32 $0x8000, s8;
	s26 =	simm.s32 $0x9;
	[dreg:$0x13] =	wrdreg s23  }
0x1e: {  	s0 =	simm.s32 $0x6800;
	s7 =	simm.s32 $0x1480;
	[dreg:$0x14] =	wrdreg s24  }
0x1f: {  	s9 =	simm.s32 $0x180;
	[dreg:$0x15] =	wrdreg s25;
	s24 =	simm.s32 $0x2800  }
0x20: {  	v0 =	vimm.f32 $0.0e+00;
	s25 =	sshrl.u32 s20, $0x3;
	s1 =	simm.s32 $0x100;
	s19 =	simm.s32 $0x8  }
.LBB2_15:
0x21: {  	_ =	swait.ge [sflag:s15], $0x2000  }
0x22: {  	[sflag:s15] =	ssyncset.done $0x0  }
0x23: {  	[sflag:s15] =	ssyncadd.s32 $0xFFFFE000  }
0x24: {  	[spmem:s3] =	stream.indirect.scatter.add.f32 [tilespmem:s10], [sflag:$0x8], $0x40, s22, s30, $0xb8;
	[tilespmem:$0x1E800] =	vst v63  }
0x25: {  	_ =	swait.ge [sflag:s13], $0x2000  }
0x26: {  	[sflag:s13] =	ssyncset.done $0x0  }
0x27: {  	[sflag:s13] =	ssyncadd.s32 $0xFFFFE000  }
0x28: {  	_ =	swait.ge [sflag:s16], $0x2000  }
0x29: {  	[sflag:s16] =	ssyncset.done $0x0  }
0x2a: {  	[sflag:s16] =	ssyncadd.s32 $0xFFFFE000  }
0x2b: {  	_ =	swait.ge [sflag:s18], $0x2000  }
0x2c: {  	[sflag:s18] =	ssyncset.done $0x0  }
0x2d: {  	[sflag:s18] =	ssyncadd.s32 $0xFFFFE000  }
0x2e: {  	_ =	swait.ge [sflag:s19], $0x2000  }
0x2f: {  	[sflag:s19] =	ssyncset.done $0x0  }
0x30: {  	[sflag:s19] =	ssyncadd.s32 $0xFFFFE000  }
0x31: {  	[bflag:$0x0] =	sbarrier.arrive $0xFFFF  }
0x32: {  	s20 =	rddreg [dreg:$0x6]  }
0x33: {  	s21 =	rddreg [dreg:$0x10];
	s20 =	sor.u32 $0x1C09, s20  }
0x34: {  	[hbm:s21], [sflag:s20] =	dma.local [spmem:s25], $0x1400  }
0x35: {  	_ =	swait.ge [sflag:s26], $0x1400  }
0x36: {  	s4 =	sadd.s32 $0x1, s4;
	s23 =	rddreg [dreg:$0x11]  }
0x37: {  	p0 =	sne.s32 s4, s23  }
.Ltmp1:
0x38: {  	_ = 	snop;
	(pc) =	sbr.rel @!p0 .LBB2_16-.Ltmp1, $3  }
0x39: {  	_ =	sdelay $0x1  }
0x3a: {  	[sflag:s26] =	ssyncset.done $0x0  }
0x3b: {  	[sflag:s26] =	ssyncadd.s32 $0xFFFFEC00  }
.LBB2_1:
0x3c: {  	s20 =	rddreg [dreg:$0x5]  }
0x3d: {  	s21 =	rddreg [dreg:$0x7]  }
0x3e: {  	s22 =	rddreg [dreg:$0x16]  }
0x3f: {  	[spmem:s22], [sflag:s21] =	dma.local [hbm:s20], $0x1400  }
0x40: {  	s21 =	simm.s32 $0x100;
	s20 =	simm.s32 $0x0  }
.LBB2_2:
0x41: {  	p0 =	sne.s32 s21, $0x7F00;
	[tilespmem:s20+$0x2830] =	vst v0;
	s22 =	smov.u32 s21;
	s21 =	sadd.s32 $0x100, s21  }
.Ltmp2:
0x42: {  	[tilespmem:s20+$0x2820] =	vst v0;
	(pc) =	sbr.rel @p0 .LBB2_2-.Ltmp2, $3  }
0x43: {  	[tilespmem:s20+$0x2800] =	vst v0  }
0x44: {  	[tilespmem:s20+$0x2810] =	vst v0;
	_ =	sdelay $0x1  }
0x45: {  	s20 =	sshra.s32 s22, $0x2  }
0x46: {  	[tilespmem:s20+$0x2830] =	vst v0  }
0x47: {  	[tilespmem:s20+$0x2820] =	vst v0  }
0x48: {  	[tilespmem:s20+$0x2800] =	vst v0  }
0x49: {  	[tilespmem:s20+$0x2810] =	vst v0  }
0x4a: {  	[spmem:s8] =	stream.linear.scatter [tilespmem:s24], [sflag:$0x9], $0x2000, $0x38;
	[tilespmem:$0x1E800] =	vst v63  }
0x4b: {  	_ =	swait.ge [sflag:s26], $0x2000  }
0x4c: {  	[sflag:s26] =	ssyncset.done $0x0  }
0x4d: {  	s22 =	rddreg [dreg:$0x12];
	[sflag:s26] =	ssyncadd.s32 $0xFFFFE000  }
0x4e: {  	[spmem:s22] =	stream.linear.scatter [tilespmem:s24], [sflag:$0x9], $0x2000, $0x38;
	[tilespmem:$0x1E800] =	vst v63  }
0x4f: {  	_ =	swait.ge [sflag:s26], $0x2000  }
0x50: {  	[sflag:s26] =	ssyncset.done $0x0  }
0x51: {  	s23 =	rddreg [dreg:$0x13];
	[sflag:s26] =	ssyncadd.s32 $0xFFFFE000  }
0x52: {  	[spmem:s23] =	stream.linear.scatter [tilespmem:s24], [sflag:$0x9], $0x2000, $0x38;
	[tilespmem:$0x1E800] =	vst v63  }
0x53: {  	_ =	swait.ge [sflag:s26], $0x2000  }
0x54: {  	[sflag:s26] =	ssyncset.done $0x0  }
0x55: {  	s21 =	rddreg [dreg:$0x14];
	[sflag:s26] =	ssyncadd.s32 $0xFFFFE000  }
0x56: {  	[spmem:s21] =	stream.linear.scatter [tilespmem:s24], [sflag:$0x9], $0x2000, $0x38;
	[tilespmem:$0x1E800] =	vst v63  }
0x57: {  	_ =	swait.ge [sflag:s26], $0x2000  }
0x58: {  	[sflag:s26] =	ssyncset.done $0x0  }
0x59: {  	s22 =	rddreg [dreg:$0x15];
	[sflag:s26] =	ssyncadd.s32 $0xFFFFE000  }
0x5a: {  	[spmem:s22] =	stream.linear.scatter [tilespmem:s24], [sflag:$0x9], $0x2000, $0x38;
	[tilespmem:$0x1E800] =	vst v63  }
0x5b: {  	_ =	swait.ge [sflag:s26], $0x2000  }
0x5c: {  	[sflag:s26] =	ssyncset.done $0x0  }
0x5d: {  	[sflag:s26] =	ssyncadd.s32 $0xFFFFE000  }
0x5e: {  	_ =	swait.ge [sflag:s28], $0x1400  }
0x5f: {  	[sflag:s28] =	ssyncset.done $0x0  }
0x60: {  	[sflag:s28] =	ssyncadd.s32 $0xFFFFEC00  }
0x61: {  	[bflag:$0x0] =	sbarrier.arrive $0xFFFF  }
0x62: {  	s20 =	simm.s32 $0x0;
	s21 =	rddreg [dreg:$0x8]  }
0x63: {  	[tilespmem:s20], [sflag:$0x9] =	stream.linear.gather [hbm4b:s21+s20], $0x1400, $0x38;
	[tilespmem:$0x1E800] =	vst v63  }
0x64: {  	_ =	swait.ge [sflag:s26], $0x1400  }
0x65: {  	[sflag:s26] =	ssyncset.done $0x0  }
0x66: {  	s23 =	rddreg [dreg:$0x9];
	[sflag:s26] =	ssyncadd.s32 $0xFFFFEC00  }
0x67: {  	[tilespmem:s29], [sflag:$0x9] =	stream.linear.gather [hbm4b:s23+s20], $0x1400, $0x38;
	[tilespmem:$0x1E800] =	vst v63  }
0x68: {  	_ =	swait.ge [sflag:s26], $0x1400  }
0x69: {  	[sflag:s26] =	ssyncset.done $0x0  }
0x6a: {  	[sflag:s26] =	ssyncadd.s32 $0xFFFFEC00  }
0x6b: {  	[tilespmem:s24], [sflag:$0x1] =	stream.indirect.gather [spmem:s2], $0x40, s20, s30, $0xb8;
	[tilespmem:$0x1E800] =	vst v63  }
0x6c: {  	_ = 	snop  }
0x6d: {  	[tilespmem:s31], [sflag:$0x2] =	stream.indirect.gather [spmem:s2], $0x40, s30, s30, $0xb8;
	[tilespmem:$0x1E800] =	vst v63  }
0x6e: {  	_ =	swait.ge [sflag:s28], $0x2000  }
0x6f: {  	[sflag:s28] =	ssyncset.done $0x0  }
0x70: {  	[sflag:s28] =	ssyncadd.s32 $0xFFFFE000  }
0x71: {  	[spmem:s3] =	stream.indirect.scatter.add.f32 [tilespmem:s24], [sflag:$0x5], $0x40, s29, s30, $0xb8;
	[tilespmem:$0x1E800] =	vst v63  }
0x72: {  	_ = 	snop  }
0x73: {  	[tilespmem:s0], [sflag:$0x3] =	stream.indirect.gather [spmem:s2], $0x40, s1, s30, $0xb8;
	[tilespmem:$0x1E800] =	vst v63  }
0x74: {  	_ =	swait.ge [sflag:s5], $0x2000  }
0x75: {  	[sflag:s5] =	ssyncset.done $0x0  }
0x76: {  	[sflag:s5] =	ssyncadd.s32 $0xFFFFE000  }
0x77: {  	[spmem:s3] =	stream.indirect.scatter.add.f32 [tilespmem:s31], [sflag:$0x6], $0x40, s7, s30, $0xb8;
	[tilespmem:$0x1E800] =	vst v63  }
0x78: {  	_ = 	snop  }
0x79: {  	[tilespmem:s10], [sflag:$0x4] =	stream.indirect.gather [spmem:s2], $0x40, s9, s30, $0xb8;
	[tilespmem:$0x1E800] =	vst v63  }
0x7a: {  	_ =	swait.ge [sflag:s11], $0x2000  }
0x7b: {  	[sflag:s11] =	ssyncset.done $0x0  }
0x7c: {  	[sflag:s11] =	ssyncadd.s32 $0xFFFFE000  }
0x7d: {  	[spmem:s3] =	stream.indirect.scatter.add.f32 [tilespmem:s0], [sflag:$0x7], $0x40, s12, s30, $0xb8;
	[tilespmem:$0x1E800] =	vst v63  }
0x7e: {  	_ =	swait.ge [sflag:s13], $0x2000  }
0x7f: {  	[sflag:s13] =	ssyncset.done $0x0  }
0x80: {  	[sflag:s13] =	ssyncadd.s32 $0xFFFFE000  }
0x81: {  	[tilespmem:s24], [sflag:$0x1] =	stream.indirect.gather [spmem:s2], $0x40, s14, s30, $0xb8;
	[tilespmem:$0x1E800] =	vst v63  }
0x82: {  	_ =	swait.ge [sflag:s15], $0x2000  }
0x83: {  	[sflag:s15] =	ssyncset.done $0x0  }
0x84: {  	[sflag:s15] =	ssyncadd.s32 $0xFFFFE000  }
0x85: {  	[spmem:s3] =	stream.indirect.scatter.add.f32 [tilespmem:s10], [sflag:$0x8], $0x40, s6, s30, $0xb8;
	[tilespmem:$0x1E800] =	vst v63  }
0x86: {  	_ =	swait.ge [sflag:s16], $0x2000  }
0x87: {  	[sflag:s16] =	ssyncset.done $0x0  }
0x88: {  	[sflag:s16] =	ssyncadd.s32 $0xFFFFE000  }
0x89: {  	[tilespmem:s31], [sflag:$0x2] =	stream.indirect.gather [spmem:s2], $0x40, s17, s30, $0xb8;
	[tilespmem:$0x1E800] =	vst v63  }
.LBB2_4:
0x8a: {  	_ =	swait.ge [sflag:s28], $0x2000  }
0x8b: {  	s21 =	sshra.s32 s20, $0x2;
	[sflag:s28] =	ssyncset.done $0x0  }
0x8c: {  	s22 =	sadd.s32 $0x1600, s21;
	[sflag:s28] =	ssyncadd.s32 $0xFFFFE000  }
0x8d: {  	[spmem:s3] =	stream.indirect.scatter.add.f32 [tilespmem:s24], [sflag:$0x5], $0x40, s22, s30, $0xb8;
	[tilespmem:$0x1E800] =	vst v63  }
0x8e: {  	_ =	swait.ge [sflag:s18], $0x2000  }
0x8f: {  	[sflag:s18] =	ssyncset.done $0x0  }
0x90: {  	s23 =	sadd.s32 $0x300, s21;
	[sflag:s18] =	ssyncadd.s32 $0xFFFFE000  }
0x91: {  	[tilespmem:s0], [sflag:$0x3] =	stream.indirect.gather [spmem:s2], $0x40, s23, s30, $0xb8;
	[tilespmem:$0x1E800] =	vst v63  }
0x92: {  	_ =	swait.ge [sflag:s5], $0x2000  }
0x93: {  	[sflag:s5] =	ssyncset.done $0x0  }
0x94: {  	s23 =	sadd.s32 $0x1680, s21;
	[sflag:s5] =	ssyncadd.s32 $0xFFFFE000  }
0x95: {  	[spmem:s3] =	stream.indirect.scatter.add.f32 [tilespmem:s31], [sflag:$0x6], $0x40, s23, s30, $0xb8;
	[tilespmem:$0x1E800] =	vst v63  }
0x96: {  	_ =	swait.ge [sflag:s19], $0x2000  }
0x97: {  	[sflag:s19] =	ssyncset.done $0x0  }
0x98: {  	p0 =	seq.s32 s20, $0x4000;
	s23 =	sadd.s32 $0x380, s21;
	[sflag:s19] =	ssyncadd.s32 $0xFFFFE000  }
0x99: {  	[tilespmem:s10], [sflag:$0x4] =	stream.indirect.gather [spmem:s2], $0x40, s23, s30, $0xb8;
	[tilespmem:$0x1E800] =	vst v63  }
.Ltmp3:
0x9a: {  	_ = 	snop;
	(pc) =	sbr.rel @p0 .LBB2_6-.Ltmp3, $4  }
0x9b: {  	_ =	swait.ge [sflag:s11], $0x2000  }
0x9c: {  	[sflag:s11] =	ssyncset.done $0x0  }
0x9d: {  	s22 =	sadd.s32 $0x1780, s21;
	s23 =	sadd.s32 $0x1700, s21;
	[sflag:s11] =	ssyncadd.s32 $0xFFFFE000  }
0x9e: {  	[spmem:s3] =	stream.indirect.scatter.add.f32 [tilespmem:s0], [sflag:$0x7], $0x40, s23, s30, $0xb8;
	[tilespmem:$0x1E800] =	vst v63  }
0x9f: {  	_ =	swait.ge [sflag:s13], $0x2000  }
0xa0: {  	[sflag:s13] =	ssyncset.done $0x0  }
0xa1: {  	s23 =	sadd.s32 $0x400, s21;
	[sflag:s13] =	ssyncadd.s32 $0xFFFFE000  }
0xa2: {  	[tilespmem:s24], [sflag:$0x1] =	stream.indirect.gather [spmem:s2], $0x40, s23, s30, $0xb8;
	[tilespmem:$0x1E800] =	vst v63  }
0xa3: {  	_ =	swait.ge [sflag:s15], $0x2000  }
0xa4: {  	[sflag:s15] =	ssyncset.done $0x0  }
0xa5: {  	[sflag:s15] =	ssyncadd.s32 $0xFFFFE000  }
0xa6: {  	[spmem:s3] =	stream.indirect.scatter.add.f32 [tilespmem:s10], [sflag:$0x8], $0x40, s22, s30, $0xb8;
	[tilespmem:$0x1E800] =	vst v63  }
.Ltmp4:
0xa7: {  	_ = 	snop;
	(pc) =	sbr.rel .LBB2_4-.Ltmp4, $4  }
0xa8: {  	_ =	swait.ge [sflag:s16], $0x2000  }
0xa9: {  	[sflag:s16] =	ssyncset.done $0x0  }
0xaa: {  	s20 =	sadd.s32 $0x800, s20;
	s23 =	sadd.s32 $0x480, s21;
	[sflag:s16] =	ssyncadd.s32 $0xFFFFE000  }
0xab: {  	[tilespmem:s31], [sflag:$0x2] =	stream.indirect.gather [spmem:s2], $0x40, s23, s30, $0xb8;
	[tilespmem:$0x1E800] =	vst v63  }
.LBB2_6:
0xac: {  	_ =	swait.ge [sflag:s15], $0x2000  }
0xad: {  	[sflag:s15] =	ssyncset.done $0x0  }
0xae: {  	[sflag:s15] =	ssyncadd.s32 $0xFFFFE000  }
0xaf: {  	[spmem:s3] =	stream.indirect.scatter.add.f32 [tilespmem:s10], [sflag:$0x8], $0x40, s22, s30, $0xb8;
	[tilespmem:$0x1E800] =	vst v63  }
0xb0: {  	_ =	swait.ge [sflag:s13], $0x2000  }
0xb1: {  	[sflag:s13] =	ssyncset.done $0x0  }
0xb2: {  	[sflag:s13] =	ssyncadd.s32 $0xFFFFE000  }
0xb3: {  	_ =	swait.ge [sflag:s16], $0x2000  }
0xb4: {  	[sflag:s16] =	ssyncset.done $0x0  }
0xb5: {  	[sflag:s16] =	ssyncadd.s32 $0xFFFFE000  }
0xb6: {  	_ =	swait.ge [sflag:s18], $0x2000  }
0xb7: {  	[sflag:s18] =	ssyncset.done $0x0  }
0xb8: {  	[sflag:s18] =	ssyncadd.s32 $0xFFFFE000  }
0xb9: {  	_ =	swait.ge [sflag:s19], $0x2000  }
0xba: {  	[sflag:s19] =	ssyncset.done $0x0  }
0xbb: {  	s20 =	simm.s32 $0x0;
	s21 =	rddreg [dreg:$0xa];
	[sflag:s19] =	ssyncadd.s32 $0xFFFFE000  }
0xbc: {  	[tilespmem:s20], [sflag:$0x9] =	stream.linear.gather [hbm4b:s21+s20], $0x1400, $0x38;
	[tilespmem:$0x1E800] =	vst v63  }
0xbd: {  	_ =	swait.ge [sflag:s26], $0x1400  }
0xbe: {  	[sflag:s26] =	ssyncset.done $0x0  }
0xbf: {  	s23 =	rddreg [dreg:$0xb];
	[sflag:s26] =	ssyncadd.s32 $0xFFFFEC00  }
0xc0: {  	[tilespmem:s29], [sflag:$0x9] =	stream.linear.gather [hbm4b:s23+s20], $0x1400, $0x38;
	[tilespmem:$0x1E800] =	vst v63  }
0xc1: {  	_ =	swait.ge [sflag:s26], $0x1400  }
0xc2: {  	[sflag:s26] =	ssyncset.done $0x0  }
0xc3: {  	[sflag:s26] =	ssyncadd.s32 $0xFFFFEC00  }
0xc4: {  	[tilespmem:s24], [sflag:$0x1] =	stream.indirect.gather [spmem:s2], $0x40, s20, s30, $0xb8;
	[tilespmem:$0x1E800] =	vst v63  }
0xc5: {  	_ = 	snop  }
0xc6: {  	[tilespmem:s31], [sflag:$0x2] =	stream.indirect.gather [spmem:s2], $0x40, s30, s30, $0xb8;
	[tilespmem:$0x1E800] =	vst v63  }
0xc7: {  	_ =	swait.ge [sflag:s28], $0x2000  }
0xc8: {  	[sflag:s28] =	ssyncset.done $0x0  }
0xc9: {  	[sflag:s28] =	ssyncadd.s32 $0xFFFFE000  }
0xca: {  	[spmem:s3] =	stream.indirect.scatter.add.f32 [tilespmem:s24], [sflag:$0x5], $0x40, s29, s30, $0xb8;
	[tilespmem:$0x1E800] =	vst v63  }
0xcb: {  	_ = 	snop  }
0xcc: {  	[tilespmem:s0], [sflag:$0x3] =	stream.indirect.gather [spmem:s2], $0x40, s1, s30, $0xb8;
	[tilespmem:$0x1E800] =	vst v63  }
0xcd: {  	_ =	swait.ge [sflag:s5], $0x2000  }
0xce: {  	[sflag:s5] =	ssyncset.done $0x0  }
0xcf: {  	[sflag:s5] =	ssyncadd.s32 $0xFFFFE000  }
0xd0: {  	[spmem:s3] =	stream.indirect.scatter.add.f32 [tilespmem:s31], [sflag:$0x6], $0x40, s7, s30, $0xb8;
	[tilespmem:$0x1E800] =	vst v63  }
0xd1: {  	_ = 	snop  }
0xd2: {  	[tilespmem:s10], [sflag:$0x4] =	stream.indirect.gather [spmem:s2], $0x40, s9, s30, $0xb8;
	[tilespmem:$0x1E800] =	vst v63  }
0xd3: {  	_ =	swait.ge [sflag:s11], $0x2000  }
0xd4: {  	[sflag:s11] =	ssyncset.done $0x0  }
0xd5: {  	[sflag:s11] =	ssyncadd.s32 $0xFFFFE000  }
0xd6: {  	[spmem:s3] =	stream.indirect.scatter.add.f32 [tilespmem:s0], [sflag:$0x7], $0x40, s12, s30, $0xb8;
	[tilespmem:$0x1E800] =	vst v63  }
0xd7: {  	_ =	swait.ge [sflag:s13], $0x2000  }
0xd8: {  	[sflag:s13] =	ssyncset.done $0x0  }
0xd9: {  	[sflag:s13] =	ssyncadd.s32 $0xFFFFE000  }
0xda: {  	[tilespmem:s24], [sflag:$0x1] =	stream.indirect.gather [spmem:s2], $0x40, s14, s30, $0xb8;
	[tilespmem:$0x1E800] =	vst v63  }
0xdb: {  	_ =	swait.ge [sflag:s15], $0x2000  }
0xdc: {  	[sflag:s15] =	ssyncset.done $0x0  }
0xdd: {  	[sflag:s15] =	ssyncadd.s32 $0xFFFFE000  }
0xde: {  	[spmem:s3] =	stream.indirect.scatter.add.f32 [tilespmem:s10], [sflag:$0x8], $0x40, s6, s30, $0xb8;
	[tilespmem:$0x1E800] =	vst v63  }
0xdf: {  	_ =	swait.ge [sflag:s16], $0x2000  }
0xe0: {  	[sflag:s16] =	ssyncset.done $0x0  }
0xe1: {  	[sflag:s16] =	ssyncadd.s32 $0xFFFFE000  }
0xe2: {  	[tilespmem:s31], [sflag:$0x2] =	stream.indirect.gather [spmem:s2], $0x40, s17, s30, $0xb8;
	[tilespmem:$0x1E800] =	vst v63  }
.LBB2_7:
0xe3: {  	_ =	swait.ge [sflag:s28], $0x2000  }
0xe4: {  	s21 =	sshra.s32 s20, $0x2;
	[sflag:s28] =	ssyncset.done $0x0  }
0xe5: {  	s22 =	sadd.s32 $0x1600, s21;
	[sflag:s28] =	ssyncadd.s32 $0xFFFFE000  }
0xe6: {  	[spmem:s3] =	stream.indirect.scatter.add.f32 [tilespmem:s24], [sflag:$0x5], $0x40, s22, s30, $0xb8;
	[tilespmem:$0x1E800] =	vst v63  }
0xe7: {  	_ =	swait.ge [sflag:s18], $0x2000  }
0xe8: {  	[sflag:s18] =	ssyncset.done $0x0  }
0xe9: {  	s23 =	sadd.s32 $0x300, s21;
	[sflag:s18] =	ssyncadd.s32 $0xFFFFE000  }
0xea: {  	[tilespmem:s0], [sflag:$0x3] =	stream.indirect.gather [spmem:s2], $0x40, s23, s30, $0xb8;
	[tilespmem:$0x1E800] =	vst v63  }
0xeb: {  	_ =	swait.ge [sflag:s5], $0x2000  }
0xec: {  	[sflag:s5] =	ssyncset.done $0x0  }
0xed: {  	s23 =	sadd.s32 $0x1680, s21;
	[sflag:s5] =	ssyncadd.s32 $0xFFFFE000  }
0xee: {  	[spmem:s3] =	stream.indirect.scatter.add.f32 [tilespmem:s31], [sflag:$0x6], $0x40, s23, s30, $0xb8;
	[tilespmem:$0x1E800] =	vst v63  }
0xef: {  	_ =	swait.ge [sflag:s19], $0x2000  }
0xf0: {  	[sflag:s19] =	ssyncset.done $0x0  }
0xf1: {  	p0 =	seq.s32 s20, $0x4000;
	s23 =	sadd.s32 $0x380, s21;
	[sflag:s19] =	ssyncadd.s32 $0xFFFFE000  }
0xf2: {  	[tilespmem:s10], [sflag:$0x4] =	stream.indirect.gather [spmem:s2], $0x40, s23, s30, $0xb8;
	[tilespmem:$0x1E800] =	vst v63  }
.Ltmp5:
0xf3: {  	_ = 	snop;
	(pc) =	sbr.rel @p0 .LBB2_9-.Ltmp5, $4  }
0xf4: {  	_ =	swait.ge [sflag:s11], $0x2000  }
0xf5: {  	[sflag:s11] =	ssyncset.done $0x0  }
0xf6: {  	s22 =	sadd.s32 $0x1780, s21;
	s23 =	sadd.s32 $0x1700, s21;
	[sflag:s11] =	ssyncadd.s32 $0xFFFFE000  }
0xf7: {  	[spmem:s3] =	stream.indirect.scatter.add.f32 [tilespmem:s0], [sflag:$0x7], $0x40, s23, s30, $0xb8;
	[tilespmem:$0x1E800] =	vst v63  }
0xf8: {  	_ =	swait.ge [sflag:s13], $0x2000  }
0xf9: {  	[sflag:s13] =	ssyncset.done $0x0  }
0xfa: {  	s23 =	sadd.s32 $0x400, s21;
	[sflag:s13] =	ssyncadd.s32 $0xFFFFE000  }
0xfb: {  	[tilespmem:s24], [sflag:$0x1] =	stream.indirect.gather [spmem:s2], $0x40, s23, s30, $0xb8;
	[tilespmem:$0x1E800] =	vst v63  }
0xfc: {  	_ =	swait.ge [sflag:s15], $0x2000  }
0xfd: {  	[sflag:s15] =	ssyncset.done $0x0  }
0xfe: {  	[sflag:s15] =	ssyncadd.s32 $0xFFFFE000  }
0xff: {  	[spmem:s3] =	stream.indirect.scatter.add.f32 [tilespmem:s10], [sflag:$0x8], $0x40, s22, s30, $0xb8;
	[tilespmem:$0x1E800] =	vst v63  }
.Ltmp6:
0x100: {  	_ = 	snop;
	(pc) =	sbr.rel .LBB2_7-.Ltmp6, $4  }
0x101: {  	_ =	swait.ge [sflag:s16], $0x2000  }
0x102: {  	[sflag:s16] =	ssyncset.done $0x0  }
0x103: {  	s20 =	sadd.s32 $0x800, s20;
	s23 =	sadd.s32 $0x480, s21;
	[sflag:s16] =	ssyncadd.s32 $0xFFFFE000  }
0x104: {  	[tilespmem:s31], [sflag:$0x2] =	stream.indirect.gather [spmem:s2], $0x40, s23, s30, $0xb8;
	[tilespmem:$0x1E800] =	vst v63  }
.LBB2_9:
0x105: {  	_ =	swait.ge [sflag:s15], $0x2000  }
0x106: {  	[sflag:s15] =	ssyncset.done $0x0  }
0x107: {  	[sflag:s15] =	ssyncadd.s32 $0xFFFFE000  }
0x108: {  	[spmem:s3] =	stream.indirect.scatter.add.f32 [tilespmem:s10], [sflag:$0x8], $0x40, s22, s30, $0xb8;
	[tilespmem:$0x1E800] =	vst v63  }
0x109: {  	_ =	swait.ge [sflag:s13], $0x2000  }
0x10a: {  	[sflag:s13] =	ssyncset.done $0x0  }
0x10b: {  	[sflag:s13] =	ssyncadd.s32 $0xFFFFE000  }
0x10c: {  	_ =	swait.ge [sflag:s16], $0x2000  }
0x10d: {  	[sflag:s16] =	ssyncset.done $0x0  }
0x10e: {  	[sflag:s16] =	ssyncadd.s32 $0xFFFFE000  }
0x10f: {  	_ =	swait.ge [sflag:s18], $0x2000  }
0x110: {  	[sflag:s18] =	ssyncset.done $0x0  }
0x111: {  	[sflag:s18] =	ssyncadd.s32 $0xFFFFE000  }
0x112: {  	_ =	swait.ge [sflag:s19], $0x2000  }
0x113: {  	[sflag:s19] =	ssyncset.done $0x0  }
0x114: {  	s20 =	simm.s32 $0x0;
	s21 =	rddreg [dreg:$0xc];
	[sflag:s19] =	ssyncadd.s32 $0xFFFFE000  }
0x115: {  	[tilespmem:s20], [sflag:$0x9] =	stream.linear.gather [hbm4b:s21+s20], $0x1400, $0x38;
	[tilespmem:$0x1E800] =	vst v63  }
0x116: {  	_ =	swait.ge [sflag:s26], $0x1400  }
0x117: {  	[sflag:s26] =	ssyncset.done $0x0  }
0x118: {  	s23 =	rddreg [dreg:$0xd];
	[sflag:s26] =	ssyncadd.s32 $0xFFFFEC00  }
0x119: {  	[tilespmem:s29], [sflag:$0x9] =	stream.linear.gather [hbm4b:s23+s20], $0x1400, $0x38;
	[tilespmem:$0x1E800] =	vst v63  }
0x11a: {  	_ =	swait.ge [sflag:s26], $0x1400  }
0x11b: {  	[sflag:s26] =	ssyncset.done $0x0  }
0x11c: {  	[sflag:s26] =	ssyncadd.s32 $0xFFFFEC00  }
0x11d: {  	[tilespmem:s24], [sflag:$0x1] =	stream.indirect.gather [spmem:s2], $0x40, s20, s30, $0xb8;
	[tilespmem:$0x1E800] =	vst v63  }
0x11e: {  	_ = 	snop  }
0x11f: {  	[tilespmem:s31], [sflag:$0x2] =	stream.indirect.gather [spmem:s2], $0x40, s30, s30, $0xb8;
	[tilespmem:$0x1E800] =	vst v63  }
0x120: {  	_ =	swait.ge [sflag:s28], $0x2000  }
0x121: {  	[sflag:s28] =	ssyncset.done $0x0  }
0x122: {  	[sflag:s28] =	ssyncadd.s32 $0xFFFFE000  }
0x123: {  	[spmem:s3] =	stream.indirect.scatter.add.f32 [tilespmem:s24], [sflag:$0x5], $0x40, s29, s30, $0xb8;
	[tilespmem:$0x1E800] =	vst v63  }
0x124: {  	_ = 	snop  }
0x125: {  	[tilespmem:s0], [sflag:$0x3] =	stream.indirect.gather [spmem:s2], $0x40, s1, s30, $0xb8;
	[tilespmem:$0x1E800] =	vst v63  }
0x126: {  	_ =	swait.ge [sflag:s5], $0x2000  }
0x127: {  	[sflag:s5] =	ssyncset.done $0x0  }
0x128: {  	[sflag:s5] =	ssyncadd.s32 $0xFFFFE000  }
0x129: {  	[spmem:s3] =	stream.indirect.scatter.add.f32 [tilespmem:s31], [sflag:$0x6], $0x40, s7, s30, $0xb8;
	[tilespmem:$0x1E800] =	vst v63  }
0x12a: {  	_ = 	snop  }
0x12b: {  	[tilespmem:s10], [sflag:$0x4] =	stream.indirect.gather [spmem:s2], $0x40, s9, s30, $0xb8;
	[tilespmem:$0x1E800] =	vst v63  }
0x12c: {  	_ =	swait.ge [sflag:s11], $0x2000  }
0x12d: {  	[sflag:s11] =	ssyncset.done $0x0  }
0x12e: {  	[sflag:s11] =	ssyncadd.s32 $0xFFFFE000  }
0x12f: {  	[spmem:s3] =	stream.indirect.scatter.add.f32 [tilespmem:s0], [sflag:$0x7], $0x40, s12, s30, $0xb8;
	[tilespmem:$0x1E800] =	vst v63  }
0x130: {  	_ =	swait.ge [sflag:s13], $0x2000  }
0x131: {  	[sflag:s13] =	ssyncset.done $0x0  }
0x132: {  	[sflag:s13] =	ssyncadd.s32 $0xFFFFE000  }
0x133: {  	[tilespmem:s24], [sflag:$0x1] =	stream.indirect.gather [spmem:s2], $0x40, s14, s30, $0xb8;
	[tilespmem:$0x1E800] =	vst v63  }
0x134: {  	_ =	swait.ge [sflag:s15], $0x2000  }
0x135: {  	[sflag:s15] =	ssyncset.done $0x0  }
0x136: {  	[sflag:s15] =	ssyncadd.s32 $0xFFFFE000  }
0x137: {  	[spmem:s3] =	stream.indirect.scatter.add.f32 [tilespmem:s10], [sflag:$0x8], $0x40, s6, s30, $0xb8;
	[tilespmem:$0x1E800] =	vst v63  }
0x138: {  	_ =	swait.ge [sflag:s16], $0x2000  }
0x139: {  	[sflag:s16] =	ssyncset.done $0x0  }
0x13a: {  	[sflag:s16] =	ssyncadd.s32 $0xFFFFE000  }
0x13b: {  	[tilespmem:s31], [sflag:$0x2] =	stream.indirect.gather [spmem:s2], $0x40, s17, s30, $0xb8;
	[tilespmem:$0x1E800] =	vst v63  }
.LBB2_10:
0x13c: {  	_ =	swait.ge [sflag:s28], $0x2000  }
0x13d: {  	s21 =	sshra.s32 s20, $0x2;
	[sflag:s28] =	ssyncset.done $0x0  }
0x13e: {  	s22 =	sadd.s32 $0x1600, s21;
	[sflag:s28] =	ssyncadd.s32 $0xFFFFE000  }
0x13f: {  	[spmem:s3] =	stream.indirect.scatter.add.f32 [tilespmem:s24], [sflag:$0x5], $0x40, s22, s30, $0xb8;
	[tilespmem:$0x1E800] =	vst v63  }
0x140: {  	_ =	swait.ge [sflag:s18], $0x2000  }
0x141: {  	[sflag:s18] =	ssyncset.done $0x0  }
0x142: {  	s23 =	sadd.s32 $0x300, s21;
	[sflag:s18] =	ssyncadd.s32 $0xFFFFE000  }
0x143: {  	[tilespmem:s0], [sflag:$0x3] =	stream.indirect.gather [spmem:s2], $0x40, s23, s30, $0xb8;
	[tilespmem:$0x1E800] =	vst v63  }
0x144: {  	_ =	swait.ge [sflag:s5], $0x2000  }
0x145: {  	[sflag:s5] =	ssyncset.done $0x0  }
0x146: {  	s23 =	sadd.s32 $0x1680, s21;
	[sflag:s5] =	ssyncadd.s32 $0xFFFFE000  }
0x147: {  	[spmem:s3] =	stream.indirect.scatter.add.f32 [tilespmem:s31], [sflag:$0x6], $0x40, s23, s30, $0xb8;
	[tilespmem:$0x1E800] =	vst v63  }
0x148: {  	_ =	swait.ge [sflag:s19], $0x2000  }
0x149: {  	[sflag:s19] =	ssyncset.done $0x0  }
0x14a: {  	p0 =	seq.s32 s20, $0x4000;
	s23 =	sadd.s32 $0x380, s21;
	[sflag:s19] =	ssyncadd.s32 $0xFFFFE000  }
0x14b: {  	[tilespmem:s10], [sflag:$0x4] =	stream.indirect.gather [spmem:s2], $0x40, s23, s30, $0xb8;
	[tilespmem:$0x1E800] =	vst v63  }
.Ltmp7:
0x14c: {  	_ = 	snop;
	(pc) =	sbr.rel @p0 .LBB2_12-.Ltmp7, $4  }
0x14d: {  	_ =	swait.ge [sflag:s11], $0x2000  }
0x14e: {  	[sflag:s11] =	ssyncset.done $0x0  }
0x14f: {  	s22 =	sadd.s32 $0x1780, s21;
	s23 =	sadd.s32 $0x1700, s21;
	[sflag:s11] =	ssyncadd.s32 $0xFFFFE000  }
0x150: {  	[spmem:s3] =	stream.indirect.scatter.add.f32 [tilespmem:s0], [sflag:$0x7], $0x40, s23, s30, $0xb8;
	[tilespmem:$0x1E800] =	vst v63  }
0x151: {  	_ =	swait.ge [sflag:s13], $0x2000  }
0x152: {  	[sflag:s13] =	ssyncset.done $0x0  }
0x153: {  	s23 =	sadd.s32 $0x400, s21;
	[sflag:s13] =	ssyncadd.s32 $0xFFFFE000  }
0x154: {  	[tilespmem:s24], [sflag:$0x1] =	stream.indirect.gather [spmem:s2], $0x40, s23, s30, $0xb8;
	[tilespmem:$0x1E800] =	vst v63  }
0x155: {  	_ =	swait.ge [sflag:s15], $0x2000  }
0x156: {  	[sflag:s15] =	ssyncset.done $0x0  }
0x157: {  	[sflag:s15] =	ssyncadd.s32 $0xFFFFE000  }
0x158: {  	[spmem:s3] =	stream.indirect.scatter.add.f32 [tilespmem:s10], [sflag:$0x8], $0x40, s22, s30, $0xb8;
	[tilespmem:$0x1E800] =	vst v63  }
.Ltmp8:
0x159: {  	_ = 	snop;
	(pc) =	sbr.rel .LBB2_10-.Ltmp8, $4  }
0x15a: {  	_ =	swait.ge [sflag:s16], $0x2000  }
0x15b: {  	[sflag:s16] =	ssyncset.done $0x0  }
0x15c: {  	s20 =	sadd.s32 $0x800, s20;
	s23 =	sadd.s32 $0x480, s21;
	[sflag:s16] =	ssyncadd.s32 $0xFFFFE000  }
0x15d: {  	[tilespmem:s31], [sflag:$0x2] =	stream.indirect.gather [spmem:s2], $0x40, s23, s30, $0xb8;
	[tilespmem:$0x1E800] =	vst v63  }
.LBB2_12:
0x15e: {  	_ =	swait.ge [sflag:s15], $0x2000  }
0x15f: {  	[sflag:s15] =	ssyncset.done $0x0  }
0x160: {  	[sflag:s15] =	ssyncadd.s32 $0xFFFFE000  }
0x161: {  	[spmem:s3] =	stream.indirect.scatter.add.f32 [tilespmem:s10], [sflag:$0x8], $0x40, s22, s30, $0xb8;
	[tilespmem:$0x1E800] =	vst v63  }
0x162: {  	_ =	swait.ge [sflag:s13], $0x2000  }
0x163: {  	[sflag:s13] =	ssyncset.done $0x0  }
0x164: {  	[sflag:s13] =	ssyncadd.s32 $0xFFFFE000  }
0x165: {  	_ =	swait.ge [sflag:s16], $0x2000  }
0x166: {  	[sflag:s16] =	ssyncset.done $0x0  }
0x167: {  	[sflag:s16] =	ssyncadd.s32 $0xFFFFE000  }
0x168: {  	_ =	swait.ge [sflag:s18], $0x2000  }
0x169: {  	[sflag:s18] =	ssyncset.done $0x0  }
0x16a: {  	[sflag:s18] =	ssyncadd.s32 $0xFFFFE000  }
0x16b: {  	_ =	swait.ge [sflag:s19], $0x2000  }
0x16c: {  	[sflag:s19] =	ssyncset.done $0x0  }
0x16d: {  	s20 =	simm.s32 $0x0;
	s21 =	rddreg [dreg:$0xe];
	[sflag:s19] =	ssyncadd.s32 $0xFFFFE000  }
0x16e: {  	[tilespmem:s20], [sflag:$0x9] =	stream.linear.gather [hbm4b:s21+s20], $0x1400, $0x38;
	[tilespmem:$0x1E800] =	vst v63  }
0x16f: {  	_ =	swait.ge [sflag:s26], $0x1400  }
0x170: {  	[sflag:s26] =	ssyncset.done $0x0  }
0x171: {  	s23 =	rddreg [dreg:$0xf];
	[sflag:s26] =	ssyncadd.s32 $0xFFFFEC00  }
0x172: {  	[tilespmem:s29], [sflag:$0x9] =	stream.linear.gather [hbm4b:s23+s20], $0x1400, $0x38;
	[tilespmem:$0x1E800] =	vst v63  }
0x173: {  	_ =	swait.ge [sflag:s26], $0x1400  }
0x174: {  	[sflag:s26] =	ssyncset.done $0x0  }
0x175: {  	[sflag:s26] =	ssyncadd.s32 $0xFFFFEC00  }
0x176: {  	[tilespmem:s24], [sflag:$0x1] =	stream.indirect.gather [spmem:s2], $0x40, s20, s30, $0xb8;
	[tilespmem:$0x1E800] =	vst v63  }
0x177: {  	_ = 	snop  }
0x178: {  	[tilespmem:s31], [sflag:$0x2] =	stream.indirect.gather [spmem:s2], $0x40, s30, s30, $0xb8;
	[tilespmem:$0x1E800] =	vst v63  }
0x179: {  	_ =	swait.ge [sflag:s28], $0x2000  }
0x17a: {  	[sflag:s28] =	ssyncset.done $0x0  }
0x17b: {  	[sflag:s28] =	ssyncadd.s32 $0xFFFFE000  }
0x17c: {  	[spmem:s3] =	stream.indirect.scatter.add.f32 [tilespmem:s24], [sflag:$0x5], $0x40, s29, s30, $0xb8;
	[tilespmem:$0x1E800] =	vst v63  }
0x17d: {  	_ = 	snop  }
0x17e: {  	[tilespmem:s0], [sflag:$0x3] =	stream.indirect.gather [spmem:s2], $0x40, s1, s30, $0xb8;
	[tilespmem:$0x1E800] =	vst v63  }
0x17f: {  	_ =	swait.ge [sflag:s5], $0x2000  }
0x180: {  	[sflag:s5] =	ssyncset.done $0x0  }
0x181: {  	[sflag:s5] =	ssyncadd.s32 $0xFFFFE000  }
0x182: {  	[spmem:s3] =	stream.indirect.scatter.add.f32 [tilespmem:s31], [sflag:$0x6], $0x40, s7, s30, $0xb8;
	[tilespmem:$0x1E800] =	vst v63  }
0x183: {  	_ = 	snop  }
0x184: {  	[tilespmem:s10], [sflag:$0x4] =	stream.indirect.gather [spmem:s2], $0x40, s9, s30, $0xb8;
	[tilespmem:$0x1E800] =	vst v63  }
0x185: {  	_ =	swait.ge [sflag:s11], $0x2000  }
0x186: {  	[sflag:s11] =	ssyncset.done $0x0  }
0x187: {  	[sflag:s11] =	ssyncadd.s32 $0xFFFFE000  }
0x188: {  	[spmem:s3] =	stream.indirect.scatter.add.f32 [tilespmem:s0], [sflag:$0x7], $0x40, s12, s30, $0xb8;
	[tilespmem:$0x1E800] =	vst v63  }
0x189: {  	_ =	swait.ge [sflag:s13], $0x2000  }
0x18a: {  	[sflag:s13] =	ssyncset.done $0x0  }
0x18b: {  	[sflag:s13] =	ssyncadd.s32 $0xFFFFE000  }
0x18c: {  	[tilespmem:s24], [sflag:$0x1] =	stream.indirect.gather [spmem:s2], $0x40, s14, s30, $0xb8;
	[tilespmem:$0x1E800] =	vst v63  }
0x18d: {  	_ =	swait.ge [sflag:s15], $0x2000  }
0x18e: {  	[sflag:s15] =	ssyncset.done $0x0  }
0x18f: {  	[sflag:s15] =	ssyncadd.s32 $0xFFFFE000  }
0x190: {  	[spmem:s3] =	stream.indirect.scatter.add.f32 [tilespmem:s10], [sflag:$0x8], $0x40, s6, s30, $0xb8;
	[tilespmem:$0x1E800] =	vst v63  }
0x191: {  	_ =	swait.ge [sflag:s16], $0x2000  }
0x192: {  	[sflag:s16] =	ssyncset.done $0x0  }
0x193: {  	[sflag:s16] =	ssyncadd.s32 $0xFFFFE000  }
0x194: {  	[tilespmem:s31], [sflag:$0x2] =	stream.indirect.gather [spmem:s2], $0x40, s17, s30, $0xb8;
	[tilespmem:$0x1E800] =	vst v63  }
.LBB2_13:
0x195: {  	_ =	swait.ge [sflag:s28], $0x2000  }
0x196: {  	s21 =	sshra.s32 s20, $0x2;
	[sflag:s28] =	ssyncset.done $0x0  }
0x197: {  	s22 =	sadd.s32 $0x1600, s21;
	[sflag:s28] =	ssyncadd.s32 $0xFFFFE000  }
0x198: {  	[spmem:s3] =	stream.indirect.scatter.add.f32 [tilespmem:s24], [sflag:$0x5], $0x40, s22, s30, $0xb8;
	[tilespmem:$0x1E800] =	vst v63  }
0x199: {  	_ =	swait.ge [sflag:s18], $0x2000  }
0x19a: {  	[sflag:s18] =	ssyncset.done $0x0  }
0x19b: {  	s23 =	sadd.s32 $0x300, s21;
	[sflag:s18] =	ssyncadd.s32 $0xFFFFE000  }
0x19c: {  	[tilespmem:s0], [sflag:$0x3] =	stream.indirect.gather [spmem:s2], $0x40, s23, s30, $0xb8;
	[tilespmem:$0x1E800] =	vst v63  }
0x19d: {  	_ =	swait.ge [sflag:s5], $0x2000  }
0x19e: {  	[sflag:s5] =	ssyncset.done $0x0  }
0x19f: {  	s23 =	sadd.s32 $0x1680, s21;
	[sflag:s5] =	ssyncadd.s32 $0xFFFFE000  }
0x1a0: {  	[spmem:s3] =	stream.indirect.scatter.add.f32 [tilespmem:s31], [sflag:$0x6], $0x40, s23, s30, $0xb8;
	[tilespmem:$0x1E800] =	vst v63  }
0x1a1: {  	_ =	swait.ge [sflag:s19], $0x2000  }
0x1a2: {  	[sflag:s19] =	ssyncset.done $0x0  }
0x1a3: {  	p0 =	seq.s32 s20, $0x4000;
	s23 =	sadd.s32 $0x380, s21;
	[sflag:s19] =	ssyncadd.s32 $0xFFFFE000  }
0x1a4: {  	[tilespmem:s10], [sflag:$0x4] =	stream.indirect.gather [spmem:s2], $0x40, s23, s30, $0xb8;
	[tilespmem:$0x1E800] =	vst v63  }
.Ltmp9:
0x1a5: {  	_ = 	snop;
	(pc) =	sbr.rel @p0 .LBB2_15-.Ltmp9, $4  }
0x1a6: {  	_ =	swait.ge [sflag:s11], $0x2000  }
0x1a7: {  	[sflag:s11] =	ssyncset.done $0x0  }
0x1a8: {  	s22 =	sadd.s32 $0x1780, s21;
	s23 =	sadd.s32 $0x1700, s21;
	[sflag:s11] =	ssyncadd.s32 $0xFFFFE000  }
0x1a9: {  	[spmem:s3] =	stream.indirect.scatter.add.f32 [tilespmem:s0], [sflag:$0x7], $0x40, s23, s30, $0xb8;
	[tilespmem:$0x1E800] =	vst v63  }
0x1aa: {  	_ =	swait.ge [sflag:s13], $0x2000  }
0x1ab: {  	[sflag:s13] =	ssyncset.done $0x0  }
0x1ac: {  	s23 =	sadd.s32 $0x400, s21;
	[sflag:s13] =	ssyncadd.s32 $0xFFFFE000  }
0x1ad: {  	[tilespmem:s24], [sflag:$0x1] =	stream.indirect.gather [spmem:s2], $0x40, s23, s30, $0xb8;
	[tilespmem:$0x1E800] =	vst v63  }
0x1ae: {  	_ =	swait.ge [sflag:s15], $0x2000  }
0x1af: {  	[sflag:s15] =	ssyncset.done $0x0  }
0x1b0: {  	[sflag:s15] =	ssyncadd.s32 $0xFFFFE000  }
0x1b1: {  	[spmem:s3] =	stream.indirect.scatter.add.f32 [tilespmem:s10], [sflag:$0x8], $0x40, s22, s30, $0xb8;
	[tilespmem:$0x1E800] =	vst v63  }
.Ltmp10:
0x1b2: {  	_ = 	snop;
	(pc) =	sbr.rel .LBB2_13-.Ltmp10, $4  }
0x1b3: {  	_ =	swait.ge [sflag:s16], $0x2000  }
0x1b4: {  	[sflag:s16] =	ssyncset.done $0x0  }
0x1b5: {  	s20 =	sadd.s32 $0x800, s20;
	s23 =	sadd.s32 $0x480, s21;
	[sflag:s16] =	ssyncadd.s32 $0xFFFFE000  }
0x1b6: {  	[tilespmem:s31], [sflag:$0x2] =	stream.indirect.gather [spmem:s2], $0x40, s23, s30, $0xb8;
	[tilespmem:$0x1E800] =	vst v63  }
.LBB2_16:
0x1b7: {  	_ =	sfence.sel $0x180000  }
0x1b8: {  	[bflag:$0x0] =	sbarrier.arrive $0xFFFF  }
0x1b9: {  	_ =	strace $0x9000004A  }
0x1ba: {  	s0 =	stileid.u32;
	[bflag:$0x2] =	sbarrier.arrive $0xFFFF  }
0x1bb: {  	p0 =	sne.s32 s0, $0x0;
	s0 =	rddreg [dreg:$0x4]  }
0x1bc: {  	s0 =	sadd.s32 @!p0 $0x100000, s0  }
0x1bd: {  	[sflag:s0] =	ssyncadd.tile.s32 @!p0 $0x1;
	_ =	shalt  }
.Lfunc_end2:
_tile_overlayer_lowered:
.L_overlay_start_2:
0x1be: {  	(tag) =	ssettag $0x2  }
0x1bf: {  	s0 =	rddreg [dreg:$0x0];
	s2 =	stileid.u32  }
0x1c0: {  	s1 =	rddreg [dreg:$0x1];
	p0 =	sne.s32 s2, $0x0  }
0x1c1: {  	s3 =	rddreg [dreg:$0x2];
	[bflag:$0x3] =	sbarrier.arrive $0xFFFF;
	s2 =	simm.s32 @!p0 $0x1C09  }
0x1c2: {  	[timem:s3], [sflag:s2] =	dma.local @!p0 [hbm:s0], s1  }
0x1c3: {  	s0 =	simm.s32 @!p0 $0x9  }
0x1c4: {  	_ =	swait.ge @!p0 [sflag:s0], s1  }
0x1c5: {  	s1 =	ssub.s32 @!p0 $0x0, s1;
	[sflag:s0] =	ssyncset.done @!p0 $0x0  }
0x1c6: {  	[sflag:s0] =	ssyncadd.s32 @!p0 s1  }
0x1c7: {  	[bflag:$0x3] =	sbarrier.arrive $0xFFFF  }
0x1c8: {  	_ =	shalt  }

// kernel: kernel.14.cloned.1.call-start
scs
__scs_entry_jumppad:
0x0: {  	(pc) =	sbr.rel $0x88, $3  }
0x1: {  	(tag) =	ssettag $0x0;
	lr =	simm.s32 $0x1  }
0x2: {  	[smem:$0x3F9B] =	sst lr;
	_ =	strace $0xD0000000  }
0x3: {  	_ = 	snop  }
0x4: {  	_ = 	snop  }
0x5: {  	_ = 	snop  }
0x6: {  	_ = 	snop  }
0x7: {  	_ = 	snop  }
__scs_overlays_trampoline_lowered:
0x8: {  	[smem:$0x3FAA] =	sst s0  }
0x9: {  	[smem:$0x3FAB] =	sst s1  }
0xa: {  	[smem:$0x3FAC] =	sst s2  }
0xb: {  	[smem:$0x3FAD] =	sst s3  }
0xc: {  	[smem:$0x3FAE] =	sst s4  }
0xd: {  	[smem:$0x3FAF] =	sst s5  }
0xe: {  	[smem:$0x3FB0] =	sst s6  }
0xf: {  	[smem:$0x3FB1] =	sst s7  }
0x10: {  	[smem:$0x3FB2] =	sst s8  }
0x11: {  	[smem:$0x3FB3] =	sst s9;
	s0 =	simm.s32 @!p0 $0x0  }
0x12: {  	s1 =	sld [smem:$0x3F99];
	s0 =	simm.s32 @p0 $0x1  }
0x13: {  	[smem:$0x3FB4] =	sst s0;
	s0 =	simm.s32 @!p1 $0x0  }
0x14: {  	s2 =	sld [smem:$0x3F98];
	s0 =	simm.s32 @p1 $0x1  }
0x15: {  	[smem:$0x3FB5] =	sst s0;
	s0 =	simm.s32 @!p2 $0x0  }
0x16: {  	s3 =	sld [smem:$0x3FDB];
	s0 =	simm.s32 @p2 $0x1  }
0x17: {  	s4 =	simm.s32 $0x1BF5;
	[smem:$0x3FB7] =	sst s0  }
0x18: {  	s0 =	sld [smem:$0x3F9A];
	_ =	swait.ge [sflag:s4], $0x0  }
0x19: {  	s7 =	sld [smem:$0x3F9B]  }
0x1a: {  	s8 =	sadd.s32 $0xFFFFE003, lr  }
0x1b: {  	s9 =	sadd.s32 $0xFFFFFEF7, lr;
	s5 =	simm.s32 $0xFFFFFFFF;
	p2 =	slt.u32 s8, $0xFFFFF086  }
0x1c: {  	p1 =	slt.u32 s9, $0xF7A;
	s5 =	simm.s32 @!p2 $0x0  }
0x1d: {  	s5 =	simm.s32 @p1 $0x1;
	p0 =	seq.s32 s7, s2  }
0x1e: {  	s7 =	smul.u32 @!p0 $0xF7A, s2;
	p2 =	seq.s32 @!p0 s5, $0x0  }
0x1f: {  	s9 =	smul.u32 $0xF7A, s1;
	s8 =	simm.s32 @!p0 $0x1BF5;
	p2 =	por !p2, p0  }
0x20: {  	[sflag:s8] =	ssyncset.s32 @!p0 $0xFFFFF086;
	s6 =	sadd.s32 @!p0 s3, s7;
	s7 =	simm.s32 @!p0 $0x108  }
0x21: {  	s3 =	sadd.s32 s3, s9;
	s6 =	sadd.s32 @!p0 $0x88, s6;
	s7 =	simm.s32 @p2 $0x1082  }
0x22: {  	[simem:s7], [sflag:s8] =	dma.local @!p0 [hbm:s6], $0xF7A  }
0x23: {  	s9 =	sor.u32 $0xD0000000, s2;
	s6 =	simm.s32 $0x108;
	_ =	swait.ge @!p0 [sflag:s8], $0x0  }
0x24: {  	s3 =	sadd.s32 $0x88, s3;
	s6 =	simm.s32 @!p1 $0x1082;
	[sflag:s4] =	ssyncset.s32 $0xFFFFF086  }
0x25: {  	[simem:s6], [sflag:s4] =	dma.local [hbm:s3], $0xF7A  }
0x26: {  	[smem:$0x3F9B] =	sst s1;
	(tag) =	ssettag s2;
	_ =	strace s9  }
0x27: {  	s1 =	sld [smem:$0x3FAB]  }
0x28: {  	s2 =	sld [smem:$0x3FAC]  }
0x29: {  	s4 =	sld [smem:$0x3FAE]  }
0x2a: {  	p0 =	seq.s32 s5, $0x0;
	s5 =	sld [smem:$0x3FAF]  }
0x2b: {  	s6 =	sld [smem:$0x3FB0]  }
0x2c: {  	s7 =	sld [smem:$0x3FB1]  }
0x2d: {  	s3 =	simm.s32 $0x108;
	s8 =	sld [smem:$0x3FB2]  }
0x2e: {  	s3 =	simm.s32 @!p0 $0x1082;
	s9 =	sld [smem:$0x3FB3]  }
0x2f: {  	lr =	sadd.s32 s0, s3;
	s0 =	sld [smem:$0x3FAA]  }
0x30: {  	s3 =	sld [smem:$0x3FAD]  }
0x31: {  	[smem:$0x3FB6] =	sst s10  }
0x32: {  	s10 =	sld [smem:$0x3FB4];
	_ =	sdelay $0x3  }
0x33: {  	p0 =	seq.s32 s10, $0x1;
	s10 =	sld [smem:$0x3FB6];
	_ =	sdelay $0x3  }
0x34: {  	[smem:$0x3FB6] =	sst s10  }
0x35: {  	s10 =	sld [smem:$0x3FB5];
	_ =	sdelay $0x3  }
0x36: {  	p1 =	seq.s32 s10, $0x1;
	s10 =	sld [smem:$0x3FB6];
	_ =	sdelay $0x3  }
0x37: {  	[smem:$0x3FB6] =	sst s10  }
0x38: {  	s10 =	sld [smem:$0x3FB7]  }
0x39: {  	_ = 	snop;
	(pc) =	sbr.ind lr, $3  }
0x3a: {  	_ = 	snop  }
0x3b: {  	_ = 	snop  }
0x3c: {  	p2 =	seq.s32 s10, $0x1;
	s10 =	sld [smem:$0x3FB6]  }
0x3d: {  	_ =	shalt  }
0x3e: {  	_ =	shalt  }
0x3f: {  	_ =	shalt  }
0x40: {  	_ =	shalt  }
0x41: {  	_ =	shalt  }
0x42: {  	_ =	shalt  }
0x43: {  	_ =	shalt  }
0x44: {  	_ =	shalt  }
0x45: {  	_ =	shalt  }
0x46: {  	_ =	shalt  }
0x47: {  	_ =	shalt  }
0x48: {  	_ =	shalt  }
0x49: {  	_ =	shalt  }
0x4a: {  	_ =	shalt  }
0x4b: {  	_ =	shalt  }
0x4c: {  	_ =	shalt  }
0x4d: {  	_ =	shalt  }
0x4e: {  	_ =	shalt  }
0x4f: {  	_ =	shalt  }
0x50: {  	_ =	shalt  }
0x51: {  	_ =	shalt  }
0x52: {  	_ =	shalt  }
0x53: {  	_ =	shalt  }
0x54: {  	_ =	shalt  }
0x55: {  	_ =	shalt  }
0x56: {  	_ =	shalt  }
0x57: {  	_ =	shalt  }
0x58: {  	_ =	shalt  }
0x59: {  	_ =	shalt  }
0x5a: {  	_ =	shalt  }
0x5b: {  	_ =	shalt  }
0x5c: {  	_ =	shalt  }
0x5d: {  	_ =	shalt  }
0x5e: {  	_ =	shalt  }
0x5f: {  	_ =	shalt  }
0x60: {  	_ =	shalt  }
0x61: {  	_ =	shalt  }
0x62: {  	_ =	shalt  }
0x63: {  	_ =	shalt  }
0x64: {  	_ =	shalt  }
0x65: {  	_ =	shalt  }
0x66: {  	_ =	shalt  }
0x67: {  	_ =	shalt  }
0x68: {  	_ =	shalt  }
0x69: {  	_ =	shalt  }
0x6a: {  	_ =	shalt  }
0x6b: {  	_ =	shalt  }
0x6c: {  	_ =	shalt  }
0x6d: {  	_ =	shalt  }
0x6e: {  	_ =	shalt  }
0x6f: {  	_ =	shalt  }
0x70: {  	_ =	shalt  }
0x71: {  	_ =	shalt  }
0x72: {  	_ =	shalt  }
0x73: {  	_ =	shalt  }
0x74: {  	_ =	shalt  }
0x75: {  	_ =	shalt  }
0x76: {  	_ =	shalt  }
0x77: {  	_ =	shalt  }
0x78: {  	_ =	shalt  }
0x79: {  	_ =	shalt  }
0x7a: {  	_ =	shalt  }
0x7b: {  	_ =	shalt  }
0x7c: {  	_ =	shalt  }
0x7d: {  	_ =	shalt  }
0x7e: {  	_ =	shalt  }
0x7f: {  	_ =	shalt  }
0x80: {  	_ =	shalt  }
0x81: {  	_ =	shalt  }
0x82: {  	_ =	shalt  }
0x83: {  	_ =	shalt  }
0x84: {  	_ =	shalt  }
0x85: {  	_ =	shalt  }
0x86: {  	_ =	shalt  }
0x87: {  	_ =	shalt  }
.Lfunc_end0:
.L_simem_size_0:
called_computation.2_lowered:
.L_overlay_start_0:
0x88: {  	s2 =	sld [smem:$0x3FD9]  }
0x89: {  	s3 =	sld [smem:$0x3FFE];
	_ =	sdelay $0x1  }
0x8a: {  	s1 =	srdreg.scid  }
0x8b: {  	s0 =	sand.u32 $0x1, s1  }
0x8c: {  	s17 =	sshll.u32 s0, $0xA;
	s2 =	sadd.s32 s3, s2  }
0x8d: {  	s2 =	sadd.s32 s2, s17  }
0x8e: {  	[smem:$0x3FC2] =	sst s2  }
0x8f: {  	_ = 	snop  }
0x90: {  	s2 =	sld [smem:$0x3FD0];
	(tm) =	ssettm $0x1  }
0x91: {  	s18 =	sld [smem:$0x3FFB];
	_ =	sdelay $0x3  }
0x92: {  	_ =	strace s18  }
0x93: {  	s3 =	sld [smem:$0x3FFC];
	_ =	sdelay $0x3  }
0x94: {  	_ =	strace s3  }
0x95: {  	s3 =	sld [smem:$0x3FFD];
	_ =	sdelay $0x3  }
0x96: {  	_ =	strace s3  }
0x97: {  	_ =	strace $0x8FFFFFFF  }
0x98: {  	s19 =	sld [smem:$0x3FDB];
	_ =	sdelay $0x1  }
0x99: {  	s4 =	simm.s32 $_scs_section_size  }
0x9a: {  	s5 =	simm.s32 $_size__tile_overlayer_lowered;
	s6 =	simm.s32 $_tile_overlayer_lowered  }
0x9b: {  	s22 =	simm.s32 $0x1BFF;
	s21 =	sshll.u32 s6, $0x1;
	s3 =	sadd.s32 s4, s19  }
0x9c: {  	s7 =	simm.s32 $0x0;
	s20 =	sshll.u32 s5, $0x1;
	s5 =	sadd.s32 s21, s3  }
0x9d: {  	[timem:s7], [sflag:s22] =	dma.local [hbm:s5], s20  }
0x9e: {  	_ =	swait.ge [sflag:s22], s20  }
0x9f: {  	s4 =	ssub.s32 $0x0, s20;
	[sflag:s22] =	ssyncset.done $0x0  }
0xa0: {  	[sflag:s22] =	ssyncadd.s32 s4;
	_ =	sdelay $0x1  }
0xa1: {  	s23 =	simm.s32 $0x1B8B  }
0xa2: {  	_ =	swait.ge [sflag:s23], $0x1  }
0xa3: {  	[sflag:s23] =	ssyncset.done $0x0  }
0xa4: {  	s25 =	simm.s32 $0x1B8E;
	s24 =	sld [smem:$0x3FFE];
	[sflag:s23] =	ssyncadd.s32 $0xFFFFFFFF  }
0xa5: {  	s26 =	simm.s32 $execute0_lowered;
	[smem:$0x3FD2] =	sst s25  }
0xa6: {  	s5 =	sshll.u32 s26, $0x1;
	_ =	strace $0x8000004C;
	[dreg:$0x1] =	wrdreg $0xFFFFFFFF  }
0xa7: {  	s28 =	simm.s32 $_size_execute0_lowered;
	s3 =	sadd.s32 s3, s5;
	[dreg:$0x0] =	wrdreg $0x0  }
0xa8: {  	s5 =	sshll.u32 s28, $0x1;
	[dreg:$0x2] =	wrdreg s3  }
0xa9: {  	[dreg:$0x3] =	wrdreg s5  }
0xaa: {  	[dreg:$0x4] =	wrdreg $0xC0  }
0xab: {  	_ =	task [dreg:s7], $0x5FFFF  }
0xac: {  	[dreg:$0x1] =	wrdreg $0xFFFFFFFF  }
0xad: {  	[dreg:$0x0] =	wrdreg $0x60  }
0xae: {  	[dreg:$0x2] =	wrdreg s24  }
0xaf: {  	[dreg:$0x3] =	wrdreg s2  }
0xb0: {  	[dreg:$0x4] =	wrdreg $0x88000  }
0xb1: {  	[dreg:$0x5] =	wrdreg $0x100000  }
0xb2: {  	[dreg:$0x6] =	wrdreg $0x9  }
0xb3: {  	_ =	task.clear_ibuf [dreg:s7], $0x7FFFF;
	_ =	strace $0x9000004C  }
0xb4: {  	s29 =	simm.s32 $0x9;
	_ =	strace $0x8000004E  }
0xb5: {  	_ =	swait.ge [sflag:s29], $0x1  }
0xb6: {  	[sflag:s29] =	ssyncadd.s32 $0xFFFFFFFF  }
0xb7: {  	_ =	strace $0x9000004E  }
0xb8: {  	_ =	sfence  }
0xb9: {  	s30 =	sld [smem:$0x0];
	_ =	sdelay $0x2  }
0xba: {  	s31 =	sshll.u32 s1, $0xD;
	s1 =	sshrl.u32 s1, $0x2  }
0xbb: {  	s3 =	sand.u32 $0x4000, s31;
	s1 =	sadd.s32 s1, s30  }
0xbc: {  	s0 =	sor.u32 s3, s0;
	s1 =	sshll.u32 s1, $0x11  }
0xbd: {  	s0 =	sor.u32 s1, s0  }
0xbe: {  	s0 =	sadd.s32 $0x8F2B, s0  }
0xbf: {  	[sflag:s0] =	ssyncadd.remote.s32 $0x1  }
0xc0: {  	_ =	sfence.sel $0xFFFF  }
0xc1: {  	[dreg:$0x0] =	wrdreg $0xFFFFFFFF;
	(pc) =	sbr.abs _section_cstart, $3  }
0xc2: {  	[dreg:$0x1] =	wrdreg $0xFFFFFFFF  }
0xc3: {  	_ =	task.clear_ibuf [dreg:s7], $0x2FFFF;
	_ =	strace $0x9FFFFFFF  }
0xc4: {  	(tm) =	ssettm $0x7FFFFFFF  }
0xc5: {  	_ =	shalt  }
tec
execute0_lowered:
.L_overlay_start_1:
0x0: {  	(tag) =	ssettag $0x1  }
0x1: {  	s0 =	rddreg [dreg:$0x0]  }
0x2: {  	s1 =	rddreg [dreg:$0x1]  }
0x3: {  	s2 =	rddreg [dreg:$0x2]  }
0x4: {  	s3 =	rddreg [dreg:$0x3]  }
0x5: {  	s13 =	stileid.u32;
	s6 =	srdreg.scid  }
0x6: {  	s4 =	simm.s32 $0x0;
	s20 =	simm.s32 $0x2800;
	s28 =	simm.s32 $0x100  }
0x7: {  	s29 =	simm.s32 $0x5800;
	s30 =	simm.s32 $0x2;
	s31 =	simm.s32 $0x1480  }
0x8: {  	s5 =	smul.u32 $0x7800, s13;
	s6 =	sand.u32 $0x1, s6;
	[smem:$0x7FF] =	sst s4  }
0x9: {  	s9 =	sadd.s32 $0x1A00, s0;
	s11 =	sshll.u32 s13, $0x1;
	s15 =	smul.u32 $0x1E000, s13  }
0xa: {  	s8 =	smul.u32 $0x78000, s6;
	_ =	strace $0x8000004D;
	s10 =	ssub.s32 $0x2, s6  }
0xb: {  	s6 =	sor.u32 s6, s11;
	s11 =	simm.s32 $0x1580;
	s7 =	sshrl.u32 s5, $0x3  }
0xc: {  	s12 =	sshrl.u32 s10, $0x1;
	s25 =	smul.u32 $0x2800, s6;
	s26 =	sadd.s32 s5, s2  }
0xd: {  	s6 =	smul.u32 $0x500, s6;
	s17 =	sshrl.u32 s15, $0x2;
	s19 =	sadd.s32 s5, s3  }
0xe: {  	s15 =	simm.s32 $0x8;
	s7 =	sadd.s32 s7, s0;
	s8 =	sadd.s32 s5, s8  }
0xf: {  	s24 =	ssub.s32 s10, s12;
	s26 =	sshrl.u32 s26, $0x3;
	s5 =	simm.s32 $0x3  }
0x10: {  	s10 =	simm.s32 $0x4;
	s8 =	sshrl.u32 s8, $0x3;
	s7 =	sadd.s32 $0xBA00, s7  }
0x11: {  	s14 =	sshrl.u32 s25, $0x3;
	s16 =	sadd.s32 s1, s6;
	[dreg:$0x12] =	wrdreg s26  }
0x12: {  	s6 =	sadd.s32 s9, s6;
	s21 =	smax.u32 s24, $0x1;
	[dreg:$0x5] =	wrdreg s7  }
0x13: {  	s26 =	simm.s32 $0x4000;
	s0 =	sadd.s32 s8, s0;
	[dreg:$0x8] =	wrdreg s16  }
0x14: {  	s7 =	sshll.u32 s13, $0x6;
	[dreg:$0x9] =	wrdreg s6;
	s13 =	sadd.s32 s17, s3  }
0x15: {  	[dreg:$0xd] =	wrdreg s21;
	s21 =	simm.s32 $0x9;
	s8 =	simm.s32 $0x5  }
0x16: {  	s6 =	simm.s32 $0x6;
	[dreg:$0x6] =	wrdreg s7;
	s12 =	sor.u32 $0x1C01, s7  }
0x17: {  	s7 =	sadd.s32 $0x280, s14;
	s0 =	sadd.s32 $0x1AA00, s0;
	[dreg:$0x7] =	wrdreg s12  }
0x18: {  	s22 =	sadd.s32 $0x1800, s13;
	s23 =	sadd.s32 $0x3000, s13;
	[dreg:$0xc] =	wrdreg s0  }
0x19: {  	s24 =	sadd.s32 $0x4800, s13;
	s25 =	sadd.s32 $0x6000, s13;
	[dreg:$0xe] =	wrdreg s22  }
0x1a: {  	s14 =	simm.s32 $0x7;
	s1 =	sadd.s32 s1, s7;
	[dreg:$0xf] =	wrdreg s23  }
.Ltmp0:
0x1b: {  	s18 =	sadd.s32 s9, s7;
	[dreg:$0x10] =	wrdreg s24;
	(pc) =	sbr.rel .LBB2_1-.Ltmp0, $4  }
0x1c: {  	[dreg:$0x11] =	wrdreg s25;
	s22 =	simm.s32 $0x1;
	s23 =	simm.s32 $0x1400  }
0x1d: {  	s24 =	simm.s32 $0x80;
	s25 =	sshrl.u32 s19, $0x3;
	s0 =	simm.s32 $0x7000  }
0x1e: {  	s7 =	simm.s32 $0x1500;
	s9 =	simm.s32 $0x200;
	[dreg:$0xa] =	wrdreg s1  }
0x1f: {  	v0 =	vimm.f32 $0.0e+00;
	s12 =	simm.s32 $0x280;
	[dreg:$0xb] =	wrdreg s18;
	s1 =	simm.s32 $0x180  }
.LBB2_9:
0x20: {  	_ =	swait.ge [sflag:s10], $0x1800  }
0x21: {  	[sflag:s10] =	ssyncset.done $0x0  }
0x22: {  	[sflag:s10] =	ssyncadd.s32 $0xFFFFE800  }
0x23: {  	[spmem:s3] =	stream.indirect.scatter.add.f32 [tilespmem:s0], [sflag:$0x8], $0x30, s18, s24, $0xb8;
	[tilespmem:$0x17800] =	vst v63  }
0x24: {  	_ =	swait.ge [sflag:s8], $0x1800  }
0x25: {  	[sflag:s8] =	ssyncset.done $0x0  }
0x26: {  	[sflag:s8] =	ssyncadd.s32 $0xFFFFE800  }
0x27: {  	_ =	swait.ge [sflag:s6], $0x1800  }
0x28: {  	[sflag:s6] =	ssyncset.done $0x0  }
0x29: {  	[sflag:s6] =	ssyncadd.s32 $0xFFFFE800  }
0x2a: {  	_ =	swait.ge [sflag:s14], $0x1800  }
0x2b: {  	[sflag:s14] =	ssyncset.done $0x0  }
0x2c: {  	[sflag:s14] =	ssyncadd.s32 $0xFFFFE800  }
0x2d: {  	_ =	swait.ge [sflag:s15], $0x1800  }
0x2e: {  	[sflag:s15] =	ssyncset.done $0x0  }
0x2f: {  	[sflag:s15] =	ssyncadd.s32 $0xFFFFE800  }
0x30: {  	[bflag:$0x0] =	sbarrier.arrive $0xFFFF  }
0x31: {  	s16 =	rddreg [dreg:$0x6]  }
0x32: {  	s17 =	rddreg [dreg:$0xc];
	s16 =	sor.u32 $0x1C09, s16  }
0x33: {  	[hbm:s17], [sflag:s16] =	dma.local [spmem:s25], $0xF00  }
0x34: {  	_ =	swait.ge [sflag:s21], $0xF00  }
0x35: {  	s4 =	sadd.s32 $0x1, s4;
	s19 =	rddreg [dreg:$0xd]  }
0x36: {  	p0 =	sne.s32 s4, s19  }
.Ltmp1:
0x37: {  	_ = 	snop;
	(pc) =	sbr.rel @!p0 .LBB2_10-.Ltmp1, $3  }
0x38: {  	_ =	sdelay $0x1  }
0x39: {  	[sflag:s21] =	ssyncset.done $0x0  }
0x3a: {  	[sflag:s21] =	ssyncadd.s32 $0xFFFFF100  }
.LBB2_1:
0x3b: {  	s16 =	rddreg [dreg:$0x5]  }
0x3c: {  	s17 =	rddreg [dreg:$0x7]  }
0x3d: {  	s18 =	rddreg [dreg:$0x12]  }
0x3e: {  	[spmem:s18], [sflag:s17] =	dma.local [hbm:s16], $0xF00  }
0x3f: {  	s16 =	simm.s32 $0xC0;
	s17 =	simm.s32 $0x0  }
.LBB2_2:
0x40: {  	p0 =	sne.s32 s16, $0x5F40;
	[tilespmem:s17+$0x2820] =	vst v0;
	s18 =	smov.u32 s16;
	s16 =	sadd.s32 $0xC0, s16  }
.Ltmp2:
0x41: {  	[tilespmem:s17+$0x2800] =	vst v0;
	(pc) =	sbr.rel @p0 .LBB2_2-.Ltmp2, $2  }
0x42: {  	[tilespmem:s17+$0x2810] =	vst v0;
	_ =	sdelay $0x2  }
0x43: {  	s17 =	sshra.s32 s18, $0x2  }
0x44: {  	[tilespmem:s17+$0x2820] =	vst v0  }
0x45: {  	[tilespmem:s17+$0x2800] =	vst v0  }
0x46: {  	[tilespmem:s17+$0x2810] =	vst v0  }
0x47: {  	[spmem:s13] =	stream.linear.scatter [tilespmem:s20], [sflag:$0x9], $0x1800, $0x38;
	[tilespmem:$0x17800] =	vst v63  }
0x48: {  	_ =	swait.ge [sflag:s21], $0x1800  }
0x49: {  	[sflag:s21] =	ssyncset.done $0x0  }
0x4a: {  	s16 =	rddreg [dreg:$0xe];
	[sflag:s21] =	ssyncadd.s32 $0xFFFFE800  }
0x4b: {  	[spmem:s16] =	stream.linear.scatter [tilespmem:s20], [sflag:$0x9], $0x1800, $0x38;
	[tilespmem:$0x17800] =	vst v63  }
0x4c: {  	_ =	swait.ge [sflag:s21], $0x1800  }
0x4d: {  	[sflag:s21] =	ssyncset.done $0x0  }
0x4e: {  	s18 =	rddreg [dreg:$0xf];
	[sflag:s21] =	ssyncadd.s32 $0xFFFFE800  }
0x4f: {  	[spmem:s18] =	stream.linear.scatter [tilespmem:s20], [sflag:$0x9], $0x1800, $0x38;
	[tilespmem:$0x17800] =	vst v63  }
0x50: {  	_ =	swait.ge [sflag:s21], $0x1800  }
0x51: {  	[sflag:s21] =	ssyncset.done $0x0  }
0x52: {  	s19 =	rddreg [dreg:$0x10];
	[sflag:s21] =	ssyncadd.s32 $0xFFFFE800  }
0x53: {  	[spmem:s19] =	stream.linear.scatter [tilespmem:s20], [sflag:$0x9], $0x1800, $0x38;
	[tilespmem:$0x17800] =	vst v63  }
0x54: {  	_ =	swait.ge [sflag:s21], $0x1800  }
0x55: {  	[sflag:s21] =	ssyncset.done $0x0  }
0x56: {  	s17 =	rddreg [dreg:$0x11];
	[sflag:s21] =	ssyncadd.s32 $0xFFFFE800  }
0x57: {  	[spmem:s17] =	stream.linear.scatter [tilespmem:s20], [sflag:$0x9], $0x1800, $0x38;
	[tilespmem:$0x17800] =	vst v63  }
0x58: {  	_ =	swait.ge [sflag:s21], $0x1800  }
0x59: {  	[sflag:s21] =	ssyncset.done $0x0  }
0x5a: {  	[sflag:s21] =	ssyncadd.s32 $0xFFFFE800  }
0x5b: {  	_ =	swait.ge [sflag:s22], $0xF00  }
0x5c: {  	[sflag:s22] =	ssyncset.done $0x0  }
0x5d: {  	[sflag:s22] =	ssyncadd.s32 $0xFFFFF100  }
0x5e: {  	[bflag:$0x0] =	sbarrier.arrive $0xFFFF  }
0x5f: {  	s16 =	simm.s32 $0x0;
	s18 =	rddreg [dreg:$0x8]  }
0x60: {  	[tilespmem:s16], [sflag:$0x9] =	stream.linear.gather [hbm4b:s18+s16], $0x1400, $0x38;
	[tilespmem:$0x17800] =	vst v63  }
0x61: {  	_ =	swait.ge [sflag:s21], $0x1400  }
0x62: {  	[sflag:s21] =	ssyncset.done $0x0  }
0x63: {  	s19 =	rddreg [dreg:$0x9];
	[sflag:s21] =	ssyncadd.s32 $0xFFFFEC00  }
0x64: {  	[tilespmem:s23], [sflag:$0x9] =	stream.linear.gather [hbm4b:s19+s16], $0x1400, $0x38;
	[tilespmem:$0x17800] =	vst v63  }
0x65: {  	_ =	swait.ge [sflag:s21], $0x1400  }
0x66: {  	[sflag:s21] =	ssyncset.done $0x0  }
0x67: {  	[sflag:s21] =	ssyncadd.s32 $0xFFFFEC00  }
0x68: {  	[tilespmem:s20], [sflag:$0x1] =	stream.indirect.gather [spmem:s2], $0x30, s16, s24, $0xb8;
	[tilespmem:$0x17800] =	vst v63  }
0x69: {  	_ = 	snop  }
0x6a: {  	[tilespmem:s26], [sflag:$0x2] =	stream.indirect.gather [spmem:s2], $0x30, s24, s24, $0xb8;
	[tilespmem:$0x17800] =	vst v63  }
0x6b: {  	_ =	swait.ge [sflag:s22], $0x1800  }
0x6c: {  	[sflag:s22] =	ssyncset.done $0x0  }
0x6d: {  	[sflag:s22] =	ssyncadd.s32 $0xFFFFE800  }
0x6e: {  	[spmem:s3] =	stream.indirect.scatter.add.f32 [tilespmem:s20], [sflag:$0x5], $0x30, s23, s24, $0xb8;
	[tilespmem:$0x17800] =	vst v63  }
0x6f: {  	_ = 	snop  }
0x70: {  	[tilespmem:s29], [sflag:$0x3] =	stream.indirect.gather [spmem:s2], $0x30, s28, s24, $0xb8;
	[tilespmem:$0x17800] =	vst v63  }
0x71: {  	_ =	swait.ge [sflag:s30], $0x1800  }
0x72: {  	[sflag:s30] =	ssyncset.done $0x0  }
0x73: {  	[sflag:s30] =	ssyncadd.s32 $0xFFFFE800  }
0x74: {  	[spmem:s3] =	stream.indirect.scatter.add.f32 [tilespmem:s26], [sflag:$0x6], $0x30, s31, s24, $0xb8;
	[tilespmem:$0x17800] =	vst v63  }
0x75: {  	_ = 	snop  }
0x76: {  	[tilespmem:s0], [sflag:$0x4] =	stream.indirect.gather [spmem:s2], $0x30, s1, s24, $0xb8;
	[tilespmem:$0x17800] =	vst v63  }
0x77: {  	_ =	swait.ge [sflag:s5], $0x1800  }
0x78: {  	[sflag:s5] =	ssyncset.done $0x0  }
0x79: {  	[sflag:s5] =	ssyncadd.s32 $0xFFFFE800  }
0x7a: {  	[spmem:s3] =	stream.indirect.scatter.add.f32 [tilespmem:s29], [sflag:$0x7], $0x30, s7, s24, $0xb8;
	[tilespmem:$0x17800] =	vst v63  }
0x7b: {  	_ =	swait.ge [sflag:s8], $0x1800  }
0x7c: {  	[sflag:s8] =	ssyncset.done $0x0  }
0x7d: {  	[sflag:s8] =	ssyncadd.s32 $0xFFFFE800  }
0x7e: {  	[tilespmem:s20], [sflag:$0x1] =	stream.indirect.gather [spmem:s2], $0x30, s9, s24, $0xb8;
	[tilespmem:$0x17800] =	vst v63  }
0x7f: {  	_ =	swait.ge [sflag:s10], $0x1800  }
0x80: {  	[sflag:s10] =	ssyncset.done $0x0  }
0x81: {  	[sflag:s10] =	ssyncadd.s32 $0xFFFFE800  }
0x82: {  	[spmem:s3] =	stream.indirect.scatter.add.f32 [tilespmem:s0], [sflag:$0x8], $0x30, s11, s24, $0xb8;
	[tilespmem:$0x17800] =	vst v63  }
0x83: {  	_ =	swait.ge [sflag:s6], $0x1800  }
0x84: {  	[sflag:s6] =	ssyncset.done $0x0  }
0x85: {  	[sflag:s6] =	ssyncadd.s32 $0xFFFFE800  }
0x86: {  	[tilespmem:s26], [sflag:$0x2] =	stream.indirect.gather [spmem:s2], $0x30, s12, s24, $0xb8;
	[tilespmem:$0x17800] =	vst v63  }
.LBB2_4:
0x87: {  	_ =	swait.ge [sflag:s22], $0x1800  }
0x88: {  	s17 =	sshra.s32 s16, $0x2;
	[sflag:s22] =	ssyncset.done $0x0  }
0x89: {  	s18 =	sadd.s32 $0x1600, s17;
	[sflag:s22] =	ssyncadd.s32 $0xFFFFE800  }
0x8a: {  	[spmem:s3] =	stream.indirect.scatter.add.f32 [tilespmem:s20], [sflag:$0x5], $0x30, s18, s24, $0xb8;
	[tilespmem:$0x17800] =	vst v63  }
0x8b: {  	_ =	swait.ge [sflag:s14], $0x1800  }
0x8c: {  	[sflag:s14] =	ssyncset.done $0x0  }
0x8d: {  	s19 =	sadd.s32 $0x300, s17;
	[sflag:s14] =	ssyncadd.s32 $0xFFFFE800  }
0x8e: {  	[tilespmem:s29], [sflag:$0x3] =	stream.indirect.gather [spmem:s2], $0x30, s19, s24, $0xb8;
	[tilespmem:$0x17800] =	vst v63  }
0x8f: {  	_ =	swait.ge [sflag:s30], $0x1800  }
0x90: {  	[sflag:s30] =	ssyncset.done $0x0  }
0x91: {  	s19 =	sadd.s32 $0x1680, s17;
	[sflag:s30] =	ssyncadd.s32 $0xFFFFE800  }
0x92: {  	[spmem:s3] =	stream.indirect.scatter.add.f32 [tilespmem:s26], [sflag:$0x6], $0x30, s19, s24, $0xb8;
	[tilespmem:$0x17800] =	vst v63  }
0x93: {  	_ =	swait.ge [sflag:s15], $0x1800  }
0x94: {  	[sflag:s15] =	ssyncset.done $0x0  }
0x95: {  	p0 =	seq.s32 s16, $0x4000;
	s19 =	sadd.s32 $0x380, s17;
	[sflag:s15] =	ssyncadd.s32 $0xFFFFE800  }
0x96: {  	[tilespmem:s0], [sflag:$0x4] =	stream.indirect.gather [spmem:s2], $0x30, s19, s24, $0xb8;
	[tilespmem:$0x17800] =	vst v63  }
.Ltmp3:
0x97: {  	_ = 	snop;
	(pc) =	sbr.rel @p0 .LBB2_6-.Ltmp3, $4  }
0x98: {  	_ =	swait.ge [sflag:s5], $0x1800  }
0x99: {  	[sflag:s5] =	ssyncset.done $0x0  }
0x9a: {  	s18 =	sadd.s32 $0x1780, s17;
	s19 =	sadd.s32 $0x1700, s17;
	[sflag:s5] =	ssyncadd.s32 $0xFFFFE800  }
0x9b: {  	[spmem:s3] =	stream.indirect.scatter.add.f32 [tilespmem:s29], [sflag:$0x7], $0x30, s19, s24, $0xb8;
	[tilespmem:$0x17800] =	vst v63  }
0x9c: {  	_ =	swait.ge [sflag:s8], $0x1800  }
0x9d: {  	[sflag:s8] =	ssyncset.done $0x0  }
0x9e: {  	s19 =	sadd.s32 $0x400, s17;
	[sflag:s8] =	ssyncadd.s32 $0xFFFFE800  }
0x9f: {  	[tilespmem:s20], [sflag:$0x1] =	stream.indirect.gather [spmem:s2], $0x30, s19, s24, $0xb8;
	[tilespmem:$0x17800] =	vst v63  }
0xa0: {  	_ =	swait.ge [sflag:s10], $0x1800  }
0xa1: {  	[sflag:s10] =	ssyncset.done $0x0  }
0xa2: {  	[sflag:s10] =	ssyncadd.s32 $0xFFFFE800  }
0xa3: {  	[spmem:s3] =	stream.indirect.scatter.add.f32 [tilespmem:s0], [sflag:$0x8], $0x30, s18, s24, $0xb8;
	[tilespmem:$0x17800] =	vst v63  }
.Ltmp4:
0xa4: {  	_ = 	snop;
	(pc) =	sbr.rel .LBB2_4-.Ltmp4, $4  }
0xa5: {  	_ =	swait.ge [sflag:s6], $0x1800  }
0xa6: {  	[sflag:s6] =	ssyncset.done $0x0  }
0xa7: {  	s16 =	sadd.s32 $0x800, s16;
	s19 =	sadd.s32 $0x480, s17;
	[sflag:s6] =	ssyncadd.s32 $0xFFFFE800  }
0xa8: {  	[tilespmem:s26], [sflag:$0x2] =	stream.indirect.gather [spmem:s2], $0x30, s19, s24, $0xb8;
	[tilespmem:$0x17800] =	vst v63  }
.LBB2_6:
0xa9: {  	_ =	swait.ge [sflag:s10], $0x1800  }
0xaa: {  	[sflag:s10] =	ssyncset.done $0x0  }
0xab: {  	[sflag:s10] =	ssyncadd.s32 $0xFFFFE800  }
0xac: {  	[spmem:s3] =	stream.indirect.scatter.add.f32 [tilespmem:s0], [sflag:$0x8], $0x30, s18, s24, $0xb8;
	[tilespmem:$0x17800] =	vst v63  }
0xad: {  	_ =	swait.ge [sflag:s8], $0x1800  }
0xae: {  	[sflag:s8] =	ssyncset.done $0x0  }
0xaf: {  	[sflag:s8] =	ssyncadd.s32 $0xFFFFE800  }
0xb0: {  	_ =	swait.ge [sflag:s6], $0x1800  }
0xb1: {  	[sflag:s6] =	ssyncset.done $0x0  }
0xb2: {  	[sflag:s6] =	ssyncadd.s32 $0xFFFFE800  }
0xb3: {  	_ =	swait.ge [sflag:s14], $0x1800  }
0xb4: {  	[sflag:s14] =	ssyncset.done $0x0  }
0xb5: {  	[sflag:s14] =	ssyncadd.s32 $0xFFFFE800  }
0xb6: {  	_ =	swait.ge [sflag:s15], $0x1800  }
0xb7: {  	[sflag:s15] =	ssyncset.done $0x0  }
0xb8: {  	s16 =	simm.s32 $0x0;
	s17 =	rddreg [dreg:$0xa];
	[sflag:s15] =	ssyncadd.s32 $0xFFFFE800  }
0xb9: {  	[tilespmem:s16], [sflag:$0x9] =	stream.linear.gather [hbm4b:s17+s16], $0x1400, $0x38;
	[tilespmem:$0x17800] =	vst v63  }
0xba: {  	_ =	swait.ge [sflag:s21], $0x1400  }
0xbb: {  	[sflag:s21] =	ssyncset.done $0x0  }
0xbc: {  	s19 =	rddreg [dreg:$0xb];
	[sflag:s21] =	ssyncadd.s32 $0xFFFFEC00  }
0xbd: {  	[tilespmem:s23], [sflag:$0x9] =	stream.linear.gather [hbm4b:s19+s16], $0x1400, $0x38;
	[tilespmem:$0x17800] =	vst v63  }
0xbe: {  	_ =	swait.ge [sflag:s21], $0x1400  }
0xbf: {  	[sflag:s21] =	ssyncset.done $0x0  }
0xc0: {  	[sflag:s21] =	ssyncadd.s32 $0xFFFFEC00  }
0xc1: {  	[tilespmem:s20], [sflag:$0x1] =	stream.indirect.gather [spmem:s2], $0x30, s16, s24, $0xb8;
	[tilespmem:$0x17800] =	vst v63  }
0xc2: {  	_ = 	snop  }
0xc3: {  	[tilespmem:s26], [sflag:$0x2] =	stream.indirect.gather [spmem:s2], $0x30, s24, s24, $0xb8;
	[tilespmem:$0x17800] =	vst v63  }
0xc4: {  	_ =	swait.ge [sflag:s22], $0x1800  }
0xc5: {  	[sflag:s22] =	ssyncset.done $0x0  }
0xc6: {  	[sflag:s22] =	ssyncadd.s32 $0xFFFFE800  }
0xc7: {  	[spmem:s3] =	stream.indirect.scatter.add.f32 [tilespmem:s20], [sflag:$0x5], $0x30, s23, s24, $0xb8;
	[tilespmem:$0x17800] =	vst v63  }
0xc8: {  	_ = 	snop  }
0xc9: {  	[tilespmem:s29], [sflag:$0x3] =	stream.indirect.gather [spmem:s2], $0x30, s28, s24, $0xb8;
	[tilespmem:$0x17800] =	vst v63  }
0xca: {  	_ =	swait.ge [sflag:s30], $0x1800  }
0xcb: {  	[sflag:s30] =	ssyncset.done $0x0  }
0xcc: {  	[sflag:s30] =	ssyncadd.s32 $0xFFFFE800  }
0xcd: {  	[spmem:s3] =	stream.indirect.scatter.add.f32 [tilespmem:s26], [sflag:$0x6], $0x30, s31, s24, $0xb8;
	[tilespmem:$0x17800] =	vst v63  }
0xce: {  	_ = 	snop  }
0xcf: {  	[tilespmem:s0], [sflag:$0x4] =	stream.indirect.gather [spmem:s2], $0x30, s1, s24, $0xb8;
	[tilespmem:$0x17800] =	vst v63  }
0xd0: {  	_ =	swait.ge [sflag:s5], $0x1800  }
0xd1: {  	[sflag:s5] =	ssyncset.done $0x0  }
0xd2: {  	[sflag:s5] =	ssyncadd.s32 $0xFFFFE800  }
0xd3: {  	[spmem:s3] =	stream.indirect.scatter.add.f32 [tilespmem:s29], [sflag:$0x7], $0x30, s7, s24, $0xb8;
	[tilespmem:$0x17800] =	vst v63  }
0xd4: {  	_ =	swait.ge [sflag:s8], $0x1800  }
0xd5: {  	[sflag:s8] =	ssyncset.done $0x0  }
0xd6: {  	[sflag:s8] =	ssyncadd.s32 $0xFFFFE800  }
0xd7: {  	[tilespmem:s20], [sflag:$0x1] =	stream.indirect.gather [spmem:s2], $0x30, s9, s24, $0xb8;
	[tilespmem:$0x17800] =	vst v63  }
0xd8: {  	_ =	swait.ge [sflag:s10], $0x1800  }
0xd9: {  	[sflag:s10] =	ssyncset.done $0x0  }
0xda: {  	[sflag:s10] =	ssyncadd.s32 $0xFFFFE800  }
0xdb: {  	[spmem:s3] =	stream.indirect.scatter.add.f32 [tilespmem:s0], [sflag:$0x8], $0x30, s11, s24, $0xb8;
	[tilespmem:$0x17800] =	vst v63  }
0xdc: {  	_ =	swait.ge [sflag:s6], $0x1800  }
0xdd: {  	[sflag:s6] =	ssyncset.done $0x0  }
0xde: {  	[sflag:s6] =	ssyncadd.s32 $0xFFFFE800  }
0xdf: {  	[tilespmem:s26], [sflag:$0x2] =	stream.indirect.gather [spmem:s2], $0x30, s12, s24, $0xb8;
	[tilespmem:$0x17800] =	vst v63  }
.LBB2_7:
0xe0: {  	_ =	swait.ge [sflag:s22], $0x1800  }
0xe1: {  	s17 =	sshra.s32 s16, $0x2;
	[sflag:s22] =	ssyncset.done $0x0  }
0xe2: {  	s18 =	sadd.s32 $0x1600, s17;
	[sflag:s22] =	ssyncadd.s32 $0xFFFFE800  }
0xe3: {  	[spmem:s3] =	stream.indirect.scatter.add.f32 [tilespmem:s20], [sflag:$0x5], $0x30, s18, s24, $0xb8;
	[tilespmem:$0x17800] =	vst v63  }
0xe4: {  	_ =	swait.ge [sflag:s14], $0x1800  }
0xe5: {  	[sflag:s14] =	ssyncset.done $0x0  }
0xe6: {  	s19 =	sadd.s32 $0x300, s17;
	[sflag:s14] =	ssyncadd.s32 $0xFFFFE800  }
0xe7: {  	[tilespmem:s29], [sflag:$0x3] =	stream.indirect.gather [spmem:s2], $0x30, s19, s24, $0xb8;
	[tilespmem:$0x17800] =	vst v63  }
0xe8: {  	_ =	swait.ge [sflag:s30], $0x1800  }
0xe9: {  	[sflag:s30] =	ssyncset.done $0x0  }
0xea: {  	s19 =	sadd.s32 $0x1680, s17;
	[sflag:s30] =	ssyncadd.s32 $0xFFFFE800  }
0xeb: {  	[spmem:s3] =	stream.indirect.scatter.add.f32 [tilespmem:s26], [sflag:$0x6], $0x30, s19, s24, $0xb8;
	[tilespmem:$0x17800] =	vst v63  }
0xec: {  	_ =	swait.ge [sflag:s15], $0x1800  }
0xed: {  	[sflag:s15] =	ssyncset.done $0x0  }
0xee: {  	p0 =	seq.s32 s16, $0x4000;
	s19 =	sadd.s32 $0x380, s17;
	[sflag:s15] =	ssyncadd.s32 $0xFFFFE800  }
0xef: {  	[tilespmem:s0], [sflag:$0x4] =	stream.indirect.gather [spmem:s2], $0x30, s19, s24, $0xb8;
	[tilespmem:$0x17800] =	vst v63  }
.Ltmp5:
0xf0: {  	_ = 	snop;
	(pc) =	sbr.rel @p0 .LBB2_9-.Ltmp5, $4  }
0xf1: {  	_ =	swait.ge [sflag:s5], $0x1800  }
0xf2: {  	[sflag:s5] =	ssyncset.done $0x0  }
0xf3: {  	s18 =	sadd.s32 $0x1780, s17;
	s19 =	sadd.s32 $0x1700, s17;
	[sflag:s5] =	ssyncadd.s32 $0xFFFFE800  }
0xf4: {  	[spmem:s3] =	stream.indirect.scatter.add.f32 [tilespmem:s29], [sflag:$0x7], $0x30, s19, s24, $0xb8;
	[tilespmem:$0x17800] =	vst v63  }
0xf5: {  	_ =	swait.ge [sflag:s8], $0x1800  }
0xf6: {  	[sflag:s8] =	ssyncset.done $0x0  }
0xf7: {  	s19 =	sadd.s32 $0x400, s17;
	[sflag:s8] =	ssyncadd.s32 $0xFFFFE800  }
0xf8: {  	[tilespmem:s20], [sflag:$0x1] =	stream.indirect.gather [spmem:s2], $0x30, s19, s24, $0xb8;
	[tilespmem:$0x17800] =	vst v63  }
0xf9: {  	_ =	swait.ge [sflag:s10], $0x1800  }
0xfa: {  	[sflag:s10] =	ssyncset.done $0x0  }
0xfb: {  	[sflag:s10] =	ssyncadd.s32 $0xFFFFE800  }
0xfc: {  	[spmem:s3] =	stream.indirect.scatter.add.f32 [tilespmem:s0], [sflag:$0x8], $0x30, s18, s24, $0xb8;
	[tilespmem:$0x17800] =	vst v63  }
.Ltmp6:
0xfd: {  	_ = 	snop;
	(pc) =	sbr.rel .LBB2_7-.Ltmp6, $4  }
0xfe: {  	_ =	swait.ge [sflag:s6], $0x1800  }
0xff: {  	[sflag:s6] =	ssyncset.done $0x0  }
0x100: {  	s16 =	sadd.s32 $0x800, s16;
	s19 =	sadd.s32 $0x480, s17;
	[sflag:s6] =	ssyncadd.s32 $0xFFFFE800  }
0x101: {  	[tilespmem:s26], [sflag:$0x2] =	stream.indirect.gather [spmem:s2], $0x30, s19, s24, $0xb8;
	[tilespmem:$0x17800] =	vst v63  }
.LBB2_10:
0x102: {  	_ =	sfence.sel $0x180000  }
0x103: {  	[bflag:$0x0] =	sbarrier.arrive $0xFFFF  }
0x104: {  	_ =	strace $0x9000004D  }
0x105: {  	s0 =	stileid.u32;
	[bflag:$0x2] =	sbarrier.arrive $0xFFFF  }
0x106: {  	p0 =	sne.s32 s0, $0x0;
	s0 =	rddreg [dreg:$0x4]  }
0x107: {  	s0 =	sadd.s32 @!p0 $0x100000, s0  }
0x108: {  	[sflag:s0] =	ssyncadd.tile.s32 @!p0 $0x1;
	_ =	shalt  }
.Lfunc_end2:
_tile_overlayer_lowered:
.L_overlay_start_2:
0x109: {  	(tag) =	ssettag $0x2  }
0x10a: {  	s0 =	rddreg [dreg:$0x0];
	s2 =	stileid.u32  }
0x10b: {  	s1 =	rddreg [dreg:$0x1];
	p0 =	sne.s32 s2, $0x0  }
0x10c: {  	s3 =	rddreg [dreg:$0x2];
	[bflag:$0x3] =	sbarrier.arrive $0xFFFF;
	s2 =	simm.s32 @!p0 $0x1C09  }
0x10d: {  	[timem:s3], [sflag:s2] =	dma.local @!p0 [hbm:s0], s1  }
0x10e: {  	s0 =	simm.s32 @!p0 $0x9  }
0x10f: {  	_ =	swait.ge @!p0 [sflag:s0], s1  }
0x110: {  	s1 =	ssub.s32 @!p0 $0x0, s1;
	[sflag:s0] =	ssyncset.done @!p0 $0x0  }
0x111: {  	[sflag:s0] =	ssyncadd.s32 @!p0 s1  }
0x112: {  	[bflag:$0x3] =	sbarrier.arrive $0xFFFF  }
0x113: {  	_ =	shalt  }

// kernel: kernel.8.cloned.1.call-start
scs
__scs_entry_jumppad:
0x0: {  	(pc) =	sbr.rel $0x88, $3  }
0x1: {  	(tag) =	ssettag $0x0;
	lr =	simm.s32 $0x1  }
0x2: {  	[smem:$0x3F9B] =	sst lr;
	_ =	strace $0xD0000000  }
0x3: {  	_ = 	snop  }
0x4: {  	_ = 	snop  }
0x5: {  	_ = 	snop  }
0x6: {  	_ = 	snop  }
0x7: {  	_ = 	snop  }
__scs_overlays_trampoline_lowered:
0x8: {  	[smem:$0x3FAA] =	sst s0  }
0x9: {  	[smem:$0x3FAB] =	sst s1  }
0xa: {  	[smem:$0x3FAC] =	sst s2  }
0xb: {  	[smem:$0x3FAD] =	sst s3  }
0xc: {  	[smem:$0x3FAE] =	sst s4  }
0xd: {  	[smem:$0x3FAF] =	sst s5  }
0xe: {  	[smem:$0x3FB0] =	sst s6  }
0xf: {  	[smem:$0x3FB1] =	sst s7  }
0x10: {  	[smem:$0x3FB2] =	sst s8  }
0x11: {  	[smem:$0x3FB3] =	sst s9;
	s0 =	simm.s32 @!p0 $0x0  }
0x12: {  	s1 =	sld [smem:$0x3F99];
	s0 =	simm.s32 @p0 $0x1  }
0x13: {  	[smem:$0x3FB4] =	sst s0;
	s0 =	simm.s32 @!p1 $0x0  }
0x14: {  	s2 =	sld [smem:$0x3F98];
	s0 =	simm.s32 @p1 $0x1  }
0x15: {  	[smem:$0x3FB5] =	sst s0;
	s0 =	simm.s32 @!p2 $0x0  }
0x16: {  	s3 =	sld [smem:$0x3FDB];
	s0 =	simm.s32 @p2 $0x1  }
0x17: {  	s4 =	simm.s32 $0x1BF5;
	[smem:$0x3FB7] =	sst s0  }
0x18: {  	s0 =	sld [smem:$0x3F9A];
	_ =	swait.ge [sflag:s4], $0x0  }
0x19: {  	s7 =	sld [smem:$0x3F9B]  }
0x1a: {  	s8 =	sadd.s32 $0xFFFFE003, lr  }
0x1b: {  	s9 =	sadd.s32 $0xFFFFFEF7, lr;
	s5 =	simm.s32 $0xFFFFFFFF;
	p2 =	slt.u32 s8, $0xFFFFF086  }
0x1c: {  	p1 =	slt.u32 s9, $0xF7A;
	s5 =	simm.s32 @!p2 $0x0  }
0x1d: {  	s5 =	simm.s32 @p1 $0x1;
	p0 =	seq.s32 s7, s2  }
0x1e: {  	s7 =	smul.u32 @!p0 $0xF7A, s2;
	p2 =	seq.s32 @!p0 s5, $0x0  }
0x1f: {  	s9 =	smul.u32 $0xF7A, s1;
	s8 =	simm.s32 @!p0 $0x1BF5;
	p2 =	por !p2, p0  }
0x20: {  	[sflag:s8] =	ssyncset.s32 @!p0 $0xFFFFF086;
	s6 =	sadd.s32 @!p0 s3, s7;
	s7 =	simm.s32 @!p0 $0x108  }
0x21: {  	s3 =	sadd.s32 s3, s9;
	s6 =	sadd.s32 @!p0 $0x88, s6;
	s7 =	simm.s32 @p2 $0x1082  }
0x22: {  	[simem:s7], [sflag:s8] =	dma.local @!p0 [hbm:s6], $0xF7A  }
0x23: {  	s9 =	sor.u32 $0xD0000000, s2;
	s6 =	simm.s32 $0x108;
	_ =	swait.ge @!p0 [sflag:s8], $0x0  }
0x24: {  	s3 =	sadd.s32 $0x88, s3;
	s6 =	simm.s32 @!p1 $0x1082;
	[sflag:s4] =	ssyncset.s32 $0xFFFFF086  }
0x25: {  	[simem:s6], [sflag:s4] =	dma.local [hbm:s3], $0xF7A  }
0x26: {  	[smem:$0x3F9B] =	sst s1;
	(tag) =	ssettag s2;
	_ =	strace s9  }
0x27: {  	s1 =	sld [smem:$0x3FAB]  }
0x28: {  	s2 =	sld [smem:$0x3FAC]  }
0x29: {  	s4 =	sld [smem:$0x3FAE]  }
0x2a: {  	p0 =	seq.s32 s5, $0x0;
	s5 =	sld [smem:$0x3FAF]  }
0x2b: {  	s6 =	sld [smem:$0x3FB0]  }
0x2c: {  	s7 =	sld [smem:$0x3FB1]  }
0x2d: {  	s3 =	simm.s32 $0x108;
	s8 =	sld [smem:$0x3FB2]  }
0x2e: {  	s3 =	simm.s32 @!p0 $0x1082;
	s9 =	sld [smem:$0x3FB3]  }
0x2f: {  	lr =	sadd.s32 s0, s3;
	s0 =	sld [smem:$0x3FAA]  }
0x30: {  	s3 =	sld [smem:$0x3FAD]  }
0x31: {  	[smem:$0x3FB6] =	sst s10  }
0x32: {  	s10 =	sld [smem:$0x3FB4];
	_ =	sdelay $0x3  }
0x33: {  	p0 =	seq.s32 s10, $0x1;
	s10 =	sld [smem:$0x3FB6];
	_ =	sdelay $0x3  }
0x34: {  	[smem:$0x3FB6] =	sst s10  }
0x35: {  	s10 =	sld [smem:$0x3FB5];
	_ =	sdelay $0x3  }
0x36: {  	p1 =	seq.s32 s10, $0x1;
	s10 =	sld [smem:$0x3FB6];
	_ =	sdelay $0x3  }
0x37: {  	[smem:$0x3FB6] =	sst s10  }
0x38: {  	s10 =	sld [smem:$0x3FB7]  }
0x39: {  	_ = 	snop;
	(pc) =	sbr.ind lr, $3  }
0x3a: {  	_ = 	snop  }
0x3b: {  	_ = 	snop  }
0x3c: {  	p2 =	seq.s32 s10, $0x1;
	s10 =	sld [smem:$0x3FB6]  }
0x3d: {  	_ =	shalt  }
0x3e: {  	_ =	shalt  }
0x3f: {  	_ =	shalt  }
0x40: {  	_ =	shalt  }
0x41: {  	_ =	shalt  }
0x42: {  	_ =	shalt  }
0x43: {  	_ =	shalt  }
0x44: {  	_ =	shalt  }
0x45: {  	_ =	shalt  }
0x46: {  	_ =	shalt  }
0x47: {  	_ =	shalt  }
0x48: {  	_ =	shalt  }
0x49: {  	_ =	shalt  }
0x4a: {  	_ =	shalt  }
0x4b: {  	_ =	shalt  }
0x4c: {  	_ =	shalt  }
0x4d: {  	_ =	shalt  }
0x4e: {  	_ =	shalt  }
0x4f: {  	_ =	shalt  }
0x50: {  	_ =	shalt  }
0x51: {  	_ =	shalt  }
0x52: {  	_ =	shalt  }
0x53: {  	_ =	shalt  }
0x54: {  	_ =	shalt  }
0x55: {  	_ =	shalt  }
0x56: {  	_ =	shalt  }
0x57: {  	_ =	shalt  }
0x58: {  	_ =	shalt  }
0x59: {  	_ =	shalt  }
0x5a: {  	_ =	shalt  }
0x5b: {  	_ =	shalt  }
0x5c: {  	_ =	shalt  }
0x5d: {  	_ =	shalt  }
0x5e: {  	_ =	shalt  }
0x5f: {  	_ =	shalt  }
0x60: {  	_ =	shalt  }
0x61: {  	_ =	shalt  }
0x62: {  	_ =	shalt  }
0x63: {  	_ =	shalt  }
0x64: {  	_ =	shalt  }
0x65: {  	_ =	shalt  }
0x66: {  	_ =	shalt  }
0x67: {  	_ =	shalt  }
0x68: {  	_ =	shalt  }
0x69: {  	_ =	shalt  }
0x6a: {  	_ =	shalt  }
0x6b: {  	_ =	shalt  }
0x6c: {  	_ =	shalt  }
0x6d: {  	_ =	shalt  }
0x6e: {  	_ =	shalt  }
0x6f: {  	_ =	shalt  }
0x70: {  	_ =	shalt  }
0x71: {  	_ =	shalt  }
0x72: {  	_ =	shalt  }
0x73: {  	_ =	shalt  }
0x74: {  	_ =	shalt  }
0x75: {  	_ =	shalt  }
0x76: {  	_ =	shalt  }
0x77: {  	_ =	shalt  }
0x78: {  	_ =	shalt  }
0x79: {  	_ =	shalt  }
0x7a: {  	_ =	shalt  }
0x7b: {  	_ =	shalt  }
0x7c: {  	_ =	shalt  }
0x7d: {  	_ =	shalt  }
0x7e: {  	_ =	shalt  }
0x7f: {  	_ =	shalt  }
0x80: {  	_ =	shalt  }
0x81: {  	_ =	shalt  }
0x82: {  	_ =	shalt  }
0x83: {  	_ =	shalt  }
0x84: {  	_ =	shalt  }
0x85: {  	_ =	shalt  }
0x86: {  	_ =	shalt  }
0x87: {  	_ =	shalt  }
.Lfunc_end0:
.L_simem_size_0:
called_computation_lowered:
.L_overlay_start_0:
0x88: {  	s2 =	sld [smem:$0x3FD9]  }
0x89: {  	s3 =	sld [smem:$0x3FFE];
	_ =	sdelay $0x1  }
0x8a: {  	s1 =	srdreg.scid  }
0x8b: {  	s0 =	sand.u32 $0x1, s1  }
0x8c: {  	s17 =	sshll.u32 s0, $0xA;
	s2 =	sadd.s32 s3, s2  }
0x8d: {  	s2 =	sadd.s32 s2, s17  }
0x8e: {  	[smem:$0x3FC2] =	sst s2  }
0x8f: {  	_ = 	snop  }
0x90: {  	s2 =	sld [smem:$0x3FD0];
	(tm) =	ssettm $0x1  }
0x91: {  	s18 =	sld [smem:$0x3FFB];
	_ =	sdelay $0x3  }
0x92: {  	_ =	strace s18  }
0x93: {  	s3 =	sld [smem:$0x3FFC];
	_ =	sdelay $0x3  }
0x94: {  	_ =	strace s3  }
0x95: {  	s3 =	sld [smem:$0x3FFD];
	_ =	sdelay $0x3  }
0x96: {  	_ =	strace s3  }
0x97: {  	_ =	strace $0x8FFFFFFF  }
0x98: {  	s19 =	sld [smem:$0x3FDB];
	_ =	sdelay $0x1  }
0x99: {  	s4 =	simm.s32 $_scs_section_size  }
0x9a: {  	s5 =	simm.s32 $_size__tile_overlayer_lowered;
	s6 =	simm.s32 $_tile_overlayer_lowered  }
0x9b: {  	s22 =	simm.s32 $0x1BFF;
	s21 =	sshll.u32 s6, $0x1;
	s3 =	sadd.s32 s4, s19  }
0x9c: {  	s7 =	simm.s32 $0x0;
	s20 =	sshll.u32 s5, $0x1;
	s5 =	sadd.s32 s21, s3  }
0x9d: {  	[timem:s7], [sflag:s22] =	dma.local [hbm:s5], s20  }
0x9e: {  	_ =	swait.ge [sflag:s22], s20  }
0x9f: {  	s4 =	ssub.s32 $0x0, s20;
	[sflag:s22] =	ssyncset.done $0x0  }
0xa0: {  	[sflag:s22] =	ssyncadd.s32 s4;
	_ =	sdelay $0x1  }
0xa1: {  	s23 =	simm.s32 $0x1B8B  }
0xa2: {  	_ =	swait.ge [sflag:s23], $0x1  }
0xa3: {  	[sflag:s23] =	ssyncset.done $0x0  }
0xa4: {  	s25 =	simm.s32 $0x1B8E;
	s24 =	sld [smem:$0x3FFE];
	[sflag:s23] =	ssyncadd.s32 $0xFFFFFFFF  }
0xa5: {  	s26 =	simm.s32 $execute0_lowered;
	[smem:$0x3FD2] =	sst s25  }
0xa6: {  	s5 =	sshll.u32 s26, $0x1;
	_ =	strace $0x80000046;
	[dreg:$0x1] =	wrdreg $0xFFFFFFFF  }
0xa7: {  	s28 =	simm.s32 $_size_execute0_lowered;
	s3 =	sadd.s32 s3, s5;
	[dreg:$0x0] =	wrdreg $0x0  }
0xa8: {  	s5 =	sshll.u32 s28, $0x1;
	[dreg:$0x2] =	wrdreg s3  }
0xa9: {  	[dreg:$0x3] =	wrdreg s5  }
0xaa: {  	[dreg:$0x4] =	wrdreg $0xC0  }
0xab: {  	_ =	task [dreg:s7], $0x5FFFF  }
0xac: {  	[dreg:$0x1] =	wrdreg $0xFFFFFFFF  }
0xad: {  	[dreg:$0x0] =	wrdreg $0x60  }
0xae: {  	[dreg:$0x2] =	wrdreg s2  }
0xaf: {  	[dreg:$0x3] =	wrdreg s24  }
0xb0: {  	[dreg:$0x4] =	wrdreg $0x53000  }
0xb1: {  	[dreg:$0x5] =	wrdreg $0x55800  }
0xb2: {  	[dreg:$0x6] =	wrdreg $0x9  }
0xb3: {  	_ =	task.clear_ibuf [dreg:s7], $0x7FFFF;
	_ =	strace $0x90000046  }
0xb4: {  	s29 =	simm.s32 $0x9;
	_ =	strace $0x80000048  }
0xb5: {  	_ =	swait.ge [sflag:s29], $0x1  }
0xb6: {  	[sflag:s29] =	ssyncadd.s32 $0xFFFFFFFF  }
0xb7: {  	_ =	strace $0x90000048  }
0xb8: {  	_ =	sfence  }
0xb9: {  	s30 =	sld [smem:$0x0];
	_ =	sdelay $0x2  }
0xba: {  	s31 =	sshll.u32 s1, $0xD;
	s1 =	sshrl.u32 s1, $0x2  }
0xbb: {  	s3 =	sand.u32 $0x4000, s31;
	s1 =	sadd.s32 s1, s30  }
0xbc: {  	s0 =	sor.u32 s3, s0;
	s1 =	sshll.u32 s1, $0x11  }
0xbd: {  	s0 =	sor.u32 s1, s0  }
0xbe: {  	s0 =	sadd.s32 $0x8F2B, s0  }
0xbf: {  	[sflag:s0] =	ssyncadd.remote.s32 $0x1  }
0xc0: {  	_ =	sfence.sel $0xFFFF  }
0xc1: {  	[dreg:$0x0] =	wrdreg $0xFFFFFFFF;
	(pc) =	sbr.abs _section_cstart, $3  }
0xc2: {  	[dreg:$0x1] =	wrdreg $0xFFFFFFFF  }
0xc3: {  	_ =	task.clear_ibuf [dreg:s7], $0x2FFFF;
	_ =	strace $0x9FFFFFFF  }
0xc4: {  	(tm) =	ssettm $0x7FFFFFFF  }
0xc5: {  	_ =	shalt  }
tec
execute0_lowered:
.L_overlay_start_1:
0x0: {  	(tag) =	ssettag $0x1  }
0x1: {  	s7 =	rddreg [dreg:$0x0]  }
0x2: {  	s5 =	rddreg [dreg:$0x1]  }
0x3: {  	s1 =	srdreg.scid;
	s2 =	rddreg [dreg:$0x2]  }
0x4: {  	s0 =	stileid.u32;
	s3 =	rddreg [dreg:$0x3];
	s4 =	simm.s32 $0x0  }
0x5: {  	s13 =	simm.s32 $0x3;
	s14 =	simm.s32 $0x2800;
	s15 =	simm.s32 $0x80  }
0x6: {  	s16 =	simm.s32 $0x5000;
	s17 =	simm.s32 $0x1;
	s18 =	simm.s32 $0x2  }
0x7: {  	s20 =	simm.s32 $0x0;
	s6 =	sand.u32 $0x1, s1;
	s1 =	rddreg [dreg:$0x4]  }
0x8: {  	s8 =	smul.u32 $0x280, s0;
	s9 =	sshll.u32 s0, $0x1;
	[smem:$0x7FF] =	sst s4  }
0x9: {  	s19 =	sshll.u32 s0, $0x6;
	s10 =	smul.u32 $0x2800, s6;
	s9 =	sor.u32 s6, s9  }
0xa: {  	_ =	strace $0x80000047;
	s6 =	ssub.s32 $0x2, s6;
	s19 =	sor.u32 $0x1C03, s19  }
0xb: {  	s9 =	smul.u32 $0x500, s9;
	s31 =	sshrl.u32 s6, $0x1;
	s10 =	sadd.s32 s8, s10  }
0xc: {  	s12 =	ssub.s32 s6, s31;
	s6 =	sadd.s32 s8, s3;
	s10 =	sshrl.u32 s10, $0x3  }
0xd: {  	s11 =	sadd.s32 s9, s5;
	s7 =	sadd.s32 s7, s9;
	s10 =	sadd.s32 s10, s5  }
0xe: {  	s5 =	sadd.s32 s8, s2;
	s8 =	sadd.s32 $0x1A00, s11;
	s11 =	smax.u32 s12, $0x1  }
0xf: {  	v0 =	vimm.f32 $1.000000000e+00;
	v1 =	vimm.f32 $0.0e+00;
	s12 =	simm.s32 $0x5080;
	s9 =	sadd.s32 $0xC400, s10;
	s10 =	sadd.s32 $0xBA00, s10  }
.LBB2_1:
0x10: {  	[tilespmem:$0x5000] =	vst v0  }
0x11: {  	[tilespmem:$0x5080] =	vst v1  }
0x12: {  	[tilespmem:$0x5010] =	vst v0  }
0x13: {  	[tilespmem:$0x5090] =	vst v1  }
0x14: {  	[tilespmem:$0x5020] =	vst v0  }
0x15: {  	[tilespmem:$0x50A0] =	vst v1  }
0x16: {  	[tilespmem:$0x5030] =	vst v0  }
0x17: {  	[tilespmem:$0x50B0] =	vst v1  }
0x18: {  	[tilespmem:$0x5040] =	vst v0  }
0x19: {  	[tilespmem:$0x50C0] =	vst v1  }
0x1a: {  	[tilespmem:$0x5050] =	vst v0  }
0x1b: {  	[tilespmem:$0x50D0] =	vst v1  }
0x1c: {  	[tilespmem:$0x5060] =	vst v0  }
0x1d: {  	[tilespmem:$0x50E0] =	vst v1  }
0x1e: {  	[tilespmem:$0x5070] =	vst v0  }
0x1f: {  	[tilespmem:$0x50F0] =	vst v1  }
0x20: {  	[tilespmem:$0x5100] =	vst v1  }
0x21: {  	[tilespmem:$0x5110] =	vst v1  }
0x22: {  	[tilespmem:$0x5120] =	vst v1  }
0x23: {  	[tilespmem:$0x5130] =	vst v1  }
0x24: {  	[tilespmem:$0x5140] =	vst v1  }
0x25: {  	[tilespmem:$0x5150] =	vst v1  }
0x26: {  	[tilespmem:$0x5160] =	vst v1  }
0x27: {  	[tilespmem:$0x5170] =	vst v1  }
0x28: {  	[tilespmem:$0x5180] =	vst v1  }
0x29: {  	[tilespmem:$0x5190] =	vst v1  }
0x2a: {  	[tilespmem:$0x51A0] =	vst v1  }
0x2b: {  	[tilespmem:$0x51B0] =	vst v1  }
0x2c: {  	[tilespmem:$0x51C0] =	vst v1  }
0x2d: {  	[tilespmem:$0x51D0] =	vst v1  }
0x2e: {  	[tilespmem:$0x51E0] =	vst v1  }
0x2f: {  	[tilespmem:$0x51F0] =	vst v1  }
0x30: {  	[tilespmem:$0x5200] =	vst v1  }
0x31: {  	[tilespmem:$0x5210] =	vst v1  }
0x32: {  	[tilespmem:$0x5220] =	vst v1  }
0x33: {  	[tilespmem:$0x5230] =	vst v1  }
0x34: {  	[tilespmem:$0x5240] =	vst v1  }
0x35: {  	[tilespmem:$0x5250] =	vst v1  }
0x36: {  	[tilespmem:$0x5260] =	vst v1  }
0x37: {  	[tilespmem:$0x5270] =	vst v1  }
0x38: {  	[tilespmem:$0x5280] =	vst v1  }
0x39: {  	[tilespmem:$0x5290] =	vst v1  }
0x3a: {  	[tilespmem:$0x52A0] =	vst v1  }
0x3b: {  	[tilespmem:$0x52B0] =	vst v1  }
0x3c: {  	[tilespmem:$0x52C0] =	vst v1  }
0x3d: {  	[tilespmem:$0x52D0] =	vst v1  }
0x3e: {  	[tilespmem:$0x52E0] =	vst v1  }
0x3f: {  	[tilespmem:$0x52F0] =	vst v1  }
0x40: {  	[spmem:s5] =	stream.linear.scatter [tilespmem:s12], [sflag:$0x3], $0x280, $0x38;
	[tilespmem:$0x5800] =	vst v63  }
0x41: {  	_ =	swait.ge [sflag:s13], $0x280  }
0x42: {  	[sflag:s13] =	ssyncset.done $0x0  }
0x43: {  	[sflag:s13] =	ssyncadd.s32 $0xFFFFFD80  }
0x44: {  	[spmem:s6] =	stream.linear.scatter [tilespmem:s12], [sflag:$0x3], $0x280, $0x38;
	[tilespmem:$0x5800] =	vst v63  }
0x45: {  	_ =	swait.ge [sflag:s13], $0x280  }
0x46: {  	[sflag:s13] =	ssyncset.done $0x0  }
0x47: {  	[sflag:s13] =	ssyncadd.s32 $0xFFFFFD80  }
0x48: {  	[tilespmem:s4], [sflag:$0x3] =	stream.linear.gather [hbm4b:s7+s4], $0x2800, $0x38;
	[tilespmem:$0x5800] =	vst v63  }
0x49: {  	_ =	swait.ge [sflag:s13], $0x2800  }
0x4a: {  	[sflag:s13] =	ssyncset.done $0x0  }
0x4b: {  	[sflag:s13] =	ssyncadd.s32 $0xFFFFD800  }
0x4c: {  	[tilespmem:s14], [sflag:$0x3] =	stream.linear.gather [hbm4b:s8+s4], $0x2800, $0x38;
	[tilespmem:$0x5800] =	vst v63  }
0x4d: {  	_ =	swait.ge [sflag:s13], $0x2800  }
0x4e: {  	[sflag:s13] =	ssyncset.done $0x0  }
0x4f: {  	[sflag:s13] =	ssyncadd.s32 $0xFFFFD800  }
0x50: {  	s21 =	simm.s32 $0x0;
	[bflag:$0x0] =	sbarrier.arrive $0xFFFF  }
0x51: {  	[spmem:s2] =	stream.indirect.scatter.add.f32 [tilespmem:s16], [sflag:$0x1], $0x1, s21, s15, $0xb8;
	[tilespmem:$0x5800] =	vst v63  }
0x52: {  	s22 =	simm.s32 $0x2800;
	s21 =	simm.s32 $0x200  }
.LBB2_2:
0x53: {  	[spmem:s3] =	stream.indirect.scatter.add.f32 [tilespmem:s16], [sflag:$0x2], $0x1, s22, s15, $0xb8;
	[tilespmem:$0x5800] =	vst v63  }
0x54: {  	s22 =	smov.u32 s21;
	p0 =	sne.s32 s21, $0x9E00  }
.Ltmp0:
0x55: {  	s21 =	sadd.s32 $0x200, s21;
	(pc) =	sbr.rel @p0 .LBB2_2-.Ltmp0, $4  }
0x56: {  	_ = 	snop  }
0x57: {  	s22 =	sshra.s32 s22, $0x2  }
0x58: {  	[spmem:s2] =	stream.indirect.scatter.add.f32 [tilespmem:s16], [sflag:$0x1], $0x1, s22, s15, $0xb8;
	[tilespmem:$0x5800] =	vst v63  }
0x59: {  	s22 =	sadd.s32 $0x2800, s22  }
0x5a: {  	[spmem:s3] =	stream.indirect.scatter.add.f32 [tilespmem:s16], [sflag:$0x2], $0x1, s22, s15, $0xb8;
	[tilespmem:$0x5800] =	vst v63  }
0x5b: {  	_ =	swait.ge [sflag:s17], $0x80  }
0x5c: {  	[sflag:s17] =	ssyncset.done $0x0  }
0x5d: {  	[sflag:s17] =	ssyncadd.s32 $0xFFFFFF80  }
0x5e: {  	_ =	swait.ge [sflag:s18], $0x80  }
0x5f: {  	s21 =	simm.s32 $0x4F;
	[sflag:s18] =	ssyncset.done $0x0  }
.LBB2_4:
0x60: {  	p0 =	sne.s32 s21, $0x1;
	s21 =	sadd.s32 $0xFFFFFFFF, s21;
	[sflag:s18] =	ssyncadd.s32 $0xFFFFFF80  }
.Ltmp1:
0x61: {  	_ =	swait.ge [sflag:s17], $0x80;
	(pc) =	sbr.rel @p0 .LBB2_4-.Ltmp1, $4  }
0x62: {  	[sflag:s17] =	ssyncset.done $0x0  }
0x63: {  	[sflag:s17] =	ssyncadd.s32 $0xFFFFFF80  }
0x64: {  	_ =	swait.ge [sflag:s18], $0x80  }
0x65: {  	[sflag:s18] =	ssyncset.done $0x0  }
0x66: {  	[sflag:s18] =	ssyncadd.s32 $0xFFFFFF80  }
0x67: {  	s21 =	sshrl.u32 s5, $0x3;
	[bflag:$0x0] =	sbarrier.arrive $0xFFFF  }
0x68: {  	[hbm:s9], [sflag:s19] =	dma.local [spmem:s21], $0x50  }
0x69: {  	s20 =	sadd.s32 $0x1, s20;
	_ =	swait.ge [sflag:s13], $0x50  }
0x6a: {  	p0 =	sne.s32 s20, s11;
	[sflag:s13] =	ssyncset.done $0x0  }
.Ltmp2:
0x6b: {  	s31 =	sshrl.u32 s6, $0x3;
	[sflag:s13] =	ssyncadd.s32 $0xFFFFFFB0;
	(pc) =	sbr.rel @p0 .LBB2_1-.Ltmp2, $4  }
0x6c: {  	[hbm:s10], [sflag:s19] =	dma.local [spmem:s31], $0x50  }
0x6d: {  	_ =	swait.ge [sflag:s13], $0x50  }
0x6e: {  	[sflag:s13] =	ssyncset.done $0x0  }
0x6f: {  	[sflag:s13] =	ssyncadd.s32 $0xFFFFFFB0  }
0x70: {  	_ =	sfence.sel $0x180000  }
0x71: {  	[bflag:$0x0] =	sbarrier.arrive $0xFFFF  }
0x72: {  	p0 =	sne.s32 s0, $0x0;
	_ =	strace $0x90000047  }
0x73: {  	s0 =	sadd.s32 @!p0 $0x100000, s1;
	[bflag:$0x2] =	sbarrier.arrive $0xFFFF  }
0x74: {  	[sflag:s0] =	ssyncadd.tile.s32 @!p0 $0x1;
	_ =	shalt  }
.Lfunc_end2:
_tile_overlayer_lowered:
.L_overlay_start_2:
0x75: {  	(tag) =	ssettag $0x2  }
0x76: {  	s0 =	rddreg [dreg:$0x0];
	s2 =	stileid.u32  }
0x77: {  	s1 =	rddreg [dreg:$0x1];
	p0 =	sne.s32 s2, $0x0  }
0x78: {  	s3 =	rddreg [dreg:$0x2];
	[bflag:$0x3] =	sbarrier.arrive $0xFFFF;
	s2 =	simm.s32 @!p0 $0x1C03  }
0x79: {  	[timem:s3], [sflag:s2] =	dma.local @!p0 [hbm:s0], s1  }
0x7a: {  	s0 =	simm.s32 @!p0 $0x3  }
0x7b: {  	_ =	swait.ge @!p0 [sflag:s0], s1  }
0x7c: {  	s1 =	ssub.s32 @!p0 $0x0, s1;
	[sflag:s0] =	ssyncset.done @!p0 $0x0  }
0x7d: {  	[sflag:s0] =	ssyncadd.s32 @!p0 s1  }
0x7e: {  	[bflag:$0x3] =	sbarrier.arrive $0xFFFF  }
0x7f: {  	_ =	shalt  }

</sc_bundles>
